<compile_context>
chip_gen: v7x
topology: tpu7x:2x2x1
jax: 0.10.2.dev20260603
libtpu: 0.0.44.dev20260713+nightly
codegen_flags: <defaults>
</compile_context>

<pallas_src>
import functools

import jax
import jax.numpy as jnp
from jax import lax
from jax.experimental import pallas as pl
from jax.experimental.pallas import tpu as pltpu
from jax.experimental.pallas import tpu_sc as plsc

KNN = 20
BB = 8
NN = 1024
ROWS = BB * NN
CP = 128
NC, NS = 2, 16
NW = NC * NS
RPW = ROWS // NW
GROWS = 2 * KNN
GFIRE = 8
GNODES = 2 * GFIRE
NGRP = RPW // GNODES
CNT = float(BB * NN * KNN)
EPS = 1e-5
TT = 128
NT = NN // TT


def _lrelu(v):
    return jnp.where(v > 0, v, 0.2 * v)


def _bn_affine(h, mean, var, g, b):
    xn = g[None, :] * (h - mean[None, :]) / jnp.sqrt(var + EPS)[None, :] + b[None, :]
    return _lrelu(xn)


def _knn_topk(xt, idx_ref, dscr):
    b = pl.program_id(0)
    p = xt[:, :3]
    sq = jnp.sum(p * p, axis=1)
    G = lax.dot_general(p, p, (((1,), (1,)), ((), ())),
                        preferred_element_type=jnp.float32)
    dscr[...] = 2.0 * G - sq[:, None] - sq[None, :]
    colio = lax.broadcasted_iota(jnp.int32, (NN, NN), 1)
    ams = []
    for _ in range(KNN):
        d = dscr[...]
        m = jnp.max(d, axis=1)
        am = jnp.min(jnp.where(d == m[:, None], colio, NN), axis=1)
        ams.append(am)
        dscr[...] = jnp.where(colio == am[:, None], -jnp.inf, d)
    idx_ref[0] = jnp.stack(ams, axis=1) + b * NN


def _pad_cp(xt):
    c = xt.shape[1]
    if c == CP:
        return xt
    return jnp.concatenate([xt, jnp.zeros((xt.shape[0], CP - c), xt.dtype)],
                           axis=1)


def _k1_first_body(xt_ref, idx_ref, xout_ref, dscr):
    xt = xt_ref[0]
    xout_ref[0] = _pad_cp(xt)
    _knn_topk(xt, idx_ref, dscr)


def _k1_next_body(h_ref, m_ref, v_ref, g_ref, b_ref, idx_ref, xout_ref, dscr):
    xt = _bn_affine(h_ref[0], m_ref[...], v_ref[...], g_ref[...], b_ref[...])
    xout_ref[0] = _pad_cp(xt)
    _knn_topk(xt, idx_ref, dscr)


def _row_spec(c):
    return pl.BlockSpec((1, NN, c), lambda b: (b, 0, 0))


def _full_spec(shape):
    nd = len(shape)
    return pl.BlockSpec(shape, lambda b: (0,) * nd)


def _k1_first(xt):
    cin = xt.shape[-1]
    return pl.pallas_call(
        _k1_first_body,
        grid=(BB,),
        in_specs=[_row_spec(cin)],
        out_specs=[_row_spec(KNN), _row_spec(CP)],
        out_shape=[
            jax.ShapeDtypeStruct((BB, NN, KNN), jnp.int32),
            jax.ShapeDtypeStruct((BB, NN, CP), jnp.float32),
        ],
        scratch_shapes=[pltpu.VMEM((NN, NN), jnp.float32)],
    )(xt)


def _k1_next(h, m, v, g, b):
    cin = h.shape[-1]
    return pl.pallas_call(
        _k1_next_body,
        grid=(BB,),
        in_specs=[
            _row_spec(cin), _full_spec(m.shape), _full_spec(v.shape),
            _full_spec(g.shape), _full_spec(b.shape),
        ],
        out_specs=[_row_spec(KNN), _row_spec(CP)],
        out_shape=[
            jax.ShapeDtypeStruct((BB, NN, KNN), jnp.int32),
            jax.ShapeDtypeStruct((BB, NN, CP), jnp.float32),
        ],
        scratch_shapes=[pltpu.VMEM((NN, NN), jnp.float32)],
    )(h, m, v, g, b)


@functools.lru_cache(maxsize=None)
def _sc_feat():
    mesh = plsc.VectorSubcoreMesh(core_axis_name="c", subcore_axis_name="s")

    @functools.partial(
        pl.kernel,
        out_type=jax.ShapeDtypeStruct((ROWS * KNN, CP), jnp.float32),
        mesh=mesh,
        scratch_types=[
            pltpu.VMEM((RPW * KNN,), jnp.int32),
            pltpu.VMEM((GFIRE * GROWS, CP), jnp.float32),
            pltpu.SemaphoreType.DMA,
        ],
    )
    def k(xtab_hbm, idx_hbm, feat_hbm, idx_v, gb, gsem):
        wid = lax.axis_index("s") * NC + lax.axis_index("c")
        ebase = wid * RPW * KNN
        pltpu.sync_copy(idx_hbm.at[pl.ds(ebase, RPW * KNN)], idx_v)

        def group(g, _):
            for pj in range(GFIRE):
                off = pl.multiple_of((g * GFIRE + pj) * GROWS, 8)
                pltpu.make_async_copy(
                    xtab_hbm.at[idx_v.at[pl.ds(off, GROWS)]],
                    gb.at[pl.ds(pj * GROWS, GROWS)], gsem,
                ).start()
            for pj in range(GFIRE):
                pltpu.make_async_copy(
                    xtab_hbm.at[idx_v.at[pl.ds(0, GROWS)]],
                    gb.at[pl.ds(pj * GROWS, GROWS)], gsem,
                ).wait()
            pltpu.sync_copy(
                gb,
                feat_hbm.at[pl.ds(ebase + g * (GFIRE * GROWS), GFIRE * GROWS)],
            )
            return 0

        lax.fori_loop(0, NGRP, group, 0)

    return k


def _k3_body(feat_ref, xtab_ref, w_ref, hmax_ref, hfull_ref):
    o, c2 = w_ref.shape
    c = c2 // 2
    f3 = feat_ref[0].reshape(TT, KNN, CP)
    xc = xtab_ref[0]
    df = f3 - xc[:, None, :]
    xcr = jnp.broadcast_to(xc[:, None, :c], (TT, KNN, c))
    eg = jnp.concatenate([df[:, :, :c], xcr], axis=2).reshape(TT * KNN, c2)
    hh = lax.dot_general(eg, w_ref[...], (((1,), (1,)), ((), ())),
                         preferred_element_type=jnp.float32)
    h3 = hh.reshape(TT, KNN, o)
    m = h3[:, 0, :]
    for kk in range(1, KNN):
        m = jnp.maximum(m, h3[:, kk, :])
    hmax_ref[0] = m
    hfull_ref[0] = hh


def _k3_conv(feat, xtab, w):
    o = w.shape[0]
    return pl.pallas_call(
        _k3_body,
        grid=(BB, NT),
        in_specs=[
            pl.BlockSpec((1, TT * KNN, CP), lambda b, t: (b, t, 0)),
            pl.BlockSpec((1, TT, CP), lambda b, t: (b, t, 0)),
            pl.BlockSpec(w.shape, lambda b, t: (0, 0)),
        ],
        out_specs=[
            pl.BlockSpec((1, TT, o), lambda b, t: (b, t, 0)),
            pl.BlockSpec((1, TT * KNN, o), lambda b, t: (b, t, 0)),
        ],
        out_shape=[
            jax.ShapeDtypeStruct((BB, NN, o), jnp.float32),
            jax.ShapeDtypeStruct((BB, NN * KNN, o), jnp.float32),
        ],
    )(feat, xtab, w)


def _k3a_body(x1_ref, x2_ref, x3_ref, h4_ref, m4_ref, v4_ref, g_ref, b_ref,
              w5_ref, raw_ref):
    x4 = _bn_affine(h4_ref[0], m4_ref[...], v4_ref[...], g_ref[...], b_ref[...])
    xcat = jnp.concatenate(
        [x1_ref[0][:, :64], x2_ref[0][:, :64], x3_ref[0][:, :128], x4], axis=1)
    raw = lax.dot_general(w5_ref[...], xcat, (((1,), (1,)), ((), ())),
                          preferred_element_type=jnp.float32)
    raw_ref[0] = raw


def _k3c_body(raw_ref, m_ref, v_ref, g_ref, b_ref, out_ref):
    mean = m_ref[...]
    var = v_ref[...]
    o = (g_ref[...][:, None] * (raw_ref[0] - mean[:, None])
         / jnp.sqrt(var + EPS)[:, None] + b_ref[...][:, None])
    out_ref[0] = _lrelu(o)


def _stats(hfull):
    ht = jnp.transpose(hfull.reshape(BB, NN, KNN, hfull.shape[-1]),
                       (0, 3, 1, 2))
    ht = lax.optimization_barrier(ht)
    return jnp.mean(ht, axis=(0, 2, 3)), jnp.var(ht, axis=(0, 2, 3))


def kernel(x, W1, g1, b1, W2, g2, b2, W3, g3, b3, W4, g4, b4, W5, g5, b5):
    xt0 = jnp.transpose(x, (0, 2, 1))

    sc = _sc_feat()

    idx1, xtab0 = _k1_first(xt0)
    feat1 = sc(xtab0.reshape(ROWS, CP), idx1.reshape(ROWS * KNN))
    h1, hf1 = _k3_conv(feat1.reshape(BB, NN * KNN, CP), xtab0, W1)
    m1, v1 = _stats(hf1)

    idx2, xtab1 = _k1_next(h1, m1, v1, g1, b1)
    feat2 = sc(xtab1.reshape(ROWS, CP), idx2.reshape(ROWS * KNN))
    h2, hf2 = _k3_conv(feat2.reshape(BB, NN * KNN, CP), xtab1, W2)
    m2, v2 = _stats(hf2)

    idx3, xtab2 = _k1_next(h2, m2, v2, g2, b2)
    feat3 = sc(xtab2.reshape(ROWS, CP), idx3.reshape(ROWS * KNN))
    h3, hf3 = _k3_conv(feat3.reshape(BB, NN * KNN, CP), xtab2, W3)
    m3, v3 = _stats(hf3)

    idx4, xtab3 = _k1_next(h3, m3, v3, g3, b3)
    feat4 = sc(xtab3.reshape(ROWS, CP), idx4.reshape(ROWS * KNN))
    h4, hf4 = _k3_conv(feat4.reshape(BB, NN * KNN, CP), xtab3, W4)
    m4, v4 = _stats(hf4)

    raw = pl.pallas_call(
        _k3a_body,
        grid=(BB,),
        in_specs=[
            _row_spec(CP), _row_spec(CP), _row_spec(CP), _row_spec(256),
            _full_spec(m4.shape), _full_spec(v4.shape),
            _full_spec(g4.shape), _full_spec(b4.shape),
            _full_spec(W5.shape),
        ],
        out_specs=pl.BlockSpec((1, 1024, NN), lambda b: (b, 0, 0)),
        out_shape=jax.ShapeDtypeStruct((BB, 1024, NN), jnp.float32),
    )(xtab1, xtab2, xtab3, h4, m4, v4, g4, b4, W5)

    raw = lax.optimization_barrier(raw)
    m5 = jnp.mean(raw, axis=(0, 2))
    v5 = jnp.var(raw, axis=(0, 2))
    out = pl.pallas_call(
        _k3c_body,
        grid=(BB,),
        in_specs=[
            pl.BlockSpec((1, 1024, NN), lambda b: (b, 0, 0)),
            _full_spec(m5.shape), _full_spec(v5.shape),
            _full_spec(g5.shape), _full_spec(b5.shape),
        ],
        out_specs=pl.BlockSpec((1, 1024, NN), lambda b: (b, 0, 0)),
        out_shape=jax.ShapeDtypeStruct((BB, 1024, NN), jnp.float32),
    )(raw, m5, v5, g5, b5)
    return out

# --- scband reference (transcript-rebuilt; emitter-appended) ---
"""Pipeline reference for scband-dgcnn-77919296684778 (READ-ONLY COPY).

The authoritative reference and input builder live on the scoring server;
editing this copy changes nothing except your own understanding.
"""

import jax, jax.numpy as jnp
import numpy as np

K = 20


def _knn(x, k):
    # x: [B, C, N]
    inner = -2.0 * jnp.einsum('bcn,bcm->bnm', x, x)
    xx = jnp.sum(x ** 2, axis=1, keepdims=True)  # [B, 1, N]
    pairwise = -xx - inner - jnp.transpose(xx, (0, 2, 1))  # [B, N, N]
    _, idx = jax.lax.top_k(pairwise, k)
    return idx  # [B, N, k]


def _graph_feature(x, k):
    # x: [B, C, N]; faithful to torch code: knn always on first 3 channels
    idx = _knn(x[:, :3, :], k)
    x_t = jnp.transpose(x, (0, 2, 1))  # [B, N, C]
    feat = jax.vmap(lambda xt, ii: xt[ii])(x_t, idx)  # [B, N, k, C]
    xc = jnp.broadcast_to(x_t[:, :, None, :], feat.shape)
    out = jnp.concatenate([feat - xc, xc], axis=-1)  # [B, N, k, 2C]
    return jnp.transpose(out, (0, 3, 1, 2))  # [B, 2C, N, k]


def _bn(x, g, b, axes):
    m = jnp.mean(x, axis=axes, keepdims=True)
    v = jnp.var(x, axis=axes, keepdims=True)
    shp = [1] * x.ndim
    shp[1] = -1
    return g.reshape(shp) * (x - m) / jnp.sqrt(v + 1e-5) + b.reshape(shp)


def _lrelu(x):
    return jnp.where(x > 0, x, 0.2 * x)


def _conv2d_1x1(x, W):
    # x: [B, C, N, k], W: [O, C]
    return jnp.einsum('bcnk,oc->bonk', x, W)


def setup_inputs(seed: int = 0) -> dict:
    key = jax.random.key(seed)
    ks = jax.random.split(key, 8)

    def he(k_, o, c):
        return jax.random.normal(k_, (o, c), dtype=jnp.float32) * (2.0 / c) ** 0.5

    return {
        'x': jax.random.normal(ks[0], (8, 3, 1024), dtype=jnp.float32),
        'W1': he(ks[1], 64, 6), 'g1': jnp.ones((64,), jnp.float32), 'b1': jnp.zeros((64,), jnp.float32),
        'W2': he(ks[2], 64, 128), 'g2': jnp.ones((64,), jnp.float32), 'b2': jnp.zeros((64,), jnp.float32),
        'W3': he(ks[3], 128, 128), 'g3': jnp.ones((128,), jnp.float32), 'b3': jnp.zeros((128,), jnp.float32),
        'W4': he(ks[4], 256, 256), 'g4': jnp.ones((256,), jnp.float32), 'b4': jnp.zeros((256,), jnp.float32),
        'W5': he(ks[5], 1024, 512), 'g5': jnp.ones((1024,), jnp.float32), 'b5': jnp.zeros((1024,), jnp.float32),
    }


def reference(x, W1, g1, b1, W2, g2, b2, W3, g3, b3, W4, g4, b4, W5, g5, b5):
    f = _graph_feature(x, K)
    h = _lrelu(_bn(_conv2d_1x1(f, W1), g1, b1, (0, 2, 3)))
    x1 = jnp.max(h, axis=-1)
    f = _graph_feature(x1, K)
    h = _lrelu(_bn(_conv2d_1x1(f, W2), g2, b2, (0, 2, 3)))
    x2 = jnp.max(h, axis=-1)
    f = _graph_feature(x2, K)
    h = _lrelu(_bn(_conv2d_1x1(f, W3), g3, b3, (0, 2, 3)))
    x3 = jnp.max(h, axis=-1)
    f = _graph_feature(x3, K)
    h = _lrelu(_bn(_conv2d_1x1(f, W4), g4, b4, (0, 2, 3)))
    x4 = jnp.max(h, axis=-1)
    xcat = jnp.concatenate([x1, x2, x3, x4], axis=1)  # [B, 512, N]
    out = jnp.einsum('bcn,oc->bon', xcat, W5)
    out = _lrelu(_bn(out, g5, b5, (0, 2)))
    return out

if __name__ == "__main__":
    import jax
    _d = setup_inputs()
    print(jax.jit(kernel)(*tuple(_d.values())))

</pallas_src>

<mosaic_0001>
#map = affine_map<(d0, d1) -> (0, 0)>
#map1 = affine_map<(d0, d1) -> (0)>
module attributes {stable_mosaic.version = 14 : i64} {
  func.func @k(%arg0: i32, %arg1: i32, %arg2: memref<8192x128xf32, #tpu.memory_space<hbm>>, %arg3: memref<163840xi32, #tpu.memory_space<hbm>>, %arg4: memref<163840x128xf32, #tpu.memory_space<hbm>>, %arg5: memref<5120xi32, #tpu.memory_space<vmem>>, %arg6: memref<320x128xf32, #tpu.memory_space<vmem>>, %arg7: memref<!tpu.dma_semaphore, #tpu.memory_space<semaphore_mem>>) attributes {dimension_semantics = [#tpu.dimension_semantics<core_parallel>, #tpu.dimension_semantics<subcore_parallel>], iteration_bounds = array<i64: 2, 16>, scalar_prefetch = 0 : i64, scratch_operands = 3 : i64, tpu.core_type = #tpu.core_type<sc_vector_subcore>, window_params = [{transform_indices = #map}, {transform_indices = #map1}, {transform_indices = #map}]} {
    %mul3A = arith.constant 2 : i32
    %mul3A_0 = arith.muli %arg1, %mul3A : i32
    %add3A = arith.addi %mul3A_0, %arg0 : i32
    %mul3A_1 = arith.constant 256 : i32
    %mul3A_2 = arith.muli %add3A, %mul3A_1 : i32
    %mul3A_3 = arith.constant 20 : i32
    %mul3A_4 = arith.muli %mul3A_2, %mul3A_3 : i32
    "tpu.region"() ({
      %run_scoped3A = tpu.sem_alloc : memref<!tpu.dma_semaphore, #tpu.memory_space<semaphore_mem>>
      %dma_start3A = tpu.memref_slice %arg3[%mul3A_4] : memref<163840xi32, #tpu.memory_space<hbm>> -> memref<5120xi32, #tpu.memory_space<hbm>>
      %dma_start3A_11 = tpu.memref_slice %arg3[%mul3A_4] : memref<163840xi32, #tpu.memory_space<hbm>> -> memref<5120xi32, #tpu.memory_space<hbm>>
      tpu.enqueue_dma source(%dma_start3A_11 : memref<5120xi32, #tpu.memory_space<hbm>>) target(%arg5 : memref<5120xi32, #tpu.memory_space<vmem>>) target_semaphore(%run_scoped3A : memref<!tpu.dma_semaphore, #tpu.memory_space<semaphore_mem>>)
      %dma_wait3A = tpu.memref_slice %arg3[%mul3A_4] : memref<163840xi32, #tpu.memory_space<hbm>> -> memref<5120xi32, #tpu.memory_space<hbm>>
      %dma_wait3A_12 = tpu.memref_slice %arg3[%mul3A_4] : memref<163840xi32, #tpu.memory_space<hbm>> -> memref<5120xi32, #tpu.memory_space<hbm>>
      tpu.wait_dma2 semaphore(%run_scoped3A : memref<!tpu.dma_semaphore, #tpu.memory_space<semaphore_mem>>) src(%dma_wait3A_12 : memref<5120xi32, #tpu.memory_space<hbm>>) dst(%arg5 : memref<5120xi32, #tpu.memory_space<vmem>>)
      tpu.yield
    }) : () -> ()
    %scan3A = arith.constant 0 : i32
    %scan3A_5 = arith.constant 0 : i32
    %scan3A_6 = arith.constant 16 : i32
    %scan3A_7 = arith.addi %scan3A_5, %scan3A_6 : i32
    %scan3A_8 = arith.constant 1 : i32
    %scan3A_9 = scf.for %scan3A_11 = %scan3A_5 to %scan3A_7 step %scan3A_8 iter_args(%scan3A_12 = %scan3A) -> (i32)  : i32 {
      %mul3A_13 = arith.constant 8 : i32
      %mul3A_14 = arith.muli %scan3A_11, %mul3A_13 : i32
      %add3A_15 = arith.constant 0 : i32
      %add3A_16 = arith.addi %mul3A_14, %add3A_15 : i32
      %mul3A_17 = arith.constant 40 : i32
      %mul3A_18 = arith.muli %add3A_16, %mul3A_17 : i32
      %multiple_of3A = tpu.assume_multiple %mul3A_18, 8 : i32
      %dma_start3A = arith.constant 0 : i32
      %dma_start3A_19 = arith.constant 0 : i32
      %dma_start3A_20 = tpu.memref_slice %arg6[%dma_start3A, %dma_start3A_19] : memref<320x128xf32, #tpu.memory_space<vmem>> -> memref<40x128xf32, #tpu.memory_space<vmem>>
      %dma_start3A_21 = tpu.memref_slice %arg5[%multiple_of3A] : memref<5120xi32, #tpu.memory_space<vmem>> -> memref<40xi32, #tpu.memory_space<vmem>>
      %dma_start3A_22 = arith.constant 0 : i32
      %dma_start3A_23 = arith.constant 0 : i32
      %dma_start3A_24 = tpu.memref_slice %arg2[%dma_start3A_22, %dma_start3A_23] : memref<8192x128xf32, #tpu.memory_space<hbm>> -> memref<8192x128xf32, #tpu.memory_space<hbm>>
      tpu.enqueue_indirect_dma source(%dma_start3A_24 : memref<8192x128xf32, #tpu.memory_space<hbm>>) target(%dma_start3A_20 : memref<40x128xf32, #tpu.memory_space<vmem>>) offsets(%dma_start3A_21 : memref<40xi32, #tpu.memory_space<vmem>>) semaphore(%arg7 : memref<!tpu.dma_semaphore, #tpu.memory_space<semaphore_mem>>)
      %mul3A_25 = arith.constant 8 : i32
      %mul3A_26 = arith.muli %scan3A_11, %mul3A_25 : i32
      %add3A_27 = arith.constant 1 : i32
      %add3A_28 = arith.addi %mul3A_26, %add3A_27 : i32
      %mul3A_29 = arith.constant 40 : i32
      %mul3A_30 = arith.muli %add3A_28, %mul3A_29 : i32
      %multiple_of3A_31 = tpu.assume_multiple %mul3A_30, 8 : i32
      %dma_start3A_32 = arith.constant 40 : i32
      %dma_start3A_33 = arith.constant 0 : i32
      %dma_start3A_34 = tpu.memref_slice %arg6[%dma_start3A_32, %dma_start3A_33] : memref<320x128xf32, #tpu.memory_space<vmem>> -> memref<40x128xf32, #tpu.memory_space<vmem>>
      %dma_start3A_35 = tpu.memref_slice %arg5[%multiple_of3A_31] : memref<5120xi32, #tpu.memory_space<vmem>> -> memref<40xi32, #tpu.memory_space<vmem>>
      %dma_start3A_36 = arith.constant 0 : i32
      %dma_start3A_37 = arith.constant 0 : i32
      %dma_start3A_38 = tpu.memref_slice %arg2[%dma_start3A_36, %dma_start3A_37] : memref<8192x128xf32, #tpu.memory_space<hbm>> -> memref<8192x128xf32, #tpu.memory_space<hbm>>
      tpu.enqueue_indirect_dma source(%dma_start3A_38 : memref<8192x128xf32, #tpu.memory_space<hbm>>) target(%dma_start3A_34 : memref<40x128xf32, #tpu.memory_space<vmem>>) offsets(%dma_start3A_35 : memref<40xi32, #tpu.memory_space<vmem>>) semaphore(%arg7 : memref<!tpu.dma_semaphore, #tpu.memory_space<semaphore_mem>>)
      %mul3A_39 = arith.constant 8 : i32
      %mul3A_40 = arith.muli %scan3A_11, %mul3A_39 : i32
      %add3A_41 = arith.constant 2 : i32
      %add3A_42 = arith.addi %mul3A_40, %add3A_41 : i32
      %mul3A_43 = arith.constant 40 : i32
      %mul3A_44 = arith.muli %add3A_42, %mul3A_43 : i32
      %multiple_of3A_45 = tpu.assume_multiple %mul3A_44, 8 : i32
      %dma_start3A_46 = arith.constant 80 : i32
      %dma_start3A_47 = arith.constant 0 : i32
      %dma_start3A_48 = tpu.memref_slice %arg6[%dma_start3A_46, %dma_start3A_47] : memref<320x128xf32, #tpu.memory_space<vmem>> -> memref<40x128xf32, #tpu.memory_space<vmem>>
      %dma_start3A_49 = tpu.memref_slice %arg5[%multiple_of3A_45] : memref<5120xi32, #tpu.memory_space<vmem>> -> memref<40xi32, #tpu.memory_space<vmem>>
      %dma_start3A_50 = arith.constant 0 : i32
      %dma_start3A_51 = arith.constant 0 : i32
      %dma_start3A_52 = tpu.memref_slice %arg2[%dma_start3A_50, %dma_start3A_51] : memref<8192x128xf32, #tpu.memory_space<hbm>> -> memref<8192x128xf32, #tpu.memory_space<hbm>>
      tpu.enqueue_indirect_dma source(%dma_start3A_52 : memref<8192x128xf32, #tpu.memory_space<hbm>>) target(%dma_start3A_48 : memref<40x128xf32, #tpu.memory_space<vmem>>) offsets(%dma_start3A_49 : memref<40xi32, #tpu.memory_space<vmem>>) semaphore(%arg7 : memref<!tpu.dma_semaphore, #tpu.memory_space<semaphore_mem>>)
      %mul3A_53 = arith.constant 8 : i32
      %mul3A_54 = arith.muli %scan3A_11, %mul3A_53 : i32
      %add3A_55 = arith.constant 3 : i32
      %add3A_56 = arith.addi %mul3A_54, %add3A_55 : i32
      %mul3A_57 = arith.constant 40 : i32
      %mul3A_58 = arith.muli %add3A_56, %mul3A_57 : i32
      %multiple_of3A_59 = tpu.assume_multiple %mul3A_58, 8 : i32
      %dma_start3A_60 = arith.constant 120 : i32
      %dma_start3A_61 = arith.constant 0 : i32
      %dma_start3A_62 = tpu.memref_slice %arg6[%dma_start3A_60, %dma_start3A_61] : memref<320x128xf32, #tpu.memory_space<vmem>> -> memref<40x128xf32, #tpu.memory_space<vmem>>
      %dma_start3A_63 = tpu.memref_slice %arg5[%multiple_of3A_59] : memref<5120xi32, #tpu.memory_space<vmem>> -> memref<40xi32, #tpu.memory_space<vmem>>
      %dma_start3A_64 = arith.constant 0 : i32
      %dma_start3A_65 = arith.constant 0 : i32
      %dma_start3A_66 = tpu.memref_slice %arg2[%dma_start3A_64, %dma_start3A_65] : memref<8192x128xf32, #tpu.memory_space<hbm>> -> memref<8192x128xf32, #tpu.memory_space<hbm>>
      tpu.enqueue_indirect_dma source(%dma_start3A_66 : memref<8192x128xf32, #tpu.memory_space<hbm>>) target(%dma_start3A_62 : memref<40x128xf32, #tpu.memory_space<vmem>>) offsets(%dma_start3A_63 : memref<40xi32, #tpu.memory_space<vmem>>) semaphore(%arg7 : memref<!tpu.dma_semaphore, #tpu.memory_space<semaphore_mem>>)
      %mul3A_67 = arith.constant 8 : i32
      %mul3A_68 = arith.muli %scan3A_11, %mul3A_67 : i32
      %add3A_69 = arith.constant 4 : i32
      %add3A_70 = arith.addi %mul3A_68, %add3A_69 : i32
      %mul3A_71 = arith.constant 40 : i32
      %mul3A_72 = arith.muli %add3A_70, %mul3A_71 : i32
      %multiple_of3A_73 = tpu.assume_multiple %mul3A_72, 8 : i32
      %dma_start3A_74 = arith.constant 160 : i32
      %dma_start3A_75 = arith.constant 0 : i32
      %dma_start3A_76 = tpu.memref_slice %arg6[%dma_start3A_74, %dma_start3A_75] : memref<320x128xf32, #tpu.memory_space<vmem>> -> memref<40x128xf32, #tpu.memory_space<vmem>>
      %dma_start3A_77 = tpu.memref_slice %arg5[%multiple_of3A_73] : memref<5120xi32, #tpu.memory_space<vmem>> -> memref<40xi32, #tpu.memory_space<vmem>>
      %dma_start3A_78 = arith.constant 0 : i32
      %dma_start3A_79 = arith.constant 0 : i32
      %dma_start3A_80 = tpu.memref_slice %arg2[%dma_start3A_78, %dma_start3A_79] : memref<8192x128xf32, #tpu.memory_space<hbm>> -> memref<8192x128xf32, #tpu.memory_space<hbm>>
      tpu.enqueue_indirect_dma source(%dma_start3A_80 : memref<8192x128xf32, #tpu.memory_space<hbm>>) target(%dma_start3A_76 : memref<40x128xf32, #tpu.memory_space<vmem>>) offsets(%dma_start3A_77 : memref<40xi32, #tpu.memory_space<vmem>>) semaphore(%arg7 : memref<!tpu.dma_semaphore, #tpu.memory_space<semaphore_mem>>)
      %mul3A_81 = arith.constant 8 : i32
      %mul3A_82 = arith.muli %scan3A_11, %mul3A_81 : i32
      %add3A_83 = arith.constant 5 : i32
      %add3A_84 = arith.addi %mul3A_82, %add3A_83 : i32
      %mul3A_85 = arith.constant 40 : i32
      %mul3A_86 = arith.muli %add3A_84, %mul3A_85 : i32
      %multiple_of3A_87 = tpu.assume_multiple %mul3A_86, 8 : i32
      %dma_start3A_88 = arith.constant 200 : i32
      %dma_start3A_89 = arith.constant 0 : i32
      %dma_start3A_90 = tpu.memref_slice %arg6[%dma_start3A_88, %dma_start3A_89] : memref<320x128xf32, #tpu.memory_space<vmem>> -> memref<40x128xf32, #tpu.memory_space<vmem>>
      %dma_start3A_91 = tpu.memref_slice %arg5[%multiple_of3A_87] : memref<5120xi32, #tpu.memory_space<vmem>> -> memref<40xi32, #tpu.memory_space<vmem>>
      %dma_start3A_92 = arith.constant 0 : i32
      %dma_start3A_93 = arith.constant 0 : i32
      %dma_start3A_94 = tpu.memref_slice %arg2[%dma_start3A_92, %dma_start3A_93] : memref<8192x128xf32, #tpu.memory_space<hbm>> -> memref<8192x128xf32, #tpu.memory_space<hbm>>
      tpu.enqueue_indirect_dma source(%dma_start3A_94 : memref<8192x128xf32, #tpu.memory_space<hbm>>) target(%dma_start3A_90 : memref<40x128xf32, #tpu.memory_space<vmem>>) offsets(%dma_start3A_91 : memref<40xi32, #tpu.memory_space<vmem>>) semaphore(%arg7 : memref<!tpu.dma_semaphore, #tpu.memory_space<semaphore_mem>>)
      %mul3A_95 = arith.constant 8 : i32
      %mul3A_96 = arith.muli %scan3A_11, %mul3A_95 : i32
      %add3A_97 = arith.constant 6 : i32
      %add3A_98 = arith.addi %mul3A_96, %add3A_97 : i32
      %mul3A_99 = arith.constant 40 : i32
      %mul3A_100 = arith.muli %add3A_98, %mul3A_99 : i32
      %multiple_of3A_101 = tpu.assume_multiple %mul3A_100, 8 : i32
      %dma_start3A_102 = arith.constant 240 : i32
      %dma_start3A_103 = arith.constant 0 : i32
      %dma_start3A_104 = tpu.memref_slice %arg6[%dma_start3A_102, %dma_start3A_103] : memref<320x128xf32, #tpu.memory_space<vmem>> -> memref<40x128xf32, #tpu.memory_space<vmem>>
      %dma_start3A_105 = tpu.memref_slice %arg5[%multiple_of3A_101] : memref<5120xi32, #tpu.memory_space<vmem>> -> memref<40xi32, #tpu.memory_space<vmem>>
      %dma_start3A_106 = arith.constant 0 : i32
      %dma_start3A_107 = arith.constant 0 : i32
      %dma_start3A_108 = tpu.memref_slice %arg2[%dma_start3A_106, %dma_start3A_107] : memref<8192x128xf32, #tpu.memory_space<hbm>> -> memref<8192x128xf32, #tpu.memory_space<hbm>>
      tpu.enqueue_indirect_dma source(%dma_start3A_108 : memref<8192x128xf32, #tpu.memory_space<hbm>>) target(%dma_start3A_104 : memref<40x128xf32, #tpu.memory_space<vmem>>) offsets(%dma_start3A_105 : memref<40xi32, #tpu.memory_space<vmem>>) semaphore(%arg7 : memref<!tpu.dma_semaphore, #tpu.memory_space<semaphore_mem>>)
      %mul3A_109 = arith.constant 8 : i32
      %mul3A_110 = arith.muli %scan3A_11, %mul3A_109 : i32
      %add3A_111 = arith.constant 7 : i32
      %add3A_112 = arith.addi %mul3A_110, %add3A_111 : i32
      %mul3A_113 = arith.constant 40 : i32
      %mul3A_114 = arith.muli %add3A_112, %mul3A_113 : i32
      %multiple_of3A_115 = tpu.assume_multiple %mul3A_114, 8 : i32
      %dma_start3A_116 = arith.constant 280 : i32
      %dma_start3A_117 = arith.constant 0 : i32
      %dma_start3A_118 = tpu.memref_slice %arg6[%dma_start3A_116, %dma_start3A_117] : memref<320x128xf32, #tpu.memory_space<vmem>> -> memref<40x128xf32, #tpu.memory_space<vmem>>
      %dma_start3A_119 = tpu.memref_slice %arg5[%multiple_of3A_115] : memref<5120xi32, #tpu.memory_space<vmem>> -> memref<40xi32, #tpu.memory_space<vmem>>
      %dma_start3A_120 = arith.constant 0 : i32
      %dma_start3A_121 = arith.constant 0 : i32
      %dma_start3A_122 = tpu.memref_slice %arg2[%dma_start3A_120, %dma_start3A_121] : memref<8192x128xf32, #tpu.memory_space<hbm>> -> memref<8192x128xf32, #tpu.memory_space<hbm>>
      tpu.enqueue_indirect_dma source(%dma_start3A_122 : memref<8192x128xf32, #tpu.memory_space<hbm>>) target(%dma_start3A_118 : memref<40x128xf32, #tpu.memory_space<vmem>>) offsets(%dma_start3A_119 : memref<40xi32, #tpu.memory_space<vmem>>) semaphore(%arg7 : memref<!tpu.dma_semaphore, #tpu.memory_space<semaphore_mem>>)
      %dma_wait3A = arith.constant 0 : i32
      %dma_wait3A_123 = arith.constant 0 : i32
      %dma_wait3A_124 = tpu.memref_slice %arg6[%dma_wait3A, %dma_wait3A_123] : memref<320x128xf32, #tpu.memory_space<vmem>> -> memref<40x128xf32, #tpu.memory_space<vmem>>
      %dma_wait3A_125 = arith.constant 0 : i32
      %dma_wait3A_126 = tpu.memref_slice %arg5[%dma_wait3A_125] : memref<5120xi32, #tpu.memory_space<vmem>> -> memref<40xi32, #tpu.memory_space<vmem>>
      %dma_wait3A_127 = arith.constant 0 : i32
      %dma_wait3A_128 = arith.constant 0 : i32
      %dma_wait3A_129 = tpu.memref_slice %arg2[%dma_wait3A_127, %dma_wait3A_128] : memref<8192x128xf32, #tpu.memory_space<hbm>> -> memref<8192x128xf32, #tpu.memory_space<hbm>>
      tpu.wait_indirect_dma semaphore(%arg7 : memref<!tpu.dma_semaphore, #tpu.memory_space<semaphore_mem>>) src(%dma_wait3A_129 : memref<8192x128xf32, #tpu.memory_space<hbm>>) dst(%dma_wait3A_124 : memref<40x128xf32, #tpu.memory_space<vmem>>)
      %dma_wait3A_130 = arith.constant 40 : i32
      %dma_wait3A_131 = arith.constant 0 : i32
      %dma_wait3A_132 = tpu.memref_slice %arg6[%dma_wait3A_130, %dma_wait3A_131] : memref<320x128xf32, #tpu.memory_space<vmem>> -> memref<40x128xf32, #tpu.memory_space<vmem>>
      %dma_wait3A_133 = arith.constant 0 : i32
      %dma_wait3A_134 = tpu.memref_slice %arg5[%dma_wait3A_133] : memref<5120xi32, #tpu.memory_space<vmem>> -> memref<40xi32, #tpu.memory_space<vmem>>
      %dma_wait3A_135 = arith.constant 0 : i32
      %dma_wait3A_136 = arith.constant 0 : i32
      %dma_wait3A_137 = tpu.memref_slice %arg2[%dma_wait3A_135, %dma_wait3A_136] : memref<8192x128xf32, #tpu.memory_space<hbm>> -> memref<8192x128xf32, #tpu.memory_space<hbm>>
      tpu.wait_indirect_dma semaphore(%arg7 : memref<!tpu.dma_semaphore, #tpu.memory_space<semaphore_mem>>) src(%dma_wait3A_137 : memref<8192x128xf32, #tpu.memory_space<hbm>>) dst(%dma_wait3A_132 : memref<40x128xf32, #tpu.memory_space<vmem>>)
      %dma_wait3A_138 = arith.constant 80 : i32
      %dma_wait3A_139 = arith.constant 0 : i32
      %dma_wait3A_140 = tpu.memref_slice %arg6[%dma_wait3A_138, %dma_wait3A_139] : memref<320x128xf32, #tpu.memory_space<vmem>> -> memref<40x128xf32, #tpu.memory_space<vmem>>
      %dma_wait3A_141 = arith.constant 0 : i32
      %dma_wait3A_142 = tpu.memref_slice %arg5[%dma_wait3A_141] : memref<5120xi32, #tpu.memory_space<vmem>> -> memref<40xi32, #tpu.memory_space<vmem>>
      %dma_wait3A_143 = arith.constant 0 : i32
      %dma_wait3A_144 = arith.constant 0 : i32
      %dma_wait3A_145 = tpu.memref_slice %arg2[%dma_wait3A_143, %dma_wait3A_144] : memref<8192x128xf32, #tpu.memory_space<hbm>> -> memref<8192x128xf32, #tpu.memory_space<hbm>>
      tpu.wait_indirect_dma semaphore(%arg7 : memref<!tpu.dma_semaphore, #tpu.memory_space<semaphore_mem>>) src(%dma_wait3A_145 : memref<8192x128xf32, #tpu.memory_space<hbm>>) dst(%dma_wait3A_140 : memref<40x128xf32, #tpu.memory_space<vmem>>)
      %dma_wait3A_146 = arith.constant 120 : i32
      %dma_wait3A_147 = arith.constant 0 : i32
      %dma_wait3A_148 = tpu.memref_slice %arg6[%dma_wait3A_146, %dma_wait3A_147] : memref<320x128xf32, #tpu.memory_space<vmem>> -> memref<40x128xf32, #tpu.memory_space<vmem>>
      %dma_wait3A_149 = arith.constant 0 : i32
      %dma_wait3A_150 = tpu.memref_slice %arg5[%dma_wait3A_149] : memref<5120xi32, #tpu.memory_space<vmem>> -> memref<40xi32, #tpu.memory_space<vmem>>
      %dma_wait3A_151 = arith.constant 0 : i32
      %dma_wait3A_152 = arith.constant 0 : i32
      %dma_wait3A_153 = tpu.memref_slice %arg2[%dma_wait3A_151, %dma_wait3A_152] : memref<8192x128xf32, #tpu.memory_space<hbm>> -> memref<8192x128xf32, #tpu.memory_space<hbm>>
      tpu.wait_indirect_dma semaphore(%arg7 : memref<!tpu.dma_semaphore, #tpu.memory_space<semaphore_mem>>) src(%dma_wait3A_153 : memref<8192x128xf32, #tpu.memory_space<hbm>>) dst(%dma_wait3A_148 : memref<40x128xf32, #tpu.memory_space<vmem>>)
      %dma_wait3A_154 = arith.constant 160 : i32
      %dma_wait3A_155 = arith.constant 0 : i32
      %dma_wait3A_156 = tpu.memref_slice %arg6[%dma_wait3A_154, %dma_wait3A_155] : memref<320x128xf32, #tpu.memory_space<vmem>> -> memref<40x128xf32, #tpu.memory_space<vmem>>
      %dma_wait3A_157 = arith.constant 0 : i32
      %dma_wait3A_158 = tpu.memref_slice %arg5[%dma_wait3A_157] : memref<5120xi32, #tpu.memory_space<vmem>> -> memref<40xi32, #tpu.memory_space<vmem>>
      %dma_wait3A_159 = arith.constant 0 : i32
      %dma_wait3A_160 = arith.constant 0 : i32
      %dma_wait3A_161 = tpu.memref_slice %arg2[%dma_wait3A_159, %dma_wait3A_160] : memref<8192x128xf32, #tpu.memory_space<hbm>> -> memref<8192x128xf32, #tpu.memory_space<hbm>>
      tpu.wait_indirect_dma semaphore(%arg7 : memref<!tpu.dma_semaphore, #tpu.memory_space<semaphore_mem>>) src(%dma_wait3A_161 : memref<8192x128xf32, #tpu.memory_space<hbm>>) dst(%dma_wait3A_156 : memref<40x128xf32, #tpu.memory_space<vmem>>)
      %dma_wait3A_162 = arith.constant 200 : i32
      %dma_wait3A_163 = arith.constant 0 : i32
      %dma_wait3A_164 = tpu.memref_slice %arg6[%dma_wait3A_162, %dma_wait3A_163] : memref<320x128xf32, #tpu.memory_space<vmem>> -> memref<40x128xf32, #tpu.memory_space<vmem>>
      %dma_wait3A_165 = arith.constant 0 : i32
      %dma_wait3A_166 = tpu.memref_slice %arg5[%dma_wait3A_165] : memref<5120xi32, #tpu.memory_space<vmem>> -> memref<40xi32, #tpu.memory_space<vmem>>
      %dma_wait3A_167 = arith.constant 0 : i32
      %dma_wait3A_168 = arith.constant 0 : i32
      %dma_wait3A_169 = tpu.memref_slice %arg2[%dma_wait3A_167, %dma_wait3A_168] : memref<8192x128xf32, #tpu.memory_space<hbm>> -> memref<8192x128xf32, #tpu.memory_space<hbm>>
      tpu.wait_indirect_dma semaphore(%arg7 : memref<!tpu.dma_semaphore, #tpu.memory_space<semaphore_mem>>) src(%dma_wait3A_169 : memref<8192x128xf32, #tpu.memory_space<hbm>>) dst(%dma_wait3A_164 : memref<40x128xf32, #tpu.memory_space<vmem>>)
      %dma_wait3A_170 = arith.constant 240 : i32
      %dma_wait3A_171 = arith.constant 0 : i32
      %dma_wait3A_172 = tpu.memref_slice %arg6[%dma_wait3A_170, %dma_wait3A_171] : memref<320x128xf32, #tpu.memory_space<vmem>> -> memref<40x128xf32, #tpu.memory_space<vmem>>
      %dma_wait3A_173 = arith.constant 0 : i32
      %dma_wait3A_174 = tpu.memref_slice %arg5[%dma_wait3A_173] : memref<5120xi32, #tpu.memory_space<vmem>> -> memref<40xi32, #tpu.memory_space<vmem>>
      %dma_wait3A_175 = arith.constant 0 : i32
      %dma_wait3A_176 = arith.constant 0 : i32
      %dma_wait3A_177 = tpu.memref_slice %arg2[%dma_wait3A_175, %dma_wait3A_176] : memref<8192x128xf32, #tpu.memory_space<hbm>> -> memref<8192x128xf32, #tpu.memory_space<hbm>>
      tpu.wait_indirect_dma semaphore(%arg7 : memref<!tpu.dma_semaphore, #tpu.memory_space<semaphore_mem>>) src(%dma_wait3A_177 : memref<8192x128xf32, #tpu.memory_space<hbm>>) dst(%dma_wait3A_172 : memref<40x128xf32, #tpu.memory_space<vmem>>)
      %dma_wait3A_178 = arith.constant 280 : i32
      %dma_wait3A_179 = arith.constant 0 : i32
      %dma_wait3A_180 = tpu.memref_slice %arg6[%dma_wait3A_178, %dma_wait3A_179] : memref<320x128xf32, #tpu.memory_space<vmem>> -> memref<40x128xf32, #tpu.memory_space<vmem>>
      %dma_wait3A_181 = arith.constant 0 : i32
      %dma_wait3A_182 = tpu.memref_slice %arg5[%dma_wait3A_181] : memref<5120xi32, #tpu.memory_space<vmem>> -> memref<40xi32, #tpu.memory_space<vmem>>
      %dma_wait3A_183 = arith.constant 0 : i32
      %dma_wait3A_184 = arith.constant 0 : i32
      %dma_wait3A_185 = tpu.memref_slice %arg2[%dma_wait3A_183, %dma_wait3A_184] : memref<8192x128xf32, #tpu.memory_space<hbm>> -> memref<8192x128xf32, #tpu.memory_space<hbm>>
      tpu.wait_indirect_dma semaphore(%arg7 : memref<!tpu.dma_semaphore, #tpu.memory_space<semaphore_mem>>) src(%dma_wait3A_185 : memref<8192x128xf32, #tpu.memory_space<hbm>>) dst(%dma_wait3A_180 : memref<40x128xf32, #tpu.memory_space<vmem>>)
      %mul3A_186 = arith.constant 320 : i32
      %mul3A_187 = arith.muli %scan3A_11, %mul3A_186 : i32
      %add3A_188 = arith.addi %mul3A_4, %mul3A_187 : i32
      "tpu.region"() ({
        %run_scoped3A = tpu.sem_alloc : memref<!tpu.dma_semaphore, #tpu.memory_space<semaphore_mem>>
        %dma_start3A_190 = arith.constant 0 : i32
        %dma_start3A_191 = tpu.memref_slice %arg4[%add3A_188, %dma_start3A_190] : memref<163840x128xf32, #tpu.memory_space<hbm>> -> memref<320x128xf32, #tpu.memory_space<hbm>>
        %dma_start3A_192 = arith.constant 0 : i32
        %dma_start3A_193 = tpu.memref_slice %arg4[%add3A_188, %dma_start3A_192] : memref<163840x128xf32, #tpu.memory_space<hbm>> -> memref<320x128xf32, #tpu.memory_space<hbm>>
        tpu.enqueue_dma source(%arg6 : memref<320x128xf32, #tpu.memory_space<vmem>>) target(%dma_start3A_193 : memref<320x128xf32, #tpu.memory_space<hbm>>) target_semaphore(%run_scoped3A : memref<!tpu.dma_semaphore, #tpu.memory_space<semaphore_mem>>)
        %dma_wait3A_194 = arith.constant 0 : i32
        %dma_wait3A_195 = tpu.memref_slice %arg4[%add3A_188, %dma_wait3A_194] : memref<163840x128xf32, #tpu.memory_space<hbm>> -> memref<320x128xf32, #tpu.memory_space<hbm>>
        %dma_wait3A_196 = arith.constant 0 : i32
        %dma_wait3A_197 = tpu.memref_slice %arg4[%add3A_188, %dma_wait3A_196] : memref<163840x128xf32, #tpu.memory_space<hbm>> -> memref<320x128xf32, #tpu.memory_space<hbm>>
        tpu.wait_dma2 semaphore(%run_scoped3A : memref<!tpu.dma_semaphore, #tpu.memory_space<semaphore_mem>>) src(%arg6 : memref<320x128xf32, #tpu.memory_space<vmem>>) dst(%dma_wait3A_197 : memref<320x128xf32, #tpu.memory_space<hbm>>)
        tpu.yield
      }) : () -> ()
      %scan3A_189 = arith.constant 0 : i32
      scf.yield %scan3A_189 : i32
    }
    %scan3A_10 = arith.constant 16 : i32
    return
  }
}

#map = affine_map<(d0, d1) -> (0, 0)>
#map1 = affine_map<(d0, d1) -> (0)>
module attributes {stable_mosaic.version = 14 : i64} {
  func.func @k(%arg0: i32, %arg1: i32, %arg2: memref<8192x128xf32, #tpu.memory_space<hbm>>, %arg3: memref<163840xi32, #tpu.memory_space<hbm>>, %arg4: memref<163840x128xf32, #tpu.memory_space<hbm>>, %arg5: memref<5120xi32, #tpu.memory_space<vmem>>, %arg6: memref<320x128xf32, #tpu.memory_space<vmem>>, %arg7: memref<!tpu.dma_semaphore, #tpu.memory_space<semaphore_mem>>) attributes {dimension_semantics = [#tpu.dimension_semantics<core_parallel>, #tpu.dimension_semantics<subcore_parallel>], iteration_bounds = array<i64: 2, 16>, scalar_prefetch = 0 : i64, scratch_operands = 3 : i64, tpu.core_type = #tpu.core_type<sc_vector_subcore>, window_params = [{transform_indices = #map}, {transform_indices = #map1}, {transform_indices = #map}]} {
    %mul3A = arith.constant 2 : i32
    %mul3A_0 = arith.muli %arg1, %mul3A : i32
    %add3A = arith.addi %mul3A_0, %arg0 : i32
    %mul3A_1 = arith.constant 256 : i32
    %mul3A_2 = arith.muli %add3A, %mul3A_1 : i32
    %mul3A_3 = arith.constant 20 : i32
    %mul3A_4 = arith.muli %mul3A_2, %mul3A_3 : i32
    "tpu.region"() ({
      %run_scoped3A = tpu.sem_alloc : memref<!tpu.dma_semaphore, #tpu.memory_space<semaphore_mem>>
      %dma_start3A = tpu.memref_slice %arg3[%mul3A_4] : memref<163840xi32, #tpu.memory_space<hbm>> -> memref<5120xi32, #tpu.memory_space<hbm>>
      %dma_start3A_11 = tpu.memref_slice %arg3[%mul3A_4] : memref<163840xi32, #tpu.memory_space<hbm>> -> memref<5120xi32, #tpu.memory_space<hbm>>
      tpu.enqueue_dma source(%dma_start3A_11 : memref<5120xi32, #tpu.memory_space<hbm>>) target(%arg5 : memref<5120xi32, #tpu.memory_space<vmem>>) target_semaphore(%run_scoped3A : memref<!tpu.dma_semaphore, #tpu.memory_space<semaphore_mem>>)
      %dma_wait3A = tpu.memref_slice %arg3[%mul3A_4] : memref<163840xi32, #tpu.memory_space<hbm>> -> memref<5120xi32, #tpu.memory_space<hbm>>
      %dma_wait3A_12 = tpu.memref_slice %arg3[%mul3A_4] : memref<163840xi32, #tpu.memory_space<hbm>> -> memref<5120xi32, #tpu.memory_space<hbm>>
      tpu.wait_dma2 semaphore(%run_scoped3A : memref<!tpu.dma_semaphore, #tpu.memory_space<semaphore_mem>>) src(%dma_wait3A_12 : memref<5120xi32, #tpu.memory_space<hbm>>) dst(%arg5 : memref<5120xi32, #tpu.memory_space<vmem>>)
      tpu.yield
    }) : () -> ()
    %scan3A = arith.constant 0 : i32
    %scan3A_5 = arith.constant 0 : i32
    %scan3A_6 = arith.constant 16 : i32
    %scan3A_7 = arith.addi %scan3A_5, %scan3A_6 : i32
    %scan3A_8 = arith.constant 1 : i32
    %scan3A_9 = scf.for %scan3A_11 = %scan3A_5 to %scan3A_7 step %scan3A_8 iter_args(%scan3A_12 = %scan3A) -> (i32)  : i32 {
      %mul3A_13 = arith.constant 8 : i32
      %mul3A_14 = arith.muli %scan3A_11, %mul3A_13 : i32
      %add3A_15 = arith.constant 0 : i32
      %add3A_16 = arith.addi %mul3A_14, %add3A_15 : i32
      %mul3A_17 = arith.constant 40 : i32
      %mul3A_18 = arith.muli %add3A_16, %mul3A_17 : i32
      %multiple_of3A = tpu.assume_multiple %mul3A_18, 8 : i32
      %dma_start3A = arith.constant 0 : i32
      %dma_start3A_19 = arith.constant 0 : i32
      %dma_start3A_20 = tpu.memref_slice %arg6[%dma_start3A, %dma_start3A_19] : memref<320x128xf32, #tpu.memory_space<vmem>> -> memref<40x128xf32, #tpu.memory_space<vmem>>
      %dma_start3A_21 = tpu.memref_slice %arg5[%multiple_of3A] : memref<5120xi32, #tpu.memory_space<vmem>> -> memref<40xi32, #tpu.memory_space<vmem>>
      %dma_start3A_22 = arith.constant 0 : i32
      %dma_start3A_23 = arith.constant 0 : i32
      %dma_start3A_24 = tpu.memref_slice %arg2[%dma_start3A_22, %dma_start3A_23] : memref<8192x128xf32, #tpu.memory_space<hbm>> -> memref<8192x128xf32, #tpu.memory_space<hbm>>
      tpu.enqueue_indirect_dma source(%dma_start3A_24 : memref<8192x128xf32, #tpu.memory_space<hbm>>) target(%dma_start3A_20 : memref<40x128xf32, #tpu.memory_space<vmem>>) offsets(%dma_start3A_21 : memref<40xi32, #tpu.memory_space<vmem>>) semaphore(%arg7 : memref<!tpu.dma_semaphore, #tpu.memory_space<semaphore_mem>>)
      %mul3A_25 = arith.constant 8 : i32
      %mul3A_26 = arith.muli %scan3A_11, %mul3A_25 : i32
      %add3A_27 = arith.constant 1 : i32
      %add3A_28 = arith.addi %mul3A_26, %add3A_27 : i32
      %mul3A_29 = arith.constant 40 : i32
      %mul3A_30 = arith.muli %add3A_28, %mul3A_29 : i32
      %multiple_of3A_31 = tpu.assume_multiple %mul3A_30, 8 : i32
      %dma_start3A_32 = arith.constant 40 : i32
      %dma_start3A_33 = arith.constant 0 : i32
      %dma_start3A_34 = tpu.memref_slice %arg6[%dma_start3A_32, %dma_start3A_33] : memref<320x128xf32, #tpu.memory_space<vmem>> -> memref<40x128xf32, #tpu.memory_space<vmem>>
      %dma_start3A_35 = tpu.memref_slice %arg5[%multiple_of3A_31] : memref<5120xi32, #tpu.memory_space<vmem>> -> memref<40xi32, #tpu.memory_space<vmem>>
      %dma_start3A_36 = arith.constant 0 : i32
      %dma_start3A_37 = arith.constant 0 : i32
      %dma_start3A_38 = tpu.memref_slice %arg2[%dma_start3A_36, %dma_start3A_37] : memref<8192x128xf32, #tpu.memory_space<hbm>> -> memref<8192x128xf32, #tpu.memory_space<hbm>>
      tpu.enqueue_indirect_dma source(%dma_start3A_38 : memref<8192x128xf32, #tpu.memory_space<hbm>>) target(%dma_start3A_34 : memref<40x128xf32, #tpu.memory_space<vmem>>) offsets(%dma_start3A_35 : memref<40xi32, #tpu.memory_space<vmem>>) semaphore(%arg7 : memref<!tpu.dma_semaphore, #tpu.memory_space<semaphore_mem>>)
      %mul3A_39 = arith.constant 8 : i32
      %mul3A_40 = arith.muli %scan3A_11, %mul3A_39 : i32
      %add3A_41 = arith.constant 2 : i32
      %add3A_42 = arith.addi %mul3A_40, %add3A_41 : i32
      %mul3A_43 = arith.constant 40 : i32
      %mul3A_44 = arith.muli %add3A_42, %mul3A_43 : i32
      %multiple_of3A_45 = tpu.assume_multiple %mul3A_44, 8 : i32
      %dma_start3A_46 = arith.constant 80 : i32
      %dma_start3A_47 = arith.constant 0 : i32
      %dma_start3A_48 = tpu.memref_slice %arg6[%dma_start3A_46, %dma_start3A_47] : memref<320x128xf32, #tpu.memory_space<vmem>> -> memref<40x128xf32, #tpu.memory_space<vmem>>
      %dma_start3A_49 = tpu.memref_slice %arg5[%multiple_of3A_45] : memref<5120xi32, #tpu.memory_space<vmem>> -> memref<40xi32, #tpu.memory_space<vmem>>
      %dma_start3A_50 = arith.constant 0 : i32
      %dma_start3A_51 = arith.constant 0 : i32
      %dma_start3A_52 = tpu.memref_slice %arg2[%dma_start3A_50, %dma_start3A_51] : memref<8192x128xf32, #tpu.memory_space<hbm>> -> memref<8192x128xf32, #tpu.memory_space<hbm>>
      tpu.enqueue_indirect_dma source(%dma_start3A_52 : memref<8192x128xf32, #tpu.memory_space<hbm>>) target(%dma_start3A_48 : memref<40x128xf32, #tpu.memory_space<vmem>>) offsets(%dma_start3A_49 : memref<40xi32, #tpu.memory_space<vmem>>) semaphore(%arg7 : memref<!tpu.dma_semaphore, #tpu.memory_space<semaphore_mem>>)
      %mul3A_53 = arith.constant 8 : i32
      %mul3A_54 = arith.muli %scan3A_11, %mul3A_53 : i32
      %add3A_55 = arith.constant 3 : i32
      %add3A_56 = arith.addi %mul3A_54, %add3A_55 : i32
      %mul3A_57 = arith.constant 40 : i32
      %mul3A_58 = arith.muli %add3A_56, %mul3A_57 : i32
      %multiple_of3A_59 = tpu.assume_multiple %mul3A_58, 8 : i32
      %dma_start3A_60 = arith.constant 120 : i32
      %dma_start3A_61 = arith.constant 0 : i32
      %dma_start3A_62 = tpu.memref_slice %arg6[%dma_start3A_60, %dma_start3A_61] : memref<320x128xf32, #tpu.memory_space<vmem>> -> memref<40x128xf32, #tpu.memory_space<vmem>>
      %dma_start3A_63 = tpu.memref_slice %arg5[%multiple_of3A_59] : memref<5120xi32, #tpu.memory_space<vmem>> -> memref<40xi32, #tpu.memory_space<vmem>>
      %dma_start3A_64 = arith.constant 0 : i32
      %dma_start3A_65 = arith.constant 0 : i32
      %dma_start3A_66 = tpu.memref_slice %arg2[%dma_start3A_64, %dma_start3A_65] : memref<8192x128xf32, #tpu.memory_space<hbm>> -> memref<8192x128xf32, #tpu.memory_space<hbm>>
      tpu.enqueue_indirect_dma source(%dma_start3A_66 : memref<8192x128xf32, #tpu.memory_space<hbm>>) target(%dma_start3A_62 : memref<40x128xf32, #tpu.memory_space<vmem>>) offsets(%dma_start3A_63 : memref<40xi32, #tpu.memory_space<vmem>>) semaphore(%arg7 : memref<!tpu.dma_semaphore, #tpu.memory_space<semaphore_mem>>)
      %mul3A_67 = arith.constant 8 : i32
      %mul3A_68 = arith.muli %scan3A_11, %mul3A_67 : i32
      %add3A_69 = arith.constant 4 : i32
      %add3A_70 = arith.addi %mul3A_68, %add3A_69 : i32
      %mul3A_71 = arith.constant 40 : i32
      %mul3A_72 = arith.muli %add3A_70, %mul3A_71 : i32
      %multiple_of3A_73 = tpu.assume_multiple %mul3A_72, 8 : i32
      %dma_start3A_74 = arith.constant 160 : i32
      %dma_start3A_75 = arith.constant 0 : i32
      %dma_start3A_76 = tpu.memref_slice %arg6[%dma_start3A_74, %dma_start3A_75] : memref<320x128xf32, #tpu.memory_space<vmem>> -> memref<40x128xf32, #tpu.memory_space<vmem>>
      %dma_start3A_77 = tpu.memref_slice %arg5[%multiple_of3A_73] : memref<5120xi32, #tpu.memory_space<vmem>> -> memref<40xi32, #tpu.memory_space<vmem>>
      %dma_start3A_78 = arith.constant 0 : i32
      %dma_start3A_79 = arith.constant 0 : i32
      %dma_start3A_80 = tpu.memref_slice %arg2[%dma_start3A_78, %dma_start3A_79] : memref<8192x128xf32, #tpu.memory_space<hbm>> -> memref<8192x128xf32, #tpu.memory_space<hbm>>
      tpu.enqueue_indirect_dma source(%dma_start3A_80 : memref<8192x128xf32, #tpu.memory_space<hbm>>) target(%dma_start3A_76 : memref<40x128xf32, #tpu.memory_space<vmem>>) offsets(%dma_start3A_77 : memref<40xi32, #tpu.memory_space<vmem>>) semaphore(%arg7 : memref<!tpu.dma_semaphore, #tpu.memory_space<semaphore_mem>>)
      %mul3A_81 = arith.constant 8 : i32
      %mul3A_82 = arith.muli %scan3A_11, %mul3A_81 : i32
      %add3A_83 = arith.constant 5 : i32
      %add3A_84 = arith.addi %mul3A_82, %add3A_83 : i32
      %mul3A_85 = arith.constant 40 : i32
      %mul3A_86 = arith.muli %add3A_84, %mul3A_85 : i32
      %multiple_of3A_87 = tpu.assume_multiple %mul3A_86, 8 : i32
      %dma_start3A_88 = arith.constant 200 : i32
      %dma_start3A_89 = arith.constant 0 : i32
      %dma_start3A_90 = tpu.memref_slice %arg6[%dma_start3A_88, %dma_start3A_89] : memref<320x128xf32, #tpu.memory_space<vmem>> -> memref<40x128xf32, #tpu.memory_space<vmem>>
      %dma_start3A_91 = tpu.memref_slice %arg5[%multiple_of3A_87] : memref<5120xi32, #tpu.memory_space<vmem>> -> memref<40xi32, #tpu.memory_space<vmem>>
      %dma_start3A_92 = arith.constant 0 : i32
      %dma_start3A_93 = arith.constant 0 : i32
      %dma_start3A_94 = tpu.memref_slice %arg2[%dma_start3A_92, %dma_start3A_93] : memref<8192x128xf32, #tpu.memory_space<hbm>> -> memref<8192x128xf32, #tpu.memory_space<hbm>>
      tpu.enqueue_indirect_dma source(%dma_start3A_94 : memref<8192x128xf32, #tpu.memory_space<hbm>>) target(%dma_start3A_90 : memref<40x128xf32, #tpu.memory_space<vmem>>) offsets(%dma_start3A_91 : memref<40xi32, #tpu.memory_space<vmem>>) semaphore(%arg7 : memref<!tpu.dma_semaphore, #tpu.memory_space<semaphore_mem>>)
      %mul3A_95 = arith.constant 8 : i32
      %mul3A_96 = arith.muli %scan3A_11, %mul3A_95 : i32
      %add3A_97 = arith.constant 6 : i32
      %add3A_98 = arith.addi %mul3A_96, %add3A_97 : i32
      %mul3A_99 = arith.constant 40 : i32
      %mul3A_100 = arith.muli %add3A_98, %mul3A_99 : i32
      %multiple_of3A_101 = tpu.assume_multiple %mul3A_100, 8 : i32
      %dma_start3A_102 = arith.constant 240 : i32
      %dma_start3A_103 = arith.constant 0 : i32
      %dma_start3A_104 = tpu.memref_slice %arg6[%dma_start3A_102, %dma_start3A_103] : memref<320x128xf32, #tpu.memory_space<vmem>> -> memref<40x128xf32, #tpu.memory_space<vmem>>
      %dma_start3A_105 = tpu.memref_slice %arg5[%multiple_of3A_101] : memref<5120xi32, #tpu.memory_space<vmem>> -> memref<40xi32, #tpu.memory_space<vmem>>
      %dma_start3A_106 = arith.constant 0 : i32
      %dma_start3A_107 = arith.constant 0 : i32
      %dma_start3A_108 = tpu.memref_slice %arg2[%dma_start3A_106, %dma_start3A_107] : memref<8192x128xf32, #tpu.memory_space<hbm>> -> memref<8192x128xf32, #tpu.memory_space<hbm>>
      tpu.enqueue_indirect_dma source(%dma_start3A_108 : memref<8192x128xf32, #tpu.memory_space<hbm>>) target(%dma_start3A_104 : memref<40x128xf32, #tpu.memory_space<vmem>>) offsets(%dma_start3A_105 : memref<40xi32, #tpu.memory_space<vmem>>) semaphore(%arg7 : memref<!tpu.dma_semaphore, #tpu.memory_space<semaphore_mem>>)
      %mul3A_109 = arith.constant 8 : i32
      %mul3A_110 = arith.muli %scan3A_11, %mul3A_109 : i32
      %add3A_111 = arith.constant 7 : i32
      %add3A_112 = arith.addi %mul3A_110, %add3A_111 : i32
      %mul3A_113 = arith.constant 40 : i32
      %mul3A_114 = arith.muli %add3A_112, %mul3A_113 : i32
      %multiple_of3A_115 = tpu.assume_multiple %mul3A_114, 8 : i32
      %dma_start3A_116 = arith.constant 280 : i32
      %dma_start3A_117 = arith.constant 0 : i32
      %dma_start3A_118 = tpu.memref_slice %arg6[%dma_start3A_116, %dma_start3A_117] : memref<320x128xf32, #tpu.memory_space<vmem>> -> memref<40x128xf32, #tpu.memory_space<vmem>>
      %dma_start3A_119 = tpu.memref_slice %arg5[%multiple_of3A_115] : memref<5120xi32, #tpu.memory_space<vmem>> -> memref<40xi32, #tpu.memory_space<vmem>>
      %dma_start3A_120 = arith.constant 0 : i32
      %dma_start3A_121 = arith.constant 0 : i32
      %dma_start3A_122 = tpu.memref_slice %arg2[%dma_start3A_120, %dma_start3A_121] : memref<8192x128xf32, #tpu.memory_space<hbm>> -> memref<8192x128xf32, #tpu.memory_space<hbm>>
      tpu.enqueue_indirect_dma source(%dma_start3A_122 : memref<8192x128xf32, #tpu.memory_space<hbm>>) target(%dma_start3A_118 : memref<40x128xf32, #tpu.memory_space<vmem>>) offsets(%dma_start3A_119 : memref<40xi32, #tpu.memory_space<vmem>>) semaphore(%arg7 : memref<!tpu.dma_semaphore, #tpu.memory_space<semaphore_mem>>)
      %dma_wait3A = arith.constant 0 : i32
      %dma_wait3A_123 = arith.constant 0 : i32
      %dma_wait3A_124 = tpu.memref_slice %arg6[%dma_wait3A, %dma_wait3A_123] : memref<320x128xf32, #tpu.memory_space<vmem>> -> memref<40x128xf32, #tpu.memory_space<vmem>>
      %dma_wait3A_125 = arith.constant 0 : i32
      %dma_wait3A_126 = tpu.memref_slice %arg5[%dma_wait3A_125] : memref<5120xi32, #tpu.memory_space<vmem>> -> memref<40xi32, #tpu.memory_space<vmem>>
      %dma_wait3A_127 = arith.constant 0 : i32
      %dma_wait3A_128 = arith.constant 0 : i32
      %dma_wait3A_129 = tpu.memref_slice %arg2[%dma_wait3A_127, %dma_wait3A_128] : memref<8192x128xf32, #tpu.memory_space<hbm>> -> memref<8192x128xf32, #tpu.memory_space<hbm>>
      tpu.wait_indirect_dma semaphore(%arg7 : memref<!tpu.dma_semaphore, #tpu.memory_space<semaphore_mem>>) src(%dma_wait3A_129 : memref<8192x128xf32, #tpu.memory_space<hbm>>) dst(%dma_wait3A_124 : memref<40x128xf32, #tpu.memory_space<vmem>>)
      %dma_wait3A_130 = arith.constant 40 : i32
      %dma_wait3A_131 = arith.constant 0 : i32
      %dma_wait3A_132 = tpu.memref_slice %arg6[%dma_wait3A_130, %dma_wait3A_131] : memref<320x128xf32, #tpu.memory_space<vmem>> -> memref<40x128xf32, #tpu.memory_space<vmem>>
      %dma_wait3A_133 = arith.constant 0 : i32
      %dma_wait3A_134 = tpu.memref_slice %arg5[%dma_wait3A_133] : memref<5120xi32, #tpu.memory_space<vmem>> -> memref<40xi32, #tpu.memory_space<vmem>>
      %dma_wait3A_135 = arith.constant 0 : i32
      %dma_wait3A_136 = arith.constant 0 : i32
      %dma_wait3A_137 = tpu.memref_slice %arg2[%dma_wait3A_135, %dma_wait3A_136] : memref<8192x128xf32, #tpu.memory_space<hbm>> -> memref<8192x128xf32, #tpu.memory_space<hbm>>
      tpu.wait_indirect_dma semaphore(%arg7 : memref<!tpu.dma_semaphore, #tpu.memory_space<semaphore_mem>>) src(%dma_wait3A_137 : memref<8192x128xf32, #tpu.memory_space<hbm>>) dst(%dma_wait3A_132 : memref<40x128xf32, #tpu.memory_space<vmem>>)
      %dma_wait3A_138 = arith.constant 80 : i32
      %dma_wait3A_139 = arith.constant 0 : i32
      %dma_wait3A_140 = tpu.memref_slice %arg6[%dma_wait3A_138, %dma_wait3A_139] : memref<320x128xf32, #tpu.memory_space<vmem>> -> memref<40x128xf32, #tpu.memory_space<vmem>>
      %dma_wait3A_141 = arith.constant 0 : i32
      %dma_wait3A_142 = tpu.memref_slice %arg5[%dma_wait3A_141] : memref<5120xi32, #tpu.memory_space<vmem>> -> memref<40xi32, #tpu.memory_space<vmem>>
      %dma_wait3A_143 = arith.constant 0 : i32
      %dma_wait3A_144 = arith.constant 0 : i32
      %dma_wait3A_145 = tpu.memref_slice %arg2[%dma_wait3A_143, %dma_wait3A_144] : memref<8192x128xf32, #tpu.memory_space<hbm>> -> memref<8192x128xf32, #tpu.memory_space<hbm>>
      tpu.wait_indirect_dma semaphore(%arg7 : memref<!tpu.dma_semaphore, #tpu.memory_space<semaphore_mem>>) src(%dma_wait3A_145 : memref<8192x128xf32, #tpu.memory_space<hbm>>) dst(%dma_wait3A_140 : memref<40x128xf32, #tpu.memory_space<vmem>>)
      %dma_wait3A_146 = arith.constant 120 : i32
      %dma_wait3A_147 = arith.constant 0 : i32
      %dma_wait3A_148 = tpu.memref_slice %arg6[%dma_wait3A_146, %dma_wait3A_147] : memref<320x128xf32, #tpu.memory_space<vmem>> -> memref<40x128xf32, #tpu.memory_space<vmem>>
      %dma_wait3A_149 = arith.constant 0 : i32
      %dma_wait3A_150 = tpu.memref_slice %arg5[%dma_wait3A_149] : memref<5120xi32, #tpu.memory_space<vmem>> -> memref<40xi32, #tpu.memory_space<vmem>>
      %dma_wait3A_151 = arith.constant 0 : i32
      %dma_wait3A_152 = arith.constant 0 : i32
      %dma_wait3A_153 = tpu.memref_slice %arg2[%dma_wait3A_151, %dma_wait3A_152] : memref<8192x128xf32, #tpu.memory_space<hbm>> -> memref<8192x128xf32, #tpu.memory_space<hbm>>
      tpu.wait_indirect_dma semaphore(%arg7 : memref<!tpu.dma_semaphore, #tpu.memory_space<semaphore_mem>>) src(%dma_wait3A_153 : memref<8192x128xf32, #tpu.memory_space<hbm>>) dst(%dma_wait3A_148 : memref<40x128xf32, #tpu.memory_space<vmem>>)
      %dma_wait3A_154 = arith.constant 160 : i32
      %dma_wait3A_155 = arith.constant 0 : i32
      %dma_wait3A_156 = tpu.memref_slice %arg6[%dma_wait3A_154, %dma_wait3A_155] : memref<320x128xf32, #tpu.memory_space<vmem>> -> memref<40x128xf32, #tpu.memory_space<vmem>>
      %dma_wait3A_157 = arith.constant 0 : i32
      %dma_wait3A_158 = tpu.memref_slice %arg5[%dma_wait3A_157] : memref<5120xi32, #tpu.memory_space<vmem>> -> memref<40xi32, #tpu.memory_space<vmem>>
      %dma_wait3A_159 = arith.constant 0 : i32
      %dma_wait3A_160 = arith.constant 0 : i32
      %dma_wait3A_161 = tpu.memref_slice %arg2[%dma_wait3A_159, %dma_wait3A_160] : memref<8192x128xf32, #tpu.memory_space<hbm>> -> memref<8192x128xf32, #tpu.memory_space<hbm>>
      tpu.wait_indirect_dma semaphore(%arg7 : memref<!tpu.dma_semaphore, #tpu.memory_space<semaphore_mem>>) src(%dma_wait3A_161 : memref<8192x128xf32, #tpu.memory_space<hbm>>) dst(%dma_wait3A_156 : memref<40x128xf32, #tpu.memory_space<vmem>>)
      %dma_wait3A_162 = arith.constant 200 : i32
      %dma_wait3A_163 = arith.constant 0 : i32
      %dma_wait3A_164 = tpu.memref_slice %arg6[%dma_wait3A_162, %dma_wait3A_163] : memref<320x128xf32, #tpu.memory_space<vmem>> -> memref<40x128xf32, #tpu.memory_space<vmem>>
      %dma_wait3A_165 = arith.constant 0 : i32
      %dma_wait3A_166 = tpu.memref_slice %arg5[%dma_wait3A_165] : memref<5120xi32, #tpu.memory_space<vmem>> -> memref<40xi32, #tpu.memory_space<vmem>>
      %dma_wait3A_167 = arith.constant 0 : i32
      %dma_wait3A_168 = arith.constant 0 : i32
      %dma_wait3A_169 = tpu.memref_slice %arg2[%dma_wait3A_167, %dma_wait3A_168] : memref<8192x128xf32, #tpu.memory_space<hbm>> -> memref<8192x128xf32, #tpu.memory_space<hbm>>
      tpu.wait_indirect_dma semaphore(%arg7 : memref<!tpu.dma_semaphore, #tpu.memory_space<semaphore_mem>>) src(%dma_wait3A_169 : memref<8192x128xf32, #tpu.memory_space<hbm>>) dst(%dma_wait3A_164 : memref<40x128xf32, #tpu.memory_space<vmem>>)
      %dma_wait3A_170 = arith.constant 240 : i32
      %dma_wait3A_171 = arith.constant 0 : i32
      %dma_wait3A_172 = tpu.memref_slice %arg6[%dma_wait3A_170, %dma_wait3A_171] : memref<320x128xf32, #tpu.memory_space<vmem>> -> memref<40x128xf32, #tpu.memory_space<vmem>>
      %dma_wait3A_173 = arith.constant 0 : i32
      %dma_wait3A_174 = tpu.memref_slice %arg5[%dma_wait3A_173] : memref<5120xi32, #tpu.memory_space<vmem>> -> memref<40xi32, #tpu.memory_space<vmem>>
      %dma_wait3A_175 = arith.constant 0 : i32
      %dma_wait3A_176 = arith.constant 0 : i32
      %dma_wait3A_177 = tpu.memref_slice %arg2[%dma_wait3A_175, %dma_wait3A_176] : memref<8192x128xf32, #tpu.memory_space<hbm>> -> memref<8192x128xf32, #tpu.memory_space<hbm>>
      tpu.wait_indirect_dma semaphore(%arg7 : memref<!tpu.dma_semaphore, #tpu.memory_space<semaphore_mem>>) src(%dma_wait3A_177 : memref<8192x128xf32, #tpu.memory_space<hbm>>) dst(%dma_wait3A_172 : memref<40x128xf32, #tpu.memory_space<vmem>>)
      %dma_wait3A_178 = arith.constant 280 : i32
      %dma_wait3A_179 = arith.constant 0 : i32
      %dma_wait3A_180 = tpu.memref_slice %arg6[%dma_wait3A_178, %dma_wait3A_179] : memref<320x128xf32, #tpu.memory_space<vmem>> -> memref<40x128xf32, #tpu.memory_space<vmem>>
      %dma_wait3A_181 = arith.constant 0 : i32
      %dma_wait3A_182 = tpu.memref_slice %arg5[%dma_wait3A_181] : memref<5120xi32, #tpu.memory_space<vmem>> -> memref<40xi32, #tpu.memory_space<vmem>>
      %dma_wait3A_183 = arith.constant 0 : i32
      %dma_wait3A_184 = arith.constant 0 : i32
      %dma_wait3A_185 = tpu.memref_slice %arg2[%dma_wait3A_183, %dma_wait3A_184] : memref<8192x128xf32, #tpu.memory_space<hbm>> -> memref<8192x128xf32, #tpu.memory_space<hbm>>
      tpu.wait_indirect_dma semaphore(%arg7 : memref<!tpu.dma_semaphore, #tpu.memory_space<semaphore_mem>>) src(%dma_wait3A_185 : memref<8192x128xf32, #tpu.memory_space<hbm>>) dst(%dma_wait3A_180 : memref<40x128xf32, #tpu.memory_space<vmem>>)
      %mul3A_186 = arith.constant 320 : i32
      %mul3A_187 = arith.muli %scan3A_11, %mul3A_186 : i32
      %add3A_188 = arith.addi %mul3A_4, %mul3A_187 : i32
      "tpu.region"() ({
        %run_scoped3A = tpu.sem_alloc : memref<!tpu.dma_semaphore, #tpu.memory_space<semaphore_mem>>
        %dma_start3A_190 = arith.constant 0 : i32
        %dma_start3A_191 = tpu.memref_slice %arg4[%add3A_188, %dma_start3A_190] : memref<163840x128xf32, #tpu.memory_space<hbm>> -> memref<320x128xf32, #tpu.memory_space<hbm>>
        %dma_start3A_192 = arith.constant 0 : i32
        %dma_start3A_193 = tpu.memref_slice %arg4[%add3A_188, %dma_start3A_192] : memref<163840x128xf32, #tpu.memory_space<hbm>> -> memref<320x128xf32, #tpu.memory_space<hbm>>
        tpu.enqueue_dma source(%arg6 : memref<320x128xf32, #tpu.memory_space<vmem>>) target(%dma_start3A_193 : memref<320x128xf32, #tpu.memory_space<hbm>>) target_semaphore(%run_scoped3A : memref<!tpu.dma_semaphore, #tpu.memory_space<semaphore_mem>>)
        %dma_wait3A_194 = arith.constant 0 : i32
        %dma_wait3A_195 = tpu.memref_slice %arg4[%add3A_188, %dma_wait3A_194] : memref<163840x128xf32, #tpu.memory_space<hbm>> -> memref<320x128xf32, #tpu.memory_space<hbm>>
        %dma_wait3A_196 = arith.constant 0 : i32
        %dma_wait3A_197 = tpu.memref_slice %arg4[%add3A_188, %dma_wait3A_196] : memref<163840x128xf32, #tpu.memory_space<hbm>> -> memref<320x128xf32, #tpu.memory_space<hbm>>
        tpu.wait_dma2 semaphore(%run_scoped3A : memref<!tpu.dma_semaphore, #tpu.memory_space<semaphore_mem>>) src(%arg6 : memref<320x128xf32, #tpu.memory_space<vmem>>) dst(%dma_wait3A_197 : memref<320x128xf32, #tpu.memory_space<hbm>>)
        tpu.yield
      }) : () -> ()
      %scan3A_189 = arith.constant 0 : i32
      scf.yield %scan3A_189 : i32
    }
    %scan3A_10 = arith.constant 16 : i32
    return
  }
}

#map = affine_map<(d0, d1) -> (0, 0)>
#map1 = affine_map<(d0, d1) -> (0)>
module attributes {stable_mosaic.version = 14 : i64} {
  func.func @k(%arg0: i32, %arg1: i32, %arg2: memref<8192x128xf32, #tpu.memory_space<hbm>>, %arg3: memref<163840xi32, #tpu.memory_space<hbm>>, %arg4: memref<163840x128xf32, #tpu.memory_space<hbm>>, %arg5: memref<5120xi32, #tpu.memory_space<vmem>>, %arg6: memref<320x128xf32, #tpu.memory_space<vmem>>, %arg7: memref<!tpu.dma_semaphore, #tpu.memory_space<semaphore_mem>>) attributes {dimension_semantics = [#tpu.dimension_semantics<core_parallel>, #tpu.dimension_semantics<subcore_parallel>], iteration_bounds = array<i64: 2, 16>, scalar_prefetch = 0 : i64, scratch_operands = 3 : i64, tpu.core_type = #tpu.core_type<sc_vector_subcore>, window_params = [{transform_indices = #map}, {transform_indices = #map1}, {transform_indices = #map}]} {
    %mul3A = arith.constant 2 : i32
    %mul3A_0 = arith.muli %arg1, %mul3A : i32
    %add3A = arith.addi %mul3A_0, %arg0 : i32
    %mul3A_1 = arith.constant 256 : i32
    %mul3A_2 = arith.muli %add3A, %mul3A_1 : i32
    %mul3A_3 = arith.constant 20 : i32
    %mul3A_4 = arith.muli %mul3A_2, %mul3A_3 : i32
    "tpu.region"() ({
      %run_scoped3A = tpu.sem_alloc : memref<!tpu.dma_semaphore, #tpu.memory_space<semaphore_mem>>
      %dma_start3A = tpu.memref_slice %arg3[%mul3A_4] : memref<163840xi32, #tpu.memory_space<hbm>> -> memref<5120xi32, #tpu.memory_space<hbm>>
      %dma_start3A_11 = tpu.memref_slice %arg3[%mul3A_4] : memref<163840xi32, #tpu.memory_space<hbm>> -> memref<5120xi32, #tpu.memory_space<hbm>>
      tpu.enqueue_dma source(%dma_start3A_11 : memref<5120xi32, #tpu.memory_space<hbm>>) target(%arg5 : memref<5120xi32, #tpu.memory_space<vmem>>) target_semaphore(%run_scoped3A : memref<!tpu.dma_semaphore, #tpu.memory_space<semaphore_mem>>)
      %dma_wait3A = tpu.memref_slice %arg3[%mul3A_4] : memref<163840xi32, #tpu.memory_space<hbm>> -> memref<5120xi32, #tpu.memory_space<hbm>>
      %dma_wait3A_12 = tpu.memref_slice %arg3[%mul3A_4] : memref<163840xi32, #tpu.memory_space<hbm>> -> memref<5120xi32, #tpu.memory_space<hbm>>
      tpu.wait_dma2 semaphore(%run_scoped3A : memref<!tpu.dma_semaphore, #tpu.memory_space<semaphore_mem>>) src(%dma_wait3A_12 : memref<5120xi32, #tpu.memory_space<hbm>>) dst(%arg5 : memref<5120xi32, #tpu.memory_space<vmem>>)
      tpu.yield
    }) : () -> ()
    %scan3A = arith.constant 0 : i32
    %scan3A_5 = arith.constant 0 : i32
    %scan3A_6 = arith.constant 16 : i32
    %scan3A_7 = arith.addi %scan3A_5, %scan3A_6 : i32
    %scan3A_8 = arith.constant 1 : i32
    %scan3A_9 = scf.for %scan3A_11 = %scan3A_5 to %scan3A_7 step %scan3A_8 iter_args(%scan3A_12 = %scan3A) -> (i32)  : i32 {
      %mul3A_13 = arith.constant 8 : i32
      %mul3A_14 = arith.muli %scan3A_11, %mul3A_13 : i32
      %add3A_15 = arith.constant 0 : i32
      %add3A_16 = arith.addi %mul3A_14, %add3A_15 : i32
      %mul3A_17 = arith.constant 40 : i32
      %mul3A_18 = arith.muli %add3A_16, %mul3A_17 : i32
      %multiple_of3A = tpu.assume_multiple %mul3A_18, 8 : i32
      %dma_start3A = arith.constant 0 : i32
      %dma_start3A_19 = arith.constant 0 : i32
      %dma_start3A_20 = tpu.memref_slice %arg6[%dma_start3A, %dma_start3A_19] : memref<320x128xf32, #tpu.memory_space<vmem>> -> memref<40x128xf32, #tpu.memory_space<vmem>>
      %dma_start3A_21 = tpu.memref_slice %arg5[%multiple_of3A] : memref<5120xi32, #tpu.memory_space<vmem>> -> memref<40xi32, #tpu.memory_space<vmem>>
      %dma_start3A_22 = arith.constant 0 : i32
      %dma_start3A_23 = arith.constant 0 : i32
      %dma_start3A_24 = tpu.memref_slice %arg2[%dma_start3A_22, %dma_start3A_23] : memref<8192x128xf32, #tpu.memory_space<hbm>> -> memref<8192x128xf32, #tpu.memory_space<hbm>>
      tpu.enqueue_indirect_dma source(%dma_start3A_24 : memref<8192x128xf32, #tpu.memory_space<hbm>>) target(%dma_start3A_20 : memref<40x128xf32, #tpu.memory_space<vmem>>) offsets(%dma_start3A_21 : memref<40xi32, #tpu.memory_space<vmem>>) semaphore(%arg7 : memref<!tpu.dma_semaphore, #tpu.memory_space<semaphore_mem>>)
      %mul3A_25 = arith.constant 8 : i32
      %mul3A_26 = arith.muli %scan3A_11, %mul3A_25 : i32
      %add3A_27 = arith.constant 1 : i32
      %add3A_28 = arith.addi %mul3A_26, %add3A_27 : i32
      %mul3A_29 = arith.constant 40 : i32
      %mul3A_30 = arith.muli %add3A_28, %mul3A_29 : i32
      %multiple_of3A_31 = tpu.assume_multiple %mul3A_30, 8 : i32
      %dma_start3A_32 = arith.constant 40 : i32
      %dma_start3A_33 = arith.constant 0 : i32
      %dma_start3A_34 = tpu.memref_slice %arg6[%dma_start3A_32, %dma_start3A_33] : memref<320x128xf32, #tpu.memory_space<vmem>> -> memref<40x128xf32, #tpu.memory_space<vmem>>
      %dma_start3A_35 = tpu.memref_slice %arg5[%multiple_of3A_31] : memref<5120xi32, #tpu.memory_space<vmem>> -> memref<40xi32, #tpu.memory_space<vmem>>
      %dma_start3A_36 = arith.constant 0 : i32
      %dma_start3A_37 = arith.constant 0 : i32
      %dma_start3A_38 = tpu.memref_slice %arg2[%dma_start3A_36, %dma_start3A_37] : memref<8192x128xf32, #tpu.memory_space<hbm>> -> memref<8192x128xf32, #tpu.memory_space<hbm>>
      tpu.enqueue_indirect_dma source(%dma_start3A_38 : memref<8192x128xf32, #tpu.memory_space<hbm>>) target(%dma_start3A_34 : memref<40x128xf32, #tpu.memory_space<vmem>>) offsets(%dma_start3A_35 : memref<40xi32, #tpu.memory_space<vmem>>) semaphore(%arg7 : memref<!tpu.dma_semaphore, #tpu.memory_space<semaphore_mem>>)
      %mul3A_39 = arith.constant 8 : i32
      %mul3A_40 = arith.muli %scan3A_11, %mul3A_39 : i32
      %add3A_41 = arith.constant 2 : i32
      %add3A_42 = arith.addi %mul3A_40, %add3A_41 : i32
      %mul3A_43 = arith.constant 40 : i32
      %mul3A_44 = arith.muli %add3A_42, %mul3A_43 : i32
      %multiple_of3A_45 = tpu.assume_multiple %mul3A_44, 8 : i32
      %dma_start3A_46 = arith.constant 80 : i32
      %dma_start3A_47 = arith.constant 0 : i32
      %dma_start3A_48 = tpu.memref_slice %arg6[%dma_start3A_46, %dma_start3A_47] : memref<320x128xf32, #tpu.memory_space<vmem>> -> memref<40x128xf32, #tpu.memory_space<vmem>>
      %dma_start3A_49 = tpu.memref_slice %arg5[%multiple_of3A_45] : memref<5120xi32, #tpu.memory_space<vmem>> -> memref<40xi32, #tpu.memory_space<vmem>>
      %dma_start3A_50 = arith.constant 0 : i32
      %dma_start3A_51 = arith.constant 0 : i32
      %dma_start3A_52 = tpu.memref_slice %arg2[%dma_start3A_50, %dma_start3A_51] : memref<8192x128xf32, #tpu.memory_space<hbm>> -> memref<8192x128xf32, #tpu.memory_space<hbm>>
      tpu.enqueue_indirect_dma source(%dma_start3A_52 : memref<8192x128xf32, #tpu.memory_space<hbm>>) target(%dma_start3A_48 : memref<40x128xf32, #tpu.memory_space<vmem>>) offsets(%dma_start3A_49 : memref<40xi32, #tpu.memory_space<vmem>>) semaphore(%arg7 : memref<!tpu.dma_semaphore, #tpu.memory_space<semaphore_mem>>)
      %mul3A_53 = arith.constant 8 : i32
      %mul3A_54 = arith.muli %scan3A_11, %mul3A_53 : i32
      %add3A_55 = arith.constant 3 : i32
      %add3A_56 = arith.addi %mul3A_54, %add3A_55 : i32
      %mul3A_57 = arith.constant 40 : i32
      %mul3A_58 = arith.muli %add3A_56, %mul3A_57 : i32
      %multiple_of3A_59 = tpu.assume_multiple %mul3A_58, 8 : i32
      %dma_start3A_60 = arith.constant 120 : i32
      %dma_start3A_61 = arith.constant 0 : i32
      %dma_start3A_62 = tpu.memref_slice %arg6[%dma_start3A_60, %dma_start3A_61] : memref<320x128xf32, #tpu.memory_space<vmem>> -> memref<40x128xf32, #tpu.memory_space<vmem>>
      %dma_start3A_63 = tpu.memref_slice %arg5[%multiple_of3A_59] : memref<5120xi32, #tpu.memory_space<vmem>> -> memref<40xi32, #tpu.memory_space<vmem>>
      %dma_start3A_64 = arith.constant 0 : i32
      %dma_start3A_65 = arith.constant 0 : i32
      %dma_start3A_66 = tpu.memref_slice %arg2[%dma_start3A_64, %dma_start3A_65] : memref<8192x128xf32, #tpu.memory_space<hbm>> -> memref<8192x128xf32, #tpu.memory_space<hbm>>
      tpu.enqueue_indirect_dma source(%dma_start3A_66 : memref<8192x128xf32, #tpu.memory_space<hbm>>) target(%dma_start3A_62 : memref<40x128xf32, #tpu.memory_space<vmem>>) offsets(%dma_start3A_63 : memref<40xi32, #tpu.memory_space<vmem>>) semaphore(%arg7 : memref<!tpu.dma_semaphore, #tpu.memory_space<semaphore_mem>>)
      %mul3A_67 = arith.constant 8 : i32
      %mul3A_68 = arith.muli %scan3A_11, %mul3A_67 : i32
      %add3A_69 = arith.constant 4 : i32
      %add3A_70 = arith.addi %mul3A_68, %add3A_69 : i32
      %mul3A_71 = arith.constant 40 : i32
      %mul3A_72 = arith.muli %add3A_70, %mul3A_71 : i32
      %multiple_of3A_73 = tpu.assume_multiple %mul3A_72, 8 : i32
      %dma_start3A_74 = arith.constant 160 : i32
      %dma_start3A_75 = arith.constant 0 : i32
      %dma_start3A_76 = tpu.memref_slice %arg6[%dma_start3A_74, %dma_start3A_75] : memref<320x128xf32, #tpu.memory_space<vmem>> -> memref<40x128xf32, #tpu.memory_space<vmem>>
      %dma_start3A_77 = tpu.memref_slice %arg5[%multiple_of3A_73] : memref<5120xi32, #tpu.memory_space<vmem>> -> memref<40xi32, #tpu.memory_space<vmem>>
      %dma_start3A_78 = arith.constant 0 : i32
      %dma_start3A_79 = arith.constant 0 : i32
      %dma_start3A_80 = tpu.memref_slice %arg2[%dma_start3A_78, %dma_start3A_79] : memref<8192x128xf32, #tpu.memory_space<hbm>> -> memref<8192x128xf32, #tpu.memory_space<hbm>>
      tpu.enqueue_indirect_dma source(%dma_start3A_80 : memref<8192x128xf32, #tpu.memory_space<hbm>>) target(%dma_start3A_76 : memref<40x128xf32, #tpu.memory_space<vmem>>) offsets(%dma_start3A_77 : memref<40xi32, #tpu.memory_space<vmem>>) semaphore(%arg7 : memref<!tpu.dma_semaphore, #tpu.memory_space<semaphore_mem>>)
      %mul3A_81 = arith.constant 8 : i32
      %mul3A_82 = arith.muli %scan3A_11, %mul3A_81 : i32
      %add3A_83 = arith.constant 5 : i32
      %add3A_84 = arith.addi %mul3A_82, %add3A_83 : i32
      %mul3A_85 = arith.constant 40 : i32
      %mul3A_86 = arith.muli %add3A_84, %mul3A_85 : i32
      %multiple_of3A_87 = tpu.assume_multiple %mul3A_86, 8 : i32
      %dma_start3A_88 = arith.constant 200 : i32
      %dma_start3A_89 = arith.constant 0 : i32
      %dma_start3A_90 = tpu.memref_slice %arg6[%dma_start3A_88, %dma_start3A_89] : memref<320x128xf32, #tpu.memory_space<vmem>> -> memref<40x128xf32, #tpu.memory_space<vmem>>
      %dma_start3A_91 = tpu.memref_slice %arg5[%multiple_of3A_87] : memref<5120xi32, #tpu.memory_space<vmem>> -> memref<40xi32, #tpu.memory_space<vmem>>
      %dma_start3A_92 = arith.constant 0 : i32
      %dma_start3A_93 = arith.constant 0 : i32
      %dma_start3A_94 = tpu.memref_slice %arg2[%dma_start3A_92, %dma_start3A_93] : memref<8192x128xf32, #tpu.memory_space<hbm>> -> memref<8192x128xf32, #tpu.memory_space<hbm>>
      tpu.enqueue_indirect_dma source(%dma_start3A_94 : memref<8192x128xf32, #tpu.memory_space<hbm>>) target(%dma_start3A_90 : memref<40x128xf32, #tpu.memory_space<vmem>>) offsets(%dma_start3A_91 : memref<40xi32, #tpu.memory_space<vmem>>) semaphore(%arg7 : memref<!tpu.dma_semaphore, #tpu.memory_space<semaphore_mem>>)
      %mul3A_95 = arith.constant 8 : i32
      %mul3A_96 = arith.muli %scan3A_11, %mul3A_95 : i32
      %add3A_97 = arith.constant 6 : i32
      %add3A_98 = arith.addi %mul3A_96, %add3A_97 : i32
      %mul3A_99 = arith.constant 40 : i32
      %mul3A_100 = arith.muli %add3A_98, %mul3A_99 : i32
      %multiple_of3A_101 = tpu.assume_multiple %mul3A_100, 8 : i32
      %dma_start3A_102 = arith.constant 240 : i32
      %dma_start3A_103 = arith.constant 0 : i32
      %dma_start3A_104 = tpu.memref_slice %arg6[%dma_start3A_102, %dma_start3A_103] : memref<320x128xf32, #tpu.memory_space<vmem>> -> memref<40x128xf32, #tpu.memory_space<vmem>>
      %dma_start3A_105 = tpu.memref_slice %arg5[%multiple_of3A_101] : memref<5120xi32, #tpu.memory_space<vmem>> -> memref<40xi32, #tpu.memory_space<vmem>>
      %dma_start3A_106 = arith.constant 0 : i32
      %dma_start3A_107 = arith.constant 0 : i32
      %dma_start3A_108 = tpu.memref_slice %arg2[%dma_start3A_106, %dma_start3A_107] : memref<8192x128xf32, #tpu.memory_space<hbm>> -> memref<8192x128xf32, #tpu.memory_space<hbm>>
      tpu.enqueue_indirect_dma source(%dma_start3A_108 : memref<8192x128xf32, #tpu.memory_space<hbm>>) target(%dma_start3A_104 : memref<40x128xf32, #tpu.memory_space<vmem>>) offsets(%dma_start3A_105 : memref<40xi32, #tpu.memory_space<vmem>>) semaphore(%arg7 : memref<!tpu.dma_semaphore, #tpu.memory_space<semaphore_mem>>)
      %mul3A_109 = arith.constant 8 : i32
      %mul3A_110 = arith.muli %scan3A_11, %mul3A_109 : i32
      %add3A_111 = arith.constant 7 : i32
      %add3A_112 = arith.addi %mul3A_110, %add3A_111 : i32
      %mul3A_113 = arith.constant 40 : i32
      %mul3A_114 = arith.muli %add3A_112, %mul3A_113 : i32
      %multiple_of3A_115 = tpu.assume_multiple %mul3A_114, 8 : i32
      %dma_start3A_116 = arith.constant 280 : i32
      %dma_start3A_117 = arith.constant 0 : i32
      %dma_start3A_118 = tpu.memref_slice %arg6[%dma_start3A_116, %dma_start3A_117] : memref<320x128xf32, #tpu.memory_space<vmem>> -> memref<40x128xf32, #tpu.memory_space<vmem>>
      %dma_start3A_119 = tpu.memref_slice %arg5[%multiple_of3A_115] : memref<5120xi32, #tpu.memory_space<vmem>> -> memref<40xi32, #tpu.memory_space<vmem>>
      %dma_start3A_120 = arith.constant 0 : i32
      %dma_start3A_121 = arith.constant 0 : i32
      %dma_start3A_122 = tpu.memref_slice %arg2[%dma_start3A_120, %dma_start3A_121] : memref<8192x128xf32, #tpu.memory_space<hbm>> -> memref<8192x128xf32, #tpu.memory_space<hbm>>
      tpu.enqueue_indirect_dma source(%dma_start3A_122 : memref<8192x128xf32, #tpu.memory_space<hbm>>) target(%dma_start3A_118 : memref<40x128xf32, #tpu.memory_space<vmem>>) offsets(%dma_start3A_119 : memref<40xi32, #tpu.memory_space<vmem>>) semaphore(%arg7 : memref<!tpu.dma_semaphore, #tpu.memory_space<semaphore_mem>>)
      %dma_wait3A = arith.constant 0 : i32
      %dma_wait3A_123 = arith.constant 0 : i32
      %dma_wait3A_124 = tpu.memref_slice %arg6[%dma_wait3A, %dma_wait3A_123] : memref<320x128xf32, #tpu.memory_space<vmem>> -> memref<40x128xf32, #tpu.memory_space<vmem>>
      %dma_wait3A_125 = arith.constant 0 : i32
      %dma_wait3A_126 = tpu.memref_slice %arg5[%dma_wait3A_125] : memref<5120xi32, #tpu.memory_space<vmem>> -> memref<40xi32, #tpu.memory_space<vmem>>
      %dma_wait3A_127 = arith.constant 0 : i32
      %dma_wait3A_128 = arith.constant 0 : i32
      %dma_wait3A_129 = tpu.memref_slice %arg2[%dma_wait3A_127, %dma_wait3A_128] : memref<8192x128xf32, #tpu.memory_space<hbm>> -> memref<8192x128xf32, #tpu.memory_space<hbm>>
      tpu.wait_indirect_dma semaphore(%arg7 : memref<!tpu.dma_semaphore, #tpu.memory_space<semaphore_mem>>) src(%dma_wait3A_129 : memref<8192x128xf32, #tpu.memory_space<hbm>>) dst(%dma_wait3A_124 : memref<40x128xf32, #tpu.memory_space<vmem>>)
      %dma_wait3A_130 = arith.constant 40 : i32
      %dma_wait3A_131 = arith.constant 0 : i32
      %dma_wait3A_132 = tpu.memref_slice %arg6[%dma_wait3A_130, %dma_wait3A_131] : memref<320x128xf32, #tpu.memory_space<vmem>> -> memref<40x128xf32, #tpu.memory_space<vmem>>
      %dma_wait3A_133 = arith.constant 0 : i32
      %dma_wait3A_134 = tpu.memref_slice %arg5[%dma_wait3A_133] : memref<5120xi32, #tpu.memory_space<vmem>> -> memref<40xi32, #tpu.memory_space<vmem>>
      %dma_wait3A_135 = arith.constant 0 : i32
      %dma_wait3A_136 = arith.constant 0 : i32
      %dma_wait3A_137 = tpu.memref_slice %arg2[%dma_wait3A_135, %dma_wait3A_136] : memref<8192x128xf32, #tpu.memory_space<hbm>> -> memref<8192x128xf32, #tpu.memory_space<hbm>>
      tpu.wait_indirect_dma semaphore(%arg7 : memref<!tpu.dma_semaphore, #tpu.memory_space<semaphore_mem>>) src(%dma_wait3A_137 : memref<8192x128xf32, #tpu.memory_space<hbm>>) dst(%dma_wait3A_132 : memref<40x128xf32, #tpu.memory_space<vmem>>)
      %dma_wait3A_138 = arith.constant 80 : i32
      %dma_wait3A_139 = arith.constant 0 : i32
      %dma_wait3A_140 = tpu.memref_slice %arg6[%dma_wait3A_138, %dma_wait3A_139] : memref<320x128xf32, #tpu.memory_space<vmem>> -> memref<40x128xf32, #tpu.memory_space<vmem>>
      %dma_wait3A_141 = arith.constant 0 : i32
      %dma_wait3A_142 = tpu.memref_slice %arg5[%dma_wait3A_141] : memref<5120xi32, #tpu.memory_space<vmem>> -> memref<40xi32, #tpu.memory_space<vmem>>
      %dma_wait3A_143 = arith.constant 0 : i32
      %dma_wait3A_144 = arith.constant 0 : i32
      %dma_wait3A_145 = tpu.memref_slice %arg2[%dma_wait3A_143, %dma_wait3A_144] : memref<8192x128xf32, #tpu.memory_space<hbm>> -> memref<8192x128xf32, #tpu.memory_space<hbm>>
      tpu.wait_indirect_dma semaphore(%arg7 : memref<!tpu.dma_semaphore, #tpu.memory_space<semaphore_mem>>) src(%dma_wait3A_145 : memref<8192x128xf32, #tpu.memory_space<hbm>>) dst(%dma_wait3A_140 : memref<40x128xf32, #tpu.memory_space<vmem>>)
      %dma_wait3A_146 = arith.constant 120 : i32
      %dma_wait3A_147 = arith.constant 0 : i32
      %dma_wait3A_148 = tpu.memref_slice %arg6[%dma_wait3A_146, %dma_wait3A_147] : memref<320x128xf32, #tpu.memory_space<vmem>> -> memref<40x128xf32, #tpu.memory_space<vmem>>
      %dma_wait3A_149 = arith.constant 0 : i32
      %dma_wait3A_150 = tpu.memref_slice %arg5[%dma_wait3A_149] : memref<5120xi32, #tpu.memory_space<vmem>> -> memref<40xi32, #tpu.memory_space<vmem>>
      %dma_wait3A_151 = arith.constant 0 : i32
      %dma_wait3A_152 = arith.constant 0 : i32
      %dma_wait3A_153 = tpu.memref_slice %arg2[%dma_wait3A_151, %dma_wait3A_152] : memref<8192x128xf32, #tpu.memory_space<hbm>> -> memref<8192x128xf32, #tpu.memory_space<hbm>>
      tpu.wait_indirect_dma semaphore(%arg7 : memref<!tpu.dma_semaphore, #tpu.memory_space<semaphore_mem>>) src(%dma_wait3A_153 : memref<8192x128xf32, #tpu.memory_space<hbm>>) dst(%dma_wait3A_148 : memref<40x128xf32, #tpu.memory_space<vmem>>)
      %dma_wait3A_154 = arith.constant 160 : i32
      %dma_wait3A_155 = arith.constant 0 : i32
      %dma_wait3A_156 = tpu.memref_slice %arg6[%dma_wait3A_154, %dma_wait3A_155] : memref<320x128xf32, #tpu.memory_space<vmem>> -> memref<40x128xf32, #tpu.memory_space<vmem>>
      %dma_wait3A_157 = arith.constant 0 : i32
      %dma_wait3A_158 = tpu.memref_slice %arg5[%dma_wait3A_157] : memref<5120xi32, #tpu.memory_space<vmem>> -> memref<40xi32, #tpu.memory_space<vmem>>
      %dma_wait3A_159 = arith.constant 0 : i32
      %dma_wait3A_160 = arith.constant 0 : i32
      %dma_wait3A_161 = tpu.memref_slice %arg2[%dma_wait3A_159, %dma_wait3A_160] : memref<8192x128xf32, #tpu.memory_space<hbm>> -> memref<8192x128xf32, #tpu.memory_space<hbm>>
      tpu.wait_indirect_dma semaphore(%arg7 : memref<!tpu.dma_semaphore, #tpu.memory_space<semaphore_mem>>) src(%dma_wait3A_161 : memref<8192x128xf32, #tpu.memory_space<hbm>>) dst(%dma_wait3A_156 : memref<40x128xf32, #tpu.memory_space<vmem>>)
      %dma_wait3A_162 = arith.constant 200 : i32
      %dma_wait3A_163 = arith.constant 0 : i32
      %dma_wait3A_164 = tpu.memref_slice %arg6[%dma_wait3A_162, %dma_wait3A_163] : memref<320x128xf32, #tpu.memory_space<vmem>> -> memref<40x128xf32, #tpu.memory_space<vmem>>
      %dma_wait3A_165 = arith.constant 0 : i32
      %dma_wait3A_166 = tpu.memref_slice %arg5[%dma_wait3A_165] : memref<5120xi32, #tpu.memory_space<vmem>> -> memref<40xi32, #tpu.memory_space<vmem>>
      %dma_wait3A_167 = arith.constant 0 : i32
      %dma_wait3A_168 = arith.constant 0 : i32
      %dma_wait3A_169 = tpu.memref_slice %arg2[%dma_wait3A_167, %dma_wait3A_168] : memref<8192x128xf32, #tpu.memory_space<hbm>> -> memref<8192x128xf32, #tpu.memory_space<hbm>>
      tpu.wait_indirect_dma semaphore(%arg7 : memref<!tpu.dma_semaphore, #tpu.memory_space<semaphore_mem>>) src(%dma_wait3A_169 : memref<8192x128xf32, #tpu.memory_space<hbm>>) dst(%dma_wait3A_164 : memref<40x128xf32, #tpu.memory_space<vmem>>)
      %dma_wait3A_170 = arith.constant 240 : i32
      %dma_wait3A_171 = arith.constant 0 : i32
      %dma_wait3A_172 = tpu.memref_slice %arg6[%dma_wait3A_170, %dma_wait3A_171] : memref<320x128xf32, #tpu.memory_space<vmem>> -> memref<40x128xf32, #tpu.memory_space<vmem>>
      %dma_wait3A_173 = arith.constant 0 : i32
      %dma_wait3A_174 = tpu.memref_slice %arg5[%dma_wait3A_173] : memref<5120xi32, #tpu.memory_space<vmem>> -> memref<40xi32, #tpu.memory_space<vmem>>
      %dma_wait3A_175 = arith.constant 0 : i32
      %dma_wait3A_176 = arith.constant 0 : i32
      %dma_wait3A_177 = tpu.memref_slice %arg2[%dma_wait3A_175, %dma_wait3A_176] : memref<8192x128xf32, #tpu.memory_space<hbm>> -> memref<8192x128xf32, #tpu.memory_space<hbm>>
      tpu.wait_indirect_dma semaphore(%arg7 : memref<!tpu.dma_semaphore, #tpu.memory_space<semaphore_mem>>) src(%dma_wait3A_177 : memref<8192x128xf32, #tpu.memory_space<hbm>>) dst(%dma_wait3A_172 : memref<40x128xf32, #tpu.memory_space<vmem>>)
      %dma_wait3A_178 = arith.constant 280 : i32
      %dma_wait3A_179 = arith.constant 0 : i32
      %dma_wait3A_180 = tpu.memref_slice %arg6[%dma_wait3A_178, %dma_wait3A_179] : memref<320x128xf32, #tpu.memory_space<vmem>> -> memref<40x128xf32, #tpu.memory_space<vmem>>
      %dma_wait3A_181 = arith.constant 0 : i32
      %dma_wait3A_182 = tpu.memref_slice %arg5[%dma_wait3A_181] : memref<5120xi32, #tpu.memory_space<vmem>> -> memref<40xi32, #tpu.memory_space<vmem>>
      %dma_wait3A_183 = arith.constant 0 : i32
      %dma_wait3A_184 = arith.constant 0 : i32
      %dma_wait3A_185 = tpu.memref_slice %arg2[%dma_wait3A_183, %dma_wait3A_184] : memref<8192x128xf32, #tpu.memory_space<hbm>> -> memref<8192x128xf32, #tpu.memory_space<hbm>>
      tpu.wait_indirect_dma semaphore(%arg7 : memref<!tpu.dma_semaphore, #tpu.memory_space<semaphore_mem>>) src(%dma_wait3A_185 : memref<8192x128xf32, #tpu.memory_space<hbm>>) dst(%dma_wait3A_180 : memref<40x128xf32, #tpu.memory_space<vmem>>)
      %mul3A_186 = arith.constant 320 : i32
      %mul3A_187 = arith.muli %scan3A_11, %mul3A_186 : i32
      %add3A_188 = arith.addi %mul3A_4, %mul3A_187 : i32
      "tpu.region"() ({
        %run_scoped3A = tpu.sem_alloc : memref<!tpu.dma_semaphore, #tpu.memory_space<semaphore_mem>>
        %dma_start3A_190 = arith.constant 0 : i32
        %dma_start3A_191 = tpu.memref_slice %arg4[%add3A_188, %dma_start3A_190] : memref<163840x128xf32, #tpu.memory_space<hbm>> -> memref<320x128xf32, #tpu.memory_space<hbm>>
        %dma_start3A_192 = arith.constant 0 : i32
        %dma_start3A_193 = tpu.memref_slice %arg4[%add3A_188, %dma_start3A_192] : memref<163840x128xf32, #tpu.memory_space<hbm>> -> memref<320x128xf32, #tpu.memory_space<hbm>>
        tpu.enqueue_dma source(%arg6 : memref<320x128xf32, #tpu.memory_space<vmem>>) target(%dma_start3A_193 : memref<320x128xf32, #tpu.memory_space<hbm>>) target_semaphore(%run_scoped3A : memref<!tpu.dma_semaphore, #tpu.memory_space<semaphore_mem>>)
        %dma_wait3A_194 = arith.constant 0 : i32
        %dma_wait3A_195 = tpu.memref_slice %arg4[%add3A_188, %dma_wait3A_194] : memref<163840x128xf32, #tpu.memory_space<hbm>> -> memref<320x128xf32, #tpu.memory_space<hbm>>
        %dma_wait3A_196 = arith.constant 0 : i32
        %dma_wait3A_197 = tpu.memref_slice %arg4[%add3A_188, %dma_wait3A_196] : memref<163840x128xf32, #tpu.memory_space<hbm>> -> memref<320x128xf32, #tpu.memory_space<hbm>>
        tpu.wait_dma2 semaphore(%run_scoped3A : memref<!tpu.dma_semaphore, #tpu.memory_space<semaphore_mem>>) src(%arg6 : memref<320x128xf32, #tpu.memory_space<vmem>>) dst(%dma_wait3A_197 : memref<320x128xf32, #tpu.memory_space<hbm>>)
        tpu.yield
      }) : () -> ()
      %scan3A_189 = arith.constant 0 : i32
      scf.yield %scan3A_189 : i32
    }
    %scan3A_10 = arith.constant 16 : i32
    return
  }
}

#map = affine_map<(d0, d1) -> (0, 0)>
#map1 = affine_map<(d0, d1) -> (0)>
module attributes {stable_mosaic.version = 14 : i64} {
  func.func @k(%arg0: i32, %arg1: i32, %arg2: memref<8192x128xf32, #tpu.memory_space<hbm>>, %arg3: memref<163840xi32, #tpu.memory_space<hbm>>, %arg4: memref<163840x128xf32, #tpu.memory_space<hbm>>, %arg5: memref<5120xi32, #tpu.memory_space<vmem>>, %arg6: memref<320x128xf32, #tpu.memory_space<vmem>>, %arg7: memref<!tpu.dma_semaphore, #tpu.memory_space<semaphore_mem>>) attributes {dimension_semantics = [#tpu.dimension_semantics<core_parallel>, #tpu.dimension_semantics<subcore_parallel>], iteration_bounds = array<i64: 2, 16>, scalar_prefetch = 0 : i64, scratch_operands = 3 : i64, tpu.core_type = #tpu.core_type<sc_vector_subcore>, window_params = [{transform_indices = #map}, {transform_indices = #map1}, {transform_indices = #map}]} {
    %mul3A = arith.constant 2 : i32
    %mul3A_0 = arith.muli %arg1, %mul3A : i32
    %add3A = arith.addi %mul3A_0, %arg0 : i32
    %mul3A_1 = arith.constant 256 : i32
    %mul3A_2 = arith.muli %add3A, %mul3A_1 : i32
    %mul3A_3 = arith.constant 20 : i32
    %mul3A_4 = arith.muli %mul3A_2, %mul3A_3 : i32
    "tpu.region"() ({
      %run_scoped3A = tpu.sem_alloc : memref<!tpu.dma_semaphore, #tpu.memory_space<semaphore_mem>>
      %dma_start3A = tpu.memref_slice %arg3[%mul3A_4] : memref<163840xi32, #tpu.memory_space<hbm>> -> memref<5120xi32, #tpu.memory_space<hbm>>
      %dma_start3A_11 = tpu.memref_slice %arg3[%mul3A_4] : memref<163840xi32, #tpu.memory_space<hbm>> -> memref<5120xi32, #tpu.memory_space<hbm>>
      tpu.enqueue_dma source(%dma_start3A_11 : memref<5120xi32, #tpu.memory_space<hbm>>) target(%arg5 : memref<5120xi32, #tpu.memory_space<vmem>>) target_semaphore(%run_scoped3A : memref<!tpu.dma_semaphore, #tpu.memory_space<semaphore_mem>>)
      %dma_wait3A = tpu.memref_slice %arg3[%mul3A_4] : memref<163840xi32, #tpu.memory_space<hbm>> -> memref<5120xi32, #tpu.memory_space<hbm>>
      %dma_wait3A_12 = tpu.memref_slice %arg3[%mul3A_4] : memref<163840xi32, #tpu.memory_space<hbm>> -> memref<5120xi32, #tpu.memory_space<hbm>>
      tpu.wait_dma2 semaphore(%run_scoped3A : memref<!tpu.dma_semaphore, #tpu.memory_space<semaphore_mem>>) src(%dma_wait3A_12 : memref<5120xi32, #tpu.memory_space<hbm>>) dst(%arg5 : memref<5120xi32, #tpu.memory_space<vmem>>)
      tpu.yield
    }) : () -> ()
    %scan3A = arith.constant 0 : i32
    %scan3A_5 = arith.constant 0 : i32
    %scan3A_6 = arith.constant 16 : i32
    %scan3A_7 = arith.addi %scan3A_5, %scan3A_6 : i32
    %scan3A_8 = arith.constant 1 : i32
    %scan3A_9 = scf.for %scan3A_11 = %scan3A_5 to %scan3A_7 step %scan3A_8 iter_args(%scan3A_12 = %scan3A) -> (i32)  : i32 {
      %mul3A_13 = arith.constant 8 : i32
      %mul3A_14 = arith.muli %scan3A_11, %mul3A_13 : i32
      %add3A_15 = arith.constant 0 : i32
      %add3A_16 = arith.addi %mul3A_14, %add3A_15 : i32
      %mul3A_17 = arith.constant 40 : i32
      %mul3A_18 = arith.muli %add3A_16, %mul3A_17 : i32
      %multiple_of3A = tpu.assume_multiple %mul3A_18, 8 : i32
      %dma_start3A = arith.constant 0 : i32
      %dma_start3A_19 = arith.constant 0 : i32
      %dma_start3A_20 = tpu.memref_slice %arg6[%dma_start3A, %dma_start3A_19] : memref<320x128xf32, #tpu.memory_space<vmem>> -> memref<40x128xf32, #tpu.memory_space<vmem>>
      %dma_start3A_21 = tpu.memref_slice %arg5[%multiple_of3A] : memref<5120xi32, #tpu.memory_space<vmem>> -> memref<40xi32, #tpu.memory_space<vmem>>
      %dma_start3A_22 = arith.constant 0 : i32
      %dma_start3A_23 = arith.constant 0 : i32
      %dma_start3A_24 = tpu.memref_slice %arg2[%dma_start3A_22, %dma_start3A_23] : memref<8192x128xf32, #tpu.memory_space<hbm>> -> memref<8192x128xf32, #tpu.memory_space<hbm>>
      tpu.enqueue_indirect_dma source(%dma_start3A_24 : memref<8192x128xf32, #tpu.memory_space<hbm>>) target(%dma_start3A_20 : memref<40x128xf32, #tpu.memory_space<vmem>>) offsets(%dma_start3A_21 : memref<40xi32, #tpu.memory_space<vmem>>) semaphore(%arg7 : memref<!tpu.dma_semaphore, #tpu.memory_space<semaphore_mem>>)
      %mul3A_25 = arith.constant 8 : i32
      %mul3A_26 = arith.muli %scan3A_11, %mul3A_25 : i32
      %add3A_27 = arith.constant 1 : i32
      %add3A_28 = arith.addi %mul3A_26, %add3A_27 : i32
      %mul3A_29 = arith.constant 40 : i32
      %mul3A_30 = arith.muli %add3A_28, %mul3A_29 : i32
      %multiple_of3A_31 = tpu.assume_multiple %mul3A_30, 8 : i32
      %dma_start3A_32 = arith.constant 40 : i32
      %dma_start3A_33 = arith.constant 0 : i32
      %dma_start3A_34 = tpu.memref_slice %arg6[%dma_start3A_32, %dma_start3A_33] : memref<320x128xf32, #tpu.memory_space<vmem>> -> memref<40x128xf32, #tpu.memory_space<vmem>>
      %dma_start3A_35 = tpu.memref_slice %arg5[%multiple_of3A_31] : memref<5120xi32, #tpu.memory_space<vmem>> -> memref<40xi32, #tpu.memory_space<vmem>>
      %dma_start3A_36 = arith.constant 0 : i32
      %dma_start3A_37 = arith.constant 0 : i32
      %dma_start3A_38 = tpu.memref_slice %arg2[%dma_start3A_36, %dma_start3A_37] : memref<8192x128xf32, #tpu.memory_space<hbm>> -> memref<8192x128xf32, #tpu.memory_space<hbm>>
      tpu.enqueue_indirect_dma source(%dma_start3A_38 : memref<8192x128xf32, #tpu.memory_space<hbm>>) target(%dma_start3A_34 : memref<40x128xf32, #tpu.memory_space<vmem>>) offsets(%dma_start3A_35 : memref<40xi32, #tpu.memory_space<vmem>>) semaphore(%arg7 : memref<!tpu.dma_semaphore, #tpu.memory_space<semaphore_mem>>)
      %mul3A_39 = arith.constant 8 : i32
      %mul3A_40 = arith.muli %scan3A_11, %mul3A_39 : i32
      %add3A_41 = arith.constant 2 : i32
      %add3A_42 = arith.addi %mul3A_40, %add3A_41 : i32
      %mul3A_43 = arith.constant 40 : i32
      %mul3A_44 = arith.muli %add3A_42, %mul3A_43 : i32
      %multiple_of3A_45 = tpu.assume_multiple %mul3A_44, 8 : i32
      %dma_start3A_46 = arith.constant 80 : i32
      %dma_start3A_47 = arith.constant 0 : i32
      %dma_start3A_48 = tpu.memref_slice %arg6[%dma_start3A_46, %dma_start3A_47] : memref<320x128xf32, #tpu.memory_space<vmem>> -> memref<40x128xf32, #tpu.memory_space<vmem>>
      %dma_start3A_49 = tpu.memref_slice %arg5[%multiple_of3A_45] : memref<5120xi32, #tpu.memory_space<vmem>> -> memref<40xi32, #tpu.memory_space<vmem>>
      %dma_start3A_50 = arith.constant 0 : i32
      %dma_start3A_51 = arith.constant 0 : i32
      %dma_start3A_52 = tpu.memref_slice %arg2[%dma_start3A_50, %dma_start3A_51] : memref<8192x128xf32, #tpu.memory_space<hbm>> -> memref<8192x128xf32, #tpu.memory_space<hbm>>
      tpu.enqueue_indirect_dma source(%dma_start3A_52 : memref<8192x128xf32, #tpu.memory_space<hbm>>) target(%dma_start3A_48 : memref<40x128xf32, #tpu.memory_space<vmem>>) offsets(%dma_start3A_49 : memref<40xi32, #tpu.memory_space<vmem>>) semaphore(%arg7 : memref<!tpu.dma_semaphore, #tpu.memory_space<semaphore_mem>>)
      %mul3A_53 = arith.constant 8 : i32
      %mul3A_54 = arith.muli %scan3A_11, %mul3A_53 : i32
      %add3A_55 = arith.constant 3 : i32
      %add3A_56 = arith.addi %mul3A_54, %add3A_55 : i32
      %mul3A_57 = arith.constant 40 : i32
      %mul3A_58 = arith.muli %add3A_56, %mul3A_57 : i32
      %multiple_of3A_59 = tpu.assume_multiple %mul3A_58, 8 : i32
      %dma_start3A_60 = arith.constant 120 : i32
      %dma_start3A_61 = arith.constant 0 : i32
      %dma_start3A_62 = tpu.memref_slice %arg6[%dma_start3A_60, %dma_start3A_61] : memref<320x128xf32, #tpu.memory_space<vmem>> -> memref<40x128xf32, #tpu.memory_space<vmem>>
      %dma_start3A_63 = tpu.memref_slice %arg5[%multiple_of3A_59] : memref<5120xi32, #tpu.memory_space<vmem>> -> memref<40xi32, #tpu.memory_space<vmem>>
      %dma_start3A_64 = arith.constant 0 : i32
      %dma_start3A_65 = arith.constant 0 : i32
      %dma_start3A_66 = tpu.memref_slice %arg2[%dma_start3A_64, %dma_start3A_65] : memref<8192x128xf32, #tpu.memory_space<hbm>> -> memref<8192x128xf32, #tpu.memory_space<hbm>>
      tpu.enqueue_indirect_dma source(%dma_start3A_66 : memref<8192x128xf32, #tpu.memory_space<hbm>>) target(%dma_start3A_62 : memref<40x128xf32, #tpu.memory_space<vmem>>) offsets(%dma_start3A_63 : memref<40xi32, #tpu.memory_space<vmem>>) semaphore(%arg7 : memref<!tpu.dma_semaphore, #tpu.memory_space<semaphore_mem>>)
      %mul3A_67 = arith.constant 8 : i32
      %mul3A_68 = arith.muli %scan3A_11, %mul3A_67 : i32
      %add3A_69 = arith.constant 4 : i32
      %add3A_70 = arith.addi %mul3A_68, %add3A_69 : i32
      %mul3A_71 = arith.constant 40 : i32
      %mul3A_72 = arith.muli %add3A_70, %mul3A_71 : i32
      %multiple_of3A_73 = tpu.assume_multiple %mul3A_72, 8 : i32
      %dma_start3A_74 = arith.constant 160 : i32
      %dma_start3A_75 = arith.constant 0 : i32
      %dma_start3A_76 = tpu.memref_slice %arg6[%dma_start3A_74, %dma_start3A_75] : memref<320x128xf32, #tpu.memory_space<vmem>> -> memref<40x128xf32, #tpu.memory_space<vmem>>
      %dma_start3A_77 = tpu.memref_slice %arg5[%multiple_of3A_73] : memref<5120xi32, #tpu.memory_space<vmem>> -> memref<40xi32, #tpu.memory_space<vmem>>
      %dma_start3A_78 = arith.constant 0 : i32
      %dma_start3A_79 = arith.constant 0 : i32
      %dma_start3A_80 = tpu.memref_slice %arg2[%dma_start3A_78, %dma_start3A_79] : memref<8192x128xf32, #tpu.memory_space<hbm>> -> memref<8192x128xf32, #tpu.memory_space<hbm>>
      tpu.enqueue_indirect_dma source(%dma_start3A_80 : memref<8192x128xf32, #tpu.memory_space<hbm>>) target(%dma_start3A_76 : memref<40x128xf32, #tpu.memory_space<vmem>>) offsets(%dma_start3A_77 : memref<40xi32, #tpu.memory_space<vmem>>) semaphore(%arg7 : memref<!tpu.dma_semaphore, #tpu.memory_space<semaphore_mem>>)
      %mul3A_81 = arith.constant 8 : i32
      %mul3A_82 = arith.muli %scan3A_11, %mul3A_81 : i32
      %add3A_83 = arith.constant 5 : i32
      %add3A_84 = arith.addi %mul3A_82, %add3A_83 : i32
      %mul3A_85 = arith.constant 40 : i32
      %mul3A_86 = arith.muli %add3A_84, %mul3A_85 : i32
      %multiple_of3A_87 = tpu.assume_multiple %mul3A_86, 8 : i32
      %dma_start3A_88 = arith.constant 200 : i32
      %dma_start3A_89 = arith.constant 0 : i32
      %dma_start3A_90 = tpu.memref_slice %arg6[%dma_start3A_88, %dma_start3A_89] : memref<320x128xf32, #tpu.memory_space<vmem>> -> memref<40x128xf32, #tpu.memory_space<vmem>>
      %dma_start3A_91 = tpu.memref_slice %arg5[%multiple_of3A_87] : memref<5120xi32, #tpu.memory_space<vmem>> -> memref<40xi32, #tpu.memory_space<vmem>>
      %dma_start3A_92 = arith.constant 0 : i32
      %dma_start3A_93 = arith.constant 0 : i32
      %dma_start3A_94 = tpu.memref_slice %arg2[%dma_start3A_92, %dma_start3A_93] : memref<8192x128xf32, #tpu.memory_space<hbm>> -> memref<8192x128xf32, #tpu.memory_space<hbm>>
      tpu.enqueue_indirect_dma source(%dma_start3A_94 : memref<8192x128xf32, #tpu.memory_space<hbm>>) target(%dma_start3A_90 : memref<40x128xf32, #tpu.memory_space<vmem>>) offsets(%dma_start3A_91 : memref<40xi32, #tpu.memory_space<vmem>>) semaphore(%arg7 : memref<!tpu.dma_semaphore, #tpu.memory_space<semaphore_mem>>)
      %mul3A_95 = arith.constant 8 : i32
      %mul3A_96 = arith.muli %scan3A_11, %mul3A_95 : i32
      %add3A_97 = arith.constant 6 : i32
      %add3A_98 = arith.addi %mul3A_96, %add3A_97 : i32
      %mul3A_99 = arith.constant 40 : i32
      %mul3A_100 = arith.muli %add3A_98, %mul3A_99 : i32
      %multiple_of3A_101 = tpu.assume_multiple %mul3A_100, 8 : i32
      %dma_start3A_102 = arith.constant 240 : i32
      %dma_start3A_103 = arith.constant 0 : i32
      %dma_start3A_104 = tpu.memref_slice %arg6[%dma_start3A_102, %dma_start3A_103] : memref<320x128xf32, #tpu.memory_space<vmem>> -> memref<40x128xf32, #tpu.memory_space<vmem>>
      %dma_start3A_105 = tpu.memref_slice %arg5[%multiple_of3A_101] : memref<5120xi32, #tpu.memory_space<vmem>> -> memref<40xi32, #tpu.memory_space<vmem>>
      %dma_start3A_106 = arith.constant 0 : i32
      %dma_start3A_107 = arith.constant 0 : i32
      %dma_start3A_108 = tpu.memref_slice %arg2[%dma_start3A_106, %dma_start3A_107] : memref<8192x128xf32, #tpu.memory_space<hbm>> -> memref<8192x128xf32, #tpu.memory_space<hbm>>
      tpu.enqueue_indirect_dma source(%dma_start3A_108 : memref<8192x128xf32, #tpu.memory_space<hbm>>) target(%dma_start3A_104 : memref<40x128xf32, #tpu.memory_space<vmem>>) offsets(%dma_start3A_105 : memref<40xi32, #tpu.memory_space<vmem>>) semaphore(%arg7 : memref<!tpu.dma_semaphore, #tpu.memory_space<semaphore_mem>>)
      %mul3A_109 = arith.constant 8 : i32
      %mul3A_110 = arith.muli %scan3A_11, %mul3A_109 : i32
      %add3A_111 = arith.constant 7 : i32
      %add3A_112 = arith.addi %mul3A_110, %add3A_111 : i32
      %mul3A_113 = arith.constant 40 : i32
      %mul3A_114 = arith.muli %add3A_112, %mul3A_113 : i32
      %multiple_of3A_115 = tpu.assume_multiple %mul3A_114, 8 : i32
      %dma_start3A_116 = arith.constant 280 : i32
      %dma_start3A_117 = arith.constant 0 : i32
      %dma_start3A_118 = tpu.memref_slice %arg6[%dma_start3A_116, %dma_start3A_117] : memref<320x128xf32, #tpu.memory_space<vmem>> -> memref<40x128xf32, #tpu.memory_space<vmem>>
      %dma_start3A_119 = tpu.memref_slice %arg5[%multiple_of3A_115] : memref<5120xi32, #tpu.memory_space<vmem>> -> memref<40xi32, #tpu.memory_space<vmem>>
      %dma_start3A_120 = arith.constant 0 : i32
      %dma_start3A_121 = arith.constant 0 : i32
      %dma_start3A_122 = tpu.memref_slice %arg2[%dma_start3A_120, %dma_start3A_121] : memref<8192x128xf32, #tpu.memory_space<hbm>> -> memref<8192x128xf32, #tpu.memory_space<hbm>>
      tpu.enqueue_indirect_dma source(%dma_start3A_122 : memref<8192x128xf32, #tpu.memory_space<hbm>>) target(%dma_start3A_118 : memref<40x128xf32, #tpu.memory_space<vmem>>) offsets(%dma_start3A_119 : memref<40xi32, #tpu.memory_space<vmem>>) semaphore(%arg7 : memref<!tpu.dma_semaphore, #tpu.memory_space<semaphore_mem>>)
      %dma_wait3A = arith.constant 0 : i32
      %dma_wait3A_123 = arith.constant 0 : i32
      %dma_wait3A_124 = tpu.memref_slice %arg6[%dma_wait3A, %dma_wait3A_123] : memref<320x128xf32, #tpu.memory_space<vmem>> -> memref<40x128xf32, #tpu.memory_space<vmem>>
      %dma_wait3A_125 = arith.constant 0 : i32
      %dma_wait3A_126 = tpu.memref_slice %arg5[%dma_wait3A_125] : memref<5120xi32, #tpu.memory_space<vmem>> -> memref<40xi32, #tpu.memory_space<vmem>>
      %dma_wait3A_127 = arith.constant 0 : i32
      %dma_wait3A_128 = arith.constant 0 : i32
      %dma_wait3A_129 = tpu.memref_slice %arg2[%dma_wait3A_127, %dma_wait3A_128] : memref<8192x128xf32, #tpu.memory_space<hbm>> -> memref<8192x128xf32, #tpu.memory_space<hbm>>
      tpu.wait_indirect_dma semaphore(%arg7 : memref<!tpu.dma_semaphore, #tpu.memory_space<semaphore_mem>>) src(%dma_wait3A_129 : memref<8192x128xf32, #tpu.memory_space<hbm>>) dst(%dma_wait3A_124 : memref<40x128xf32, #tpu.memory_space<vmem>>)
      %dma_wait3A_130 = arith.constant 40 : i32
      %dma_wait3A_131 = arith.constant 0 : i32
      %dma_wait3A_132 = tpu.memref_slice %arg6[%dma_wait3A_130, %dma_wait3A_131] : memref<320x128xf32, #tpu.memory_space<vmem>> -> memref<40x128xf32, #tpu.memory_space<vmem>>
      %dma_wait3A_133 = arith.constant 0 : i32
      %dma_wait3A_134 = tpu.memref_slice %arg5[%dma_wait3A_133] : memref<5120xi32, #tpu.memory_space<vmem>> -> memref<40xi32, #tpu.memory_space<vmem>>
      %dma_wait3A_135 = arith.constant 0 : i32
      %dma_wait3A_136 = arith.constant 0 : i32
      %dma_wait3A_137 = tpu.memref_slice %arg2[%dma_wait3A_135, %dma_wait3A_136] : memref<8192x128xf32, #tpu.memory_space<hbm>> -> memref<8192x128xf32, #tpu.memory_space<hbm>>
      tpu.wait_indirect_dma semaphore(%arg7 : memref<!tpu.dma_semaphore, #tpu.memory_space<semaphore_mem>>) src(%dma_wait3A_137 : memref<8192x128xf32, #tpu.memory_space<hbm>>) dst(%dma_wait3A_132 : memref<40x128xf32, #tpu.memory_space<vmem>>)
      %dma_wait3A_138 = arith.constant 80 : i32
      %dma_wait3A_139 = arith.constant 0 : i32
      %dma_wait3A_140 = tpu.memref_slice %arg6[%dma_wait3A_138, %dma_wait3A_139] : memref<320x128xf32, #tpu.memory_space<vmem>> -> memref<40x128xf32, #tpu.memory_space<vmem>>
      %dma_wait3A_141 = arith.constant 0 : i32
      %dma_wait3A_142 = tpu.memref_slice %arg5[%dma_wait3A_141] : memref<5120xi32, #tpu.memory_space<vmem>> -> memref<40xi32, #tpu.memory_space<vmem>>
      %dma_wait3A_143 = arith.constant 0 : i32
      %dma_wait3A_144 = arith.constant 0 : i32
      %dma_wait3A_145 = tpu.memref_slice %arg2[%dma_wait3A_143, %dma_wait3A_144] : memref<8192x128xf32, #tpu.memory_space<hbm>> -> memref<8192x128xf32, #tpu.memory_space<hbm>>
      tpu.wait_indirect_dma semaphore(%arg7 : memref<!tpu.dma_semaphore, #tpu.memory_space<semaphore_mem>>) src(%dma_wait3A_145 : memref<8192x128xf32, #tpu.memory_space<hbm>>) dst(%dma_wait3A_140 : memref<40x128xf32, #tpu.memory_space<vmem>>)
      %dma_wait3A_146 = arith.constant 120 : i32
      %dma_wait3A_147 = arith.constant 0 : i32
      %dma_wait3A_148 = tpu.memref_slice %arg6[%dma_wait3A_146, %dma_wait3A_147] : memref<320x128xf32, #tpu.memory_space<vmem>> -> memref<40x128xf32, #tpu.memory_space<vmem>>
      %dma_wait3A_149 = arith.constant 0 : i32
      %dma_wait3A_150 = tpu.memref_slice %arg5[%dma_wait3A_149] : memref<5120xi32, #tpu.memory_space<vmem>> -> memref<40xi32, #tpu.memory_space<vmem>>
      %dma_wait3A_151 = arith.constant 0 : i32
      %dma_wait3A_152 = arith.constant 0 : i32
      %dma_wait3A_153 = tpu.memref_slice %arg2[%dma_wait3A_151, %dma_wait3A_152] : memref<8192x128xf32, #tpu.memory_space<hbm>> -> memref<8192x128xf32, #tpu.memory_space<hbm>>
      tpu.wait_indirect_dma semaphore(%arg7 : memref<!tpu.dma_semaphore, #tpu.memory_space<semaphore_mem>>) src(%dma_wait3A_153 : memref<8192x128xf32, #tpu.memory_space<hbm>>) dst(%dma_wait3A_148 : memref<40x128xf32, #tpu.memory_space<vmem>>)
      %dma_wait3A_154 = arith.constant 160 : i32
      %dma_wait3A_155 = arith.constant 0 : i32
      %dma_wait3A_156 = tpu.memref_slice %arg6[%dma_wait3A_154, %dma_wait3A_155] : memref<320x128xf32, #tpu.memory_space<vmem>> -> memref<40x128xf32, #tpu.memory_space<vmem>>
      %dma_wait3A_157 = arith.constant 0 : i32
      %dma_wait3A_158 = tpu.memref_slice %arg5[%dma_wait3A_157] : memref<5120xi32, #tpu.memory_space<vmem>> -> memref<40xi32, #tpu.memory_space<vmem>>
      %dma_wait3A_159 = arith.constant 0 : i32
      %dma_wait3A_160 = arith.constant 0 : i32
      %dma_wait3A_161 = tpu.memref_slice %arg2[%dma_wait3A_159, %dma_wait3A_160] : memref<8192x128xf32, #tpu.memory_space<hbm>> -> memref<8192x128xf32, #tpu.memory_space<hbm>>
      tpu.wait_indirect_dma semaphore(%arg7 : memref<!tpu.dma_semaphore, #tpu.memory_space<semaphore_mem>>) src(%dma_wait3A_161 : memref<8192x128xf32, #tpu.memory_space<hbm>>) dst(%dma_wait3A_156 : memref<40x128xf32, #tpu.memory_space<vmem>>)
      %dma_wait3A_162 = arith.constant 200 : i32
      %dma_wait3A_163 = arith.constant 0 : i32
      %dma_wait3A_164 = tpu.memref_slice %arg6[%dma_wait3A_162, %dma_wait3A_163] : memref<320x128xf32, #tpu.memory_space<vmem>> -> memref<40x128xf32, #tpu.memory_space<vmem>>
      %dma_wait3A_165 = arith.constant 0 : i32
      %dma_wait3A_166 = tpu.memref_slice %arg5[%dma_wait3A_165] : memref<5120xi32, #tpu.memory_space<vmem>> -> memref<40xi32, #tpu.memory_space<vmem>>
      %dma_wait3A_167 = arith.constant 0 : i32
      %dma_wait3A_168 = arith.constant 0 : i32
      %dma_wait3A_169 = tpu.memref_slice %arg2[%dma_wait3A_167, %dma_wait3A_168] : memref<8192x128xf32, #tpu.memory_space<hbm>> -> memref<8192x128xf32, #tpu.memory_space<hbm>>
      tpu.wait_indirect_dma semaphore(%arg7 : memref<!tpu.dma_semaphore, #tpu.memory_space<semaphore_mem>>) src(%dma_wait3A_169 : memref<8192x128xf32, #tpu.memory_space<hbm>>) dst(%dma_wait3A_164 : memref<40x128xf32, #tpu.memory_space<vmem>>)
      %dma_wait3A_170 = arith.constant 240 : i32
      %dma_wait3A_171 = arith.constant 0 : i32
      %dma_wait3A_172 = tpu.memref_slice %arg6[%dma_wait3A_170, %dma_wait3A_171] : memref<320x128xf32, #tpu.memory_space<vmem>> -> memref<40x128xf32, #tpu.memory_space<vmem>>
      %dma_wait3A_173 = arith.constant 0 : i32
      %dma_wait3A_174 = tpu.memref_slice %arg5[%dma_wait3A_173] : memref<5120xi32, #tpu.memory_space<vmem>> -> memref<40xi32, #tpu.memory_space<vmem>>
      %dma_wait3A_175 = arith.constant 0 : i32
      %dma_wait3A_176 = arith.constant 0 : i32
      %dma_wait3A_177 = tpu.memref_slice %arg2[%dma_wait3A_175, %dma_wait3A_176] : memref<8192x128xf32, #tpu.memory_space<hbm>> -> memref<8192x128xf32, #tpu.memory_space<hbm>>
      tpu.wait_indirect_dma semaphore(%arg7 : memref<!tpu.dma_semaphore, #tpu.memory_space<semaphore_mem>>) src(%dma_wait3A_177 : memref<8192x128xf32, #tpu.memory_space<hbm>>) dst(%dma_wait3A_172 : memref<40x128xf32, #tpu.memory_space<vmem>>)
      %dma_wait3A_178 = arith.constant 280 : i32
      %dma_wait3A_179 = arith.constant 0 : i32
      %dma_wait3A_180 = tpu.memref_slice %arg6[%dma_wait3A_178, %dma_wait3A_179] : memref<320x128xf32, #tpu.memory_space<vmem>> -> memref<40x128xf32, #tpu.memory_space<vmem>>
      %dma_wait3A_181 = arith.constant 0 : i32
      %dma_wait3A_182 = tpu.memref_slice %arg5[%dma_wait3A_181] : memref<5120xi32, #tpu.memory_space<vmem>> -> memref<40xi32, #tpu.memory_space<vmem>>
      %dma_wait3A_183 = arith.constant 0 : i32
      %dma_wait3A_184 = arith.constant 0 : i32
      %dma_wait3A_185 = tpu.memref_slice %arg2[%dma_wait3A_183, %dma_wait3A_184] : memref<8192x128xf32, #tpu.memory_space<hbm>> -> memref<8192x128xf32, #tpu.memory_space<hbm>>
      tpu.wait_indirect_dma semaphore(%arg7 : memref<!tpu.dma_semaphore, #tpu.memory_space<semaphore_mem>>) src(%dma_wait3A_185 : memref<8192x128xf32, #tpu.memory_space<hbm>>) dst(%dma_wait3A_180 : memref<40x128xf32, #tpu.memory_space<vmem>>)
      %mul3A_186 = arith.constant 320 : i32
      %mul3A_187 = arith.muli %scan3A_11, %mul3A_186 : i32
      %add3A_188 = arith.addi %mul3A_4, %mul3A_187 : i32
      "tpu.region"() ({
        %run_scoped3A = tpu.sem_alloc : memref<!tpu.dma_semaphore, #tpu.memory_space<semaphore_mem>>
        %dma_start3A_190 = arith.constant 0 : i32
        %dma_start3A_191 = tpu.memref_slice %arg4[%add3A_188, %dma_start3A_190] : memref<163840x128xf32, #tpu.memory_space<hbm>> -> memref<320x128xf32, #tpu.memory_space<hbm>>
        %dma_start3A_192 = arith.constant 0 : i32
        %dma_start3A_193 = tpu.memref_slice %arg4[%add3A_188, %dma_start3A_192] : memref<163840x128xf32, #tpu.memory_space<hbm>> -> memref<320x128xf32, #tpu.memory_space<hbm>>
        tpu.enqueue_dma source(%arg6 : memref<320x128xf32, #tpu.memory_space<vmem>>) target(%dma_start3A_193 : memref<320x128xf32, #tpu.memory_space<hbm>>) target_semaphore(%run_scoped3A : memref<!tpu.dma_semaphore, #tpu.memory_space<semaphore_mem>>)
        %dma_wait3A_194 = arith.constant 0 : i32
        %dma_wait3A_195 = tpu.memref_slice %arg4[%add3A_188, %dma_wait3A_194] : memref<163840x128xf32, #tpu.memory_space<hbm>> -> memref<320x128xf32, #tpu.memory_space<hbm>>
        %dma_wait3A_196 = arith.constant 0 : i32
        %dma_wait3A_197 = tpu.memref_slice %arg4[%add3A_188, %dma_wait3A_196] : memref<163840x128xf32, #tpu.memory_space<hbm>> -> memref<320x128xf32, #tpu.memory_space<hbm>>
        tpu.wait_dma2 semaphore(%run_scoped3A : memref<!tpu.dma_semaphore, #tpu.memory_space<semaphore_mem>>) src(%arg6 : memref<320x128xf32, #tpu.memory_space<vmem>>) dst(%dma_wait3A_197 : memref<320x128xf32, #tpu.memory_space<hbm>>)
        tpu.yield
      }) : () -> ()
      %scan3A_189 = arith.constant 0 : i32
      scf.yield %scan3A_189 : i32
    }
    %scan3A_10 = arith.constant 16 : i32
    return
  }
}

module attributes {stable_mosaic.version = 14 : i64} {
  func.func @_k1_first_body(%arg0: i32, %arg1: memref<1x1024x3xf32, #tpu.memory_space<vmem>>, %arg2: memref<1x1024x20xi32, #tpu.memory_space<vmem>>, %arg3: memref<1x1024x128xf32, #tpu.memory_space<vmem>>, %arg4: memref<1024x1024xf32, #tpu.memory_space<vmem>>) attributes {dimension_semantics = [#tpu.dimension_semantics<arbitrary>], iteration_bounds = array<i64: 8>, scalar_prefetch = 0 : i64, scratch_operands = 1 : i64, tpu.core_type = #tpu.core_type<tc>, window_params = [{transform_indices = @transform_0, window_bounds = array<i64: 1, 1024, 3>}, {transform_indices = @transform_1, window_bounds = array<i64: 1, 1024, 20>}, {transform_indices = @transform_2, window_bounds = array<i64: 1, 1024, 128>}]} {
    %get3A = arith.constant 0 : index
    %get3A_0 = arith.constant 0 : index
    %get3A_1 = arith.constant 0 : index
    %get3A_2 = vector.load %arg1[%get3A, %get3A_0, %get3A_1] : memref<1x1024x3xf32, #tpu.memory_space<vmem>>, vector<1x1024x3xf32>
    %get3A_3 = vector.shape_cast %get3A_2 : vector<1x1024x3xf32> to vector<1024x3xf32>
    %broadcast_in_dim3A = arith.constant 0.000000e+00 : f32
    %broadcast_in_dim3A_4 = vector.broadcast %broadcast_in_dim3A : f32 to vector<1024x125xf32>
    %concatenate3A = tpu.concatenate %get3A_3, %broadcast_in_dim3A_4 in 1 : vector<1024x3xf32>, vector<1024x125xf32> -> vector<1024x128xf32>
    %swap3A = arith.constant 0 : index
    %swap3A_5 = arith.constant 0 : index
    %swap3A_6 = arith.constant 0 : index
    %swap3A_7 = vector.load %arg3[%swap3A, %swap3A_5, %swap3A_6] : memref<1x1024x128xf32, #tpu.memory_space<vmem>>, vector<1x1024x128xf32>
    %swap3A_8 = vector.shape_cast %swap3A_7 : vector<1x1024x128xf32> to vector<1024x128xf32>
    %swap3A_9 = vector.shape_cast %concatenate3A : vector<1024x128xf32> to vector<1x1024x128xf32>
    tpu.vector_store %arg3[%swap3A, %swap3A_5, %swap3A_6], %swap3A_9 {strides = array<i32>} : memref<1x1024x128xf32, #tpu.memory_space<vmem>>, vector<1x1024x128xf32>,
    %mul3A = arith.mulf %get3A_3, %get3A_3 : vector<1024x3xf32>
    %reduce_sum3A = arith.constant dense<0.000000e+00> : vector<1024xf32>
    %reduce_sum3A_10 = vector.multi_reduction <add>, %mul3A, %reduce_sum3A [1] : vector<1024x3xf32> to vector<1024xf32>
    %dot_general3A = arith.constant dense<0.000000e+00> : vector<1024x1024xf32>
    %dot_general3A_11 = tpu.matmul %get3A_3, %get3A_3, %dot_general3A {dimension_numbers = #tpu.dot_dimension_numbers<[1], [1], [0], [0], [0, 0, 1, 0], [], []>, transpose_lhs_hint = false} : vector<1024x3xf32>, vector<1024x3xf32>, vector<1024x1024xf32> -> vector<1024x1024xf32>
    %mul3A_12 = arith.constant 2.000000e+00 : f32
    %mul3A_13 = vector.broadcast %mul3A_12 : f32 to vector<1024x1024xf32>
    %mul3A_14 = arith.mulf %mul3A_13, %dot_general3A_11 : vector<1024x1024xf32>
    %broadcast_in_dim3A_15 = vector.shape_cast %reduce_sum3A_10 : vector<1024xf32> to vector<1024x1xf32>
    %sub3A = vector.broadcast %broadcast_in_dim3A_15 : vector<1024x1xf32> to vector<1024x1024xf32>
    %sub3A_16 = arith.subf %mul3A_14, %sub3A : vector<1024x1024xf32>
    %broadcast_in_dim3A_17 = vector.shape_cast %reduce_sum3A_10 : vector<1024xf32> to vector<1x1024xf32>
    %sub3A_18 = vector.broadcast %broadcast_in_dim3A_17 : vector<1x1024xf32> to vector<1024x1024xf32>
    %sub3A_19 = arith.subf %sub3A_16, %sub3A_18 : vector<1024x1024xf32>
    %swap3A_20 = arith.constant 0 : index
    %swap3A_21 = arith.constant 0 : index
    %swap3A_22 = vector.load %arg4[%swap3A_20, %swap3A_21] : memref<1024x1024xf32, #tpu.memory_space<vmem>>, vector<1024x1024xf32>
    tpu.vector_store %arg4[%swap3A_20, %swap3A_21], %sub3A_19 {strides = array<i32>} : memref<1024x1024xf32, #tpu.memory_space<vmem>>, vector<1024x1024xf32>,
    %iota3A = tpu.iota {dimensions = array<i32: 1>} : vector<1024x1024xi32>
    %get3A_23 = arith.constant 0 : index
    %get3A_24 = arith.constant 0 : index
    %get3A_25 = vector.load %arg4[%get3A_23, %get3A_24] : memref<1024x1024xf32, #tpu.memory_space<vmem>>, vector<1024x1024xf32>
    %reduce_max3A = arith.constant dense<0xFF800000> : vector<1024xf32>
    %reduce_max3A_26 = vector.multi_reduction <maximumf>, %get3A_25, %reduce_max3A [1] : vector<1024x1024xf32> to vector<1024xf32>
    %broadcast_in_dim3A_27 = vector.shape_cast %reduce_max3A_26 : vector<1024xf32> to vector<1024x1xf32>
    %eq3A = vector.broadcast %broadcast_in_dim3A_27 : vector<1024x1xf32> to vector<1024x1024xf32>
    %eq3A_28 = arith.cmpf oeq, %get3A_25, %eq3A : vector<1024x1024xf32>
    %jit3A = arith.constant 1024 : i32
    %broadcast_in_dim3A_29 = vector.broadcast %jit3A : i32 to vector<1024x1024xi32>
    %select_n3A = arith.select %eq3A_28, %iota3A, %broadcast_in_dim3A_29 : vector<1024x1024xi1>, vector<1024x1024xi32>
    %reduce_min3A = arith.constant dense<2147483647> : vector<1024xi32>
    %reduce_min3A_30 = vector.multi_reduction <minsi>, %select_n3A, %reduce_min3A [1] : vector<1024x1024xi32> to vector<1024xi32>
    %broadcast_in_dim3A_31 = vector.shape_cast %reduce_min3A_30 : vector<1024xi32> to vector<1024x1xi32>
    %eq3A_32 = vector.broadcast %broadcast_in_dim3A_31 : vector<1024x1xi32> to vector<1024x1024xi32>
    %eq3A_33 = arith.cmpi eq, %iota3A, %eq3A_32 : vector<1024x1024xi32>
    %jit3A_34 = arith.constant 0xFF800000 : f32
    %broadcast_in_dim3A_35 = vector.broadcast %jit3A_34 : f32 to vector<1024x1024xf32>
    %select_n3A_36 = arith.select %eq3A_33, %broadcast_in_dim3A_35, %get3A_25 : vector<1024x1024xi1>, vector<1024x1024xf32>
    %swap3A_37 = arith.constant 0 : index
    %swap3A_38 = arith.constant 0 : index
    %swap3A_39 = vector.load %arg4[%swap3A_37, %swap3A_38] : memref<1024x1024xf32, #tpu.memory_space<vmem>>, vector<1024x1024xf32>
    tpu.vector_store %arg4[%swap3A_37, %swap3A_38], %select_n3A_36 {strides = array<i32>} : memref<1024x1024xf32, #tpu.memory_space<vmem>>, vector<1024x1024xf32>,
    %get3A_40 = arith.constant 0 : index
    %get3A_41 = arith.constant 0 : index
    %get3A_42 = vector.load %arg4[%get3A_40, %get3A_41] : memref<1024x1024xf32, #tpu.memory_space<vmem>>, vector<1024x1024xf32>
    %reduce_max3A_43 = arith.constant dense<0xFF800000> : vector<1024xf32>
    %reduce_max3A_44 = vector.multi_reduction <maximumf>, %get3A_42, %reduce_max3A_43 [1] : vector<1024x1024xf32> to vector<1024xf32>
    %broadcast_in_dim3A_45 = vector.shape_cast %reduce_max3A_44 : vector<1024xf32> to vector<1024x1xf32>
    %eq3A_46 = vector.broadcast %broadcast_in_dim3A_45 : vector<1024x1xf32> to vector<1024x1024xf32>
    %eq3A_47 = arith.cmpf oeq, %get3A_42, %eq3A_46 : vector<1024x1024xf32>
    %jit3A_48 = arith.constant 1024 : i32
    %broadcast_in_dim3A_49 = vector.broadcast %jit3A_48 : i32 to vector<1024x1024xi32>
    %select_n3A_50 = arith.select %eq3A_47, %iota3A, %broadcast_in_dim3A_49 : vector<1024x1024xi1>, vector<1024x1024xi32>
    %reduce_min3A_51 = arith.constant dense<2147483647> : vector<1024xi32>
    %reduce_min3A_52 = vector.multi_reduction <minsi>, %select_n3A_50, %reduce_min3A_51 [1] : vector<1024x1024xi32> to vector<1024xi32>
    %broadcast_in_dim3A_53 = vector.shape_cast %reduce_min3A_52 : vector<1024xi32> to vector<1024x1xi32>
    %eq3A_54 = vector.broadcast %broadcast_in_dim3A_53 : vector<1024x1xi32> to vector<1024x1024xi32>
    %eq3A_55 = arith.cmpi eq, %iota3A, %eq3A_54 : vector<1024x1024xi32>
    %jit3A_56 = arith.constant 0xFF800000 : f32
    %broadcast_in_dim3A_57 = vector.broadcast %jit3A_56 : f32 to vector<1024x1024xf32>
    %select_n3A_58 = arith.select %eq3A_55, %broadcast_in_dim3A_57, %get3A_42 : vector<1024x1024xi1>, vector<1024x1024xf32>
    %swap3A_59 = arith.constant 0 : index
    %swap3A_60 = arith.constant 0 : index
    %swap3A_61 = vector.load %arg4[%swap3A_59, %swap3A_60] : memref<1024x1024xf32, #tpu.memory_space<vmem>>, vector<1024x1024xf32>
    tpu.vector_store %arg4[%swap3A_59, %swap3A_60], %select_n3A_58 {strides = array<i32>} : memref<1024x1024xf32, #tpu.memory_space<vmem>>, vector<1024x1024xf32>,
    %get3A_62 = arith.constant 0 : index
    %get3A_63 = arith.constant 0 : index
    %get3A_64 = vector.load %arg4[%get3A_62, %get3A_63] : memref<1024x1024xf32, #tpu.memory_space<vmem>>, vector<1024x1024xf32>
    %reduce_max3A_65 = arith.constant dense<0xFF800000> : vector<1024xf32>
    %reduce_max3A_66 = vector.multi_reduction <maximumf>, %get3A_64, %reduce_max3A_65 [1] : vector<1024x1024xf32> to vector<1024xf32>
    %broadcast_in_dim3A_67 = vector.shape_cast %reduce_max3A_66 : vector<1024xf32> to vector<1024x1xf32>
    %eq3A_68 = vector.broadcast %broadcast_in_dim3A_67 : vector<1024x1xf32> to vector<1024x1024xf32>
    %eq3A_69 = arith.cmpf oeq, %get3A_64, %eq3A_68 : vector<1024x1024xf32>
    %jit3A_70 = arith.constant 1024 : i32
    %broadcast_in_dim3A_71 = vector.broadcast %jit3A_70 : i32 to vector<1024x1024xi32>
    %select_n3A_72 = arith.select %eq3A_69, %iota3A, %broadcast_in_dim3A_71 : vector<1024x1024xi1>, vector<1024x1024xi32>
    %reduce_min3A_73 = arith.constant dense<2147483647> : vector<1024xi32>
    %reduce_min3A_74 = vector.multi_reduction <minsi>, %select_n3A_72, %reduce_min3A_73 [1] : vector<1024x1024xi32> to vector<1024xi32>
    %broadcast_in_dim3A_75 = vector.shape_cast %reduce_min3A_74 : vector<1024xi32> to vector<1024x1xi32>
    %eq3A_76 = vector.broadcast %broadcast_in_dim3A_75 : vector<1024x1xi32> to vector<1024x1024xi32>
    %eq3A_77 = arith.cmpi eq, %iota3A, %eq3A_76 : vector<1024x1024xi32>
    %jit3A_78 = arith.constant 0xFF800000 : f32
    %broadcast_in_dim3A_79 = vector.broadcast %jit3A_78 : f32 to vector<1024x1024xf32>
    %select_n3A_80 = arith.select %eq3A_77, %broadcast_in_dim3A_79, %get3A_64 : vector<1024x1024xi1>, vector<1024x1024xf32>
    %swap3A_81 = arith.constant 0 : index
    %swap3A_82 = arith.constant 0 : index
    %swap3A_83 = vector.load %arg4[%swap3A_81, %swap3A_82] : memref<1024x1024xf32, #tpu.memory_space<vmem>>, vector<1024x1024xf32>
    tpu.vector_store %arg4[%swap3A_81, %swap3A_82], %select_n3A_80 {strides = array<i32>} : memref<1024x1024xf32, #tpu.memory_space<vmem>>, vector<1024x1024xf32>,
    %get3A_84 = arith.constant 0 : index
    %get3A_85 = arith.constant 0 : index
    %get3A_86 = vector.load %arg4[%get3A_84, %get3A_85] : memref<1024x1024xf32, #tpu.memory_space<vmem>>, vector<1024x1024xf32>
    %reduce_max3A_87 = arith.constant dense<0xFF800000> : vector<1024xf32>
    %reduce_max3A_88 = vector.multi_reduction <maximumf>, %get3A_86, %reduce_max3A_87 [1] : vector<1024x1024xf32> to vector<1024xf32>
    %broadcast_in_dim3A_89 = vector.shape_cast %reduce_max3A_88 : vector<1024xf32> to vector<1024x1xf32>
    %eq3A_90 = vector.broadcast %broadcast_in_dim3A_89 : vector<1024x1xf32> to vector<1024x1024xf32>
    %eq3A_91 = arith.cmpf oeq, %get3A_86, %eq3A_90 : vector<1024x1024xf32>
    %jit3A_92 = arith.constant 1024 : i32
    %broadcast_in_dim3A_93 = vector.broadcast %jit3A_92 : i32 to vector<1024x1024xi32>
    %select_n3A_94 = arith.select %eq3A_91, %iota3A, %broadcast_in_dim3A_93 : vector<1024x1024xi1>, vector<1024x1024xi32>
    %reduce_min3A_95 = arith.constant dense<2147483647> : vector<1024xi32>
    %reduce_min3A_96 = vector.multi_reduction <minsi>, %select_n3A_94, %reduce_min3A_95 [1] : vector<1024x1024xi32> to vector<1024xi32>
    %broadcast_in_dim3A_97 = vector.shape_cast %reduce_min3A_96 : vector<1024xi32> to vector<1024x1xi32>
    %eq3A_98 = vector.broadcast %broadcast_in_dim3A_97 : vector<1024x1xi32> to vector<1024x1024xi32>
    %eq3A_99 = arith.cmpi eq, %iota3A, %eq3A_98 : vector<1024x1024xi32>
    %jit3A_100 = arith.constant 0xFF800000 : f32
    %broadcast_in_dim3A_101 = vector.broadcast %jit3A_100 : f32 to vector<1024x1024xf32>
    %select_n3A_102 = arith.select %eq3A_99, %broadcast_in_dim3A_101, %get3A_86 : vector<1024x1024xi1>, vector<1024x1024xf32>
    %swap3A_103 = arith.constant 0 : index
    %swap3A_104 = arith.constant 0 : index
    %swap3A_105 = vector.load %arg4[%swap3A_103, %swap3A_104] : memref<1024x1024xf32, #tpu.memory_space<vmem>>, vector<1024x1024xf32>
    tpu.vector_store %arg4[%swap3A_103, %swap3A_104], %select_n3A_102 {strides = array<i32>} : memref<1024x1024xf32, #tpu.memory_space<vmem>>, vector<1024x1024xf32>,
    %get3A_106 = arith.constant 0 : index
    %get3A_107 = arith.constant 0 : index
    %get3A_108 = vector.load %arg4[%get3A_106, %get3A_107] : memref<1024x1024xf32, #tpu.memory_space<vmem>>, vector<1024x1024xf32>
    %reduce_max3A_109 = arith.constant dense<0xFF800000> : vector<1024xf32>
    %reduce_max3A_110 = vector.multi_reduction <maximumf>, %get3A_108, %reduce_max3A_109 [1] : vector<1024x1024xf32> to vector<1024xf32>
    %broadcast_in_dim3A_111 = vector.shape_cast %reduce_max3A_110 : vector<1024xf32> to vector<1024x1xf32>
    %eq3A_112 = vector.broadcast %broadcast_in_dim3A_111 : vector<1024x1xf32> to vector<1024x1024xf32>
    %eq3A_113 = arith.cmpf oeq, %get3A_108, %eq3A_112 : vector<1024x1024xf32>
    %jit3A_114 = arith.constant 1024 : i32
    %broadcast_in_dim3A_115 = vector.broadcast %jit3A_114 : i32 to vector<1024x1024xi32>
    %select_n3A_116 = arith.select %eq3A_113, %iota3A, %broadcast_in_dim3A_115 : vector<1024x1024xi1>, vector<1024x1024xi32>
    %reduce_min3A_117 = arith.constant dense<2147483647> : vector<1024xi32>
    %reduce_min3A_118 = vector.multi_reduction <minsi>, %select_n3A_116, %reduce_min3A_117 [1] : vector<1024x1024xi32> to vector<1024xi32>
    %broadcast_in_dim3A_119 = vector.shape_cast %reduce_min3A_118 : vector<1024xi32> to vector<1024x1xi32>
    %eq3A_120 = vector.broadcast %broadcast_in_dim3A_119 : vector<1024x1xi32> to vector<1024x1024xi32>
    %eq3A_121 = arith.cmpi eq, %iota3A, %eq3A_120 : vector<1024x1024xi32>
    %jit3A_122 = arith.constant 0xFF800000 : f32
    %broadcast_in_dim3A_123 = vector.broadcast %jit3A_122 : f32 to vector<1024x1024xf32>
    %select_n3A_124 = arith.select %eq3A_121, %broadcast_in_dim3A_123, %get3A_108 : vector<1024x1024xi1>, vector<1024x1024xf32>
    %swap3A_125 = arith.constant 0 : index
    %swap3A_126 = arith.constant 0 : index
    %swap3A_127 = vector.load %arg4[%swap3A_125, %swap3A_126] : memref<1024x1024xf32, #tpu.memory_space<vmem>>, vector<1024x1024xf32>
    tpu.vector_store %arg4[%swap3A_125, %swap3A_126], %select_n3A_124 {strides = array<i32>} : memref<1024x1024xf32, #tpu.memory_space<vmem>>, vector<1024x1024xf32>,
    %get3A_128 = arith.constant 0 : index
    %get3A_129 = arith.constant 0 : index
    %get3A_130 = vector.load %arg4[%get3A_128, %get3A_129] : memref<1024x1024xf32, #tpu.memory_space<vmem>>, vector<1024x1024xf32>
    %reduce_max3A_131 = arith.constant dense<0xFF800000> : vector<1024xf32>
    %reduce_max3A_132 = vector.multi_reduction <maximumf>, %get3A_130, %reduce_max3A_131 [1] : vector<1024x1024xf32> to vector<1024xf32>
    %broadcast_in_dim3A_133 = vector.shape_cast %reduce_max3A_132 : vector<1024xf32> to vector<1024x1xf32>
    %eq3A_134 = vector.broadcast %broadcast_in_dim3A_133 : vector<1024x1xf32> to vector<1024x1024xf32>
    %eq3A_135 = arith.cmpf oeq, %get3A_130, %eq3A_134 : vector<1024x1024xf32>
    %jit3A_136 = arith.constant 1024 : i32
    %broadcast_in_dim3A_137 = vector.broadcast %jit3A_136 : i32 to vector<1024x1024xi32>
    %select_n3A_138 = arith.select %eq3A_135, %iota3A, %broadcast_in_dim3A_137 : vector<1024x1024xi1>, vector<1024x1024xi32>
    %reduce_min3A_139 = arith.constant dense<2147483647> : vector<1024xi32>
    %reduce_min3A_140 = vector.multi_reduction <minsi>, %select_n3A_138, %reduce_min3A_139 [1] : vector<1024x1024xi32> to vector<1024xi32>
    %broadcast_in_dim3A_141 = vector.shape_cast %reduce_min3A_140 : vector<1024xi32> to vector<1024x1xi32>
    %eq3A_142 = vector.broadcast %broadcast_in_dim3A_141 : vector<1024x1xi32> to vector<1024x1024xi32>
    %eq3A_143 = arith.cmpi eq, %iota3A, %eq3A_142 : vector<1024x1024xi32>
    %jit3A_144 = arith.constant 0xFF800000 : f32
    %broadcast_in_dim3A_145 = vector.broadcast %jit3A_144 : f32 to vector<1024x1024xf32>
    %select_n3A_146 = arith.select %eq3A_143, %broadcast_in_dim3A_145, %get3A_130 : vector<1024x1024xi1>, vector<1024x1024xf32>
    %swap3A_147 = arith.constant 0 : index
    %swap3A_148 = arith.constant 0 : index
    %swap3A_149 = vector.load %arg4[%swap3A_147, %swap3A_148] : memref<1024x1024xf32, #tpu.memory_space<vmem>>, vector<1024x1024xf32>
    tpu.vector_store %arg4[%swap3A_147, %swap3A_148], %select_n3A_146 {strides = array<i32>} : memref<1024x1024xf32, #tpu.memory_space<vmem>>, vector<1024x1024xf32>,
    %get3A_150 = arith.constant 0 : index
    %get3A_151 = arith.constant 0 : index
    %get3A_152 = vector.load %arg4[%get3A_150, %get3A_151] : memref<1024x1024xf32, #tpu.memory_space<vmem>>, vector<1024x1024xf32>
    %reduce_max3A_153 = arith.constant dense<0xFF800000> : vector<1024xf32>
    %reduce_max3A_154 = vector.multi_reduction <maximumf>, %get3A_152, %reduce_max3A_153 [1] : vector<1024x1024xf32> to vector<1024xf32>
    %broadcast_in_dim3A_155 = vector.shape_cast %reduce_max3A_154 : vector<1024xf32> to vector<1024x1xf32>
    %eq3A_156 = vector.broadcast %broadcast_in_dim3A_155 : vector<1024x1xf32> to vector<1024x1024xf32>
    %eq3A_157 = arith.cmpf oeq, %get3A_152, %eq3A_156 : vector<1024x1024xf32>
    %jit3A_158 = arith.constant 1024 : i32
    %broadcast_in_dim3A_159 = vector.broadcast %jit3A_158 : i32 to vector<1024x1024xi32>
    %select_n3A_160 = arith.select %eq3A_157, %iota3A, %broadcast_in_dim3A_159 : vector<1024x1024xi1>, vector<1024x1024xi32>
    %reduce_min3A_161 = arith.constant dense<2147483647> : vector<1024xi32>
    %reduce_min3A_162 = vector.multi_reduction <minsi>, %select_n3A_160, %reduce_min3A_161 [1] : vector<1024x1024xi32> to vector<1024xi32>
    %broadcast_in_dim3A_163 = vector.shape_cast %reduce_min3A_162 : vector<1024xi32> to vector<1024x1xi32>
    %eq3A_164 = vector.broadcast %broadcast_in_dim3A_163 : vector<1024x1xi32> to vector<1024x1024xi32>
    %eq3A_165 = arith.cmpi eq, %iota3A, %eq3A_164 : vector<1024x1024xi32>
    %jit3A_166 = arith.constant 0xFF800000 : f32
    %broadcast_in_dim3A_167 = vector.broadcast %jit3A_166 : f32 to vector<1024x1024xf32>
    %select_n3A_168 = arith.select %eq3A_165, %broadcast_in_dim3A_167, %get3A_152 : vector<1024x1024xi1>, vector<1024x1024xf32>
    %swap3A_169 = arith.constant 0 : index
    %swap3A_170 = arith.constant 0 : index
    %swap3A_171 = vector.load %arg4[%swap3A_169, %swap3A_170] : memref<1024x1024xf32, #tpu.memory_space<vmem>>, vector<1024x1024xf32>
    tpu.vector_store %arg4[%swap3A_169, %swap3A_170], %select_n3A_168 {strides = array<i32>} : memref<1024x1024xf32, #tpu.memory_space<vmem>>, vector<1024x1024xf32>,
    %get3A_172 = arith.constant 0 : index
    %get3A_173 = arith.constant 0 : index
    %get3A_174 = vector.load %arg4[%get3A_172, %get3A_173] : memref<1024x1024xf32, #tpu.memory_space<vmem>>, vector<1024x1024xf32>
    %reduce_max3A_175 = arith.constant dense<0xFF800000> : vector<1024xf32>
    %reduce_max3A_176 = vector.multi_reduction <maximumf>, %get3A_174, %reduce_max3A_175 [1] : vector<1024x1024xf32> to vector<1024xf32>
    %broadcast_in_dim3A_177 = vector.shape_cast %reduce_max3A_176 : vector<1024xf32> to vector<1024x1xf32>
    %eq3A_178 = vector.broadcast %broadcast_in_dim3A_177 : vector<1024x1xf32> to vector<1024x1024xf32>
    %eq3A_179 = arith.cmpf oeq, %get3A_174, %eq3A_178 : vector<1024x1024xf32>
    %jit3A_180 = arith.constant 1024 : i32
    %broadcast_in_dim3A_181 = vector.broadcast %jit3A_180 : i32 to vector<1024x1024xi32>
    %select_n3A_182 = arith.select %eq3A_179, %iota3A, %broadcast_in_dim3A_181 : vector<1024x1024xi1>, vector<1024x1024xi32>
    %reduce_min3A_183 = arith.constant dense<2147483647> : vector<1024xi32>
    %reduce_min3A_184 = vector.multi_reduction <minsi>, %select_n3A_182, %reduce_min3A_183 [1] : vector<1024x1024xi32> to vector<1024xi32>
    %broadcast_in_dim3A_185 = vector.shape_cast %reduce_min3A_184 : vector<1024xi32> to vector<1024x1xi32>
    %eq3A_186 = vector.broadcast %broadcast_in_dim3A_185 : vector<1024x1xi32> to vector<1024x1024xi32>
    %eq3A_187 = arith.cmpi eq, %iota3A, %eq3A_186 : vector<1024x1024xi32>
    %jit3A_188 = arith.constant 0xFF800000 : f32
    %broadcast_in_dim3A_189 = vector.broadcast %jit3A_188 : f32 to vector<1024x1024xf32>
    %select_n3A_190 = arith.select %eq3A_187, %broadcast_in_dim3A_189, %get3A_174 : vector<1024x1024xi1>, vector<1024x1024xf32>
    %swap3A_191 = arith.constant 0 : index
    %swap3A_192 = arith.constant 0 : index
    %swap3A_193 = vector.load %arg4[%swap3A_191, %swap3A_192] : memref<1024x1024xf32, #tpu.memory_space<vmem>>, vector<1024x1024xf32>
    tpu.vector_store %arg4[%swap3A_191, %swap3A_192], %select_n3A_190 {strides = array<i32>} : memref<1024x1024xf32, #tpu.memory_space<vmem>>, vector<1024x1024xf32>,
    %get3A_194 = arith.constant 0 : index
    %get3A_195 = arith.constant 0 : index
    %get3A_196 = vector.load %arg4[%get3A_194, %get3A_195] : memref<1024x1024xf32, #tpu.memory_space<vmem>>, vector<1024x1024xf32>
    %reduce_max3A_197 = arith.constant dense<0xFF800000> : vector<1024xf32>
    %reduce_max3A_198 = vector.multi_reduction <maximumf>, %get3A_196, %reduce_max3A_197 [1] : vector<1024x1024xf32> to vector<1024xf32>
    %broadcast_in_dim3A_199 = vector.shape_cast %reduce_max3A_198 : vector<1024xf32> to vector<1024x1xf32>
    %eq3A_200 = vector.broadcast %broadcast_in_dim3A_199 : vector<1024x1xf32> to vector<1024x1024xf32>
    %eq3A_201 = arith.cmpf oeq, %get3A_196, %eq3A_200 : vector<1024x1024xf32>
    %jit3A_202 = arith.constant 1024 : i32
    %broadcast_in_dim3A_203 = vector.broadcast %jit3A_202 : i32 to vector<1024x1024xi32>
    %select_n3A_204 = arith.select %eq3A_201, %iota3A, %broadcast_in_dim3A_203 : vector<1024x1024xi1>, vector<1024x1024xi32>
    %reduce_min3A_205 = arith.constant dense<2147483647> : vector<1024xi32>
    %reduce_min3A_206 = vector.multi_reduction <minsi>, %select_n3A_204, %reduce_min3A_205 [1] : vector<1024x1024xi32> to vector<1024xi32>
    %broadcast_in_dim3A_207 = vector.shape_cast %reduce_min3A_206 : vector<1024xi32> to vector<1024x1xi32>
    %eq3A_208 = vector.broadcast %broadcast_in_dim3A_207 : vector<1024x1xi32> to vector<1024x1024xi32>
    %eq3A_209 = arith.cmpi eq, %iota3A, %eq3A_208 : vector<1024x1024xi32>
    %jit3A_210 = arith.constant 0xFF800000 : f32
    %broadcast_in_dim3A_211 = vector.broadcast %jit3A_210 : f32 to vector<1024x1024xf32>
    %select_n3A_212 = arith.select %eq3A_209, %broadcast_in_dim3A_211, %get3A_196 : vector<1024x1024xi1>, vector<1024x1024xf32>
    %swap3A_213 = arith.constant 0 : index
    %swap3A_214 = arith.constant 0 : index
    %swap3A_215 = vector.load %arg4[%swap3A_213, %swap3A_214] : memref<1024x1024xf32, #tpu.memory_space<vmem>>, vector<1024x1024xf32>
    tpu.vector_store %arg4[%swap3A_213, %swap3A_214], %select_n3A_212 {strides = array<i32>} : memref<1024x1024xf32, #tpu.memory_space<vmem>>, vector<1024x1024xf32>,
    %get3A_216 = arith.constant 0 : index
    %get3A_217 = arith.constant 0 : index
    %get3A_218 = vector.load %arg4[%get3A_216, %get3A_217] : memref<1024x1024xf32, #tpu.memory_space<vmem>>, vector<1024x1024xf32>
    %reduce_max3A_219 = arith.constant dense<0xFF800000> : vector<1024xf32>
    %reduce_max3A_220 = vector.multi_reduction <maximumf>, %get3A_218, %reduce_max3A_219 [1] : vector<1024x1024xf32> to vector<1024xf32>
    %broadcast_in_dim3A_221 = vector.shape_cast %reduce_max3A_220 : vector<1024xf32> to vector<1024x1xf32>
    %eq3A_222 = vector.broadcast %broadcast_in_dim3A_221 : vector<1024x1xf32> to vector<1024x1024xf32>
    %eq3A_223 = arith.cmpf oeq, %get3A_218, %eq3A_222 : vector<1024x1024xf32>
    %jit3A_224 = arith.constant 1024 : i32
    %broadcast_in_dim3A_225 = vector.broadcast %jit3A_224 : i32 to vector<1024x1024xi32>
    %select_n3A_226 = arith.select %eq3A_223, %iota3A, %broadcast_in_dim3A_225 : vector<1024x1024xi1>, vector<1024x1024xi32>
    %reduce_min3A_227 = arith.constant dense<2147483647> : vector<1024xi32>
    %reduce_min3A_228 = vector.multi_reduction <minsi>, %select_n3A_226, %reduce_min3A_227 [1] : vector<1024x1024xi32> to vector<1024xi32>
    %broadcast_in_dim3A_229 = vector.shape_cast %reduce_min3A_228 : vector<1024xi32> to vector<1024x1xi32>
    %eq3A_230 = vector.broadcast %broadcast_in_dim3A_229 : vector<1024x1xi32> to vector<1024x1024xi32>
    %eq3A_231 = arith.cmpi eq, %iota3A, %eq3A_230 : vector<1024x1024xi32>
    %jit3A_232 = arith.constant 0xFF800000 : f32
    %broadcast_in_dim3A_233 = vector.broadcast %jit3A_232 : f32 to vector<1024x1024xf32>
    %select_n3A_234 = arith.select %eq3A_231, %broadcast_in_dim3A_233, %get3A_218 : vector<1024x1024xi1>, vector<1024x1024xf32>
    %swap3A_235 = arith.constant 0 : index
    %swap3A_236 = arith.constant 0 : index
    %swap3A_237 = vector.load %arg4[%swap3A_235, %swap3A_236] : memref<1024x1024xf32, #tpu.memory_space<vmem>>, vector<1024x1024xf32>
    tpu.vector_store %arg4[%swap3A_235, %swap3A_236], %select_n3A_234 {strides = array<i32>} : memref<1024x1024xf32, #tpu.memory_space<vmem>>, vector<1024x1024xf32>,
    %get3A_238 = arith.constant 0 : index
    %get3A_239 = arith.constant 0 : index
    %get3A_240 = vector.load %arg4[%get3A_238, %get3A_239] : memref<1024x1024xf32, #tpu.memory_space<vmem>>, vector<1024x1024xf32>
    %reduce_max3A_241 = arith.constant dense<0xFF800000> : vector<1024xf32>
    %reduce_max3A_242 = vector.multi_reduction <maximumf>, %get3A_240, %reduce_max3A_241 [1] : vector<1024x1024xf32> to vector<1024xf32>
    %broadcast_in_dim3A_243 = vector.shape_cast %reduce_max3A_242 : vector<1024xf32> to vector<1024x1xf32>
    %eq3A_244 = vector.broadcast %broadcast_in_dim3A_243 : vector<1024x1xf32> to vector<1024x1024xf32>
    %eq3A_245 = arith.cmpf oeq, %get3A_240, %eq3A_244 : vector<1024x1024xf32>
    %jit3A_246 = arith.constant 1024 : i32
    %broadcast_in_dim3A_247 = vector.broadcast %jit3A_246 : i32 to vector<1024x1024xi32>
    %select_n3A_248 = arith.select %eq3A_245, %iota3A, %broadcast_in_dim3A_247 : vector<1024x1024xi1>, vector<1024x1024xi32>
    %reduce_min3A_249 = arith.constant dense<2147483647> : vector<1024xi32>
    %reduce_min3A_250 = vector.multi_reduction <minsi>, %select_n3A_248, %reduce_min3A_249 [1] : vector<1024x1024xi32> to vector<1024xi32>
    %broadcast_in_dim3A_251 = vector.shape_cast %reduce_min3A_250 : vector<1024xi32> to vector<1024x1xi32>
    %eq3A_252 = vector.broadcast %broadcast_in_dim3A_251 : vector<1024x1xi32> to vector<1024x1024xi32>
    %eq3A_253 = arith.cmpi eq, %iota3A, %eq3A_252 : vector<1024x1024xi32>
    %jit3A_254 = arith.constant 0xFF800000 : f32
    %broadcast_in_dim3A_255 = vector.broadcast %jit3A_254 : f32 to vector<1024x1024xf32>
    %select_n3A_256 = arith.select %eq3A_253, %broadcast_in_dim3A_255, %get3A_240 : vector<1024x1024xi1>, vector<1024x1024xf32>
    %swap3A_257 = arith.constant 0 : index
    %swap3A_258 = arith.constant 0 : index
    %swap3A_259 = vector.load %arg4[%swap3A_257, %swap3A_258] : memref<1024x1024xf32, #tpu.memory_space<vmem>>, vector<1024x1024xf32>
    tpu.vector_store %arg4[%swap3A_257, %swap3A_258], %select_n3A_256 {strides = array<i32>} : memref<1024x1024xf32, #tpu.memory_space<vmem>>, vector<1024x1024xf32>,
    %get3A_260 = arith.constant 0 : index
    %get3A_261 = arith.constant 0 : index
    %get3A_262 = vector.load %arg4[%get3A_260, %get3A_261] : memref<1024x1024xf32, #tpu.memory_space<vmem>>, vector<1024x1024xf32>
    %reduce_max3A_263 = arith.constant dense<0xFF800000> : vector<1024xf32>
    %reduce_max3A_264 = vector.multi_reduction <maximumf>, %get3A_262, %reduce_max3A_263 [1] : vector<1024x1024xf32> to vector<1024xf32>
    %broadcast_in_dim3A_265 = vector.shape_cast %reduce_max3A_264 : vector<1024xf32> to vector<1024x1xf32>
    %eq3A_266 = vector.broadcast %broadcast_in_dim3A_265 : vector<1024x1xf32> to vector<1024x1024xf32>
    %eq3A_267 = arith.cmpf oeq, %get3A_262, %eq3A_266 : vector<1024x1024xf32>
    %jit3A_268 = arith.constant 1024 : i32
    %broadcast_in_dim3A_269 = vector.broadcast %jit3A_268 : i32 to vector<1024x1024xi32>
    %select_n3A_270 = arith.select %eq3A_267, %iota3A, %broadcast_in_dim3A_269 : vector<1024x1024xi1>, vector<1024x1024xi32>
    %reduce_min3A_271 = arith.constant dense<2147483647> : vector<1024xi32>
    %reduce_min3A_272 = vector.multi_reduction <minsi>, %select_n3A_270, %reduce_min3A_271 [1] : vector<1024x1024xi32> to vector<1024xi32>
    %broadcast_in_dim3A_273 = vector.shape_cast %reduce_min3A_272 : vector<1024xi32> to vector<1024x1xi32>
    %eq3A_274 = vector.broadcast %broadcast_in_dim3A_273 : vector<1024x1xi32> to vector<1024x1024xi32>
    %eq3A_275 = arith.cmpi eq, %iota3A, %eq3A_274 : vector<1024x1024xi32>
    %jit3A_276 = arith.constant 0xFF800000 : f32
    %broadcast_in_dim3A_277 = vector.broadcast %jit3A_276 : f32 to vector<1024x1024xf32>
    %select_n3A_278 = arith.select %eq3A_275, %broadcast_in_dim3A_277, %get3A_262 : vector<1024x1024xi1>, vector<1024x1024xf32>
    %swap3A_279 = arith.constant 0 : index
    %swap3A_280 = arith.constant 0 : index
    %swap3A_281 = vector.load %arg4[%swap3A_279, %swap3A_280] : memref<1024x1024xf32, #tpu.memory_space<vmem>>, vector<1024x1024xf32>
    tpu.vector_store %arg4[%swap3A_279, %swap3A_280], %select_n3A_278 {strides = array<i32>} : memref<1024x1024xf32, #tpu.memory_space<vmem>>, vector<1024x1024xf32>,
    %get3A_282 = arith.constant 0 : index
    %get3A_283 = arith.constant 0 : index
    %get3A_284 = vector.load %arg4[%get3A_282, %get3A_283] : memref<1024x1024xf32, #tpu.memory_space<vmem>>, vector<1024x1024xf32>
    %reduce_max3A_285 = arith.constant dense<0xFF800000> : vector<1024xf32>
    %reduce_max3A_286 = vector.multi_reduction <maximumf>, %get3A_284, %reduce_max3A_285 [1] : vector<1024x1024xf32> to vector<1024xf32>
    %broadcast_in_dim3A_287 = vector.shape_cast %reduce_max3A_286 : vector<1024xf32> to vector<1024x1xf32>
    %eq3A_288 = vector.broadcast %broadcast_in_dim3A_287 : vector<1024x1xf32> to vector<1024x1024xf32>
    %eq3A_289 = arith.cmpf oeq, %get3A_284, %eq3A_288 : vector<1024x1024xf32>
    %jit3A_290 = arith.constant 1024 : i32
    %broadcast_in_dim3A_291 = vector.broadcast %jit3A_290 : i32 to vector<1024x1024xi32>
    %select_n3A_292 = arith.select %eq3A_289, %iota3A, %broadcast_in_dim3A_291 : vector<1024x1024xi1>, vector<1024x1024xi32>
    %reduce_min3A_293 = arith.constant dense<2147483647> : vector<1024xi32>
    %reduce_min3A_294 = vector.multi_reduction <minsi>, %select_n3A_292, %reduce_min3A_293 [1] : vector<1024x1024xi32> to vector<1024xi32>
    %broadcast_in_dim3A_295 = vector.shape_cast %reduce_min3A_294 : vector<1024xi32> to vector<1024x1xi32>
    %eq3A_296 = vector.broadcast %broadcast_in_dim3A_295 : vector<1024x1xi32> to vector<1024x1024xi32>
    %eq3A_297 = arith.cmpi eq, %iota3A, %eq3A_296 : vector<1024x1024xi32>
    %jit3A_298 = arith.constant 0xFF800000 : f32
    %broadcast_in_dim3A_299 = vector.broadcast %jit3A_298 : f32 to vector<1024x1024xf32>
    %select_n3A_300 = arith.select %eq3A_297, %broadcast_in_dim3A_299, %get3A_284 : vector<1024x1024xi1>, vector<1024x1024xf32>
    %swap3A_301 = arith.constant 0 : index
    %swap3A_302 = arith.constant 0 : index
    %swap3A_303 = vector.load %arg4[%swap3A_301, %swap3A_302] : memref<1024x1024xf32, #tpu.memory_space<vmem>>, vector<1024x1024xf32>
    tpu.vector_store %arg4[%swap3A_301, %swap3A_302], %select_n3A_300 {strides = array<i32>} : memref<1024x1024xf32, #tpu.memory_space<vmem>>, vector<1024x1024xf32>,
    %get3A_304 = arith.constant 0 : index
    %get3A_305 = arith.constant 0 : index
    %get3A_306 = vector.load %arg4[%get3A_304, %get3A_305] : memref<1024x1024xf32, #tpu.memory_space<vmem>>, vector<1024x1024xf32>
    %reduce_max3A_307 = arith.constant dense<0xFF800000> : vector<1024xf32>
    %reduce_max3A_308 = vector.multi_reduction <maximumf>, %get3A_306, %reduce_max3A_307 [1] : vector<1024x1024xf32> to vector<1024xf32>
    %broadcast_in_dim3A_309 = vector.shape_cast %reduce_max3A_308 : vector<1024xf32> to vector<1024x1xf32>
    %eq3A_310 = vector.broadcast %broadcast_in_dim3A_309 : vector<1024x1xf32> to vector<1024x1024xf32>
    %eq3A_311 = arith.cmpf oeq, %get3A_306, %eq3A_310 : vector<1024x1024xf32>
    %jit3A_312 = arith.constant 1024 : i32
    %broadcast_in_dim3A_313 = vector.broadcast %jit3A_312 : i32 to vector<1024x1024xi32>
    %select_n3A_314 = arith.select %eq3A_311, %iota3A, %broadcast_in_dim3A_313 : vector<1024x1024xi1>, vector<1024x1024xi32>
    %reduce_min3A_315 = arith.constant dense<2147483647> : vector<1024xi32>
    %reduce_min3A_316 = vector.multi_reduction <minsi>, %select_n3A_314, %reduce_min3A_315 [1] : vector<1024x1024xi32> to vector<1024xi32>
    %broadcast_in_dim3A_317 = vector.shape_cast %reduce_min3A_316 : vector<1024xi32> to vector<1024x1xi32>
    %eq3A_318 = vector.broadcast %broadcast_in_dim3A_317 : vector<1024x1xi32> to vector<1024x1024xi32>
    %eq3A_319 = arith.cmpi eq, %iota3A, %eq3A_318 : vector<1024x1024xi32>
    %jit3A_320 = arith.constant 0xFF800000 : f32
    %broadcast_in_dim3A_321 = vector.broadcast %jit3A_320 : f32 to vector<1024x1024xf32>
    %select_n3A_322 = arith.select %eq3A_319, %broadcast_in_dim3A_321, %get3A_306 : vector<1024x1024xi1>, vector<1024x1024xf32>
    %swap3A_323 = arith.constant 0 : index
    %swap3A_324 = arith.constant 0 : index
    %swap3A_325 = vector.load %arg4[%swap3A_323, %swap3A_324] : memref<1024x1024xf32, #tpu.memory_space<vmem>>, vector<1024x1024xf32>
    tpu.vector_store %arg4[%swap3A_323, %swap3A_324], %select_n3A_322 {strides = array<i32>} : memref<1024x1024xf32, #tpu.memory_space<vmem>>, vector<1024x1024xf32>,
    %get3A_326 = arith.constant 0 : index
    %get3A_327 = arith.constant 0 : index
    %get3A_328 = vector.load %arg4[%get3A_326, %get3A_327] : memref<1024x1024xf32, #tpu.memory_space<vmem>>, vector<1024x1024xf32>
    %reduce_max3A_329 = arith.constant dense<0xFF800000> : vector<1024xf32>
    %reduce_max3A_330 = vector.multi_reduction <maximumf>, %get3A_328, %reduce_max3A_329 [1] : vector<1024x1024xf32> to vector<1024xf32>
    %broadcast_in_dim3A_331 = vector.shape_cast %reduce_max3A_330 : vector<1024xf32> to vector<1024x1xf32>
    %eq3A_332 = vector.broadcast %broadcast_in_dim3A_331 : vector<1024x1xf32> to vector<1024x1024xf32>
    %eq3A_333 = arith.cmpf oeq, %get3A_328, %eq3A_332 : vector<1024x1024xf32>
    %jit3A_334 = arith.constant 1024 : i32
    %broadcast_in_dim3A_335 = vector.broadcast %jit3A_334 : i32 to vector<1024x1024xi32>
    %select_n3A_336 = arith.select %eq3A_333, %iota3A, %broadcast_in_dim3A_335 : vector<1024x1024xi1>, vector<1024x1024xi32>
    %reduce_min3A_337 = arith.constant dense<2147483647> : vector<1024xi32>
    %reduce_min3A_338 = vector.multi_reduction <minsi>, %select_n3A_336, %reduce_min3A_337 [1] : vector<1024x1024xi32> to vector<1024xi32>
    %broadcast_in_dim3A_339 = vector.shape_cast %reduce_min3A_338 : vector<1024xi32> to vector<1024x1xi32>
    %eq3A_340 = vector.broadcast %broadcast_in_dim3A_339 : vector<1024x1xi32> to vector<1024x1024xi32>
    %eq3A_341 = arith.cmpi eq, %iota3A, %eq3A_340 : vector<1024x1024xi32>
    %jit3A_342 = arith.constant 0xFF800000 : f32
    %broadcast_in_dim3A_343 = vector.broadcast %jit3A_342 : f32 to vector<1024x1024xf32>
    %select_n3A_344 = arith.select %eq3A_341, %broadcast_in_dim3A_343, %get3A_328 : vector<1024x1024xi1>, vector<1024x1024xf32>
    %swap3A_345 = arith.constant 0 : index
    %swap3A_346 = arith.constant 0 : index
    %swap3A_347 = vector.load %arg4[%swap3A_345, %swap3A_346] : memref<1024x1024xf32, #tpu.memory_space<vmem>>, vector<1024x1024xf32>
    tpu.vector_store %arg4[%swap3A_345, %swap3A_346], %select_n3A_344 {strides = array<i32>} : memref<1024x1024xf32, #tpu.memory_space<vmem>>, vector<1024x1024xf32>,
    %get3A_348 = arith.constant 0 : index
    %get3A_349 = arith.constant 0 : index
    %get3A_350 = vector.load %arg4[%get3A_348, %get3A_349] : memref<1024x1024xf32, #tpu.memory_space<vmem>>, vector<1024x1024xf32>
    %reduce_max3A_351 = arith.constant dense<0xFF800000> : vector<1024xf32>
    %reduce_max3A_352 = vector.multi_reduction <maximumf>, %get3A_350, %reduce_max3A_351 [1] : vector<1024x1024xf32> to vector<1024xf32>
    %broadcast_in_dim3A_353 = vector.shape_cast %reduce_max3A_352 : vector<1024xf32> to vector<1024x1xf32>
    %eq3A_354 = vector.broadcast %broadcast_in_dim3A_353 : vector<1024x1xf32> to vector<1024x1024xf32>
    %eq3A_355 = arith.cmpf oeq, %get3A_350, %eq3A_354 : vector<1024x1024xf32>
    %jit3A_356 = arith.constant 1024 : i32
    %broadcast_in_dim3A_357 = vector.broadcast %jit3A_356 : i32 to vector<1024x1024xi32>
    %select_n3A_358 = arith.select %eq3A_355, %iota3A, %broadcast_in_dim3A_357 : vector<1024x1024xi1>, vector<1024x1024xi32>
    %reduce_min3A_359 = arith.constant dense<2147483647> : vector<1024xi32>
    %reduce_min3A_360 = vector.multi_reduction <minsi>, %select_n3A_358, %reduce_min3A_359 [1] : vector<1024x1024xi32> to vector<1024xi32>
    %broadcast_in_dim3A_361 = vector.shape_cast %reduce_min3A_360 : vector<1024xi32> to vector<1024x1xi32>
    %eq3A_362 = vector.broadcast %broadcast_in_dim3A_361 : vector<1024x1xi32> to vector<1024x1024xi32>
    %eq3A_363 = arith.cmpi eq, %iota3A, %eq3A_362 : vector<1024x1024xi32>
    %jit3A_364 = arith.constant 0xFF800000 : f32
    %broadcast_in_dim3A_365 = vector.broadcast %jit3A_364 : f32 to vector<1024x1024xf32>
    %select_n3A_366 = arith.select %eq3A_363, %broadcast_in_dim3A_365, %get3A_350 : vector<1024x1024xi1>, vector<1024x1024xf32>
    %swap3A_367 = arith.constant 0 : index
    %swap3A_368 = arith.constant 0 : index
    %swap3A_369 = vector.load %arg4[%swap3A_367, %swap3A_368] : memref<1024x1024xf32, #tpu.memory_space<vmem>>, vector<1024x1024xf32>
    tpu.vector_store %arg4[%swap3A_367, %swap3A_368], %select_n3A_366 {strides = array<i32>} : memref<1024x1024xf32, #tpu.memory_space<vmem>>, vector<1024x1024xf32>,
    %get3A_370 = arith.constant 0 : index
    %get3A_371 = arith.constant 0 : index
    %get3A_372 = vector.load %arg4[%get3A_370, %get3A_371] : memref<1024x1024xf32, #tpu.memory_space<vmem>>, vector<1024x1024xf32>
    %reduce_max3A_373 = arith.constant dense<0xFF800000> : vector<1024xf32>
    %reduce_max3A_374 = vector.multi_reduction <maximumf>, %get3A_372, %reduce_max3A_373 [1] : vector<1024x1024xf32> to vector<1024xf32>
    %broadcast_in_dim3A_375 = vector.shape_cast %reduce_max3A_374 : vector<1024xf32> to vector<1024x1xf32>
    %eq3A_376 = vector.broadcast %broadcast_in_dim3A_375 : vector<1024x1xf32> to vector<1024x1024xf32>
    %eq3A_377 = arith.cmpf oeq, %get3A_372, %eq3A_376 : vector<1024x1024xf32>
    %jit3A_378 = arith.constant 1024 : i32
    %broadcast_in_dim3A_379 = vector.broadcast %jit3A_378 : i32 to vector<1024x1024xi32>
    %select_n3A_380 = arith.select %eq3A_377, %iota3A, %broadcast_in_dim3A_379 : vector<1024x1024xi1>, vector<1024x1024xi32>
    %reduce_min3A_381 = arith.constant dense<2147483647> : vector<1024xi32>
    %reduce_min3A_382 = vector.multi_reduction <minsi>, %select_n3A_380, %reduce_min3A_381 [1] : vector<1024x1024xi32> to vector<1024xi32>
    %broadcast_in_dim3A_383 = vector.shape_cast %reduce_min3A_382 : vector<1024xi32> to vector<1024x1xi32>
    %eq3A_384 = vector.broadcast %broadcast_in_dim3A_383 : vector<1024x1xi32> to vector<1024x1024xi32>
    %eq3A_385 = arith.cmpi eq, %iota3A, %eq3A_384 : vector<1024x1024xi32>
    %jit3A_386 = arith.constant 0xFF800000 : f32
    %broadcast_in_dim3A_387 = vector.broadcast %jit3A_386 : f32 to vector<1024x1024xf32>
    %select_n3A_388 = arith.select %eq3A_385, %broadcast_in_dim3A_387, %get3A_372 : vector<1024x1024xi1>, vector<1024x1024xf32>
    %swap3A_389 = arith.constant 0 : index
    %swap3A_390 = arith.constant 0 : index
    %swap3A_391 = vector.load %arg4[%swap3A_389, %swap3A_390] : memref<1024x1024xf32, #tpu.memory_space<vmem>>, vector<1024x1024xf32>
    tpu.vector_store %arg4[%swap3A_389, %swap3A_390], %select_n3A_388 {strides = array<i32>} : memref<1024x1024xf32, #tpu.memory_space<vmem>>, vector<1024x1024xf32>,
    %get3A_392 = arith.constant 0 : index
    %get3A_393 = arith.constant 0 : index
    %get3A_394 = vector.load %arg4[%get3A_392, %get3A_393] : memref<1024x1024xf32, #tpu.memory_space<vmem>>, vector<1024x1024xf32>
    %reduce_max3A_395 = arith.constant dense<0xFF800000> : vector<1024xf32>
    %reduce_max3A_396 = vector.multi_reduction <maximumf>, %get3A_394, %reduce_max3A_395 [1] : vector<1024x1024xf32> to vector<1024xf32>
    %broadcast_in_dim3A_397 = vector.shape_cast %reduce_max3A_396 : vector<1024xf32> to vector<1024x1xf32>
    %eq3A_398 = vector.broadcast %broadcast_in_dim3A_397 : vector<1024x1xf32> to vector<1024x1024xf32>
    %eq3A_399 = arith.cmpf oeq, %get3A_394, %eq3A_398 : vector<1024x1024xf32>
    %jit3A_400 = arith.constant 1024 : i32
    %broadcast_in_dim3A_401 = vector.broadcast %jit3A_400 : i32 to vector<1024x1024xi32>
    %select_n3A_402 = arith.select %eq3A_399, %iota3A, %broadcast_in_dim3A_401 : vector<1024x1024xi1>, vector<1024x1024xi32>
    %reduce_min3A_403 = arith.constant dense<2147483647> : vector<1024xi32>
    %reduce_min3A_404 = vector.multi_reduction <minsi>, %select_n3A_402, %reduce_min3A_403 [1] : vector<1024x1024xi32> to vector<1024xi32>
    %broadcast_in_dim3A_405 = vector.shape_cast %reduce_min3A_404 : vector<1024xi32> to vector<1024x1xi32>
    %eq3A_406 = vector.broadcast %broadcast_in_dim3A_405 : vector<1024x1xi32> to vector<1024x1024xi32>
    %eq3A_407 = arith.cmpi eq, %iota3A, %eq3A_406 : vector<1024x1024xi32>
    %jit3A_408 = arith.constant 0xFF800000 : f32
    %broadcast_in_dim3A_409 = vector.broadcast %jit3A_408 : f32 to vector<1024x1024xf32>
    %select_n3A_410 = arith.select %eq3A_407, %broadcast_in_dim3A_409, %get3A_394 : vector<1024x1024xi1>, vector<1024x1024xf32>
    %swap3A_411 = arith.constant 0 : index
    %swap3A_412 = arith.constant 0 : index
    %swap3A_413 = vector.load %arg4[%swap3A_411, %swap3A_412] : memref<1024x1024xf32, #tpu.memory_space<vmem>>, vector<1024x1024xf32>
    tpu.vector_store %arg4[%swap3A_411, %swap3A_412], %select_n3A_410 {strides = array<i32>} : memref<1024x1024xf32, #tpu.memory_space<vmem>>, vector<1024x1024xf32>,
    %get3A_414 = arith.constant 0 : index
    %get3A_415 = arith.constant 0 : index
    %get3A_416 = vector.load %arg4[%get3A_414, %get3A_415] : memref<1024x1024xf32, #tpu.memory_space<vmem>>, vector<1024x1024xf32>
    %reduce_max3A_417 = arith.constant dense<0xFF800000> : vector<1024xf32>
    %reduce_max3A_418 = vector.multi_reduction <maximumf>, %get3A_416, %reduce_max3A_417 [1] : vector<1024x1024xf32> to vector<1024xf32>
    %broadcast_in_dim3A_419 = vector.shape_cast %reduce_max3A_418 : vector<1024xf32> to vector<1024x1xf32>
    %eq3A_420 = vector.broadcast %broadcast_in_dim3A_419 : vector<1024x1xf32> to vector<1024x1024xf32>
    %eq3A_421 = arith.cmpf oeq, %get3A_416, %eq3A_420 : vector<1024x1024xf32>
    %jit3A_422 = arith.constant 1024 : i32
    %broadcast_in_dim3A_423 = vector.broadcast %jit3A_422 : i32 to vector<1024x1024xi32>
    %select_n3A_424 = arith.select %eq3A_421, %iota3A, %broadcast_in_dim3A_423 : vector<1024x1024xi1>, vector<1024x1024xi32>
    %reduce_min3A_425 = arith.constant dense<2147483647> : vector<1024xi32>
    %reduce_min3A_426 = vector.multi_reduction <minsi>, %select_n3A_424, %reduce_min3A_425 [1] : vector<1024x1024xi32> to vector<1024xi32>
    %broadcast_in_dim3A_427 = vector.shape_cast %reduce_min3A_426 : vector<1024xi32> to vector<1024x1xi32>
    %eq3A_428 = vector.broadcast %broadcast_in_dim3A_427 : vector<1024x1xi32> to vector<1024x1024xi32>
    %eq3A_429 = arith.cmpi eq, %iota3A, %eq3A_428 : vector<1024x1024xi32>
    %jit3A_430 = arith.constant 0xFF800000 : f32
    %broadcast_in_dim3A_431 = vector.broadcast %jit3A_430 : f32 to vector<1024x1024xf32>
    %select_n3A_432 = arith.select %eq3A_429, %broadcast_in_dim3A_431, %get3A_416 : vector<1024x1024xi1>, vector<1024x1024xf32>
    %swap3A_433 = arith.constant 0 : index
    %swap3A_434 = arith.constant 0 : index
    %swap3A_435 = vector.load %arg4[%swap3A_433, %swap3A_434] : memref<1024x1024xf32, #tpu.memory_space<vmem>>, vector<1024x1024xf32>
    tpu.vector_store %arg4[%swap3A_433, %swap3A_434], %select_n3A_432 {strides = array<i32>} : memref<1024x1024xf32, #tpu.memory_space<vmem>>, vector<1024x1024xf32>,
    %get3A_436 = arith.constant 0 : index
    %get3A_437 = arith.constant 0 : index
    %get3A_438 = vector.load %arg4[%get3A_436, %get3A_437] : memref<1024x1024xf32, #tpu.memory_space<vmem>>, vector<1024x1024xf32>
    %reduce_max3A_439 = arith.constant dense<0xFF800000> : vector<1024xf32>
    %reduce_max3A_440 = vector.multi_reduction <maximumf>, %get3A_438, %reduce_max3A_439 [1] : vector<1024x1024xf32> to vector<1024xf32>
    %broadcast_in_dim3A_441 = vector.shape_cast %reduce_max3A_440 : vector<1024xf32> to vector<1024x1xf32>
    %eq3A_442 = vector.broadcast %broadcast_in_dim3A_441 : vector<1024x1xf32> to vector<1024x1024xf32>
    %eq3A_443 = arith.cmpf oeq, %get3A_438, %eq3A_442 : vector<1024x1024xf32>
    %jit3A_444 = arith.constant 1024 : i32
    %broadcast_in_dim3A_445 = vector.broadcast %jit3A_444 : i32 to vector<1024x1024xi32>
    %select_n3A_446 = arith.select %eq3A_443, %iota3A, %broadcast_in_dim3A_445 : vector<1024x1024xi1>, vector<1024x1024xi32>
    %reduce_min3A_447 = arith.constant dense<2147483647> : vector<1024xi32>
    %reduce_min3A_448 = vector.multi_reduction <minsi>, %select_n3A_446, %reduce_min3A_447 [1] : vector<1024x1024xi32> to vector<1024xi32>
    %broadcast_in_dim3A_449 = vector.shape_cast %reduce_min3A_448 : vector<1024xi32> to vector<1024x1xi32>
    %eq3A_450 = vector.broadcast %broadcast_in_dim3A_449 : vector<1024x1xi32> to vector<1024x1024xi32>
    %eq3A_451 = arith.cmpi eq, %iota3A, %eq3A_450 : vector<1024x1024xi32>
    %jit3A_452 = arith.constant 0xFF800000 : f32
    %broadcast_in_dim3A_453 = vector.broadcast %jit3A_452 : f32 to vector<1024x1024xf32>
    %select_n3A_454 = arith.select %eq3A_451, %broadcast_in_dim3A_453, %get3A_438 : vector<1024x1024xi1>, vector<1024x1024xf32>
    %swap3A_455 = arith.constant 0 : index
    %swap3A_456 = arith.constant 0 : index
    %swap3A_457 = vector.load %arg4[%swap3A_455, %swap3A_456] : memref<1024x1024xf32, #tpu.memory_space<vmem>>, vector<1024x1024xf32>
    tpu.vector_store %arg4[%swap3A_455, %swap3A_456], %select_n3A_454 {strides = array<i32>} : memref<1024x1024xf32, #tpu.memory_space<vmem>>, vector<1024x1024xf32>,
    %stack3A = vector.shape_cast %reduce_min3A_30 : vector<1024xi32> to vector<1024x1xi32>
    %stack3A_458 = vector.shape_cast %reduce_min3A_52 : vector<1024xi32> to vector<1024x1xi32>
    %stack3A_459 = vector.shape_cast %reduce_min3A_74 : vector<1024xi32> to vector<1024x1xi32>
    %stack3A_460 = vector.shape_cast %reduce_min3A_96 : vector<1024xi32> to vector<1024x1xi32>
    %stack3A_461 = vector.shape_cast %reduce_min3A_118 : vector<1024xi32> to vector<1024x1xi32>
    %stack3A_462 = vector.shape_cast %reduce_min3A_140 : vector<1024xi32> to vector<1024x1xi32>
    %stack3A_463 = vector.shape_cast %reduce_min3A_162 : vector<1024xi32> to vector<1024x1xi32>
    %stack3A_464 = vector.shape_cast %reduce_min3A_184 : vector<1024xi32> to vector<1024x1xi32>
    %stack3A_465 = vector.shape_cast %reduce_min3A_206 : vector<1024xi32> to vector<1024x1xi32>
    %stack3A_466 = vector.shape_cast %reduce_min3A_228 : vector<1024xi32> to vector<1024x1xi32>
    %stack3A_467 = vector.shape_cast %reduce_min3A_250 : vector<1024xi32> to vector<1024x1xi32>
    %stack3A_468 = vector.shape_cast %reduce_min3A_272 : vector<1024xi32> to vector<1024x1xi32>
    %stack3A_469 = vector.shape_cast %reduce_min3A_294 : vector<1024xi32> to vector<1024x1xi32>
    %stack3A_470 = vector.shape_cast %reduce_min3A_316 : vector<1024xi32> to vector<1024x1xi32>
    %stack3A_471 = vector.shape_cast %reduce_min3A_338 : vector<1024xi32> to vector<1024x1xi32>
    %stack3A_472 = vector.shape_cast %reduce_min3A_360 : vector<1024xi32> to vector<1024x1xi32>
    %stack3A_473 = vector.shape_cast %reduce_min3A_382 : vector<1024xi32> to vector<1024x1xi32>
    %stack3A_474 = vector.shape_cast %reduce_min3A_404 : vector<1024xi32> to vector<1024x1xi32>
    %stack3A_475 = vector.shape_cast %reduce_min3A_426 : vector<1024xi32> to vector<1024x1xi32>
    %stack3A_476 = vector.shape_cast %reduce_min3A_448 : vector<1024xi32> to vector<1024x1xi32>
    %stack3A_477 = tpu.concatenate %stack3A, %stack3A_458, %stack3A_459, %stack3A_460, %stack3A_461, %stack3A_462, %stack3A_463, %stack3A_464, %stack3A_465, %stack3A_466, %stack3A_467, %stack3A_468, %stack3A_469, %stack3A_470, %stack3A_471, %stack3A_472, %stack3A_473, %stack3A_474, %stack3A_475, %stack3A_476 in 1 : vector<1024x1xi32>, vector<1024x1xi32>, vector<1024x1xi32>, vector<1024x1xi32>, vector<1024x1xi32>, vector<1024x1xi32>, vector<1024x1xi32>, vector<1024x1xi32>, vector<1024x1xi32>, vector<1024x1xi32>, vector<1024x1xi32>, vector<1024x1xi32>, vector<1024x1xi32>, vector<1024x1xi32>, vector<1024x1xi32>, vector<1024x1xi32>, vector<1024x1xi32>, vector<1024x1xi32>, vector<1024x1xi32>, vector<1024x1xi32> -> vector<1024x20xi32>
    %mul3A_478 = arith.constant 1024 : i32
    %mul3A_479 = arith.muli %arg0, %mul3A_478 : i32
    %add3A = vector.broadcast %mul3A_479 : i32 to vector<1024x20xi32>
    %add3A_480 = arith.addi %stack3A_477, %add3A : vector<1024x20xi32>
    %swap3A_481 = arith.constant 0 : index
    %swap3A_482 = arith.constant 0 : index
    %swap3A_483 = arith.constant 0 : index
    %swap3A_484 = vector.load %arg2[%swap3A_481, %swap3A_482, %swap3A_483] : memref<1x1024x20xi32, #tpu.memory_space<vmem>>, vector<1x1024x20xi32>
    %swap3A_485 = vector.shape_cast %swap3A_484 : vector<1x1024x20xi32> to vector<1024x20xi32>
    %swap3A_486 = vector.shape_cast %add3A_480 : vector<1024x20xi32> to vector<1x1024x20xi32>
    tpu.vector_store %arg2[%swap3A_481, %swap3A_482, %swap3A_483], %swap3A_486 {strides = array<i32>} : memref<1x1024x20xi32, #tpu.memory_space<vmem>>, vector<1x1024x20xi32>,
    return
  }
  func.func @transform_0(%arg0: i32) -> (i32, i32, i32) {
    %c0_i32 = arith.constant 0 : i32
    %c0_i32_0 = arith.constant 0 : i32
    %c0_i32_1 = arith.constant 0 : i32
    return %arg0, %c0_i32, %c0_i32_0 : i32, i32, i32
  }
  func.func @transform_1(%arg0: i32) -> (i32, i32, i32) {
    %c0_i32 = arith.constant 0 : i32
    %c0_i32_0 = arith.constant 0 : i32
    %c0_i32_1 = arith.constant 0 : i32
    return %arg0, %c0_i32, %c0_i32_0 : i32, i32, i32
  }
  func.func @transform_2(%arg0: i32) -> (i32, i32, i32) {
    %c0_i32 = arith.constant 0 : i32
    %c0_i32_0 = arith.constant 0 : i32
    %c0_i32_1 = arith.constant 0 : i32
    return %arg0, %c0_i32, %c0_i32_0 : i32, i32, i32
  }
}

module attributes {stable_mosaic.version = 14 : i64} {
  func.func @_k3_body(%arg0: i32, %arg1: i32, %arg2: memref<1x2560x128xf32, #tpu.memory_space<vmem>>, %arg3: memref<1x128x128xf32, #tpu.memory_space<vmem>>, %arg4: memref<64x6xf32, #tpu.memory_space<vmem>>, %arg5: memref<1x128x64xf32, #tpu.memory_space<vmem>>, %arg6: memref<1x2560x64xf32, #tpu.memory_space<vmem>>) attributes {dimension_semantics = [#tpu.dimension_semantics<arbitrary>, #tpu.dimension_semantics<arbitrary>], iteration_bounds = array<i64: 8, 8>, scalar_prefetch = 0 : i64, scratch_operands = 0 : i64, tpu.core_type = #tpu.core_type<tc>, window_params = [{transform_indices = @transform_0, window_bounds = array<i64: 1, 2560, 128>}, {transform_indices = @transform_1, window_bounds = array<i64: 1, 128, 128>}, {pipeline_mode = #tpu.pipeline_mode<synchronous>, transform_indices = @transform_2, window_bounds = array<i64: 64, 6>}, {transform_indices = @transform_3, window_bounds = array<i64: 1, 128, 64>}, {transform_indices = @transform_4, window_bounds = array<i64: 1, 2560, 64>}]} {
    %get3A = arith.constant 0 : index
    %get3A_0 = arith.constant 0 : index
    %get3A_1 = arith.constant 0 : index
    %get3A_2 = vector.load %arg2[%get3A, %get3A_0, %get3A_1] : memref<1x2560x128xf32, #tpu.memory_space<vmem>>, vector<1x2560x128xf32>
    %get3A_3 = vector.shape_cast %get3A_2 : vector<1x2560x128xf32> to vector<2560x128xf32>
    %reshape3A = vector.shape_cast %get3A_3 : vector<2560x128xf32> to vector<128x20x128xf32>
    %get3A_4 = arith.constant 0 : index
    %get3A_5 = arith.constant 0 : index
    %get3A_6 = arith.constant 0 : index
    %get3A_7 = vector.load %arg3[%get3A_4, %get3A_5, %get3A_6] : memref<1x128x128xf32, #tpu.memory_space<vmem>>, vector<1x128x128xf32>
    %get3A_8 = vector.shape_cast %get3A_7 : vector<1x128x128xf32> to vector<128x128xf32>
    %broadcast_in_dim3A = vector.shape_cast %get3A_8 : vector<128x128xf32> to vector<128x1x128xf32>
    %sub3A = vector.broadcast %broadcast_in_dim3A : vector<128x1x128xf32> to vector<128x20x128xf32>
    %sub3A_9 = arith.subf %reshape3A, %sub3A : vector<128x20x128xf32>
    %slice3A = vector.extract_strided_slice %get3A_8 {offsets = [0, 0], sizes = [128, 3], strides = [1, 1]} : vector<128x128xf32> to vector<128x3xf32>
    %broadcast_in_dim3A_10 = vector.shape_cast %slice3A : vector<128x3xf32> to vector<128x1x3xf32>
    %broadcast_in_dim3A_11 = vector.shape_cast %broadcast_in_dim3A_10 : vector<128x1x3xf32> to vector<128x1x3xf32>
    %broadcast_in_dim3A_12 = vector.broadcast %broadcast_in_dim3A_11 : vector<128x1x3xf32> to vector<128x20x3xf32>
    %slice3A_13 = vector.extract_strided_slice %sub3A_9 {offsets = [0, 0, 0], sizes = [128, 20, 3], strides = [1, 1, 1]} : vector<128x20x128xf32> to vector<128x20x3xf32>
    %concatenate3A = tpu.concatenate %slice3A_13, %broadcast_in_dim3A_12 in 2 : vector<128x20x3xf32>, vector<128x20x3xf32> -> vector<128x20x6xf32>
    %reshape3A_14 = vector.shape_cast %concatenate3A : vector<128x20x6xf32> to vector<2560x6xf32>
    %get3A_15 = arith.constant 0 : index
    %get3A_16 = arith.constant 0 : index
    %get3A_17 = vector.load %arg4[%get3A_15, %get3A_16] : memref<64x6xf32, #tpu.memory_space<vmem>>, vector<64x6xf32>
    %dot_general3A = arith.constant dense<0.000000e+00> : vector<2560x64xf32>
    %dot_general3A_18 = tpu.matmul %reshape3A_14, %get3A_17, %dot_general3A {dimension_numbers = #tpu.dot_dimension_numbers<[1], [1], [0], [0], [0, 0, 1, 0], [], []>, transpose_lhs_hint = false} : vector<2560x6xf32>, vector<64x6xf32>, vector<2560x64xf32> -> vector<2560x64xf32>
    %reshape3A_19 = vector.shape_cast %dot_general3A_18 : vector<2560x64xf32> to vector<128x20x64xf32>
    %slice3A_20 = vector.extract_strided_slice %reshape3A_19 {offsets = [0, 0, 0], sizes = [128, 1, 64], strides = [1, 1, 1]} : vector<128x20x64xf32> to vector<128x1x64xf32>
    %squeeze3A = vector.shape_cast %slice3A_20 : vector<128x1x64xf32> to vector<128x64xf32>
    %slice3A_21 = vector.extract_strided_slice %reshape3A_19 {offsets = [0, 1, 0], sizes = [128, 1, 64], strides = [1, 1, 1]} : vector<128x20x64xf32> to vector<128x1x64xf32>
    %squeeze3A_22 = vector.shape_cast %slice3A_21 : vector<128x1x64xf32> to vector<128x64xf32>
    %max3A = arith.maximumf %squeeze3A, %squeeze3A_22 : vector<128x64xf32>
    %slice3A_23 = vector.extract_strided_slice %reshape3A_19 {offsets = [0, 2, 0], sizes = [128, 1, 64], strides = [1, 1, 1]} : vector<128x20x64xf32> to vector<128x1x64xf32>
    %squeeze3A_24 = vector.shape_cast %slice3A_23 : vector<128x1x64xf32> to vector<128x64xf32>
    %max3A_25 = arith.maximumf %max3A, %squeeze3A_24 : vector<128x64xf32>
    %slice3A_26 = vector.extract_strided_slice %reshape3A_19 {offsets = [0, 3, 0], sizes = [128, 1, 64], strides = [1, 1, 1]} : vector<128x20x64xf32> to vector<128x1x64xf32>
    %squeeze3A_27 = vector.shape_cast %slice3A_26 : vector<128x1x64xf32> to vector<128x64xf32>
    %max3A_28 = arith.maximumf %max3A_25, %squeeze3A_27 : vector<128x64xf32>
    %slice3A_29 = vector.extract_strided_slice %reshape3A_19 {offsets = [0, 4, 0], sizes = [128, 1, 64], strides = [1, 1, 1]} : vector<128x20x64xf32> to vector<128x1x64xf32>
    %squeeze3A_30 = vector.shape_cast %slice3A_29 : vector<128x1x64xf32> to vector<128x64xf32>
    %max3A_31 = arith.maximumf %max3A_28, %squeeze3A_30 : vector<128x64xf32>
    %slice3A_32 = vector.extract_strided_slice %reshape3A_19 {offsets = [0, 5, 0], sizes = [128, 1, 64], strides = [1, 1, 1]} : vector<128x20x64xf32> to vector<128x1x64xf32>
    %squeeze3A_33 = vector.shape_cast %slice3A_32 : vector<128x1x64xf32> to vector<128x64xf32>
    %max3A_34 = arith.maximumf %max3A_31, %squeeze3A_33 : vector<128x64xf32>
    %slice3A_35 = vector.extract_strided_slice %reshape3A_19 {offsets = [0, 6, 0], sizes = [128, 1, 64], strides = [1, 1, 1]} : vector<128x20x64xf32> to vector<128x1x64xf32>
    %squeeze3A_36 = vector.shape_cast %slice3A_35 : vector<128x1x64xf32> to vector<128x64xf32>
    %max3A_37 = arith.maximumf %max3A_34, %squeeze3A_36 : vector<128x64xf32>
    %slice3A_38 = vector.extract_strided_slice %reshape3A_19 {offsets = [0, 7, 0], sizes = [128, 1, 64], strides = [1, 1, 1]} : vector<128x20x64xf32> to vector<128x1x64xf32>
    %squeeze3A_39 = vector.shape_cast %slice3A_38 : vector<128x1x64xf32> to vector<128x64xf32>
    %max3A_40 = arith.maximumf %max3A_37, %squeeze3A_39 : vector<128x64xf32>
    %slice3A_41 = vector.extract_strided_slice %reshape3A_19 {offsets = [0, 8, 0], sizes = [128, 1, 64], strides = [1, 1, 1]} : vector<128x20x64xf32> to vector<128x1x64xf32>
    %squeeze3A_42 = vector.shape_cast %slice3A_41 : vector<128x1x64xf32> to vector<128x64xf32>
    %max3A_43 = arith.maximumf %max3A_40, %squeeze3A_42 : vector<128x64xf32>
    %slice3A_44 = vector.extract_strided_slice %reshape3A_19 {offsets = [0, 9, 0], sizes = [128, 1, 64], strides = [1, 1, 1]} : vector<128x20x64xf32> to vector<128x1x64xf32>
    %squeeze3A_45 = vector.shape_cast %slice3A_44 : vector<128x1x64xf32> to vector<128x64xf32>
    %max3A_46 = arith.maximumf %max3A_43, %squeeze3A_45 : vector<128x64xf32>
    %slice3A_47 = vector.extract_strided_slice %reshape3A_19 {offsets = [0, 10, 0], sizes = [128, 1, 64], strides = [1, 1, 1]} : vector<128x20x64xf32> to vector<128x1x64xf32>
    %squeeze3A_48 = vector.shape_cast %slice3A_47 : vector<128x1x64xf32> to vector<128x64xf32>
    %max3A_49 = arith.maximumf %max3A_46, %squeeze3A_48 : vector<128x64xf32>
    %slice3A_50 = vector.extract_strided_slice %reshape3A_19 {offsets = [0, 11, 0], sizes = [128, 1, 64], strides = [1, 1, 1]} : vector<128x20x64xf32> to vector<128x1x64xf32>
    %squeeze3A_51 = vector.shape_cast %slice3A_50 : vector<128x1x64xf32> to vector<128x64xf32>
    %max3A_52 = arith.maximumf %max3A_49, %squeeze3A_51 : vector<128x64xf32>
    %slice3A_53 = vector.extract_strided_slice %reshape3A_19 {offsets = [0, 12, 0], sizes = [128, 1, 64], strides = [1, 1, 1]} : vector<128x20x64xf32> to vector<128x1x64xf32>
    %squeeze3A_54 = vector.shape_cast %slice3A_53 : vector<128x1x64xf32> to vector<128x64xf32>
    %max3A_55 = arith.maximumf %max3A_52, %squeeze3A_54 : vector<128x64xf32>
    %slice3A_56 = vector.extract_strided_slice %reshape3A_19 {offsets = [0, 13, 0], sizes = [128, 1, 64], strides = [1, 1, 1]} : vector<128x20x64xf32> to vector<128x1x64xf32>
    %squeeze3A_57 = vector.shape_cast %slice3A_56 : vector<128x1x64xf32> to vector<128x64xf32>
    %max3A_58 = arith.maximumf %max3A_55, %squeeze3A_57 : vector<128x64xf32>
    %slice3A_59 = vector.extract_strided_slice %reshape3A_19 {offsets = [0, 14, 0], sizes = [128, 1, 64], strides = [1, 1, 1]} : vector<128x20x64xf32> to vector<128x1x64xf32>
    %squeeze3A_60 = vector.shape_cast %slice3A_59 : vector<128x1x64xf32> to vector<128x64xf32>
    %max3A_61 = arith.maximumf %max3A_58, %squeeze3A_60 : vector<128x64xf32>
    %slice3A_62 = vector.extract_strided_slice %reshape3A_19 {offsets = [0, 15, 0], sizes = [128, 1, 64], strides = [1, 1, 1]} : vector<128x20x64xf32> to vector<128x1x64xf32>
    %squeeze3A_63 = vector.shape_cast %slice3A_62 : vector<128x1x64xf32> to vector<128x64xf32>
    %max3A_64 = arith.maximumf %max3A_61, %squeeze3A_63 : vector<128x64xf32>
    %slice3A_65 = vector.extract_strided_slice %reshape3A_19 {offsets = [0, 16, 0], sizes = [128, 1, 64], strides = [1, 1, 1]} : vector<128x20x64xf32> to vector<128x1x64xf32>
    %squeeze3A_66 = vector.shape_cast %slice3A_65 : vector<128x1x64xf32> to vector<128x64xf32>
    %max3A_67 = arith.maximumf %max3A_64, %squeeze3A_66 : vector<128x64xf32>
    %slice3A_68 = vector.extract_strided_slice %reshape3A_19 {offsets = [0, 17, 0], sizes = [128, 1, 64], strides = [1, 1, 1]} : vector<128x20x64xf32> to vector<128x1x64xf32>
    %squeeze3A_69 = vector.shape_cast %slice3A_68 : vector<128x1x64xf32> to vector<128x64xf32>
    %max3A_70 = arith.maximumf %max3A_67, %squeeze3A_69 : vector<128x64xf32>
    %slice3A_71 = vector.extract_strided_slice %reshape3A_19 {offsets = [0, 18, 0], sizes = [128, 1, 64], strides = [1, 1, 1]} : vector<128x20x64xf32> to vector<128x1x64xf32>
    %squeeze3A_72 = vector.shape_cast %slice3A_71 : vector<128x1x64xf32> to vector<128x64xf32>
    %max3A_73 = arith.maximumf %max3A_70, %squeeze3A_72 : vector<128x64xf32>
    %slice3A_74 = vector.extract_strided_slice %reshape3A_19 {offsets = [0, 19, 0], sizes = [128, 1, 64], strides = [1, 1, 1]} : vector<128x20x64xf32> to vector<128x1x64xf32>
    %squeeze3A_75 = vector.shape_cast %slice3A_74 : vector<128x1x64xf32> to vector<128x64xf32>
    %max3A_76 = arith.maximumf %max3A_73, %squeeze3A_75 : vector<128x64xf32>
    %swap3A = arith.constant 0 : index
    %swap3A_77 = arith.constant 0 : index
    %swap3A_78 = arith.constant 0 : index
    %swap3A_79 = vector.load %arg5[%swap3A, %swap3A_77, %swap3A_78] : memref<1x128x64xf32, #tpu.memory_space<vmem>>, vector<1x128x64xf32>
    %swap3A_80 = vector.shape_cast %swap3A_79 : vector<1x128x64xf32> to vector<128x64xf32>
    %swap3A_81 = vector.shape_cast %max3A_76 : vector<128x64xf32> to vector<1x128x64xf32>
    tpu.vector_store %arg5[%swap3A, %swap3A_77, %swap3A_78], %swap3A_81 {strides = array<i32>} : memref<1x128x64xf32, #tpu.memory_space<vmem>>, vector<1x128x64xf32>,
    %swap3A_82 = arith.constant 0 : index
    %swap3A_83 = arith.constant 0 : index
    %swap3A_84 = arith.constant 0 : index
    %swap3A_85 = vector.load %arg6[%swap3A_82, %swap3A_83, %swap3A_84] : memref<1x2560x64xf32, #tpu.memory_space<vmem>>, vector<1x2560x64xf32>
    %swap3A_86 = vector.shape_cast %swap3A_85 : vector<1x2560x64xf32> to vector<2560x64xf32>
    %swap3A_87 = vector.shape_cast %dot_general3A_18 : vector<2560x64xf32> to vector<1x2560x64xf32>
    tpu.vector_store %arg6[%swap3A_82, %swap3A_83, %swap3A_84], %swap3A_87 {strides = array<i32>} : memref<1x2560x64xf32, #tpu.memory_space<vmem>>, vector<1x2560x64xf32>,
    return
  }
  func.func @transform_0(%arg0: i32, %arg1: i32) -> (i32, i32, i32) {
    %c0_i32 = arith.constant 0 : i32
    %c0_i32_0 = arith.constant 0 : i32
    return %arg0, %arg1, %c0_i32 : i32, i32, i32
  }
  func.func @transform_1(%arg0: i32, %arg1: i32) -> (i32, i32, i32) {
    %c0_i32 = arith.constant 0 : i32
    %c0_i32_0 = arith.constant 0 : i32
    return %arg0, %arg1, %c0_i32 : i32, i32, i32
  }
  func.func @transform_2(%arg0: i32, %arg1: i32) -> (i32, i32) {
    %c0_i32 = arith.constant 0 : i32
    %c0_i32_0 = arith.constant 0 : i32
    %c0_i32_1 = arith.constant 0 : i32
    return %c0_i32, %c0_i32_0 : i32, i32
  }
  func.func @transform_3(%arg0: i32, %arg1: i32) -> (i32, i32, i32) {
    %c0_i32 = arith.constant 0 : i32
    %c0_i32_0 = arith.constant 0 : i32
    return %arg0, %arg1, %c0_i32 : i32, i32, i32
  }
  func.func @transform_4(%arg0: i32, %arg1: i32) -> (i32, i32, i32) {
    %c0_i32 = arith.constant 0 : i32
    %c0_i32_0 = arith.constant 0 : i32
    return %arg0, %arg1, %c0_i32 : i32, i32, i32
  }
}

module attributes {stable_mosaic.version = 14 : i64} {
  func.func @_k1_next_body(%arg0: i32, %arg1: memref<1x1024x64xf32, #tpu.memory_space<vmem>>, %arg2: memref<64xf32, #tpu.memory_space<vmem>>, %arg3: memref<64xf32, #tpu.memory_space<vmem>>, %arg4: memref<64xf32, #tpu.memory_space<vmem>>, %arg5: memref<64xf32, #tpu.memory_space<vmem>>, %arg6: memref<1x1024x20xi32, #tpu.memory_space<vmem>>, %arg7: memref<1x1024x128xf32, #tpu.memory_space<vmem>>, %arg8: memref<1024x1024xf32, #tpu.memory_space<vmem>>) attributes {dimension_semantics = [#tpu.dimension_semantics<arbitrary>], iteration_bounds = array<i64: 8>, scalar_prefetch = 0 : i64, scratch_operands = 1 : i64, tpu.core_type = #tpu.core_type<tc>, window_params = [{transform_indices = @transform_0, window_bounds = array<i64: 1, 1024, 64>}, {pipeline_mode = #tpu.pipeline_mode<synchronous>, transform_indices = @transform_1, window_bounds = array<i64: 64>}, {pipeline_mode = #tpu.pipeline_mode<synchronous>, transform_indices = @transform_2, window_bounds = array<i64: 64>}, {pipeline_mode = #tpu.pipeline_mode<synchronous>, transform_indices = @transform_3, window_bounds = array<i64: 64>}, {pipeline_mode = #tpu.pipeline_mode<synchronous>, transform_indices = @transform_4, window_bounds = array<i64: 64>}, {transform_indices = @transform_5, window_bounds = array<i64: 1, 1024, 20>}, {transform_indices = @transform_6, window_bounds = array<i64: 1, 1024, 128>}]} {
    %get3A = arith.constant 0 : index
    %get3A_0 = arith.constant 0 : index
    %get3A_1 = arith.constant 0 : index
    %get3A_2 = vector.load %arg1[%get3A, %get3A_0, %get3A_1] : memref<1x1024x64xf32, #tpu.memory_space<vmem>>, vector<1x1024x64xf32>
    %get3A_3 = vector.shape_cast %get3A_2 : vector<1x1024x64xf32> to vector<1024x64xf32>
    %get3A_4 = arith.constant 0 : index
    %get3A_5 = vector.load %arg2[%get3A_4] : memref<64xf32, #tpu.memory_space<vmem>>, vector<64xf32>
    %get3A_6 = arith.constant 0 : index
    %get3A_7 = vector.load %arg3[%get3A_6] : memref<64xf32, #tpu.memory_space<vmem>>, vector<64xf32>
    %get3A_8 = arith.constant 0 : index
    %get3A_9 = vector.load %arg4[%get3A_8] : memref<64xf32, #tpu.memory_space<vmem>>, vector<64xf32>
    %get3A_10 = arith.constant 0 : index
    %get3A_11 = vector.load %arg5[%get3A_10] : memref<64xf32, #tpu.memory_space<vmem>>, vector<64xf32>
    %broadcast_in_dim3A = vector.shape_cast %get3A_9 : vector<64xf32> to vector<1x64xf32>
    %broadcast_in_dim3A_12 = vector.shape_cast %get3A_5 : vector<64xf32> to vector<1x64xf32>
    %sub3A = vector.broadcast %broadcast_in_dim3A_12 : vector<1x64xf32> to vector<1024x64xf32>
    %sub3A_13 = arith.subf %get3A_3, %sub3A : vector<1024x64xf32>
    %mul3A = vector.broadcast %broadcast_in_dim3A : vector<1x64xf32> to vector<1024x64xf32>
    %mul3A_14 = arith.mulf %mul3A, %sub3A_13 : vector<1024x64xf32>
    %add3A = arith.constant 9.99999974E-6 : f32
    %add3A_15 = vector.broadcast %add3A : f32 to vector<64xf32>
    %add3A_16 = arith.addf %get3A_7, %add3A_15 : vector<64xf32>
    %sqrt3A = math.sqrt %add3A_16 : vector<64xf32>
    %broadcast_in_dim3A_17 = vector.shape_cast %sqrt3A : vector<64xf32> to vector<1x64xf32>
    %div3A = vector.broadcast %broadcast_in_dim3A_17 : vector<1x64xf32> to vector<1024x64xf32>
    %div3A_18 = arith.divf %mul3A_14, %div3A : vector<1024x64xf32>
    %broadcast_in_dim3A_19 = vector.shape_cast %get3A_11 : vector<64xf32> to vector<1x64xf32>
    %add3A_20 = vector.broadcast %broadcast_in_dim3A_19 : vector<1x64xf32> to vector<1024x64xf32>
    %add3A_21 = arith.addf %div3A_18, %add3A_20 : vector<1024x64xf32>
    %gt3A = arith.constant 0.000000e+00 : f32
    %gt3A_22 = vector.broadcast %gt3A : f32 to vector<1024x64xf32>
    %gt3A_23 = arith.cmpf ogt, %add3A_21, %gt3A_22 : vector<1024x64xf32>
    %mul3A_24 = arith.constant 2.000000e-01 : f32
    %mul3A_25 = vector.broadcast %mul3A_24 : f32 to vector<1024x64xf32>
    %mul3A_26 = arith.mulf %mul3A_25, %add3A_21 : vector<1024x64xf32>
    %select_n3A = arith.select %gt3A_23, %add3A_21, %mul3A_26 : vector<1024x64xi1>, vector<1024x64xf32>
    %broadcast_in_dim3A_27 = arith.constant 0.000000e+00 : f32
    %broadcast_in_dim3A_28 = vector.broadcast %broadcast_in_dim3A_27 : f32 to vector<1024x64xf32>
    %concatenate3A = tpu.concatenate %select_n3A, %broadcast_in_dim3A_28 in 1 : vector<1024x64xf32>, vector<1024x64xf32> -> vector<1024x128xf32>
    %swap3A = arith.constant 0 : index
    %swap3A_29 = arith.constant 0 : index
    %swap3A_30 = arith.constant 0 : index
    %swap3A_31 = vector.load %arg7[%swap3A, %swap3A_29, %swap3A_30] : memref<1x1024x128xf32, #tpu.memory_space<vmem>>, vector<1x1024x128xf32>
    %swap3A_32 = vector.shape_cast %swap3A_31 : vector<1x1024x128xf32> to vector<1024x128xf32>
    %swap3A_33 = vector.shape_cast %concatenate3A : vector<1024x128xf32> to vector<1x1024x128xf32>
    tpu.vector_store %arg7[%swap3A, %swap3A_29, %swap3A_30], %swap3A_33 {strides = array<i32>} : memref<1x1024x128xf32, #tpu.memory_space<vmem>>, vector<1x1024x128xf32>,
    %slice3A = vector.extract_strided_slice %select_n3A {offsets = [0, 0], sizes = [1024, 3], strides = [1, 1]} : vector<1024x64xf32> to vector<1024x3xf32>
    %mul3A_34 = arith.mulf %slice3A, %slice3A : vector<1024x3xf32>
    %reduce_sum3A = arith.constant dense<0.000000e+00> : vector<1024xf32>
    %reduce_sum3A_35 = vector.multi_reduction <add>, %mul3A_34, %reduce_sum3A [1] : vector<1024x3xf32> to vector<1024xf32>
    %dot_general3A = arith.constant dense<0.000000e+00> : vector<1024x1024xf32>
    %dot_general3A_36 = tpu.matmul %slice3A, %slice3A, %dot_general3A {dimension_numbers = #tpu.dot_dimension_numbers<[1], [1], [0], [0], [0, 0, 1, 0], [], []>, transpose_lhs_hint = false} : vector<1024x3xf32>, vector<1024x3xf32>, vector<1024x1024xf32> -> vector<1024x1024xf32>
    %mul3A_37 = arith.constant 2.000000e+00 : f32
    %mul3A_38 = vector.broadcast %mul3A_37 : f32 to vector<1024x1024xf32>
    %mul3A_39 = arith.mulf %mul3A_38, %dot_general3A_36 : vector<1024x1024xf32>
    %broadcast_in_dim3A_40 = vector.shape_cast %reduce_sum3A_35 : vector<1024xf32> to vector<1024x1xf32>
    %sub3A_41 = vector.broadcast %broadcast_in_dim3A_40 : vector<1024x1xf32> to vector<1024x1024xf32>
    %sub3A_42 = arith.subf %mul3A_39, %sub3A_41 : vector<1024x1024xf32>
    %broadcast_in_dim3A_43 = vector.shape_cast %reduce_sum3A_35 : vector<1024xf32> to vector<1x1024xf32>
    %sub3A_44 = vector.broadcast %broadcast_in_dim3A_43 : vector<1x1024xf32> to vector<1024x1024xf32>
    %sub3A_45 = arith.subf %sub3A_42, %sub3A_44 : vector<1024x1024xf32>
    %swap3A_46 = arith.constant 0 : index
    %swap3A_47 = arith.constant 0 : index
    %swap3A_48 = vector.load %arg8[%swap3A_46, %swap3A_47] : memref<1024x1024xf32, #tpu.memory_space<vmem>>, vector<1024x1024xf32>
    tpu.vector_store %arg8[%swap3A_46, %swap3A_47], %sub3A_45 {strides = array<i32>} : memref<1024x1024xf32, #tpu.memory_space<vmem>>, vector<1024x1024xf32>,
    %iota3A = tpu.iota {dimensions = array<i32: 1>} : vector<1024x1024xi32>
    %get3A_49 = arith.constant 0 : index
    %get3A_50 = arith.constant 0 : index
    %get3A_51 = vector.load %arg8[%get3A_49, %get3A_50] : memref<1024x1024xf32, #tpu.memory_space<vmem>>, vector<1024x1024xf32>
    %reduce_max3A = arith.constant dense<0xFF800000> : vector<1024xf32>
    %reduce_max3A_52 = vector.multi_reduction <maximumf>, %get3A_51, %reduce_max3A [1] : vector<1024x1024xf32> to vector<1024xf32>
    %broadcast_in_dim3A_53 = vector.shape_cast %reduce_max3A_52 : vector<1024xf32> to vector<1024x1xf32>
    %eq3A = vector.broadcast %broadcast_in_dim3A_53 : vector<1024x1xf32> to vector<1024x1024xf32>
    %eq3A_54 = arith.cmpf oeq, %get3A_51, %eq3A : vector<1024x1024xf32>
    %jit3A = arith.constant 1024 : i32
    %broadcast_in_dim3A_55 = vector.broadcast %jit3A : i32 to vector<1024x1024xi32>
    %select_n3A_56 = arith.select %eq3A_54, %iota3A, %broadcast_in_dim3A_55 : vector<1024x1024xi1>, vector<1024x1024xi32>
    %reduce_min3A = arith.constant dense<2147483647> : vector<1024xi32>
    %reduce_min3A_57 = vector.multi_reduction <minsi>, %select_n3A_56, %reduce_min3A [1] : vector<1024x1024xi32> to vector<1024xi32>
    %broadcast_in_dim3A_58 = vector.shape_cast %reduce_min3A_57 : vector<1024xi32> to vector<1024x1xi32>
    %eq3A_59 = vector.broadcast %broadcast_in_dim3A_58 : vector<1024x1xi32> to vector<1024x1024xi32>
    %eq3A_60 = arith.cmpi eq, %iota3A, %eq3A_59 : vector<1024x1024xi32>
    %jit3A_61 = arith.constant 0xFF800000 : f32
    %broadcast_in_dim3A_62 = vector.broadcast %jit3A_61 : f32 to vector<1024x1024xf32>
    %select_n3A_63 = arith.select %eq3A_60, %broadcast_in_dim3A_62, %get3A_51 : vector<1024x1024xi1>, vector<1024x1024xf32>
    %swap3A_64 = arith.constant 0 : index
    %swap3A_65 = arith.constant 0 : index
    %swap3A_66 = vector.load %arg8[%swap3A_64, %swap3A_65] : memref<1024x1024xf32, #tpu.memory_space<vmem>>, vector<1024x1024xf32>
    tpu.vector_store %arg8[%swap3A_64, %swap3A_65], %select_n3A_63 {strides = array<i32>} : memref<1024x1024xf32, #tpu.memory_space<vmem>>, vector<1024x1024xf32>,
    %get3A_67 = arith.constant 0 : index
    %get3A_68 = arith.constant 0 : index
    %get3A_69 = vector.load %arg8[%get3A_67, %get3A_68] : memref<1024x1024xf32, #tpu.memory_space<vmem>>, vector<1024x1024xf32>
    %reduce_max3A_70 = arith.constant dense<0xFF800000> : vector<1024xf32>
    %reduce_max3A_71 = vector.multi_reduction <maximumf>, %get3A_69, %reduce_max3A_70 [1] : vector<1024x1024xf32> to vector<1024xf32>
    %broadcast_in_dim3A_72 = vector.shape_cast %reduce_max3A_71 : vector<1024xf32> to vector<1024x1xf32>
    %eq3A_73 = vector.broadcast %broadcast_in_dim3A_72 : vector<1024x1xf32> to vector<1024x1024xf32>
    %eq3A_74 = arith.cmpf oeq, %get3A_69, %eq3A_73 : vector<1024x1024xf32>
    %jit3A_75 = arith.constant 1024 : i32
    %broadcast_in_dim3A_76 = vector.broadcast %jit3A_75 : i32 to vector<1024x1024xi32>
    %select_n3A_77 = arith.select %eq3A_74, %iota3A, %broadcast_in_dim3A_76 : vector<1024x1024xi1>, vector<1024x1024xi32>
    %reduce_min3A_78 = arith.constant dense<2147483647> : vector<1024xi32>
    %reduce_min3A_79 = vector.multi_reduction <minsi>, %select_n3A_77, %reduce_min3A_78 [1] : vector<1024x1024xi32> to vector<1024xi32>
    %broadcast_in_dim3A_80 = vector.shape_cast %reduce_min3A_79 : vector<1024xi32> to vector<1024x1xi32>
    %eq3A_81 = vector.broadcast %broadcast_in_dim3A_80 : vector<1024x1xi32> to vector<1024x1024xi32>
    %eq3A_82 = arith.cmpi eq, %iota3A, %eq3A_81 : vector<1024x1024xi32>
    %jit3A_83 = arith.constant 0xFF800000 : f32
    %broadcast_in_dim3A_84 = vector.broadcast %jit3A_83 : f32 to vector<1024x1024xf32>
    %select_n3A_85 = arith.select %eq3A_82, %broadcast_in_dim3A_84, %get3A_69 : vector<1024x1024xi1>, vector<1024x1024xf32>
    %swap3A_86 = arith.constant 0 : index
    %swap3A_87 = arith.constant 0 : index
    %swap3A_88 = vector.load %arg8[%swap3A_86, %swap3A_87] : memref<1024x1024xf32, #tpu.memory_space<vmem>>, vector<1024x1024xf32>
    tpu.vector_store %arg8[%swap3A_86, %swap3A_87], %select_n3A_85 {strides = array<i32>} : memref<1024x1024xf32, #tpu.memory_space<vmem>>, vector<1024x1024xf32>,
    %get3A_89 = arith.constant 0 : index
    %get3A_90 = arith.constant 0 : index
    %get3A_91 = vector.load %arg8[%get3A_89, %get3A_90] : memref<1024x1024xf32, #tpu.memory_space<vmem>>, vector<1024x1024xf32>
    %reduce_max3A_92 = arith.constant dense<0xFF800000> : vector<1024xf32>
    %reduce_max3A_93 = vector.multi_reduction <maximumf>, %get3A_91, %reduce_max3A_92 [1] : vector<1024x1024xf32> to vector<1024xf32>
    %broadcast_in_dim3A_94 = vector.shape_cast %reduce_max3A_93 : vector<1024xf32> to vector<1024x1xf32>
    %eq3A_95 = vector.broadcast %broadcast_in_dim3A_94 : vector<1024x1xf32> to vector<1024x1024xf32>
    %eq3A_96 = arith.cmpf oeq, %get3A_91, %eq3A_95 : vector<1024x1024xf32>
    %jit3A_97 = arith.constant 1024 : i32
    %broadcast_in_dim3A_98 = vector.broadcast %jit3A_97 : i32 to vector<1024x1024xi32>
    %select_n3A_99 = arith.select %eq3A_96, %iota3A, %broadcast_in_dim3A_98 : vector<1024x1024xi1>, vector<1024x1024xi32>
    %reduce_min3A_100 = arith.constant dense<2147483647> : vector<1024xi32>
    %reduce_min3A_101 = vector.multi_reduction <minsi>, %select_n3A_99, %reduce_min3A_100 [1] : vector<1024x1024xi32> to vector<1024xi32>
    %broadcast_in_dim3A_102 = vector.shape_cast %reduce_min3A_101 : vector<1024xi32> to vector<1024x1xi32>
    %eq3A_103 = vector.broadcast %broadcast_in_dim3A_102 : vector<1024x1xi32> to vector<1024x1024xi32>
    %eq3A_104 = arith.cmpi eq, %iota3A, %eq3A_103 : vector<1024x1024xi32>
    %jit3A_105 = arith.constant 0xFF800000 : f32
    %broadcast_in_dim3A_106 = vector.broadcast %jit3A_105 : f32 to vector<1024x1024xf32>
    %select_n3A_107 = arith.select %eq3A_104, %broadcast_in_dim3A_106, %get3A_91 : vector<1024x1024xi1>, vector<1024x1024xf32>
    %swap3A_108 = arith.constant 0 : index
    %swap3A_109 = arith.constant 0 : index
    %swap3A_110 = vector.load %arg8[%swap3A_108, %swap3A_109] : memref<1024x1024xf32, #tpu.memory_space<vmem>>, vector<1024x1024xf32>
    tpu.vector_store %arg8[%swap3A_108, %swap3A_109], %select_n3A_107 {strides = array<i32>} : memref<1024x1024xf32, #tpu.memory_space<vmem>>, vector<1024x1024xf32>,
    %get3A_111 = arith.constant 0 : index
    %get3A_112 = arith.constant 0 : index
    %get3A_113 = vector.load %arg8[%get3A_111, %get3A_112] : memref<1024x1024xf32, #tpu.memory_space<vmem>>, vector<1024x1024xf32>
    %reduce_max3A_114 = arith.constant dense<0xFF800000> : vector<1024xf32>
    %reduce_max3A_115 = vector.multi_reduction <maximumf>, %get3A_113, %reduce_max3A_114 [1] : vector<1024x1024xf32> to vector<1024xf32>
    %broadcast_in_dim3A_116 = vector.shape_cast %reduce_max3A_115 : vector<1024xf32> to vector<1024x1xf32>
    %eq3A_117 = vector.broadcast %broadcast_in_dim3A_116 : vector<1024x1xf32> to vector<1024x1024xf32>
    %eq3A_118 = arith.cmpf oeq, %get3A_113, %eq3A_117 : vector<1024x1024xf32>
    %jit3A_119 = arith.constant 1024 : i32
    %broadcast_in_dim3A_120 = vector.broadcast %jit3A_119 : i32 to vector<1024x1024xi32>
    %select_n3A_121 = arith.select %eq3A_118, %iota3A, %broadcast_in_dim3A_120 : vector<1024x1024xi1>, vector<1024x1024xi32>
    %reduce_min3A_122 = arith.constant dense<2147483647> : vector<1024xi32>
    %reduce_min3A_123 = vector.multi_reduction <minsi>, %select_n3A_121, %reduce_min3A_122 [1] : vector<1024x1024xi32> to vector<1024xi32>
    %broadcast_in_dim3A_124 = vector.shape_cast %reduce_min3A_123 : vector<1024xi32> to vector<1024x1xi32>
    %eq3A_125 = vector.broadcast %broadcast_in_dim3A_124 : vector<1024x1xi32> to vector<1024x1024xi32>
    %eq3A_126 = arith.cmpi eq, %iota3A, %eq3A_125 : vector<1024x1024xi32>
    %jit3A_127 = arith.constant 0xFF800000 : f32
    %broadcast_in_dim3A_128 = vector.broadcast %jit3A_127 : f32 to vector<1024x1024xf32>
    %select_n3A_129 = arith.select %eq3A_126, %broadcast_in_dim3A_128, %get3A_113 : vector<1024x1024xi1>, vector<1024x1024xf32>
    %swap3A_130 = arith.constant 0 : index
    %swap3A_131 = arith.constant 0 : index
    %swap3A_132 = vector.load %arg8[%swap3A_130, %swap3A_131] : memref<1024x1024xf32, #tpu.memory_space<vmem>>, vector<1024x1024xf32>
    tpu.vector_store %arg8[%swap3A_130, %swap3A_131], %select_n3A_129 {strides = array<i32>} : memref<1024x1024xf32, #tpu.memory_space<vmem>>, vector<1024x1024xf32>,
    %get3A_133 = arith.constant 0 : index
    %get3A_134 = arith.constant 0 : index
    %get3A_135 = vector.load %arg8[%get3A_133, %get3A_134] : memref<1024x1024xf32, #tpu.memory_space<vmem>>, vector<1024x1024xf32>
    %reduce_max3A_136 = arith.constant dense<0xFF800000> : vector<1024xf32>
    %reduce_max3A_137 = vector.multi_reduction <maximumf>, %get3A_135, %reduce_max3A_136 [1] : vector<1024x1024xf32> to vector<1024xf32>
    %broadcast_in_dim3A_138 = vector.shape_cast %reduce_max3A_137 : vector<1024xf32> to vector<1024x1xf32>
    %eq3A_139 = vector.broadcast %broadcast_in_dim3A_138 : vector<1024x1xf32> to vector<1024x1024xf32>
    %eq3A_140 = arith.cmpf oeq, %get3A_135, %eq3A_139 : vector<1024x1024xf32>
    %jit3A_141 = arith.constant 1024 : i32
    %broadcast_in_dim3A_142 = vector.broadcast %jit3A_141 : i32 to vector<1024x1024xi32>
    %select_n3A_143 = arith.select %eq3A_140, %iota3A, %broadcast_in_dim3A_142 : vector<1024x1024xi1>, vector<1024x1024xi32>
    %reduce_min3A_144 = arith.constant dense<2147483647> : vector<1024xi32>
    %reduce_min3A_145 = vector.multi_reduction <minsi>, %select_n3A_143, %reduce_min3A_144 [1] : vector<1024x1024xi32> to vector<1024xi32>
    %broadcast_in_dim3A_146 = vector.shape_cast %reduce_min3A_145 : vector<1024xi32> to vector<1024x1xi32>
    %eq3A_147 = vector.broadcast %broadcast_in_dim3A_146 : vector<1024x1xi32> to vector<1024x1024xi32>
    %eq3A_148 = arith.cmpi eq, %iota3A, %eq3A_147 : vector<1024x1024xi32>
    %jit3A_149 = arith.constant 0xFF800000 : f32
    %broadcast_in_dim3A_150 = vector.broadcast %jit3A_149 : f32 to vector<1024x1024xf32>
    %select_n3A_151 = arith.select %eq3A_148, %broadcast_in_dim3A_150, %get3A_135 : vector<1024x1024xi1>, vector<1024x1024xf32>
    %swap3A_152 = arith.constant 0 : index
    %swap3A_153 = arith.constant 0 : index
    %swap3A_154 = vector.load %arg8[%swap3A_152, %swap3A_153] : memref<1024x1024xf32, #tpu.memory_space<vmem>>, vector<1024x1024xf32>
    tpu.vector_store %arg8[%swap3A_152, %swap3A_153], %select_n3A_151 {strides = array<i32>} : memref<1024x1024xf32, #tpu.memory_space<vmem>>, vector<1024x1024xf32>,
    %get3A_155 = arith.constant 0 : index
    %get3A_156 = arith.constant 0 : index
    %get3A_157 = vector.load %arg8[%get3A_155, %get3A_156] : memref<1024x1024xf32, #tpu.memory_space<vmem>>, vector<1024x1024xf32>
    %reduce_max3A_158 = arith.constant dense<0xFF800000> : vector<1024xf32>
    %reduce_max3A_159 = vector.multi_reduction <maximumf>, %get3A_157, %reduce_max3A_158 [1] : vector<1024x1024xf32> to vector<1024xf32>
    %broadcast_in_dim3A_160 = vector.shape_cast %reduce_max3A_159 : vector<1024xf32> to vector<1024x1xf32>
    %eq3A_161 = vector.broadcast %broadcast_in_dim3A_160 : vector<1024x1xf32> to vector<1024x1024xf32>
    %eq3A_162 = arith.cmpf oeq, %get3A_157, %eq3A_161 : vector<1024x1024xf32>
    %jit3A_163 = arith.constant 1024 : i32
    %broadcast_in_dim3A_164 = vector.broadcast %jit3A_163 : i32 to vector<1024x1024xi32>
    %select_n3A_165 = arith.select %eq3A_162, %iota3A, %broadcast_in_dim3A_164 : vector<1024x1024xi1>, vector<1024x1024xi32>
    %reduce_min3A_166 = arith.constant dense<2147483647> : vector<1024xi32>
    %reduce_min3A_167 = vector.multi_reduction <minsi>, %select_n3A_165, %reduce_min3A_166 [1] : vector<1024x1024xi32> to vector<1024xi32>
    %broadcast_in_dim3A_168 = vector.shape_cast %reduce_min3A_167 : vector<1024xi32> to vector<1024x1xi32>
    %eq3A_169 = vector.broadcast %broadcast_in_dim3A_168 : vector<1024x1xi32> to vector<1024x1024xi32>
    %eq3A_170 = arith.cmpi eq, %iota3A, %eq3A_169 : vector<1024x1024xi32>
    %jit3A_171 = arith.constant 0xFF800000 : f32
    %broadcast_in_dim3A_172 = vector.broadcast %jit3A_171 : f32 to vector<1024x1024xf32>
    %select_n3A_173 = arith.select %eq3A_170, %broadcast_in_dim3A_172, %get3A_157 : vector<1024x1024xi1>, vector<1024x1024xf32>
    %swap3A_174 = arith.constant 0 : index
    %swap3A_175 = arith.constant 0 : index
    %swap3A_176 = vector.load %arg8[%swap3A_174, %swap3A_175] : memref<1024x1024xf32, #tpu.memory_space<vmem>>, vector<1024x1024xf32>
    tpu.vector_store %arg8[%swap3A_174, %swap3A_175], %select_n3A_173 {strides = array<i32>} : memref<1024x1024xf32, #tpu.memory_space<vmem>>, vector<1024x1024xf32>,
    %get3A_177 = arith.constant 0 : index
    %get3A_178 = arith.constant 0 : index
    %get3A_179 = vector.load %arg8[%get3A_177, %get3A_178] : memref<1024x1024xf32, #tpu.memory_space<vmem>>, vector<1024x1024xf32>
    %reduce_max3A_180 = arith.constant dense<0xFF800000> : vector<1024xf32>
    %reduce_max3A_181 = vector.multi_reduction <maximumf>, %get3A_179, %reduce_max3A_180 [1] : vector<1024x1024xf32> to vector<1024xf32>
    %broadcast_in_dim3A_182 = vector.shape_cast %reduce_max3A_181 : vector<1024xf32> to vector<1024x1xf32>
    %eq3A_183 = vector.broadcast %broadcast_in_dim3A_182 : vector<1024x1xf32> to vector<1024x1024xf32>
    %eq3A_184 = arith.cmpf oeq, %get3A_179, %eq3A_183 : vector<1024x1024xf32>
    %jit3A_185 = arith.constant 1024 : i32
    %broadcast_in_dim3A_186 = vector.broadcast %jit3A_185 : i32 to vector<1024x1024xi32>
    %select_n3A_187 = arith.select %eq3A_184, %iota3A, %broadcast_in_dim3A_186 : vector<1024x1024xi1>, vector<1024x1024xi32>
    %reduce_min3A_188 = arith.constant dense<2147483647> : vector<1024xi32>
    %reduce_min3A_189 = vector.multi_reduction <minsi>, %select_n3A_187, %reduce_min3A_188 [1] : vector<1024x1024xi32> to vector<1024xi32>
    %broadcast_in_dim3A_190 = vector.shape_cast %reduce_min3A_189 : vector<1024xi32> to vector<1024x1xi32>
    %eq3A_191 = vector.broadcast %broadcast_in_dim3A_190 : vector<1024x1xi32> to vector<1024x1024xi32>
    %eq3A_192 = arith.cmpi eq, %iota3A, %eq3A_191 : vector<1024x1024xi32>
    %jit3A_193 = arith.constant 0xFF800000 : f32
    %broadcast_in_dim3A_194 = vector.broadcast %jit3A_193 : f32 to vector<1024x1024xf32>
    %select_n3A_195 = arith.select %eq3A_192, %broadcast_in_dim3A_194, %get3A_179 : vector<1024x1024xi1>, vector<1024x1024xf32>
    %swap3A_196 = arith.constant 0 : index
    %swap3A_197 = arith.constant 0 : index
    %swap3A_198 = vector.load %arg8[%swap3A_196, %swap3A_197] : memref<1024x1024xf32, #tpu.memory_space<vmem>>, vector<1024x1024xf32>
    tpu.vector_store %arg8[%swap3A_196, %swap3A_197], %select_n3A_195 {strides = array<i32>} : memref<1024x1024xf32, #tpu.memory_space<vmem>>, vector<1024x1024xf32>,
    %get3A_199 = arith.constant 0 : index
    %get3A_200 = arith.constant 0 : index
    %get3A_201 = vector.load %arg8[%get3A_199, %get3A_200] : memref<1024x1024xf32, #tpu.memory_space<vmem>>, vector<1024x1024xf32>
    %reduce_max3A_202 = arith.constant dense<0xFF800000> : vector<1024xf32>
    %reduce_max3A_203 = vector.multi_reduction <maximumf>, %get3A_201, %reduce_max3A_202 [1] : vector<1024x1024xf32> to vector<1024xf32>
    %broadcast_in_dim3A_204 = vector.shape_cast %reduce_max3A_203 : vector<1024xf32> to vector<1024x1xf32>
    %eq3A_205 = vector.broadcast %broadcast_in_dim3A_204 : vector<1024x1xf32> to vector<1024x1024xf32>
    %eq3A_206 = arith.cmpf oeq, %get3A_201, %eq3A_205 : vector<1024x1024xf32>
    %jit3A_207 = arith.constant 1024 : i32
    %broadcast_in_dim3A_208 = vector.broadcast %jit3A_207 : i32 to vector<1024x1024xi32>
    %select_n3A_209 = arith.select %eq3A_206, %iota3A, %broadcast_in_dim3A_208 : vector<1024x1024xi1>, vector<1024x1024xi32>
    %reduce_min3A_210 = arith.constant dense<2147483647> : vector<1024xi32>
    %reduce_min3A_211 = vector.multi_reduction <minsi>, %select_n3A_209, %reduce_min3A_210 [1] : vector<1024x1024xi32> to vector<1024xi32>
    %broadcast_in_dim3A_212 = vector.shape_cast %reduce_min3A_211 : vector<1024xi32> to vector<1024x1xi32>
    %eq3A_213 = vector.broadcast %broadcast_in_dim3A_212 : vector<1024x1xi32> to vector<1024x1024xi32>
    %eq3A_214 = arith.cmpi eq, %iota3A, %eq3A_213 : vector<1024x1024xi32>
    %jit3A_215 = arith.constant 0xFF800000 : f32
    %broadcast_in_dim3A_216 = vector.broadcast %jit3A_215 : f32 to vector<1024x1024xf32>
    %select_n3A_217 = arith.select %eq3A_214, %broadcast_in_dim3A_216, %get3A_201 : vector<1024x1024xi1>, vector<1024x1024xf32>
    %swap3A_218 = arith.constant 0 : index
    %swap3A_219 = arith.constant 0 : index
    %swap3A_220 = vector.load %arg8[%swap3A_218, %swap3A_219] : memref<1024x1024xf32, #tpu.memory_space<vmem>>, vector<1024x1024xf32>
    tpu.vector_store %arg8[%swap3A_218, %swap3A_219], %select_n3A_217 {strides = array<i32>} : memref<1024x1024xf32, #tpu.memory_space<vmem>>, vector<1024x1024xf32>,
    %get3A_221 = arith.constant 0 : index
    %get3A_222 = arith.constant 0 : index
    %get3A_223 = vector.load %arg8[%get3A_221, %get3A_222] : memref<1024x1024xf32, #tpu.memory_space<vmem>>, vector<1024x1024xf32>
    %reduce_max3A_224 = arith.constant dense<0xFF800000> : vector<1024xf32>
    %reduce_max3A_225 = vector.multi_reduction <maximumf>, %get3A_223, %reduce_max3A_224 [1] : vector<1024x1024xf32> to vector<1024xf32>
    %broadcast_in_dim3A_226 = vector.shape_cast %reduce_max3A_225 : vector<1024xf32> to vector<1024x1xf32>
    %eq3A_227 = vector.broadcast %broadcast_in_dim3A_226 : vector<1024x1xf32> to vector<1024x1024xf32>
    %eq3A_228 = arith.cmpf oeq, %get3A_223, %eq3A_227 : vector<1024x1024xf32>
    %jit3A_229 = arith.constant 1024 : i32
    %broadcast_in_dim3A_230 = vector.broadcast %jit3A_229 : i32 to vector<1024x1024xi32>
    %select_n3A_231 = arith.select %eq3A_228, %iota3A, %broadcast_in_dim3A_230 : vector<1024x1024xi1>, vector<1024x1024xi32>
    %reduce_min3A_232 = arith.constant dense<2147483647> : vector<1024xi32>
    %reduce_min3A_233 = vector.multi_reduction <minsi>, %select_n3A_231, %reduce_min3A_232 [1] : vector<1024x1024xi32> to vector<1024xi32>
    %broadcast_in_dim3A_234 = vector.shape_cast %reduce_min3A_233 : vector<1024xi32> to vector<1024x1xi32>
    %eq3A_235 = vector.broadcast %broadcast_in_dim3A_234 : vector<1024x1xi32> to vector<1024x1024xi32>
    %eq3A_236 = arith.cmpi eq, %iota3A, %eq3A_235 : vector<1024x1024xi32>
    %jit3A_237 = arith.constant 0xFF800000 : f32
    %broadcast_in_dim3A_238 = vector.broadcast %jit3A_237 : f32 to vector<1024x1024xf32>
    %select_n3A_239 = arith.select %eq3A_236, %broadcast_in_dim3A_238, %get3A_223 : vector<1024x1024xi1>, vector<1024x1024xf32>
    %swap3A_240 = arith.constant 0 : index
    %swap3A_241 = arith.constant 0 : index
    %swap3A_242 = vector.load %arg8[%swap3A_240, %swap3A_241] : memref<1024x1024xf32, #tpu.memory_space<vmem>>, vector<1024x1024xf32>
    tpu.vector_store %arg8[%swap3A_240, %swap3A_241], %select_n3A_239 {strides = array<i32>} : memref<1024x1024xf32, #tpu.memory_space<vmem>>, vector<1024x1024xf32>,
    %get3A_243 = arith.constant 0 : index
    %get3A_244 = arith.constant 0 : index
    %get3A_245 = vector.load %arg8[%get3A_243, %get3A_244] : memref<1024x1024xf32, #tpu.memory_space<vmem>>, vector<1024x1024xf32>
    %reduce_max3A_246 = arith.constant dense<0xFF800000> : vector<1024xf32>
    %reduce_max3A_247 = vector.multi_reduction <maximumf>, %get3A_245, %reduce_max3A_246 [1] : vector<1024x1024xf32> to vector<1024xf32>
    %broadcast_in_dim3A_248 = vector.shape_cast %reduce_max3A_247 : vector<1024xf32> to vector<1024x1xf32>
    %eq3A_249 = vector.broadcast %broadcast_in_dim3A_248 : vector<1024x1xf32> to vector<1024x1024xf32>
    %eq3A_250 = arith.cmpf oeq, %get3A_245, %eq3A_249 : vector<1024x1024xf32>
    %jit3A_251 = arith.constant 1024 : i32
    %broadcast_in_dim3A_252 = vector.broadcast %jit3A_251 : i32 to vector<1024x1024xi32>
    %select_n3A_253 = arith.select %eq3A_250, %iota3A, %broadcast_in_dim3A_252 : vector<1024x1024xi1>, vector<1024x1024xi32>
    %reduce_min3A_254 = arith.constant dense<2147483647> : vector<1024xi32>
    %reduce_min3A_255 = vector.multi_reduction <minsi>, %select_n3A_253, %reduce_min3A_254 [1] : vector<1024x1024xi32> to vector<1024xi32>
    %broadcast_in_dim3A_256 = vector.shape_cast %reduce_min3A_255 : vector<1024xi32> to vector<1024x1xi32>
    %eq3A_257 = vector.broadcast %broadcast_in_dim3A_256 : vector<1024x1xi32> to vector<1024x1024xi32>
    %eq3A_258 = arith.cmpi eq, %iota3A, %eq3A_257 : vector<1024x1024xi32>
    %jit3A_259 = arith.constant 0xFF800000 : f32
    %broadcast_in_dim3A_260 = vector.broadcast %jit3A_259 : f32 to vector<1024x1024xf32>
    %select_n3A_261 = arith.select %eq3A_258, %broadcast_in_dim3A_260, %get3A_245 : vector<1024x1024xi1>, vector<1024x1024xf32>
    %swap3A_262 = arith.constant 0 : index
    %swap3A_263 = arith.constant 0 : index
    %swap3A_264 = vector.load %arg8[%swap3A_262, %swap3A_263] : memref<1024x1024xf32, #tpu.memory_space<vmem>>, vector<1024x1024xf32>
    tpu.vector_store %arg8[%swap3A_262, %swap3A_263], %select_n3A_261 {strides = array<i32>} : memref<1024x1024xf32, #tpu.memory_space<vmem>>, vector<1024x1024xf32>,
    %get3A_265 = arith.constant 0 : index
    %get3A_266 = arith.constant 0 : index
    %get3A_267 = vector.load %arg8[%get3A_265, %get3A_266] : memref<1024x1024xf32, #tpu.memory_space<vmem>>, vector<1024x1024xf32>
    %reduce_max3A_268 = arith.constant dense<0xFF800000> : vector<1024xf32>
    %reduce_max3A_269 = vector.multi_reduction <maximumf>, %get3A_267, %reduce_max3A_268 [1] : vector<1024x1024xf32> to vector<1024xf32>
    %broadcast_in_dim3A_270 = vector.shape_cast %reduce_max3A_269 : vector<1024xf32> to vector<1024x1xf32>
    %eq3A_271 = vector.broadcast %broadcast_in_dim3A_270 : vector<1024x1xf32> to vector<1024x1024xf32>
    %eq3A_272 = arith.cmpf oeq, %get3A_267, %eq3A_271 : vector<1024x1024xf32>
    %jit3A_273 = arith.constant 1024 : i32
    %broadcast_in_dim3A_274 = vector.broadcast %jit3A_273 : i32 to vector<1024x1024xi32>
    %select_n3A_275 = arith.select %eq3A_272, %iota3A, %broadcast_in_dim3A_274 : vector<1024x1024xi1>, vector<1024x1024xi32>
    %reduce_min3A_276 = arith.constant dense<2147483647> : vector<1024xi32>
    %reduce_min3A_277 = vector.multi_reduction <minsi>, %select_n3A_275, %reduce_min3A_276 [1] : vector<1024x1024xi32> to vector<1024xi32>
    %broadcast_in_dim3A_278 = vector.shape_cast %reduce_min3A_277 : vector<1024xi32> to vector<1024x1xi32>
    %eq3A_279 = vector.broadcast %broadcast_in_dim3A_278 : vector<1024x1xi32> to vector<1024x1024xi32>
    %eq3A_280 = arith.cmpi eq, %iota3A, %eq3A_279 : vector<1024x1024xi32>
    %jit3A_281 = arith.constant 0xFF800000 : f32
    %broadcast_in_dim3A_282 = vector.broadcast %jit3A_281 : f32 to vector<1024x1024xf32>
    %select_n3A_283 = arith.select %eq3A_280, %broadcast_in_dim3A_282, %get3A_267 : vector<1024x1024xi1>, vector<1024x1024xf32>
    %swap3A_284 = arith.constant 0 : index
    %swap3A_285 = arith.constant 0 : index
    %swap3A_286 = vector.load %arg8[%swap3A_284, %swap3A_285] : memref<1024x1024xf32, #tpu.memory_space<vmem>>, vector<1024x1024xf32>
    tpu.vector_store %arg8[%swap3A_284, %swap3A_285], %select_n3A_283 {strides = array<i32>} : memref<1024x1024xf32, #tpu.memory_space<vmem>>, vector<1024x1024xf32>,
    %get3A_287 = arith.constant 0 : index
    %get3A_288 = arith.constant 0 : index
    %get3A_289 = vector.load %arg8[%get3A_287, %get3A_288] : memref<1024x1024xf32, #tpu.memory_space<vmem>>, vector<1024x1024xf32>
    %reduce_max3A_290 = arith.constant dense<0xFF800000> : vector<1024xf32>
    %reduce_max3A_291 = vector.multi_reduction <maximumf>, %get3A_289, %reduce_max3A_290 [1] : vector<1024x1024xf32> to vector<1024xf32>
    %broadcast_in_dim3A_292 = vector.shape_cast %reduce_max3A_291 : vector<1024xf32> to vector<1024x1xf32>
    %eq3A_293 = vector.broadcast %broadcast_in_dim3A_292 : vector<1024x1xf32> to vector<1024x1024xf32>
    %eq3A_294 = arith.cmpf oeq, %get3A_289, %eq3A_293 : vector<1024x1024xf32>
    %jit3A_295 = arith.constant 1024 : i32
    %broadcast_in_dim3A_296 = vector.broadcast %jit3A_295 : i32 to vector<1024x1024xi32>
    %select_n3A_297 = arith.select %eq3A_294, %iota3A, %broadcast_in_dim3A_296 : vector<1024x1024xi1>, vector<1024x1024xi32>
    %reduce_min3A_298 = arith.constant dense<2147483647> : vector<1024xi32>
    %reduce_min3A_299 = vector.multi_reduction <minsi>, %select_n3A_297, %reduce_min3A_298 [1] : vector<1024x1024xi32> to vector<1024xi32>
    %broadcast_in_dim3A_300 = vector.shape_cast %reduce_min3A_299 : vector<1024xi32> to vector<1024x1xi32>
    %eq3A_301 = vector.broadcast %broadcast_in_dim3A_300 : vector<1024x1xi32> to vector<1024x1024xi32>
    %eq3A_302 = arith.cmpi eq, %iota3A, %eq3A_301 : vector<1024x1024xi32>
    %jit3A_303 = arith.constant 0xFF800000 : f32
    %broadcast_in_dim3A_304 = vector.broadcast %jit3A_303 : f32 to vector<1024x1024xf32>
    %select_n3A_305 = arith.select %eq3A_302, %broadcast_in_dim3A_304, %get3A_289 : vector<1024x1024xi1>, vector<1024x1024xf32>
    %swap3A_306 = arith.constant 0 : index
    %swap3A_307 = arith.constant 0 : index
    %swap3A_308 = vector.load %arg8[%swap3A_306, %swap3A_307] : memref<1024x1024xf32, #tpu.memory_space<vmem>>, vector<1024x1024xf32>
    tpu.vector_store %arg8[%swap3A_306, %swap3A_307], %select_n3A_305 {strides = array<i32>} : memref<1024x1024xf32, #tpu.memory_space<vmem>>, vector<1024x1024xf32>,
    %get3A_309 = arith.constant 0 : index
    %get3A_310 = arith.constant 0 : index
    %get3A_311 = vector.load %arg8[%get3A_309, %get3A_310] : memref<1024x1024xf32, #tpu.memory_space<vmem>>, vector<1024x1024xf32>
    %reduce_max3A_312 = arith.constant dense<0xFF800000> : vector<1024xf32>
    %reduce_max3A_313 = vector.multi_reduction <maximumf>, %get3A_311, %reduce_max3A_312 [1] : vector<1024x1024xf32> to vector<1024xf32>
    %broadcast_in_dim3A_314 = vector.shape_cast %reduce_max3A_313 : vector<1024xf32> to vector<1024x1xf32>
    %eq3A_315 = vector.broadcast %broadcast_in_dim3A_314 : vector<1024x1xf32> to vector<1024x1024xf32>
    %eq3A_316 = arith.cmpf oeq, %get3A_311, %eq3A_315 : vector<1024x1024xf32>
    %jit3A_317 = arith.constant 1024 : i32
    %broadcast_in_dim3A_318 = vector.broadcast %jit3A_317 : i32 to vector<1024x1024xi32>
    %select_n3A_319 = arith.select %eq3A_316, %iota3A, %broadcast_in_dim3A_318 : vector<1024x1024xi1>, vector<1024x1024xi32>
    %reduce_min3A_320 = arith.constant dense<2147483647> : vector<1024xi32>
    %reduce_min3A_321 = vector.multi_reduction <minsi>, %select_n3A_319, %reduce_min3A_320 [1] : vector<1024x1024xi32> to vector<1024xi32>
    %broadcast_in_dim3A_322 = vector.shape_cast %reduce_min3A_321 : vector<1024xi32> to vector<1024x1xi32>
    %eq3A_323 = vector.broadcast %broadcast_in_dim3A_322 : vector<1024x1xi32> to vector<1024x1024xi32>
    %eq3A_324 = arith.cmpi eq, %iota3A, %eq3A_323 : vector<1024x1024xi32>
    %jit3A_325 = arith.constant 0xFF800000 : f32
    %broadcast_in_dim3A_326 = vector.broadcast %jit3A_325 : f32 to vector<1024x1024xf32>
    %select_n3A_327 = arith.select %eq3A_324, %broadcast_in_dim3A_326, %get3A_311 : vector<1024x1024xi1>, vector<1024x1024xf32>
    %swap3A_328 = arith.constant 0 : index
    %swap3A_329 = arith.constant 0 : index
    %swap3A_330 = vector.load %arg8[%swap3A_328, %swap3A_329] : memref<1024x1024xf32, #tpu.memory_space<vmem>>, vector<1024x1024xf32>
    tpu.vector_store %arg8[%swap3A_328, %swap3A_329], %select_n3A_327 {strides = array<i32>} : memref<1024x1024xf32, #tpu.memory_space<vmem>>, vector<1024x1024xf32>,
    %get3A_331 = arith.constant 0 : index
    %get3A_332 = arith.constant 0 : index
    %get3A_333 = vector.load %arg8[%get3A_331, %get3A_332] : memref<1024x1024xf32, #tpu.memory_space<vmem>>, vector<1024x1024xf32>
    %reduce_max3A_334 = arith.constant dense<0xFF800000> : vector<1024xf32>
    %reduce_max3A_335 = vector.multi_reduction <maximumf>, %get3A_333, %reduce_max3A_334 [1] : vector<1024x1024xf32> to vector<1024xf32>
    %broadcast_in_dim3A_336 = vector.shape_cast %reduce_max3A_335 : vector<1024xf32> to vector<1024x1xf32>
    %eq3A_337 = vector.broadcast %broadcast_in_dim3A_336 : vector<1024x1xf32> to vector<1024x1024xf32>
    %eq3A_338 = arith.cmpf oeq, %get3A_333, %eq3A_337 : vector<1024x1024xf32>
    %jit3A_339 = arith.constant 1024 : i32
    %broadcast_in_dim3A_340 = vector.broadcast %jit3A_339 : i32 to vector<1024x1024xi32>
    %select_n3A_341 = arith.select %eq3A_338, %iota3A, %broadcast_in_dim3A_340 : vector<1024x1024xi1>, vector<1024x1024xi32>
    %reduce_min3A_342 = arith.constant dense<2147483647> : vector<1024xi32>
    %reduce_min3A_343 = vector.multi_reduction <minsi>, %select_n3A_341, %reduce_min3A_342 [1] : vector<1024x1024xi32> to vector<1024xi32>
    %broadcast_in_dim3A_344 = vector.shape_cast %reduce_min3A_343 : vector<1024xi32> to vector<1024x1xi32>
    %eq3A_345 = vector.broadcast %broadcast_in_dim3A_344 : vector<1024x1xi32> to vector<1024x1024xi32>
    %eq3A_346 = arith.cmpi eq, %iota3A, %eq3A_345 : vector<1024x1024xi32>
    %jit3A_347 = arith.constant 0xFF800000 : f32
    %broadcast_in_dim3A_348 = vector.broadcast %jit3A_347 : f32 to vector<1024x1024xf32>
    %select_n3A_349 = arith.select %eq3A_346, %broadcast_in_dim3A_348, %get3A_333 : vector<1024x1024xi1>, vector<1024x1024xf32>
    %swap3A_350 = arith.constant 0 : index
    %swap3A_351 = arith.constant 0 : index
    %swap3A_352 = vector.load %arg8[%swap3A_350, %swap3A_351] : memref<1024x1024xf32, #tpu.memory_space<vmem>>, vector<1024x1024xf32>
    tpu.vector_store %arg8[%swap3A_350, %swap3A_351], %select_n3A_349 {strides = array<i32>} : memref<1024x1024xf32, #tpu.memory_space<vmem>>, vector<1024x1024xf32>,
    %get3A_353 = arith.constant 0 : index
    %get3A_354 = arith.constant 0 : index
    %get3A_355 = vector.load %arg8[%get3A_353, %get3A_354] : memref<1024x1024xf32, #tpu.memory_space<vmem>>, vector<1024x1024xf32>
    %reduce_max3A_356 = arith.constant dense<0xFF800000> : vector<1024xf32>
    %reduce_max3A_357 = vector.multi_reduction <maximumf>, %get3A_355, %reduce_max3A_356 [1] : vector<1024x1024xf32> to vector<1024xf32>
    %broadcast_in_dim3A_358 = vector.shape_cast %reduce_max3A_357 : vector<1024xf32> to vector<1024x1xf32>
    %eq3A_359 = vector.broadcast %broadcast_in_dim3A_358 : vector<1024x1xf32> to vector<1024x1024xf32>
    %eq3A_360 = arith.cmpf oeq, %get3A_355, %eq3A_359 : vector<1024x1024xf32>
    %jit3A_361 = arith.constant 1024 : i32
    %broadcast_in_dim3A_362 = vector.broadcast %jit3A_361 : i32 to vector<1024x1024xi32>
    %select_n3A_363 = arith.select %eq3A_360, %iota3A, %broadcast_in_dim3A_362 : vector<1024x1024xi1>, vector<1024x1024xi32>
    %reduce_min3A_364 = arith.constant dense<2147483647> : vector<1024xi32>
    %reduce_min3A_365 = vector.multi_reduction <minsi>, %select_n3A_363, %reduce_min3A_364 [1] : vector<1024x1024xi32> to vector<1024xi32>
    %broadcast_in_dim3A_366 = vector.shape_cast %reduce_min3A_365 : vector<1024xi32> to vector<1024x1xi32>
    %eq3A_367 = vector.broadcast %broadcast_in_dim3A_366 : vector<1024x1xi32> to vector<1024x1024xi32>
    %eq3A_368 = arith.cmpi eq, %iota3A, %eq3A_367 : vector<1024x1024xi32>
    %jit3A_369 = arith.constant 0xFF800000 : f32
    %broadcast_in_dim3A_370 = vector.broadcast %jit3A_369 : f32 to vector<1024x1024xf32>
    %select_n3A_371 = arith.select %eq3A_368, %broadcast_in_dim3A_370, %get3A_355 : vector<1024x1024xi1>, vector<1024x1024xf32>
    %swap3A_372 = arith.constant 0 : index
    %swap3A_373 = arith.constant 0 : index
    %swap3A_374 = vector.load %arg8[%swap3A_372, %swap3A_373] : memref<1024x1024xf32, #tpu.memory_space<vmem>>, vector<1024x1024xf32>
    tpu.vector_store %arg8[%swap3A_372, %swap3A_373], %select_n3A_371 {strides = array<i32>} : memref<1024x1024xf32, #tpu.memory_space<vmem>>, vector<1024x1024xf32>,
    %get3A_375 = arith.constant 0 : index
    %get3A_376 = arith.constant 0 : index
    %get3A_377 = vector.load %arg8[%get3A_375, %get3A_376] : memref<1024x1024xf32, #tpu.memory_space<vmem>>, vector<1024x1024xf32>
    %reduce_max3A_378 = arith.constant dense<0xFF800000> : vector<1024xf32>
    %reduce_max3A_379 = vector.multi_reduction <maximumf>, %get3A_377, %reduce_max3A_378 [1] : vector<1024x1024xf32> to vector<1024xf32>
    %broadcast_in_dim3A_380 = vector.shape_cast %reduce_max3A_379 : vector<1024xf32> to vector<1024x1xf32>
    %eq3A_381 = vector.broadcast %broadcast_in_dim3A_380 : vector<1024x1xf32> to vector<1024x1024xf32>
    %eq3A_382 = arith.cmpf oeq, %get3A_377, %eq3A_381 : vector<1024x1024xf32>
    %jit3A_383 = arith.constant 1024 : i32
    %broadcast_in_dim3A_384 = vector.broadcast %jit3A_383 : i32 to vector<1024x1024xi32>
    %select_n3A_385 = arith.select %eq3A_382, %iota3A, %broadcast_in_dim3A_384 : vector<1024x1024xi1>, vector<1024x1024xi32>
    %reduce_min3A_386 = arith.constant dense<2147483647> : vector<1024xi32>
    %reduce_min3A_387 = vector.multi_reduction <minsi>, %select_n3A_385, %reduce_min3A_386 [1] : vector<1024x1024xi32> to vector<1024xi32>
    %broadcast_in_dim3A_388 = vector.shape_cast %reduce_min3A_387 : vector<1024xi32> to vector<1024x1xi32>
    %eq3A_389 = vector.broadcast %broadcast_in_dim3A_388 : vector<1024x1xi32> to vector<1024x1024xi32>
    %eq3A_390 = arith.cmpi eq, %iota3A, %eq3A_389 : vector<1024x1024xi32>
    %jit3A_391 = arith.constant 0xFF800000 : f32
    %broadcast_in_dim3A_392 = vector.broadcast %jit3A_391 : f32 to vector<1024x1024xf32>
    %select_n3A_393 = arith.select %eq3A_390, %broadcast_in_dim3A_392, %get3A_377 : vector<1024x1024xi1>, vector<1024x1024xf32>
    %swap3A_394 = arith.constant 0 : index
    %swap3A_395 = arith.constant 0 : index
    %swap3A_396 = vector.load %arg8[%swap3A_394, %swap3A_395] : memref<1024x1024xf32, #tpu.memory_space<vmem>>, vector<1024x1024xf32>
    tpu.vector_store %arg8[%swap3A_394, %swap3A_395], %select_n3A_393 {strides = array<i32>} : memref<1024x1024xf32, #tpu.memory_space<vmem>>, vector<1024x1024xf32>,
    %get3A_397 = arith.constant 0 : index
    %get3A_398 = arith.constant 0 : index
    %get3A_399 = vector.load %arg8[%get3A_397, %get3A_398] : memref<1024x1024xf32, #tpu.memory_space<vmem>>, vector<1024x1024xf32>
    %reduce_max3A_400 = arith.constant dense<0xFF800000> : vector<1024xf32>
    %reduce_max3A_401 = vector.multi_reduction <maximumf>, %get3A_399, %reduce_max3A_400 [1] : vector<1024x1024xf32> to vector<1024xf32>
    %broadcast_in_dim3A_402 = vector.shape_cast %reduce_max3A_401 : vector<1024xf32> to vector<1024x1xf32>
    %eq3A_403 = vector.broadcast %broadcast_in_dim3A_402 : vector<1024x1xf32> to vector<1024x1024xf32>
    %eq3A_404 = arith.cmpf oeq, %get3A_399, %eq3A_403 : vector<1024x1024xf32>
    %jit3A_405 = arith.constant 1024 : i32
    %broadcast_in_dim3A_406 = vector.broadcast %jit3A_405 : i32 to vector<1024x1024xi32>
    %select_n3A_407 = arith.select %eq3A_404, %iota3A, %broadcast_in_dim3A_406 : vector<1024x1024xi1>, vector<1024x1024xi32>
    %reduce_min3A_408 = arith.constant dense<2147483647> : vector<1024xi32>
    %reduce_min3A_409 = vector.multi_reduction <minsi>, %select_n3A_407, %reduce_min3A_408 [1] : vector<1024x1024xi32> to vector<1024xi32>
    %broadcast_in_dim3A_410 = vector.shape_cast %reduce_min3A_409 : vector<1024xi32> to vector<1024x1xi32>
    %eq3A_411 = vector.broadcast %broadcast_in_dim3A_410 : vector<1024x1xi32> to vector<1024x1024xi32>
    %eq3A_412 = arith.cmpi eq, %iota3A, %eq3A_411 : vector<1024x1024xi32>
    %jit3A_413 = arith.constant 0xFF800000 : f32
    %broadcast_in_dim3A_414 = vector.broadcast %jit3A_413 : f32 to vector<1024x1024xf32>
    %select_n3A_415 = arith.select %eq3A_412, %broadcast_in_dim3A_414, %get3A_399 : vector<1024x1024xi1>, vector<1024x1024xf32>
    %swap3A_416 = arith.constant 0 : index
    %swap3A_417 = arith.constant 0 : index
    %swap3A_418 = vector.load %arg8[%swap3A_416, %swap3A_417] : memref<1024x1024xf32, #tpu.memory_space<vmem>>, vector<1024x1024xf32>
    tpu.vector_store %arg8[%swap3A_416, %swap3A_417], %select_n3A_415 {strides = array<i32>} : memref<1024x1024xf32, #tpu.memory_space<vmem>>, vector<1024x1024xf32>,
    %get3A_419 = arith.constant 0 : index
    %get3A_420 = arith.constant 0 : index
    %get3A_421 = vector.load %arg8[%get3A_419, %get3A_420] : memref<1024x1024xf32, #tpu.memory_space<vmem>>, vector<1024x1024xf32>
    %reduce_max3A_422 = arith.constant dense<0xFF800000> : vector<1024xf32>
    %reduce_max3A_423 = vector.multi_reduction <maximumf>, %get3A_421, %reduce_max3A_422 [1] : vector<1024x1024xf32> to vector<1024xf32>
    %broadcast_in_dim3A_424 = vector.shape_cast %reduce_max3A_423 : vector<1024xf32> to vector<1024x1xf32>
    %eq3A_425 = vector.broadcast %broadcast_in_dim3A_424 : vector<1024x1xf32> to vector<1024x1024xf32>
    %eq3A_426 = arith.cmpf oeq, %get3A_421, %eq3A_425 : vector<1024x1024xf32>
    %jit3A_427 = arith.constant 1024 : i32
    %broadcast_in_dim3A_428 = vector.broadcast %jit3A_427 : i32 to vector<1024x1024xi32>
    %select_n3A_429 = arith.select %eq3A_426, %iota3A, %broadcast_in_dim3A_428 : vector<1024x1024xi1>, vector<1024x1024xi32>
    %reduce_min3A_430 = arith.constant dense<2147483647> : vector<1024xi32>
    %reduce_min3A_431 = vector.multi_reduction <minsi>, %select_n3A_429, %reduce_min3A_430 [1] : vector<1024x1024xi32> to vector<1024xi32>
    %broadcast_in_dim3A_432 = vector.shape_cast %reduce_min3A_431 : vector<1024xi32> to vector<1024x1xi32>
    %eq3A_433 = vector.broadcast %broadcast_in_dim3A_432 : vector<1024x1xi32> to vector<1024x1024xi32>
    %eq3A_434 = arith.cmpi eq, %iota3A, %eq3A_433 : vector<1024x1024xi32>
    %jit3A_435 = arith.constant 0xFF800000 : f32
    %broadcast_in_dim3A_436 = vector.broadcast %jit3A_435 : f32 to vector<1024x1024xf32>
    %select_n3A_437 = arith.select %eq3A_434, %broadcast_in_dim3A_436, %get3A_421 : vector<1024x1024xi1>, vector<1024x1024xf32>
    %swap3A_438 = arith.constant 0 : index
    %swap3A_439 = arith.constant 0 : index
    %swap3A_440 = vector.load %arg8[%swap3A_438, %swap3A_439] : memref<1024x1024xf32, #tpu.memory_space<vmem>>, vector<1024x1024xf32>
    tpu.vector_store %arg8[%swap3A_438, %swap3A_439], %select_n3A_437 {strides = array<i32>} : memref<1024x1024xf32, #tpu.memory_space<vmem>>, vector<1024x1024xf32>,
    %get3A_441 = arith.constant 0 : index
    %get3A_442 = arith.constant 0 : index
    %get3A_443 = vector.load %arg8[%get3A_441, %get3A_442] : memref<1024x1024xf32, #tpu.memory_space<vmem>>, vector<1024x1024xf32>
    %reduce_max3A_444 = arith.constant dense<0xFF800000> : vector<1024xf32>
    %reduce_max3A_445 = vector.multi_reduction <maximumf>, %get3A_443, %reduce_max3A_444 [1] : vector<1024x1024xf32> to vector<1024xf32>
    %broadcast_in_dim3A_446 = vector.shape_cast %reduce_max3A_445 : vector<1024xf32> to vector<1024x1xf32>
    %eq3A_447 = vector.broadcast %broadcast_in_dim3A_446 : vector<1024x1xf32> to vector<1024x1024xf32>
    %eq3A_448 = arith.cmpf oeq, %get3A_443, %eq3A_447 : vector<1024x1024xf32>
    %jit3A_449 = arith.constant 1024 : i32
    %broadcast_in_dim3A_450 = vector.broadcast %jit3A_449 : i32 to vector<1024x1024xi32>
    %select_n3A_451 = arith.select %eq3A_448, %iota3A, %broadcast_in_dim3A_450 : vector<1024x1024xi1>, vector<1024x1024xi32>
    %reduce_min3A_452 = arith.constant dense<2147483647> : vector<1024xi32>
    %reduce_min3A_453 = vector.multi_reduction <minsi>, %select_n3A_451, %reduce_min3A_452 [1] : vector<1024x1024xi32> to vector<1024xi32>
    %broadcast_in_dim3A_454 = vector.shape_cast %reduce_min3A_453 : vector<1024xi32> to vector<1024x1xi32>
    %eq3A_455 = vector.broadcast %broadcast_in_dim3A_454 : vector<1024x1xi32> to vector<1024x1024xi32>
    %eq3A_456 = arith.cmpi eq, %iota3A, %eq3A_455 : vector<1024x1024xi32>
    %jit3A_457 = arith.constant 0xFF800000 : f32
    %broadcast_in_dim3A_458 = vector.broadcast %jit3A_457 : f32 to vector<1024x1024xf32>
    %select_n3A_459 = arith.select %eq3A_456, %broadcast_in_dim3A_458, %get3A_443 : vector<1024x1024xi1>, vector<1024x1024xf32>
    %swap3A_460 = arith.constant 0 : index
    %swap3A_461 = arith.constant 0 : index
    %swap3A_462 = vector.load %arg8[%swap3A_460, %swap3A_461] : memref<1024x1024xf32, #tpu.memory_space<vmem>>, vector<1024x1024xf32>
    tpu.vector_store %arg8[%swap3A_460, %swap3A_461], %select_n3A_459 {strides = array<i32>} : memref<1024x1024xf32, #tpu.memory_space<vmem>>, vector<1024x1024xf32>,
    %get3A_463 = arith.constant 0 : index
    %get3A_464 = arith.constant 0 : index
    %get3A_465 = vector.load %arg8[%get3A_463, %get3A_464] : memref<1024x1024xf32, #tpu.memory_space<vmem>>, vector<1024x1024xf32>
    %reduce_max3A_466 = arith.constant dense<0xFF800000> : vector<1024xf32>
    %reduce_max3A_467 = vector.multi_reduction <maximumf>, %get3A_465, %reduce_max3A_466 [1] : vector<1024x1024xf32> to vector<1024xf32>
    %broadcast_in_dim3A_468 = vector.shape_cast %reduce_max3A_467 : vector<1024xf32> to vector<1024x1xf32>
    %eq3A_469 = vector.broadcast %broadcast_in_dim3A_468 : vector<1024x1xf32> to vector<1024x1024xf32>
    %eq3A_470 = arith.cmpf oeq, %get3A_465, %eq3A_469 : vector<1024x1024xf32>
    %jit3A_471 = arith.constant 1024 : i32
    %broadcast_in_dim3A_472 = vector.broadcast %jit3A_471 : i32 to vector<1024x1024xi32>
    %select_n3A_473 = arith.select %eq3A_470, %iota3A, %broadcast_in_dim3A_472 : vector<1024x1024xi1>, vector<1024x1024xi32>
    %reduce_min3A_474 = arith.constant dense<2147483647> : vector<1024xi32>
    %reduce_min3A_475 = vector.multi_reduction <minsi>, %select_n3A_473, %reduce_min3A_474 [1] : vector<1024x1024xi32> to vector<1024xi32>
    %broadcast_in_dim3A_476 = vector.shape_cast %reduce_min3A_475 : vector<1024xi32> to vector<1024x1xi32>
    %eq3A_477 = vector.broadcast %broadcast_in_dim3A_476 : vector<1024x1xi32> to vector<1024x1024xi32>
    %eq3A_478 = arith.cmpi eq, %iota3A, %eq3A_477 : vector<1024x1024xi32>
    %jit3A_479 = arith.constant 0xFF800000 : f32
    %broadcast_in_dim3A_480 = vector.broadcast %jit3A_479 : f32 to vector<1024x1024xf32>
    %select_n3A_481 = arith.select %eq3A_478, %broadcast_in_dim3A_480, %get3A_465 : vector<1024x1024xi1>, vector<1024x1024xf32>
    %swap3A_482 = arith.constant 0 : index
    %swap3A_483 = arith.constant 0 : index
    %swap3A_484 = vector.load %arg8[%swap3A_482, %swap3A_483] : memref<1024x1024xf32, #tpu.memory_space<vmem>>, vector<1024x1024xf32>
    tpu.vector_store %arg8[%swap3A_482, %swap3A_483], %select_n3A_481 {strides = array<i32>} : memref<1024x1024xf32, #tpu.memory_space<vmem>>, vector<1024x1024xf32>,
    %stack3A = vector.shape_cast %reduce_min3A_57 : vector<1024xi32> to vector<1024x1xi32>
    %stack3A_485 = vector.shape_cast %reduce_min3A_79 : vector<1024xi32> to vector<1024x1xi32>
    %stack3A_486 = vector.shape_cast %reduce_min3A_101 : vector<1024xi32> to vector<1024x1xi32>
    %stack3A_487 = vector.shape_cast %reduce_min3A_123 : vector<1024xi32> to vector<1024x1xi32>
    %stack3A_488 = vector.shape_cast %reduce_min3A_145 : vector<1024xi32> to vector<1024x1xi32>
    %stack3A_489 = vector.shape_cast %reduce_min3A_167 : vector<1024xi32> to vector<1024x1xi32>
    %stack3A_490 = vector.shape_cast %reduce_min3A_189 : vector<1024xi32> to vector<1024x1xi32>
    %stack3A_491 = vector.shape_cast %reduce_min3A_211 : vector<1024xi32> to vector<1024x1xi32>
    %stack3A_492 = vector.shape_cast %reduce_min3A_233 : vector<1024xi32> to vector<1024x1xi32>
    %stack3A_493 = vector.shape_cast %reduce_min3A_255 : vector<1024xi32> to vector<1024x1xi32>
    %stack3A_494 = vector.shape_cast %reduce_min3A_277 : vector<1024xi32> to vector<1024x1xi32>
    %stack3A_495 = vector.shape_cast %reduce_min3A_299 : vector<1024xi32> to vector<1024x1xi32>
    %stack3A_496 = vector.shape_cast %reduce_min3A_321 : vector<1024xi32> to vector<1024x1xi32>
    %stack3A_497 = vector.shape_cast %reduce_min3A_343 : vector<1024xi32> to vector<1024x1xi32>
    %stack3A_498 = vector.shape_cast %reduce_min3A_365 : vector<1024xi32> to vector<1024x1xi32>
    %stack3A_499 = vector.shape_cast %reduce_min3A_387 : vector<1024xi32> to vector<1024x1xi32>
    %stack3A_500 = vector.shape_cast %reduce_min3A_409 : vector<1024xi32> to vector<1024x1xi32>
    %stack3A_501 = vector.shape_cast %reduce_min3A_431 : vector<1024xi32> to vector<1024x1xi32>
    %stack3A_502 = vector.shape_cast %reduce_min3A_453 : vector<1024xi32> to vector<1024x1xi32>
    %stack3A_503 = vector.shape_cast %reduce_min3A_475 : vector<1024xi32> to vector<1024x1xi32>
    %stack3A_504 = tpu.concatenate %stack3A, %stack3A_485, %stack3A_486, %stack3A_487, %stack3A_488, %stack3A_489, %stack3A_490, %stack3A_491, %stack3A_492, %stack3A_493, %stack3A_494, %stack3A_495, %stack3A_496, %stack3A_497, %stack3A_498, %stack3A_499, %stack3A_500, %stack3A_501, %stack3A_502, %stack3A_503 in 1 : vector<1024x1xi32>, vector<1024x1xi32>, vector<1024x1xi32>, vector<1024x1xi32>, vector<1024x1xi32>, vector<1024x1xi32>, vector<1024x1xi32>, vector<1024x1xi32>, vector<1024x1xi32>, vector<1024x1xi32>, vector<1024x1xi32>, vector<1024x1xi32>, vector<1024x1xi32>, vector<1024x1xi32>, vector<1024x1xi32>, vector<1024x1xi32>, vector<1024x1xi32>, vector<1024x1xi32>, vector<1024x1xi32>, vector<1024x1xi32> -> vector<1024x20xi32>
    %mul3A_505 = arith.constant 1024 : i32
    %mul3A_506 = arith.muli %arg0, %mul3A_505 : i32
    %add3A_507 = vector.broadcast %mul3A_506 : i32 to vector<1024x20xi32>
    %add3A_508 = arith.addi %stack3A_504, %add3A_507 : vector<1024x20xi32>
    %swap3A_509 = arith.constant 0 : index
    %swap3A_510 = arith.constant 0 : index
    %swap3A_511 = arith.constant 0 : index
    %swap3A_512 = vector.load %arg6[%swap3A_509, %swap3A_510, %swap3A_511] : memref<1x1024x20xi32, #tpu.memory_space<vmem>>, vector<1x1024x20xi32>
    %swap3A_513 = vector.shape_cast %swap3A_512 : vector<1x1024x20xi32> to vector<1024x20xi32>
    %swap3A_514 = vector.shape_cast %add3A_508 : vector<1024x20xi32> to vector<1x1024x20xi32>
    tpu.vector_store %arg6[%swap3A_509, %swap3A_510, %swap3A_511], %swap3A_514 {strides = array<i32>} : memref<1x1024x20xi32, #tpu.memory_space<vmem>>, vector<1x1024x20xi32>,
    return
  }
  func.func @transform_0(%arg0: i32) -> (i32, i32, i32) {
    %c0_i32 = arith.constant 0 : i32
    %c0_i32_0 = arith.constant 0 : i32
    %c0_i32_1 = arith.constant 0 : i32
    return %arg0, %c0_i32, %c0_i32_0 : i32, i32, i32
  }
  func.func @transform_1(%arg0: i32) -> i32 {
    %c0_i32 = arith.constant 0 : i32
    %c0_i32_0 = arith.constant 0 : i32
    return %c0_i32 : i32
  }
  func.func @transform_2(%arg0: i32) -> i32 {
    %c0_i32 = arith.constant 0 : i32
    %c0_i32_0 = arith.constant 0 : i32
    return %c0_i32 : i32
  }
  func.func @transform_3(%arg0: i32) -> i32 {
    %c0_i32 = arith.constant 0 : i32
    %c0_i32_0 = arith.constant 0 : i32
    return %c0_i32 : i32
  }
  func.func @transform_4(%arg0: i32) -> i32 {
    %c0_i32 = arith.constant 0 : i32
    %c0_i32_0 = arith.constant 0 : i32
    return %c0_i32 : i32
  }
  func.func @transform_5(%arg0: i32) -> (i32, i32, i32) {
    %c0_i32 = arith.constant 0 : i32
    %c0_i32_0 = arith.constant 0 : i32
    %c0_i32_1 = arith.constant 0 : i32
    return %arg0, %c0_i32, %c0_i32_0 : i32, i32, i32
  }
  func.func @transform_6(%arg0: i32) -> (i32, i32, i32) {
    %c0_i32 = arith.constant 0 : i32
    %c0_i32_0 = arith.constant 0 : i32
    %c0_i32_1 = arith.constant 0 : i32
    return %arg0, %c0_i32, %c0_i32_0 : i32, i32, i32
  }
}

module attributes {stable_mosaic.version = 14 : i64} {
  func.func @_k3_body(%arg0: i32, %arg1: i32, %arg2: memref<1x2560x128xf32, #tpu.memory_space<vmem>>, %arg3: memref<1x128x128xf32, #tpu.memory_space<vmem>>, %arg4: memref<64x128xf32, #tpu.memory_space<vmem>>, %arg5: memref<1x128x64xf32, #tpu.memory_space<vmem>>, %arg6: memref<1x2560x64xf32, #tpu.memory_space<vmem>>) attributes {dimension_semantics = [#tpu.dimension_semantics<arbitrary>, #tpu.dimension_semantics<arbitrary>], iteration_bounds = array<i64: 8, 8>, scalar_prefetch = 0 : i64, scratch_operands = 0 : i64, tpu.core_type = #tpu.core_type<tc>, window_params = [{transform_indices = @transform_0, window_bounds = array<i64: 1, 2560, 128>}, {transform_indices = @transform_1, window_bounds = array<i64: 1, 128, 128>}, {pipeline_mode = #tpu.pipeline_mode<synchronous>, transform_indices = @transform_2, window_bounds = array<i64: 64, 128>}, {transform_indices = @transform_3, window_bounds = array<i64: 1, 128, 64>}, {transform_indices = @transform_4, window_bounds = array<i64: 1, 2560, 64>}]} {
    %get3A = arith.constant 0 : index
    %get3A_0 = arith.constant 0 : index
    %get3A_1 = arith.constant 0 : index
    %get3A_2 = vector.load %arg2[%get3A, %get3A_0, %get3A_1] : memref<1x2560x128xf32, #tpu.memory_space<vmem>>, vector<1x2560x128xf32>
    %get3A_3 = vector.shape_cast %get3A_2 : vector<1x2560x128xf32> to vector<2560x128xf32>
    %reshape3A = vector.shape_cast %get3A_3 : vector<2560x128xf32> to vector<128x20x128xf32>
    %get3A_4 = arith.constant 0 : index
    %get3A_5 = arith.constant 0 : index
    %get3A_6 = arith.constant 0 : index
    %get3A_7 = vector.load %arg3[%get3A_4, %get3A_5, %get3A_6] : memref<1x128x128xf32, #tpu.memory_space<vmem>>, vector<1x128x128xf32>
    %get3A_8 = vector.shape_cast %get3A_7 : vector<1x128x128xf32> to vector<128x128xf32>
    %broadcast_in_dim3A = vector.shape_cast %get3A_8 : vector<128x128xf32> to vector<128x1x128xf32>
    %sub3A = vector.broadcast %broadcast_in_dim3A : vector<128x1x128xf32> to vector<128x20x128xf32>
    %sub3A_9 = arith.subf %reshape3A, %sub3A : vector<128x20x128xf32>
    %slice3A = vector.extract_strided_slice %get3A_8 {offsets = [0, 0], sizes = [128, 64], strides = [1, 1]} : vector<128x128xf32> to vector<128x64xf32>
    %broadcast_in_dim3A_10 = vector.shape_cast %slice3A : vector<128x64xf32> to vector<128x1x64xf32>
    %broadcast_in_dim3A_11 = vector.shape_cast %broadcast_in_dim3A_10 : vector<128x1x64xf32> to vector<128x1x64xf32>
    %broadcast_in_dim3A_12 = vector.broadcast %broadcast_in_dim3A_11 : vector<128x1x64xf32> to vector<128x20x64xf32>
    %slice3A_13 = vector.extract_strided_slice %sub3A_9 {offsets = [0, 0, 0], sizes = [128, 20, 64], strides = [1, 1, 1]} : vector<128x20x128xf32> to vector<128x20x64xf32>
    %concatenate3A = tpu.concatenate %slice3A_13, %broadcast_in_dim3A_12 in 2 : vector<128x20x64xf32>, vector<128x20x64xf32> -> vector<128x20x128xf32>
    %reshape3A_14 = vector.shape_cast %concatenate3A : vector<128x20x128xf32> to vector<2560x128xf32>
    %get3A_15 = arith.constant 0 : index
    %get3A_16 = arith.constant 0 : index
    %get3A_17 = vector.load %arg4[%get3A_15, %get3A_16] : memref<64x128xf32, #tpu.memory_space<vmem>>, vector<64x128xf32>
    %dot_general3A = arith.constant dense<0.000000e+00> : vector<2560x64xf32>
    %dot_general3A_18 = tpu.matmul %reshape3A_14, %get3A_17, %dot_general3A {dimension_numbers = #tpu.dot_dimension_numbers<[1], [1], [0], [0], [0, 0, 1, 0], [], []>, transpose_lhs_hint = false} : vector<2560x128xf32>, vector<64x128xf32>, vector<2560x64xf32> -> vector<2560x64xf32>
    %reshape3A_19 = vector.shape_cast %dot_general3A_18 : vector<2560x64xf32> to vector<128x20x64xf32>
    %slice3A_20 = vector.extract_strided_slice %reshape3A_19 {offsets = [0, 0, 0], sizes = [128, 1, 64], strides = [1, 1, 1]} : vector<128x20x64xf32> to vector<128x1x64xf32>
    %squeeze3A = vector.shape_cast %slice3A_20 : vector<128x1x64xf32> to vector<128x64xf32>
    %slice3A_21 = vector.extract_strided_slice %reshape3A_19 {offsets = [0, 1, 0], sizes = [128, 1, 64], strides = [1, 1, 1]} : vector<128x20x64xf32> to vector<128x1x64xf32>
    %squeeze3A_22 = vector.shape_cast %slice3A_21 : vector<128x1x64xf32> to vector<128x64xf32>
    %max3A = arith.maximumf %squeeze3A, %squeeze3A_22 : vector<128x64xf32>
    %slice3A_23 = vector.extract_strided_slice %reshape3A_19 {offsets = [0, 2, 0], sizes = [128, 1, 64], strides = [1, 1, 1]} : vector<128x20x64xf32> to vector<128x1x64xf32>
    %squeeze3A_24 = vector.shape_cast %slice3A_23 : vector<128x1x64xf32> to vector<128x64xf32>
    %max3A_25 = arith.maximumf %max3A, %squeeze3A_24 : vector<128x64xf32>
    %slice3A_26 = vector.extract_strided_slice %reshape3A_19 {offsets = [0, 3, 0], sizes = [128, 1, 64], strides = [1, 1, 1]} : vector<128x20x64xf32> to vector<128x1x64xf32>
    %squeeze3A_27 = vector.shape_cast %slice3A_26 : vector<128x1x64xf32> to vector<128x64xf32>
    %max3A_28 = arith.maximumf %max3A_25, %squeeze3A_27 : vector<128x64xf32>
    %slice3A_29 = vector.extract_strided_slice %reshape3A_19 {offsets = [0, 4, 0], sizes = [128, 1, 64], strides = [1, 1, 1]} : vector<128x20x64xf32> to vector<128x1x64xf32>
    %squeeze3A_30 = vector.shape_cast %slice3A_29 : vector<128x1x64xf32> to vector<128x64xf32>
    %max3A_31 = arith.maximumf %max3A_28, %squeeze3A_30 : vector<128x64xf32>
    %slice3A_32 = vector.extract_strided_slice %reshape3A_19 {offsets = [0, 5, 0], sizes = [128, 1, 64], strides = [1, 1, 1]} : vector<128x20x64xf32> to vector<128x1x64xf32>
    %squeeze3A_33 = vector.shape_cast %slice3A_32 : vector<128x1x64xf32> to vector<128x64xf32>
    %max3A_34 = arith.maximumf %max3A_31, %squeeze3A_33 : vector<128x64xf32>
    %slice3A_35 = vector.extract_strided_slice %reshape3A_19 {offsets = [0, 6, 0], sizes = [128, 1, 64], strides = [1, 1, 1]} : vector<128x20x64xf32> to vector<128x1x64xf32>
    %squeeze3A_36 = vector.shape_cast %slice3A_35 : vector<128x1x64xf32> to vector<128x64xf32>
    %max3A_37 = arith.maximumf %max3A_34, %squeeze3A_36 : vector<128x64xf32>
    %slice3A_38 = vector.extract_strided_slice %reshape3A_19 {offsets = [0, 7, 0], sizes = [128, 1, 64], strides = [1, 1, 1]} : vector<128x20x64xf32> to vector<128x1x64xf32>
    %squeeze3A_39 = vector.shape_cast %slice3A_38 : vector<128x1x64xf32> to vector<128x64xf32>
    %max3A_40 = arith.maximumf %max3A_37, %squeeze3A_39 : vector<128x64xf32>
    %slice3A_41 = vector.extract_strided_slice %reshape3A_19 {offsets = [0, 8, 0], sizes = [128, 1, 64], strides = [1, 1, 1]} : vector<128x20x64xf32> to vector<128x1x64xf32>
    %squeeze3A_42 = vector.shape_cast %slice3A_41 : vector<128x1x64xf32> to vector<128x64xf32>
    %max3A_43 = arith.maximumf %max3A_40, %squeeze3A_42 : vector<128x64xf32>
    %slice3A_44 = vector.extract_strided_slice %reshape3A_19 {offsets = [0, 9, 0], sizes = [128, 1, 64], strides = [1, 1, 1]} : vector<128x20x64xf32> to vector<128x1x64xf32>
    %squeeze3A_45 = vector.shape_cast %slice3A_44 : vector<128x1x64xf32> to vector<128x64xf32>
    %max3A_46 = arith.maximumf %max3A_43, %squeeze3A_45 : vector<128x64xf32>
    %slice3A_47 = vector.extract_strided_slice %reshape3A_19 {offsets = [0, 10, 0], sizes = [128, 1, 64], strides = [1, 1, 1]} : vector<128x20x64xf32> to vector<128x1x64xf32>
    %squeeze3A_48 = vector.shape_cast %slice3A_47 : vector<128x1x64xf32> to vector<128x64xf32>
    %max3A_49 = arith.maximumf %max3A_46, %squeeze3A_48 : vector<128x64xf32>
    %slice3A_50 = vector.extract_strided_slice %reshape3A_19 {offsets = [0, 11, 0], sizes = [128, 1, 64], strides = [1, 1, 1]} : vector<128x20x64xf32> to vector<128x1x64xf32>
    %squeeze3A_51 = vector.shape_cast %slice3A_50 : vector<128x1x64xf32> to vector<128x64xf32>
    %max3A_52 = arith.maximumf %max3A_49, %squeeze3A_51 : vector<128x64xf32>
    %slice3A_53 = vector.extract_strided_slice %reshape3A_19 {offsets = [0, 12, 0], sizes = [128, 1, 64], strides = [1, 1, 1]} : vector<128x20x64xf32> to vector<128x1x64xf32>
    %squeeze3A_54 = vector.shape_cast %slice3A_53 : vector<128x1x64xf32> to vector<128x64xf32>
    %max3A_55 = arith.maximumf %max3A_52, %squeeze3A_54 : vector<128x64xf32>
    %slice3A_56 = vector.extract_strided_slice %reshape3A_19 {offsets = [0, 13, 0], sizes = [128, 1, 64], strides = [1, 1, 1]} : vector<128x20x64xf32> to vector<128x1x64xf32>
    %squeeze3A_57 = vector.shape_cast %slice3A_56 : vector<128x1x64xf32> to vector<128x64xf32>
    %max3A_58 = arith.maximumf %max3A_55, %squeeze3A_57 : vector<128x64xf32>
    %slice3A_59 = vector.extract_strided_slice %reshape3A_19 {offsets = [0, 14, 0], sizes = [128, 1, 64], strides = [1, 1, 1]} : vector<128x20x64xf32> to vector<128x1x64xf32>
    %squeeze3A_60 = vector.shape_cast %slice3A_59 : vector<128x1x64xf32> to vector<128x64xf32>
    %max3A_61 = arith.maximumf %max3A_58, %squeeze3A_60 : vector<128x64xf32>
    %slice3A_62 = vector.extract_strided_slice %reshape3A_19 {offsets = [0, 15, 0], sizes = [128, 1, 64], strides = [1, 1, 1]} : vector<128x20x64xf32> to vector<128x1x64xf32>
    %squeeze3A_63 = vector.shape_cast %slice3A_62 : vector<128x1x64xf32> to vector<128x64xf32>
    %max3A_64 = arith.maximumf %max3A_61, %squeeze3A_63 : vector<128x64xf32>
    %slice3A_65 = vector.extract_strided_slice %reshape3A_19 {offsets = [0, 16, 0], sizes = [128, 1, 64], strides = [1, 1, 1]} : vector<128x20x64xf32> to vector<128x1x64xf32>
    %squeeze3A_66 = vector.shape_cast %slice3A_65 : vector<128x1x64xf32> to vector<128x64xf32>
    %max3A_67 = arith.maximumf %max3A_64, %squeeze3A_66 : vector<128x64xf32>
    %slice3A_68 = vector.extract_strided_slice %reshape3A_19 {offsets = [0, 17, 0], sizes = [128, 1, 64], strides = [1, 1, 1]} : vector<128x20x64xf32> to vector<128x1x64xf32>
    %squeeze3A_69 = vector.shape_cast %slice3A_68 : vector<128x1x64xf32> to vector<128x64xf32>
    %max3A_70 = arith.maximumf %max3A_67, %squeeze3A_69 : vector<128x64xf32>
    %slice3A_71 = vector.extract_strided_slice %reshape3A_19 {offsets = [0, 18, 0], sizes = [128, 1, 64], strides = [1, 1, 1]} : vector<128x20x64xf32> to vector<128x1x64xf32>
    %squeeze3A_72 = vector.shape_cast %slice3A_71 : vector<128x1x64xf32> to vector<128x64xf32>
    %max3A_73 = arith.maximumf %max3A_70, %squeeze3A_72 : vector<128x64xf32>
    %slice3A_74 = vector.extract_strided_slice %reshape3A_19 {offsets = [0, 19, 0], sizes = [128, 1, 64], strides = [1, 1, 1]} : vector<128x20x64xf32> to vector<128x1x64xf32>
    %squeeze3A_75 = vector.shape_cast %slice3A_74 : vector<128x1x64xf32> to vector<128x64xf32>
    %max3A_76 = arith.maximumf %max3A_73, %squeeze3A_75 : vector<128x64xf32>
    %swap3A = arith.constant 0 : index
    %swap3A_77 = arith.constant 0 : index
    %swap3A_78 = arith.constant 0 : index
    %swap3A_79 = vector.load %arg5[%swap3A, %swap3A_77, %swap3A_78] : memref<1x128x64xf32, #tpu.memory_space<vmem>>, vector<1x128x64xf32>
    %swap3A_80 = vector.shape_cast %swap3A_79 : vector<1x128x64xf32> to vector<128x64xf32>
    %swap3A_81 = vector.shape_cast %max3A_76 : vector<128x64xf32> to vector<1x128x64xf32>
    tpu.vector_store %arg5[%swap3A, %swap3A_77, %swap3A_78], %swap3A_81 {strides = array<i32>} : memref<1x128x64xf32, #tpu.memory_space<vmem>>, vector<1x128x64xf32>,
    %swap3A_82 = arith.constant 0 : index
    %swap3A_83 = arith.constant 0 : index
    %swap3A_84 = arith.constant 0 : index
    %swap3A_85 = vector.load %arg6[%swap3A_82, %swap3A_83, %swap3A_84] : memref<1x2560x64xf32, #tpu.memory_space<vmem>>, vector<1x2560x64xf32>
    %swap3A_86 = vector.shape_cast %swap3A_85 : vector<1x2560x64xf32> to vector<2560x64xf32>
    %swap3A_87 = vector.shape_cast %dot_general3A_18 : vector<2560x64xf32> to vector<1x2560x64xf32>
    tpu.vector_store %arg6[%swap3A_82, %swap3A_83, %swap3A_84], %swap3A_87 {strides = array<i32>} : memref<1x2560x64xf32, #tpu.memory_space<vmem>>, vector<1x2560x64xf32>,
    return
  }
  func.func @transform_0(%arg0: i32, %arg1: i32) -> (i32, i32, i32) {
    %c0_i32 = arith.constant 0 : i32
    %c0_i32_0 = arith.constant 0 : i32
    return %arg0, %arg1, %c0_i32 : i32, i32, i32
  }
  func.func @transform_1(%arg0: i32, %arg1: i32) -> (i32, i32, i32) {
    %c0_i32 = arith.constant 0 : i32
    %c0_i32_0 = arith.constant 0 : i32
    return %arg0, %arg1, %c0_i32 : i32, i32, i32
  }
  func.func @transform_2(%arg0: i32, %arg1: i32) -> (i32, i32) {
    %c0_i32 = arith.constant 0 : i32
    %c0_i32_0 = arith.constant 0 : i32
    %c0_i32_1 = arith.constant 0 : i32
    return %c0_i32, %c0_i32_0 : i32, i32
  }
  func.func @transform_3(%arg0: i32, %arg1: i32) -> (i32, i32, i32) {
    %c0_i32 = arith.constant 0 : i32
    %c0_i32_0 = arith.constant 0 : i32
    return %arg0, %arg1, %c0_i32 : i32, i32, i32
  }
  func.func @transform_4(%arg0: i32, %arg1: i32) -> (i32, i32, i32) {
    %c0_i32 = arith.constant 0 : i32
    %c0_i32_0 = arith.constant 0 : i32
    return %arg0, %arg1, %c0_i32 : i32, i32, i32
  }
}

module attributes {stable_mosaic.version = 14 : i64} {
  func.func @_k3_body(%arg0: i32, %arg1: i32, %arg2: memref<1x2560x128xf32, #tpu.memory_space<vmem>>, %arg3: memref<1x128x128xf32, #tpu.memory_space<vmem>>, %arg4: memref<128x128xf32, #tpu.memory_space<vmem>>, %arg5: memref<1x128x128xf32, #tpu.memory_space<vmem>>, %arg6: memref<1x2560x128xf32, #tpu.memory_space<vmem>>) attributes {dimension_semantics = [#tpu.dimension_semantics<arbitrary>, #tpu.dimension_semantics<arbitrary>], iteration_bounds = array<i64: 8, 8>, scalar_prefetch = 0 : i64, scratch_operands = 0 : i64, tpu.core_type = #tpu.core_type<tc>, window_params = [{transform_indices = @transform_0, window_bounds = array<i64: 1, 2560, 128>}, {transform_indices = @transform_1, window_bounds = array<i64: 1, 128, 128>}, {pipeline_mode = #tpu.pipeline_mode<synchronous>, transform_indices = @transform_2, window_bounds = array<i64: 128, 128>}, {transform_indices = @transform_3, window_bounds = array<i64: 1, 128, 128>}, {transform_indices = @transform_4, window_bounds = array<i64: 1, 2560, 128>}]} {
    %get3A = arith.constant 0 : index
    %get3A_0 = arith.constant 0 : index
    %get3A_1 = arith.constant 0 : index
    %get3A_2 = vector.load %arg2[%get3A, %get3A_0, %get3A_1] : memref<1x2560x128xf32, #tpu.memory_space<vmem>>, vector<1x2560x128xf32>
    %get3A_3 = vector.shape_cast %get3A_2 : vector<1x2560x128xf32> to vector<2560x128xf32>
    %reshape3A = vector.shape_cast %get3A_3 : vector<2560x128xf32> to vector<128x20x128xf32>
    %get3A_4 = arith.constant 0 : index
    %get3A_5 = arith.constant 0 : index
    %get3A_6 = arith.constant 0 : index
    %get3A_7 = vector.load %arg3[%get3A_4, %get3A_5, %get3A_6] : memref<1x128x128xf32, #tpu.memory_space<vmem>>, vector<1x128x128xf32>
    %get3A_8 = vector.shape_cast %get3A_7 : vector<1x128x128xf32> to vector<128x128xf32>
    %broadcast_in_dim3A = vector.shape_cast %get3A_8 : vector<128x128xf32> to vector<128x1x128xf32>
    %sub3A = vector.broadcast %broadcast_in_dim3A : vector<128x1x128xf32> to vector<128x20x128xf32>
    %sub3A_9 = arith.subf %reshape3A, %sub3A : vector<128x20x128xf32>
    %slice3A = vector.extract_strided_slice %get3A_8 {offsets = [0, 0], sizes = [128, 64], strides = [1, 1]} : vector<128x128xf32> to vector<128x64xf32>
    %broadcast_in_dim3A_10 = vector.shape_cast %slice3A : vector<128x64xf32> to vector<128x1x64xf32>
    %broadcast_in_dim3A_11 = vector.shape_cast %broadcast_in_dim3A_10 : vector<128x1x64xf32> to vector<128x1x64xf32>
    %broadcast_in_dim3A_12 = vector.broadcast %broadcast_in_dim3A_11 : vector<128x1x64xf32> to vector<128x20x64xf32>
    %slice3A_13 = vector.extract_strided_slice %sub3A_9 {offsets = [0, 0, 0], sizes = [128, 20, 64], strides = [1, 1, 1]} : vector<128x20x128xf32> to vector<128x20x64xf32>
    %concatenate3A = tpu.concatenate %slice3A_13, %broadcast_in_dim3A_12 in 2 : vector<128x20x64xf32>, vector<128x20x64xf32> -> vector<128x20x128xf32>
    %reshape3A_14 = vector.shape_cast %concatenate3A : vector<128x20x128xf32> to vector<2560x128xf32>
    %get3A_15 = arith.constant 0 : index
    %get3A_16 = arith.constant 0 : index
    %get3A_17 = vector.load %arg4[%get3A_15, %get3A_16] : memref<128x128xf32, #tpu.memory_space<vmem>>, vector<128x128xf32>
    %dot_general3A = arith.constant dense<0.000000e+00> : vector<2560x128xf32>
    %dot_general3A_18 = tpu.matmul %reshape3A_14, %get3A_17, %dot_general3A {dimension_numbers = #tpu.dot_dimension_numbers<[1], [1], [0], [0], [0, 0, 1, 0], [], []>, transpose_lhs_hint = false} : vector<2560x128xf32>, vector<128x128xf32>, vector<2560x128xf32> -> vector<2560x128xf32>
    %reshape3A_19 = vector.shape_cast %dot_general3A_18 : vector<2560x128xf32> to vector<128x20x128xf32>
    %slice3A_20 = vector.extract_strided_slice %reshape3A_19 {offsets = [0, 0, 0], sizes = [128, 1, 128], strides = [1, 1, 1]} : vector<128x20x128xf32> to vector<128x1x128xf32>
    %squeeze3A = vector.shape_cast %slice3A_20 : vector<128x1x128xf32> to vector<128x128xf32>
    %slice3A_21 = vector.extract_strided_slice %reshape3A_19 {offsets = [0, 1, 0], sizes = [128, 1, 128], strides = [1, 1, 1]} : vector<128x20x128xf32> to vector<128x1x128xf32>
    %squeeze3A_22 = vector.shape_cast %slice3A_21 : vector<128x1x128xf32> to vector<128x128xf32>
    %max3A = arith.maximumf %squeeze3A, %squeeze3A_22 : vector<128x128xf32>
    %slice3A_23 = vector.extract_strided_slice %reshape3A_19 {offsets = [0, 2, 0], sizes = [128, 1, 128], strides = [1, 1, 1]} : vector<128x20x128xf32> to vector<128x1x128xf32>
    %squeeze3A_24 = vector.shape_cast %slice3A_23 : vector<128x1x128xf32> to vector<128x128xf32>
    %max3A_25 = arith.maximumf %max3A, %squeeze3A_24 : vector<128x128xf32>
    %slice3A_26 = vector.extract_strided_slice %reshape3A_19 {offsets = [0, 3, 0], sizes = [128, 1, 128], strides = [1, 1, 1]} : vector<128x20x128xf32> to vector<128x1x128xf32>
    %squeeze3A_27 = vector.shape_cast %slice3A_26 : vector<128x1x128xf32> to vector<128x128xf32>
    %max3A_28 = arith.maximumf %max3A_25, %squeeze3A_27 : vector<128x128xf32>
    %slice3A_29 = vector.extract_strided_slice %reshape3A_19 {offsets = [0, 4, 0], sizes = [128, 1, 128], strides = [1, 1, 1]} : vector<128x20x128xf32> to vector<128x1x128xf32>
    %squeeze3A_30 = vector.shape_cast %slice3A_29 : vector<128x1x128xf32> to vector<128x128xf32>
    %max3A_31 = arith.maximumf %max3A_28, %squeeze3A_30 : vector<128x128xf32>
    %slice3A_32 = vector.extract_strided_slice %reshape3A_19 {offsets = [0, 5, 0], sizes = [128, 1, 128], strides = [1, 1, 1]} : vector<128x20x128xf32> to vector<128x1x128xf32>
    %squeeze3A_33 = vector.shape_cast %slice3A_32 : vector<128x1x128xf32> to vector<128x128xf32>
    %max3A_34 = arith.maximumf %max3A_31, %squeeze3A_33 : vector<128x128xf32>
    %slice3A_35 = vector.extract_strided_slice %reshape3A_19 {offsets = [0, 6, 0], sizes = [128, 1, 128], strides = [1, 1, 1]} : vector<128x20x128xf32> to vector<128x1x128xf32>
    %squeeze3A_36 = vector.shape_cast %slice3A_35 : vector<128x1x128xf32> to vector<128x128xf32>
    %max3A_37 = arith.maximumf %max3A_34, %squeeze3A_36 : vector<128x128xf32>
    %slice3A_38 = vector.extract_strided_slice %reshape3A_19 {offsets = [0, 7, 0], sizes = [128, 1, 128], strides = [1, 1, 1]} : vector<128x20x128xf32> to vector<128x1x128xf32>
    %squeeze3A_39 = vector.shape_cast %slice3A_38 : vector<128x1x128xf32> to vector<128x128xf32>
    %max3A_40 = arith.maximumf %max3A_37, %squeeze3A_39 : vector<128x128xf32>
    %slice3A_41 = vector.extract_strided_slice %reshape3A_19 {offsets = [0, 8, 0], sizes = [128, 1, 128], strides = [1, 1, 1]} : vector<128x20x128xf32> to vector<128x1x128xf32>
    %squeeze3A_42 = vector.shape_cast %slice3A_41 : vector<128x1x128xf32> to vector<128x128xf32>
    %max3A_43 = arith.maximumf %max3A_40, %squeeze3A_42 : vector<128x128xf32>
    %slice3A_44 = vector.extract_strided_slice %reshape3A_19 {offsets = [0, 9, 0], sizes = [128, 1, 128], strides = [1, 1, 1]} : vector<128x20x128xf32> to vector<128x1x128xf32>
    %squeeze3A_45 = vector.shape_cast %slice3A_44 : vector<128x1x128xf32> to vector<128x128xf32>
    %max3A_46 = arith.maximumf %max3A_43, %squeeze3A_45 : vector<128x128xf32>
    %slice3A_47 = vector.extract_strided_slice %reshape3A_19 {offsets = [0, 10, 0], sizes = [128, 1, 128], strides = [1, 1, 1]} : vector<128x20x128xf32> to vector<128x1x128xf32>
    %squeeze3A_48 = vector.shape_cast %slice3A_47 : vector<128x1x128xf32> to vector<128x128xf32>
    %max3A_49 = arith.maximumf %max3A_46, %squeeze3A_48 : vector<128x128xf32>
    %slice3A_50 = vector.extract_strided_slice %reshape3A_19 {offsets = [0, 11, 0], sizes = [128, 1, 128], strides = [1, 1, 1]} : vector<128x20x128xf32> to vector<128x1x128xf32>
    %squeeze3A_51 = vector.shape_cast %slice3A_50 : vector<128x1x128xf32> to vector<128x128xf32>
    %max3A_52 = arith.maximumf %max3A_49, %squeeze3A_51 : vector<128x128xf32>
    %slice3A_53 = vector.extract_strided_slice %reshape3A_19 {offsets = [0, 12, 0], sizes = [128, 1, 128], strides = [1, 1, 1]} : vector<128x20x128xf32> to vector<128x1x128xf32>
    %squeeze3A_54 = vector.shape_cast %slice3A_53 : vector<128x1x128xf32> to vector<128x128xf32>
    %max3A_55 = arith.maximumf %max3A_52, %squeeze3A_54 : vector<128x128xf32>
    %slice3A_56 = vector.extract_strided_slice %reshape3A_19 {offsets = [0, 13, 0], sizes = [128, 1, 128], strides = [1, 1, 1]} : vector<128x20x128xf32> to vector<128x1x128xf32>
    %squeeze3A_57 = vector.shape_cast %slice3A_56 : vector<128x1x128xf32> to vector<128x128xf32>
    %max3A_58 = arith.maximumf %max3A_55, %squeeze3A_57 : vector<128x128xf32>
    %slice3A_59 = vector.extract_strided_slice %reshape3A_19 {offsets = [0, 14, 0], sizes = [128, 1, 128], strides = [1, 1, 1]} : vector<128x20x128xf32> to vector<128x1x128xf32>
    %squeeze3A_60 = vector.shape_cast %slice3A_59 : vector<128x1x128xf32> to vector<128x128xf32>
    %max3A_61 = arith.maximumf %max3A_58, %squeeze3A_60 : vector<128x128xf32>
    %slice3A_62 = vector.extract_strided_slice %reshape3A_19 {offsets = [0, 15, 0], sizes = [128, 1, 128], strides = [1, 1, 1]} : vector<128x20x128xf32> to vector<128x1x128xf32>
    %squeeze3A_63 = vector.shape_cast %slice3A_62 : vector<128x1x128xf32> to vector<128x128xf32>
    %max3A_64 = arith.maximumf %max3A_61, %squeeze3A_63 : vector<128x128xf32>
    %slice3A_65 = vector.extract_strided_slice %reshape3A_19 {offsets = [0, 16, 0], sizes = [128, 1, 128], strides = [1, 1, 1]} : vector<128x20x128xf32> to vector<128x1x128xf32>
    %squeeze3A_66 = vector.shape_cast %slice3A_65 : vector<128x1x128xf32> to vector<128x128xf32>
    %max3A_67 = arith.maximumf %max3A_64, %squeeze3A_66 : vector<128x128xf32>
    %slice3A_68 = vector.extract_strided_slice %reshape3A_19 {offsets = [0, 17, 0], sizes = [128, 1, 128], strides = [1, 1, 1]} : vector<128x20x128xf32> to vector<128x1x128xf32>
    %squeeze3A_69 = vector.shape_cast %slice3A_68 : vector<128x1x128xf32> to vector<128x128xf32>
    %max3A_70 = arith.maximumf %max3A_67, %squeeze3A_69 : vector<128x128xf32>
    %slice3A_71 = vector.extract_strided_slice %reshape3A_19 {offsets = [0, 18, 0], sizes = [128, 1, 128], strides = [1, 1, 1]} : vector<128x20x128xf32> to vector<128x1x128xf32>
    %squeeze3A_72 = vector.shape_cast %slice3A_71 : vector<128x1x128xf32> to vector<128x128xf32>
    %max3A_73 = arith.maximumf %max3A_70, %squeeze3A_72 : vector<128x128xf32>
    %slice3A_74 = vector.extract_strided_slice %reshape3A_19 {offsets = [0, 19, 0], sizes = [128, 1, 128], strides = [1, 1, 1]} : vector<128x20x128xf32> to vector<128x1x128xf32>
    %squeeze3A_75 = vector.shape_cast %slice3A_74 : vector<128x1x128xf32> to vector<128x128xf32>
    %max3A_76 = arith.maximumf %max3A_73, %squeeze3A_75 : vector<128x128xf32>
    %swap3A = arith.constant 0 : index
    %swap3A_77 = arith.constant 0 : index
    %swap3A_78 = arith.constant 0 : index
    %swap3A_79 = vector.load %arg5[%swap3A, %swap3A_77, %swap3A_78] : memref<1x128x128xf32, #tpu.memory_space<vmem>>, vector<1x128x128xf32>
    %swap3A_80 = vector.shape_cast %swap3A_79 : vector<1x128x128xf32> to vector<128x128xf32>
    %swap3A_81 = vector.shape_cast %max3A_76 : vector<128x128xf32> to vector<1x128x128xf32>
    tpu.vector_store %arg5[%swap3A, %swap3A_77, %swap3A_78], %swap3A_81 {strides = array<i32>} : memref<1x128x128xf32, #tpu.memory_space<vmem>>, vector<1x128x128xf32>,
    %swap3A_82 = arith.constant 0 : index
    %swap3A_83 = arith.constant 0 : index
    %swap3A_84 = arith.constant 0 : index
    %swap3A_85 = vector.load %arg6[%swap3A_82, %swap3A_83, %swap3A_84] : memref<1x2560x128xf32, #tpu.memory_space<vmem>>, vector<1x2560x128xf32>
    %swap3A_86 = vector.shape_cast %swap3A_85 : vector<1x2560x128xf32> to vector<2560x128xf32>
    %swap3A_87 = vector.shape_cast %dot_general3A_18 : vector<2560x128xf32> to vector<1x2560x128xf32>
    tpu.vector_store %arg6[%swap3A_82, %swap3A_83, %swap3A_84], %swap3A_87 {strides = array<i32>} : memref<1x2560x128xf32, #tpu.memory_space<vmem>>, vector<1x2560x128xf32>,
    return
  }
  func.func @transform_0(%arg0: i32, %arg1: i32) -> (i32, i32, i32) {
    %c0_i32 = arith.constant 0 : i32
    %c0_i32_0 = arith.constant 0 : i32
    return %arg0, %arg1, %c0_i32 : i32, i32, i32
  }
  func.func @transform_1(%arg0: i32, %arg1: i32) -> (i32, i32, i32) {
    %c0_i32 = arith.constant 0 : i32
    %c0_i32_0 = arith.constant 0 : i32
    return %arg0, %arg1, %c0_i32 : i32, i32, i32
  }
  func.func @transform_2(%arg0: i32, %arg1: i32) -> (i32, i32) {
    %c0_i32 = arith.constant 0 : i32
    %c0_i32_0 = arith.constant 0 : i32
    %c0_i32_1 = arith.constant 0 : i32
    return %c0_i32, %c0_i32_0 : i32, i32
  }
  func.func @transform_3(%arg0: i32, %arg1: i32) -> (i32, i32, i32) {
    %c0_i32 = arith.constant 0 : i32
    %c0_i32_0 = arith.constant 0 : i32
    return %arg0, %arg1, %c0_i32 : i32, i32, i32
  }
  func.func @transform_4(%arg0: i32, %arg1: i32) -> (i32, i32, i32) {
    %c0_i32 = arith.constant 0 : i32
    %c0_i32_0 = arith.constant 0 : i32
    return %arg0, %arg1, %c0_i32 : i32, i32, i32
  }
}

module attributes {stable_mosaic.version = 14 : i64} {
  func.func @_k1_next_body(%arg0: i32, %arg1: memref<1x1024x128xf32, #tpu.memory_space<vmem>>, %arg2: memref<128xf32, #tpu.memory_space<vmem>>, %arg3: memref<128xf32, #tpu.memory_space<vmem>>, %arg4: memref<128xf32, #tpu.memory_space<vmem>>, %arg5: memref<128xf32, #tpu.memory_space<vmem>>, %arg6: memref<1x1024x20xi32, #tpu.memory_space<vmem>>, %arg7: memref<1x1024x128xf32, #tpu.memory_space<vmem>>, %arg8: memref<1024x1024xf32, #tpu.memory_space<vmem>>) attributes {dimension_semantics = [#tpu.dimension_semantics<arbitrary>], iteration_bounds = array<i64: 8>, scalar_prefetch = 0 : i64, scratch_operands = 1 : i64, tpu.core_type = #tpu.core_type<tc>, window_params = [{transform_indices = @transform_0, window_bounds = array<i64: 1, 1024, 128>}, {pipeline_mode = #tpu.pipeline_mode<synchronous>, transform_indices = @transform_1, window_bounds = array<i64: 128>}, {pipeline_mode = #tpu.pipeline_mode<synchronous>, transform_indices = @transform_2, window_bounds = array<i64: 128>}, {pipeline_mode = #tpu.pipeline_mode<synchronous>, transform_indices = @transform_3, window_bounds = array<i64: 128>}, {pipeline_mode = #tpu.pipeline_mode<synchronous>, transform_indices = @transform_4, window_bounds = array<i64: 128>}, {transform_indices = @transform_5, window_bounds = array<i64: 1, 1024, 20>}, {transform_indices = @transform_6, window_bounds = array<i64: 1, 1024, 128>}]} {
    %get3A = arith.constant 0 : index
    %get3A_0 = arith.constant 0 : index
    %get3A_1 = arith.constant 0 : index
    %get3A_2 = vector.load %arg1[%get3A, %get3A_0, %get3A_1] : memref<1x1024x128xf32, #tpu.memory_space<vmem>>, vector<1x1024x128xf32>
    %get3A_3 = vector.shape_cast %get3A_2 : vector<1x1024x128xf32> to vector<1024x128xf32>
    %get3A_4 = arith.constant 0 : index
    %get3A_5 = vector.load %arg2[%get3A_4] : memref<128xf32, #tpu.memory_space<vmem>>, vector<128xf32>
    %get3A_6 = arith.constant 0 : index
    %get3A_7 = vector.load %arg3[%get3A_6] : memref<128xf32, #tpu.memory_space<vmem>>, vector<128xf32>
    %get3A_8 = arith.constant 0 : index
    %get3A_9 = vector.load %arg4[%get3A_8] : memref<128xf32, #tpu.memory_space<vmem>>, vector<128xf32>
    %get3A_10 = arith.constant 0 : index
    %get3A_11 = vector.load %arg5[%get3A_10] : memref<128xf32, #tpu.memory_space<vmem>>, vector<128xf32>
    %broadcast_in_dim3A = vector.shape_cast %get3A_9 : vector<128xf32> to vector<1x128xf32>
    %broadcast_in_dim3A_12 = vector.shape_cast %get3A_5 : vector<128xf32> to vector<1x128xf32>
    %sub3A = vector.broadcast %broadcast_in_dim3A_12 : vector<1x128xf32> to vector<1024x128xf32>
    %sub3A_13 = arith.subf %get3A_3, %sub3A : vector<1024x128xf32>
    %mul3A = vector.broadcast %broadcast_in_dim3A : vector<1x128xf32> to vector<1024x128xf32>
    %mul3A_14 = arith.mulf %mul3A, %sub3A_13 : vector<1024x128xf32>
    %add3A = arith.constant 9.99999974E-6 : f32
    %add3A_15 = vector.broadcast %add3A : f32 to vector<128xf32>
    %add3A_16 = arith.addf %get3A_7, %add3A_15 : vector<128xf32>
    %sqrt3A = math.sqrt %add3A_16 : vector<128xf32>
    %broadcast_in_dim3A_17 = vector.shape_cast %sqrt3A : vector<128xf32> to vector<1x128xf32>
    %div3A = vector.broadcast %broadcast_in_dim3A_17 : vector<1x128xf32> to vector<1024x128xf32>
    %div3A_18 = arith.divf %mul3A_14, %div3A : vector<1024x128xf32>
    %broadcast_in_dim3A_19 = vector.shape_cast %get3A_11 : vector<128xf32> to vector<1x128xf32>
    %add3A_20 = vector.broadcast %broadcast_in_dim3A_19 : vector<1x128xf32> to vector<1024x128xf32>
    %add3A_21 = arith.addf %div3A_18, %add3A_20 : vector<1024x128xf32>
    %gt3A = arith.constant 0.000000e+00 : f32
    %gt3A_22 = vector.broadcast %gt3A : f32 to vector<1024x128xf32>
    %gt3A_23 = arith.cmpf ogt, %add3A_21, %gt3A_22 : vector<1024x128xf32>
    %mul3A_24 = arith.constant 2.000000e-01 : f32
    %mul3A_25 = vector.broadcast %mul3A_24 : f32 to vector<1024x128xf32>
    %mul3A_26 = arith.mulf %mul3A_25, %add3A_21 : vector<1024x128xf32>
    %select_n3A = arith.select %gt3A_23, %add3A_21, %mul3A_26 : vector<1024x128xi1>, vector<1024x128xf32>
    %swap3A = arith.constant 0 : index
    %swap3A_27 = arith.constant 0 : index
    %swap3A_28 = arith.constant 0 : index
    %swap3A_29 = vector.load %arg7[%swap3A, %swap3A_27, %swap3A_28] : memref<1x1024x128xf32, #tpu.memory_space<vmem>>, vector<1x1024x128xf32>
    %swap3A_30 = vector.shape_cast %swap3A_29 : vector<1x1024x128xf32> to vector<1024x128xf32>
    %swap3A_31 = vector.shape_cast %select_n3A : vector<1024x128xf32> to vector<1x1024x128xf32>
    tpu.vector_store %arg7[%swap3A, %swap3A_27, %swap3A_28], %swap3A_31 {strides = array<i32>} : memref<1x1024x128xf32, #tpu.memory_space<vmem>>, vector<1x1024x128xf32>,
    %slice3A = vector.extract_strided_slice %select_n3A {offsets = [0, 0], sizes = [1024, 3], strides = [1, 1]} : vector<1024x128xf32> to vector<1024x3xf32>
    %mul3A_32 = arith.mulf %slice3A, %slice3A : vector<1024x3xf32>
    %reduce_sum3A = arith.constant dense<0.000000e+00> : vector<1024xf32>
    %reduce_sum3A_33 = vector.multi_reduction <add>, %mul3A_32, %reduce_sum3A [1] : vector<1024x3xf32> to vector<1024xf32>
    %dot_general3A = arith.constant dense<0.000000e+00> : vector<1024x1024xf32>
    %dot_general3A_34 = tpu.matmul %slice3A, %slice3A, %dot_general3A {dimension_numbers = #tpu.dot_dimension_numbers<[1], [1], [0], [0], [0, 0, 1, 0], [], []>, transpose_lhs_hint = false} : vector<1024x3xf32>, vector<1024x3xf32>, vector<1024x1024xf32> -> vector<1024x1024xf32>
    %mul3A_35 = arith.constant 2.000000e+00 : f32
    %mul3A_36 = vector.broadcast %mul3A_35 : f32 to vector<1024x1024xf32>
    %mul3A_37 = arith.mulf %mul3A_36, %dot_general3A_34 : vector<1024x1024xf32>
    %broadcast_in_dim3A_38 = vector.shape_cast %reduce_sum3A_33 : vector<1024xf32> to vector<1024x1xf32>
    %sub3A_39 = vector.broadcast %broadcast_in_dim3A_38 : vector<1024x1xf32> to vector<1024x1024xf32>
    %sub3A_40 = arith.subf %mul3A_37, %sub3A_39 : vector<1024x1024xf32>
    %broadcast_in_dim3A_41 = vector.shape_cast %reduce_sum3A_33 : vector<1024xf32> to vector<1x1024xf32>
    %sub3A_42 = vector.broadcast %broadcast_in_dim3A_41 : vector<1x1024xf32> to vector<1024x1024xf32>
    %sub3A_43 = arith.subf %sub3A_40, %sub3A_42 : vector<1024x1024xf32>
    %swap3A_44 = arith.constant 0 : index
    %swap3A_45 = arith.constant 0 : index
    %swap3A_46 = vector.load %arg8[%swap3A_44, %swap3A_45] : memref<1024x1024xf32, #tpu.memory_space<vmem>>, vector<1024x1024xf32>
    tpu.vector_store %arg8[%swap3A_44, %swap3A_45], %sub3A_43 {strides = array<i32>} : memref<1024x1024xf32, #tpu.memory_space<vmem>>, vector<1024x1024xf32>,
    %iota3A = tpu.iota {dimensions = array<i32: 1>} : vector<1024x1024xi32>
    %get3A_47 = arith.constant 0 : index
    %get3A_48 = arith.constant 0 : index
    %get3A_49 = vector.load %arg8[%get3A_47, %get3A_48] : memref<1024x1024xf32, #tpu.memory_space<vmem>>, vector<1024x1024xf32>
    %reduce_max3A = arith.constant dense<0xFF800000> : vector<1024xf32>
    %reduce_max3A_50 = vector.multi_reduction <maximumf>, %get3A_49, %reduce_max3A [1] : vector<1024x1024xf32> to vector<1024xf32>
    %broadcast_in_dim3A_51 = vector.shape_cast %reduce_max3A_50 : vector<1024xf32> to vector<1024x1xf32>
    %eq3A = vector.broadcast %broadcast_in_dim3A_51 : vector<1024x1xf32> to vector<1024x1024xf32>
    %eq3A_52 = arith.cmpf oeq, %get3A_49, %eq3A : vector<1024x1024xf32>
    %jit3A = arith.constant 1024 : i32
    %broadcast_in_dim3A_53 = vector.broadcast %jit3A : i32 to vector<1024x1024xi32>
    %select_n3A_54 = arith.select %eq3A_52, %iota3A, %broadcast_in_dim3A_53 : vector<1024x1024xi1>, vector<1024x1024xi32>
    %reduce_min3A = arith.constant dense<2147483647> : vector<1024xi32>
    %reduce_min3A_55 = vector.multi_reduction <minsi>, %select_n3A_54, %reduce_min3A [1] : vector<1024x1024xi32> to vector<1024xi32>
    %broadcast_in_dim3A_56 = vector.shape_cast %reduce_min3A_55 : vector<1024xi32> to vector<1024x1xi32>
    %eq3A_57 = vector.broadcast %broadcast_in_dim3A_56 : vector<1024x1xi32> to vector<1024x1024xi32>
    %eq3A_58 = arith.cmpi eq, %iota3A, %eq3A_57 : vector<1024x1024xi32>
    %jit3A_59 = arith.constant 0xFF800000 : f32
    %broadcast_in_dim3A_60 = vector.broadcast %jit3A_59 : f32 to vector<1024x1024xf32>
    %select_n3A_61 = arith.select %eq3A_58, %broadcast_in_dim3A_60, %get3A_49 : vector<1024x1024xi1>, vector<1024x1024xf32>
    %swap3A_62 = arith.constant 0 : index
    %swap3A_63 = arith.constant 0 : index
    %swap3A_64 = vector.load %arg8[%swap3A_62, %swap3A_63] : memref<1024x1024xf32, #tpu.memory_space<vmem>>, vector<1024x1024xf32>
    tpu.vector_store %arg8[%swap3A_62, %swap3A_63], %select_n3A_61 {strides = array<i32>} : memref<1024x1024xf32, #tpu.memory_space<vmem>>, vector<1024x1024xf32>,
    %get3A_65 = arith.constant 0 : index
    %get3A_66 = arith.constant 0 : index
    %get3A_67 = vector.load %arg8[%get3A_65, %get3A_66] : memref<1024x1024xf32, #tpu.memory_space<vmem>>, vector<1024x1024xf32>
    %reduce_max3A_68 = arith.constant dense<0xFF800000> : vector<1024xf32>
    %reduce_max3A_69 = vector.multi_reduction <maximumf>, %get3A_67, %reduce_max3A_68 [1] : vector<1024x1024xf32> to vector<1024xf32>
    %broadcast_in_dim3A_70 = vector.shape_cast %reduce_max3A_69 : vector<1024xf32> to vector<1024x1xf32>
    %eq3A_71 = vector.broadcast %broadcast_in_dim3A_70 : vector<1024x1xf32> to vector<1024x1024xf32>
    %eq3A_72 = arith.cmpf oeq, %get3A_67, %eq3A_71 : vector<1024x1024xf32>
    %jit3A_73 = arith.constant 1024 : i32
    %broadcast_in_dim3A_74 = vector.broadcast %jit3A_73 : i32 to vector<1024x1024xi32>
    %select_n3A_75 = arith.select %eq3A_72, %iota3A, %broadcast_in_dim3A_74 : vector<1024x1024xi1>, vector<1024x1024xi32>
    %reduce_min3A_76 = arith.constant dense<2147483647> : vector<1024xi32>
    %reduce_min3A_77 = vector.multi_reduction <minsi>, %select_n3A_75, %reduce_min3A_76 [1] : vector<1024x1024xi32> to vector<1024xi32>
    %broadcast_in_dim3A_78 = vector.shape_cast %reduce_min3A_77 : vector<1024xi32> to vector<1024x1xi32>
    %eq3A_79 = vector.broadcast %broadcast_in_dim3A_78 : vector<1024x1xi32> to vector<1024x1024xi32>
    %eq3A_80 = arith.cmpi eq, %iota3A, %eq3A_79 : vector<1024x1024xi32>
    %jit3A_81 = arith.constant 0xFF800000 : f32
    %broadcast_in_dim3A_82 = vector.broadcast %jit3A_81 : f32 to vector<1024x1024xf32>
    %select_n3A_83 = arith.select %eq3A_80, %broadcast_in_dim3A_82, %get3A_67 : vector<1024x1024xi1>, vector<1024x1024xf32>
    %swap3A_84 = arith.constant 0 : index
    %swap3A_85 = arith.constant 0 : index
    %swap3A_86 = vector.load %arg8[%swap3A_84, %swap3A_85] : memref<1024x1024xf32, #tpu.memory_space<vmem>>, vector<1024x1024xf32>
    tpu.vector_store %arg8[%swap3A_84, %swap3A_85], %select_n3A_83 {strides = array<i32>} : memref<1024x1024xf32, #tpu.memory_space<vmem>>, vector<1024x1024xf32>,
    %get3A_87 = arith.constant 0 : index
    %get3A_88 = arith.constant 0 : index
    %get3A_89 = vector.load %arg8[%get3A_87, %get3A_88] : memref<1024x1024xf32, #tpu.memory_space<vmem>>, vector<1024x1024xf32>
    %reduce_max3A_90 = arith.constant dense<0xFF800000> : vector<1024xf32>
    %reduce_max3A_91 = vector.multi_reduction <maximumf>, %get3A_89, %reduce_max3A_90 [1] : vector<1024x1024xf32> to vector<1024xf32>
    %broadcast_in_dim3A_92 = vector.shape_cast %reduce_max3A_91 : vector<1024xf32> to vector<1024x1xf32>
    %eq3A_93 = vector.broadcast %broadcast_in_dim3A_92 : vector<1024x1xf32> to vector<1024x1024xf32>
    %eq3A_94 = arith.cmpf oeq, %get3A_89, %eq3A_93 : vector<1024x1024xf32>
    %jit3A_95 = arith.constant 1024 : i32
    %broadcast_in_dim3A_96 = vector.broadcast %jit3A_95 : i32 to vector<1024x1024xi32>
    %select_n3A_97 = arith.select %eq3A_94, %iota3A, %broadcast_in_dim3A_96 : vector<1024x1024xi1>, vector<1024x1024xi32>
    %reduce_min3A_98 = arith.constant dense<2147483647> : vector<1024xi32>
    %reduce_min3A_99 = vector.multi_reduction <minsi>, %select_n3A_97, %reduce_min3A_98 [1] : vector<1024x1024xi32> to vector<1024xi32>
    %broadcast_in_dim3A_100 = vector.shape_cast %reduce_min3A_99 : vector<1024xi32> to vector<1024x1xi32>
    %eq3A_101 = vector.broadcast %broadcast_in_dim3A_100 : vector<1024x1xi32> to vector<1024x1024xi32>
    %eq3A_102 = arith.cmpi eq, %iota3A, %eq3A_101 : vector<1024x1024xi32>
    %jit3A_103 = arith.constant 0xFF800000 : f32
    %broadcast_in_dim3A_104 = vector.broadcast %jit3A_103 : f32 to vector<1024x1024xf32>
    %select_n3A_105 = arith.select %eq3A_102, %broadcast_in_dim3A_104, %get3A_89 : vector<1024x1024xi1>, vector<1024x1024xf32>
    %swap3A_106 = arith.constant 0 : index
    %swap3A_107 = arith.constant 0 : index
    %swap3A_108 = vector.load %arg8[%swap3A_106, %swap3A_107] : memref<1024x1024xf32, #tpu.memory_space<vmem>>, vector<1024x1024xf32>
    tpu.vector_store %arg8[%swap3A_106, %swap3A_107], %select_n3A_105 {strides = array<i32>} : memref<1024x1024xf32, #tpu.memory_space<vmem>>, vector<1024x1024xf32>,
    %get3A_109 = arith.constant 0 : index
    %get3A_110 = arith.constant 0 : index
    %get3A_111 = vector.load %arg8[%get3A_109, %get3A_110] : memref<1024x1024xf32, #tpu.memory_space<vmem>>, vector<1024x1024xf32>
    %reduce_max3A_112 = arith.constant dense<0xFF800000> : vector<1024xf32>
    %reduce_max3A_113 = vector.multi_reduction <maximumf>, %get3A_111, %reduce_max3A_112 [1] : vector<1024x1024xf32> to vector<1024xf32>
    %broadcast_in_dim3A_114 = vector.shape_cast %reduce_max3A_113 : vector<1024xf32> to vector<1024x1xf32>
    %eq3A_115 = vector.broadcast %broadcast_in_dim3A_114 : vector<1024x1xf32> to vector<1024x1024xf32>
    %eq3A_116 = arith.cmpf oeq, %get3A_111, %eq3A_115 : vector<1024x1024xf32>
    %jit3A_117 = arith.constant 1024 : i32
    %broadcast_in_dim3A_118 = vector.broadcast %jit3A_117 : i32 to vector<1024x1024xi32>
    %select_n3A_119 = arith.select %eq3A_116, %iota3A, %broadcast_in_dim3A_118 : vector<1024x1024xi1>, vector<1024x1024xi32>
    %reduce_min3A_120 = arith.constant dense<2147483647> : vector<1024xi32>
    %reduce_min3A_121 = vector.multi_reduction <minsi>, %select_n3A_119, %reduce_min3A_120 [1] : vector<1024x1024xi32> to vector<1024xi32>
    %broadcast_in_dim3A_122 = vector.shape_cast %reduce_min3A_121 : vector<1024xi32> to vector<1024x1xi32>
    %eq3A_123 = vector.broadcast %broadcast_in_dim3A_122 : vector<1024x1xi32> to vector<1024x1024xi32>
    %eq3A_124 = arith.cmpi eq, %iota3A, %eq3A_123 : vector<1024x1024xi32>
    %jit3A_125 = arith.constant 0xFF800000 : f32
    %broadcast_in_dim3A_126 = vector.broadcast %jit3A_125 : f32 to vector<1024x1024xf32>
    %select_n3A_127 = arith.select %eq3A_124, %broadcast_in_dim3A_126, %get3A_111 : vector<1024x1024xi1>, vector<1024x1024xf32>
    %swap3A_128 = arith.constant 0 : index
    %swap3A_129 = arith.constant 0 : index
    %swap3A_130 = vector.load %arg8[%swap3A_128, %swap3A_129] : memref<1024x1024xf32, #tpu.memory_space<vmem>>, vector<1024x1024xf32>
    tpu.vector_store %arg8[%swap3A_128, %swap3A_129], %select_n3A_127 {strides = array<i32>} : memref<1024x1024xf32, #tpu.memory_space<vmem>>, vector<1024x1024xf32>,
    %get3A_131 = arith.constant 0 : index
    %get3A_132 = arith.constant 0 : index
    %get3A_133 = vector.load %arg8[%get3A_131, %get3A_132] : memref<1024x1024xf32, #tpu.memory_space<vmem>>, vector<1024x1024xf32>
    %reduce_max3A_134 = arith.constant dense<0xFF800000> : vector<1024xf32>
    %reduce_max3A_135 = vector.multi_reduction <maximumf>, %get3A_133, %reduce_max3A_134 [1] : vector<1024x1024xf32> to vector<1024xf32>
    %broadcast_in_dim3A_136 = vector.shape_cast %reduce_max3A_135 : vector<1024xf32> to vector<1024x1xf32>
    %eq3A_137 = vector.broadcast %broadcast_in_dim3A_136 : vector<1024x1xf32> to vector<1024x1024xf32>
    %eq3A_138 = arith.cmpf oeq, %get3A_133, %eq3A_137 : vector<1024x1024xf32>
    %jit3A_139 = arith.constant 1024 : i32
    %broadcast_in_dim3A_140 = vector.broadcast %jit3A_139 : i32 to vector<1024x1024xi32>
    %select_n3A_141 = arith.select %eq3A_138, %iota3A, %broadcast_in_dim3A_140 : vector<1024x1024xi1>, vector<1024x1024xi32>
    %reduce_min3A_142 = arith.constant dense<2147483647> : vector<1024xi32>
    %reduce_min3A_143 = vector.multi_reduction <minsi>, %select_n3A_141, %reduce_min3A_142 [1] : vector<1024x1024xi32> to vector<1024xi32>
    %broadcast_in_dim3A_144 = vector.shape_cast %reduce_min3A_143 : vector<1024xi32> to vector<1024x1xi32>
    %eq3A_145 = vector.broadcast %broadcast_in_dim3A_144 : vector<1024x1xi32> to vector<1024x1024xi32>
    %eq3A_146 = arith.cmpi eq, %iota3A, %eq3A_145 : vector<1024x1024xi32>
    %jit3A_147 = arith.constant 0xFF800000 : f32
    %broadcast_in_dim3A_148 = vector.broadcast %jit3A_147 : f32 to vector<1024x1024xf32>
    %select_n3A_149 = arith.select %eq3A_146, %broadcast_in_dim3A_148, %get3A_133 : vector<1024x1024xi1>, vector<1024x1024xf32>
    %swap3A_150 = arith.constant 0 : index
    %swap3A_151 = arith.constant 0 : index
    %swap3A_152 = vector.load %arg8[%swap3A_150, %swap3A_151] : memref<1024x1024xf32, #tpu.memory_space<vmem>>, vector<1024x1024xf32>
    tpu.vector_store %arg8[%swap3A_150, %swap3A_151], %select_n3A_149 {strides = array<i32>} : memref<1024x1024xf32, #tpu.memory_space<vmem>>, vector<1024x1024xf32>,
    %get3A_153 = arith.constant 0 : index
    %get3A_154 = arith.constant 0 : index
    %get3A_155 = vector.load %arg8[%get3A_153, %get3A_154] : memref<1024x1024xf32, #tpu.memory_space<vmem>>, vector<1024x1024xf32>
    %reduce_max3A_156 = arith.constant dense<0xFF800000> : vector<1024xf32>
    %reduce_max3A_157 = vector.multi_reduction <maximumf>, %get3A_155, %reduce_max3A_156 [1] : vector<1024x1024xf32> to vector<1024xf32>
    %broadcast_in_dim3A_158 = vector.shape_cast %reduce_max3A_157 : vector<1024xf32> to vector<1024x1xf32>
    %eq3A_159 = vector.broadcast %broadcast_in_dim3A_158 : vector<1024x1xf32> to vector<1024x1024xf32>
    %eq3A_160 = arith.cmpf oeq, %get3A_155, %eq3A_159 : vector<1024x1024xf32>
    %jit3A_161 = arith.constant 1024 : i32
    %broadcast_in_dim3A_162 = vector.broadcast %jit3A_161 : i32 to vector<1024x1024xi32>
    %select_n3A_163 = arith.select %eq3A_160, %iota3A, %broadcast_in_dim3A_162 : vector<1024x1024xi1>, vector<1024x1024xi32>
    %reduce_min3A_164 = arith.constant dense<2147483647> : vector<1024xi32>
    %reduce_min3A_165 = vector.multi_reduction <minsi>, %select_n3A_163, %reduce_min3A_164 [1] : vector<1024x1024xi32> to vector<1024xi32>
    %broadcast_in_dim3A_166 = vector.shape_cast %reduce_min3A_165 : vector<1024xi32> to vector<1024x1xi32>
    %eq3A_167 = vector.broadcast %broadcast_in_dim3A_166 : vector<1024x1xi32> to vector<1024x1024xi32>
    %eq3A_168 = arith.cmpi eq, %iota3A, %eq3A_167 : vector<1024x1024xi32>
    %jit3A_169 = arith.constant 0xFF800000 : f32
    %broadcast_in_dim3A_170 = vector.broadcast %jit3A_169 : f32 to vector<1024x1024xf32>
    %select_n3A_171 = arith.select %eq3A_168, %broadcast_in_dim3A_170, %get3A_155 : vector<1024x1024xi1>, vector<1024x1024xf32>
    %swap3A_172 = arith.constant 0 : index
    %swap3A_173 = arith.constant 0 : index
    %swap3A_174 = vector.load %arg8[%swap3A_172, %swap3A_173] : memref<1024x1024xf32, #tpu.memory_space<vmem>>, vector<1024x1024xf32>
    tpu.vector_store %arg8[%swap3A_172, %swap3A_173], %select_n3A_171 {strides = array<i32>} : memref<1024x1024xf32, #tpu.memory_space<vmem>>, vector<1024x1024xf32>,
    %get3A_175 = arith.constant 0 : index
    %get3A_176 = arith.constant 0 : index
    %get3A_177 = vector.load %arg8[%get3A_175, %get3A_176] : memref<1024x1024xf32, #tpu.memory_space<vmem>>, vector<1024x1024xf32>
    %reduce_max3A_178 = arith.constant dense<0xFF800000> : vector<1024xf32>
    %reduce_max3A_179 = vector.multi_reduction <maximumf>, %get3A_177, %reduce_max3A_178 [1] : vector<1024x1024xf32> to vector<1024xf32>
    %broadcast_in_dim3A_180 = vector.shape_cast %reduce_max3A_179 : vector<1024xf32> to vector<1024x1xf32>
    %eq3A_181 = vector.broadcast %broadcast_in_dim3A_180 : vector<1024x1xf32> to vector<1024x1024xf32>
    %eq3A_182 = arith.cmpf oeq, %get3A_177, %eq3A_181 : vector<1024x1024xf32>
    %jit3A_183 = arith.constant 1024 : i32
    %broadcast_in_dim3A_184 = vector.broadcast %jit3A_183 : i32 to vector<1024x1024xi32>
    %select_n3A_185 = arith.select %eq3A_182, %iota3A, %broadcast_in_dim3A_184 : vector<1024x1024xi1>, vector<1024x1024xi32>
    %reduce_min3A_186 = arith.constant dense<2147483647> : vector<1024xi32>
    %reduce_min3A_187 = vector.multi_reduction <minsi>, %select_n3A_185, %reduce_min3A_186 [1] : vector<1024x1024xi32> to vector<1024xi32>
    %broadcast_in_dim3A_188 = vector.shape_cast %reduce_min3A_187 : vector<1024xi32> to vector<1024x1xi32>
    %eq3A_189 = vector.broadcast %broadcast_in_dim3A_188 : vector<1024x1xi32> to vector<1024x1024xi32>
    %eq3A_190 = arith.cmpi eq, %iota3A, %eq3A_189 : vector<1024x1024xi32>
    %jit3A_191 = arith.constant 0xFF800000 : f32
    %broadcast_in_dim3A_192 = vector.broadcast %jit3A_191 : f32 to vector<1024x1024xf32>
    %select_n3A_193 = arith.select %eq3A_190, %broadcast_in_dim3A_192, %get3A_177 : vector<1024x1024xi1>, vector<1024x1024xf32>
    %swap3A_194 = arith.constant 0 : index
    %swap3A_195 = arith.constant 0 : index
    %swap3A_196 = vector.load %arg8[%swap3A_194, %swap3A_195] : memref<1024x1024xf32, #tpu.memory_space<vmem>>, vector<1024x1024xf32>
    tpu.vector_store %arg8[%swap3A_194, %swap3A_195], %select_n3A_193 {strides = array<i32>} : memref<1024x1024xf32, #tpu.memory_space<vmem>>, vector<1024x1024xf32>,
    %get3A_197 = arith.constant 0 : index
    %get3A_198 = arith.constant 0 : index
    %get3A_199 = vector.load %arg8[%get3A_197, %get3A_198] : memref<1024x1024xf32, #tpu.memory_space<vmem>>, vector<1024x1024xf32>
    %reduce_max3A_200 = arith.constant dense<0xFF800000> : vector<1024xf32>
    %reduce_max3A_201 = vector.multi_reduction <maximumf>, %get3A_199, %reduce_max3A_200 [1] : vector<1024x1024xf32> to vector<1024xf32>
    %broadcast_in_dim3A_202 = vector.shape_cast %reduce_max3A_201 : vector<1024xf32> to vector<1024x1xf32>
    %eq3A_203 = vector.broadcast %broadcast_in_dim3A_202 : vector<1024x1xf32> to vector<1024x1024xf32>
    %eq3A_204 = arith.cmpf oeq, %get3A_199, %eq3A_203 : vector<1024x1024xf32>
    %jit3A_205 = arith.constant 1024 : i32
    %broadcast_in_dim3A_206 = vector.broadcast %jit3A_205 : i32 to vector<1024x1024xi32>
    %select_n3A_207 = arith.select %eq3A_204, %iota3A, %broadcast_in_dim3A_206 : vector<1024x1024xi1>, vector<1024x1024xi32>
    %reduce_min3A_208 = arith.constant dense<2147483647> : vector<1024xi32>
    %reduce_min3A_209 = vector.multi_reduction <minsi>, %select_n3A_207, %reduce_min3A_208 [1] : vector<1024x1024xi32> to vector<1024xi32>
    %broadcast_in_dim3A_210 = vector.shape_cast %reduce_min3A_209 : vector<1024xi32> to vector<1024x1xi32>
    %eq3A_211 = vector.broadcast %broadcast_in_dim3A_210 : vector<1024x1xi32> to vector<1024x1024xi32>
    %eq3A_212 = arith.cmpi eq, %iota3A, %eq3A_211 : vector<1024x1024xi32>
    %jit3A_213 = arith.constant 0xFF800000 : f32
    %broadcast_in_dim3A_214 = vector.broadcast %jit3A_213 : f32 to vector<1024x1024xf32>
    %select_n3A_215 = arith.select %eq3A_212, %broadcast_in_dim3A_214, %get3A_199 : vector<1024x1024xi1>, vector<1024x1024xf32>
    %swap3A_216 = arith.constant 0 : index
    %swap3A_217 = arith.constant 0 : index
    %swap3A_218 = vector.load %arg8[%swap3A_216, %swap3A_217] : memref<1024x1024xf32, #tpu.memory_space<vmem>>, vector<1024x1024xf32>
    tpu.vector_store %arg8[%swap3A_216, %swap3A_217], %select_n3A_215 {strides = array<i32>} : memref<1024x1024xf32, #tpu.memory_space<vmem>>, vector<1024x1024xf32>,
    %get3A_219 = arith.constant 0 : index
    %get3A_220 = arith.constant 0 : index
    %get3A_221 = vector.load %arg8[%get3A_219, %get3A_220] : memref<1024x1024xf32, #tpu.memory_space<vmem>>, vector<1024x1024xf32>
    %reduce_max3A_222 = arith.constant dense<0xFF800000> : vector<1024xf32>
    %reduce_max3A_223 = vector.multi_reduction <maximumf>, %get3A_221, %reduce_max3A_222 [1] : vector<1024x1024xf32> to vector<1024xf32>
    %broadcast_in_dim3A_224 = vector.shape_cast %reduce_max3A_223 : vector<1024xf32> to vector<1024x1xf32>
    %eq3A_225 = vector.broadcast %broadcast_in_dim3A_224 : vector<1024x1xf32> to vector<1024x1024xf32>
    %eq3A_226 = arith.cmpf oeq, %get3A_221, %eq3A_225 : vector<1024x1024xf32>
    %jit3A_227 = arith.constant 1024 : i32
    %broadcast_in_dim3A_228 = vector.broadcast %jit3A_227 : i32 to vector<1024x1024xi32>
    %select_n3A_229 = arith.select %eq3A_226, %iota3A, %broadcast_in_dim3A_228 : vector<1024x1024xi1>, vector<1024x1024xi32>
    %reduce_min3A_230 = arith.constant dense<2147483647> : vector<1024xi32>
    %reduce_min3A_231 = vector.multi_reduction <minsi>, %select_n3A_229, %reduce_min3A_230 [1] : vector<1024x1024xi32> to vector<1024xi32>
    %broadcast_in_dim3A_232 = vector.shape_cast %reduce_min3A_231 : vector<1024xi32> to vector<1024x1xi32>
    %eq3A_233 = vector.broadcast %broadcast_in_dim3A_232 : vector<1024x1xi32> to vector<1024x1024xi32>
    %eq3A_234 = arith.cmpi eq, %iota3A, %eq3A_233 : vector<1024x1024xi32>
    %jit3A_235 = arith.constant 0xFF800000 : f32
    %broadcast_in_dim3A_236 = vector.broadcast %jit3A_235 : f32 to vector<1024x1024xf32>
    %select_n3A_237 = arith.select %eq3A_234, %broadcast_in_dim3A_236, %get3A_221 : vector<1024x1024xi1>, vector<1024x1024xf32>
    %swap3A_238 = arith.constant 0 : index
    %swap3A_239 = arith.constant 0 : index
    %swap3A_240 = vector.load %arg8[%swap3A_238, %swap3A_239] : memref<1024x1024xf32, #tpu.memory_space<vmem>>, vector<1024x1024xf32>
    tpu.vector_store %arg8[%swap3A_238, %swap3A_239], %select_n3A_237 {strides = array<i32>} : memref<1024x1024xf32, #tpu.memory_space<vmem>>, vector<1024x1024xf32>,
    %get3A_241 = arith.constant 0 : index
    %get3A_242 = arith.constant 0 : index
    %get3A_243 = vector.load %arg8[%get3A_241, %get3A_242] : memref<1024x1024xf32, #tpu.memory_space<vmem>>, vector<1024x1024xf32>
    %reduce_max3A_244 = arith.constant dense<0xFF800000> : vector<1024xf32>
    %reduce_max3A_245 = vector.multi_reduction <maximumf>, %get3A_243, %reduce_max3A_244 [1] : vector<1024x1024xf32> to vector<1024xf32>
    %broadcast_in_dim3A_246 = vector.shape_cast %reduce_max3A_245 : vector<1024xf32> to vector<1024x1xf32>
    %eq3A_247 = vector.broadcast %broadcast_in_dim3A_246 : vector<1024x1xf32> to vector<1024x1024xf32>
    %eq3A_248 = arith.cmpf oeq, %get3A_243, %eq3A_247 : vector<1024x1024xf32>
    %jit3A_249 = arith.constant 1024 : i32
    %broadcast_in_dim3A_250 = vector.broadcast %jit3A_249 : i32 to vector<1024x1024xi32>
    %select_n3A_251 = arith.select %eq3A_248, %iota3A, %broadcast_in_dim3A_250 : vector<1024x1024xi1>, vector<1024x1024xi32>
    %reduce_min3A_252 = arith.constant dense<2147483647> : vector<1024xi32>
    %reduce_min3A_253 = vector.multi_reduction <minsi>, %select_n3A_251, %reduce_min3A_252 [1] : vector<1024x1024xi32> to vector<1024xi32>
    %broadcast_in_dim3A_254 = vector.shape_cast %reduce_min3A_253 : vector<1024xi32> to vector<1024x1xi32>
    %eq3A_255 = vector.broadcast %broadcast_in_dim3A_254 : vector<1024x1xi32> to vector<1024x1024xi32>
    %eq3A_256 = arith.cmpi eq, %iota3A, %eq3A_255 : vector<1024x1024xi32>
    %jit3A_257 = arith.constant 0xFF800000 : f32
    %broadcast_in_dim3A_258 = vector.broadcast %jit3A_257 : f32 to vector<1024x1024xf32>
    %select_n3A_259 = arith.select %eq3A_256, %broadcast_in_dim3A_258, %get3A_243 : vector<1024x1024xi1>, vector<1024x1024xf32>
    %swap3A_260 = arith.constant 0 : index
    %swap3A_261 = arith.constant 0 : index
    %swap3A_262 = vector.load %arg8[%swap3A_260, %swap3A_261] : memref<1024x1024xf32, #tpu.memory_space<vmem>>, vector<1024x1024xf32>
    tpu.vector_store %arg8[%swap3A_260, %swap3A_261], %select_n3A_259 {strides = array<i32>} : memref<1024x1024xf32, #tpu.memory_space<vmem>>, vector<1024x1024xf32>,
    %get3A_263 = arith.constant 0 : index
    %get3A_264 = arith.constant 0 : index
    %get3A_265 = vector.load %arg8[%get3A_263, %get3A_264] : memref<1024x1024xf32, #tpu.memory_space<vmem>>, vector<1024x1024xf32>
    %reduce_max3A_266 = arith.constant dense<0xFF800000> : vector<1024xf32>
    %reduce_max3A_267 = vector.multi_reduction <maximumf>, %get3A_265, %reduce_max3A_266 [1] : vector<1024x1024xf32> to vector<1024xf32>
    %broadcast_in_dim3A_268 = vector.shape_cast %reduce_max3A_267 : vector<1024xf32> to vector<1024x1xf32>
    %eq3A_269 = vector.broadcast %broadcast_in_dim3A_268 : vector<1024x1xf32> to vector<1024x1024xf32>
    %eq3A_270 = arith.cmpf oeq, %get3A_265, %eq3A_269 : vector<1024x1024xf32>
    %jit3A_271 = arith.constant 1024 : i32
    %broadcast_in_dim3A_272 = vector.broadcast %jit3A_271 : i32 to vector<1024x1024xi32>
    %select_n3A_273 = arith.select %eq3A_270, %iota3A, %broadcast_in_dim3A_272 : vector<1024x1024xi1>, vector<1024x1024xi32>
    %reduce_min3A_274 = arith.constant dense<2147483647> : vector<1024xi32>
    %reduce_min3A_275 = vector.multi_reduction <minsi>, %select_n3A_273, %reduce_min3A_274 [1] : vector<1024x1024xi32> to vector<1024xi32>
    %broadcast_in_dim3A_276 = vector.shape_cast %reduce_min3A_275 : vector<1024xi32> to vector<1024x1xi32>
    %eq3A_277 = vector.broadcast %broadcast_in_dim3A_276 : vector<1024x1xi32> to vector<1024x1024xi32>
    %eq3A_278 = arith.cmpi eq, %iota3A, %eq3A_277 : vector<1024x1024xi32>
    %jit3A_279 = arith.constant 0xFF800000 : f32
    %broadcast_in_dim3A_280 = vector.broadcast %jit3A_279 : f32 to vector<1024x1024xf32>
    %select_n3A_281 = arith.select %eq3A_278, %broadcast_in_dim3A_280, %get3A_265 : vector<1024x1024xi1>, vector<1024x1024xf32>
    %swap3A_282 = arith.constant 0 : index
    %swap3A_283 = arith.constant 0 : index
    %swap3A_284 = vector.load %arg8[%swap3A_282, %swap3A_283] : memref<1024x1024xf32, #tpu.memory_space<vmem>>, vector<1024x1024xf32>
    tpu.vector_store %arg8[%swap3A_282, %swap3A_283], %select_n3A_281 {strides = array<i32>} : memref<1024x1024xf32, #tpu.memory_space<vmem>>, vector<1024x1024xf32>,
    %get3A_285 = arith.constant 0 : index
    %get3A_286 = arith.constant 0 : index
    %get3A_287 = vector.load %arg8[%get3A_285, %get3A_286] : memref<1024x1024xf32, #tpu.memory_space<vmem>>, vector<1024x1024xf32>
    %reduce_max3A_288 = arith.constant dense<0xFF800000> : vector<1024xf32>
    %reduce_max3A_289 = vector.multi_reduction <maximumf>, %get3A_287, %reduce_max3A_288 [1] : vector<1024x1024xf32> to vector<1024xf32>
    %broadcast_in_dim3A_290 = vector.shape_cast %reduce_max3A_289 : vector<1024xf32> to vector<1024x1xf32>
    %eq3A_291 = vector.broadcast %broadcast_in_dim3A_290 : vector<1024x1xf32> to vector<1024x1024xf32>
    %eq3A_292 = arith.cmpf oeq, %get3A_287, %eq3A_291 : vector<1024x1024xf32>
    %jit3A_293 = arith.constant 1024 : i32
    %broadcast_in_dim3A_294 = vector.broadcast %jit3A_293 : i32 to vector<1024x1024xi32>
    %select_n3A_295 = arith.select %eq3A_292, %iota3A, %broadcast_in_dim3A_294 : vector<1024x1024xi1>, vector<1024x1024xi32>
    %reduce_min3A_296 = arith.constant dense<2147483647> : vector<1024xi32>
    %reduce_min3A_297 = vector.multi_reduction <minsi>, %select_n3A_295, %reduce_min3A_296 [1] : vector<1024x1024xi32> to vector<1024xi32>
    %broadcast_in_dim3A_298 = vector.shape_cast %reduce_min3A_297 : vector<1024xi32> to vector<1024x1xi32>
    %eq3A_299 = vector.broadcast %broadcast_in_dim3A_298 : vector<1024x1xi32> to vector<1024x1024xi32>
    %eq3A_300 = arith.cmpi eq, %iota3A, %eq3A_299 : vector<1024x1024xi32>
    %jit3A_301 = arith.constant 0xFF800000 : f32
    %broadcast_in_dim3A_302 = vector.broadcast %jit3A_301 : f32 to vector<1024x1024xf32>
    %select_n3A_303 = arith.select %eq3A_300, %broadcast_in_dim3A_302, %get3A_287 : vector<1024x1024xi1>, vector<1024x1024xf32>
    %swap3A_304 = arith.constant 0 : index
    %swap3A_305 = arith.constant 0 : index
    %swap3A_306 = vector.load %arg8[%swap3A_304, %swap3A_305] : memref<1024x1024xf32, #tpu.memory_space<vmem>>, vector<1024x1024xf32>
    tpu.vector_store %arg8[%swap3A_304, %swap3A_305], %select_n3A_303 {strides = array<i32>} : memref<1024x1024xf32, #tpu.memory_space<vmem>>, vector<1024x1024xf32>,
    %get3A_307 = arith.constant 0 : index
    %get3A_308 = arith.constant 0 : index
    %get3A_309 = vector.load %arg8[%get3A_307, %get3A_308] : memref<1024x1024xf32, #tpu.memory_space<vmem>>, vector<1024x1024xf32>
    %reduce_max3A_310 = arith.constant dense<0xFF800000> : vector<1024xf32>
    %reduce_max3A_311 = vector.multi_reduction <maximumf>, %get3A_309, %reduce_max3A_310 [1] : vector<1024x1024xf32> to vector<1024xf32>
    %broadcast_in_dim3A_312 = vector.shape_cast %reduce_max3A_311 : vector<1024xf32> to vector<1024x1xf32>
    %eq3A_313 = vector.broadcast %broadcast_in_dim3A_312 : vector<1024x1xf32> to vector<1024x1024xf32>
    %eq3A_314 = arith.cmpf oeq, %get3A_309, %eq3A_313 : vector<1024x1024xf32>
    %jit3A_315 = arith.constant 1024 : i32
    %broadcast_in_dim3A_316 = vector.broadcast %jit3A_315 : i32 to vector<1024x1024xi32>
    %select_n3A_317 = arith.select %eq3A_314, %iota3A, %broadcast_in_dim3A_316 : vector<1024x1024xi1>, vector<1024x1024xi32>
    %reduce_min3A_318 = arith.constant dense<2147483647> : vector<1024xi32>
    %reduce_min3A_319 = vector.multi_reduction <minsi>, %select_n3A_317, %reduce_min3A_318 [1] : vector<1024x1024xi32> to vector<1024xi32>
    %broadcast_in_dim3A_320 = vector.shape_cast %reduce_min3A_319 : vector<1024xi32> to vector<1024x1xi32>
    %eq3A_321 = vector.broadcast %broadcast_in_dim3A_320 : vector<1024x1xi32> to vector<1024x1024xi32>
    %eq3A_322 = arith.cmpi eq, %iota3A, %eq3A_321 : vector<1024x1024xi32>
    %jit3A_323 = arith.constant 0xFF800000 : f32
    %broadcast_in_dim3A_324 = vector.broadcast %jit3A_323 : f32 to vector<1024x1024xf32>
    %select_n3A_325 = arith.select %eq3A_322, %broadcast_in_dim3A_324, %get3A_309 : vector<1024x1024xi1>, vector<1024x1024xf32>
    %swap3A_326 = arith.constant 0 : index
    %swap3A_327 = arith.constant 0 : index
    %swap3A_328 = vector.load %arg8[%swap3A_326, %swap3A_327] : memref<1024x1024xf32, #tpu.memory_space<vmem>>, vector<1024x1024xf32>
    tpu.vector_store %arg8[%swap3A_326, %swap3A_327], %select_n3A_325 {strides = array<i32>} : memref<1024x1024xf32, #tpu.memory_space<vmem>>, vector<1024x1024xf32>,
    %get3A_329 = arith.constant 0 : index
    %get3A_330 = arith.constant 0 : index
    %get3A_331 = vector.load %arg8[%get3A_329, %get3A_330] : memref<1024x1024xf32, #tpu.memory_space<vmem>>, vector<1024x1024xf32>
    %reduce_max3A_332 = arith.constant dense<0xFF800000> : vector<1024xf32>
    %reduce_max3A_333 = vector.multi_reduction <maximumf>, %get3A_331, %reduce_max3A_332 [1] : vector<1024x1024xf32> to vector<1024xf32>
    %broadcast_in_dim3A_334 = vector.shape_cast %reduce_max3A_333 : vector<1024xf32> to vector<1024x1xf32>
    %eq3A_335 = vector.broadcast %broadcast_in_dim3A_334 : vector<1024x1xf32> to vector<1024x1024xf32>
    %eq3A_336 = arith.cmpf oeq, %get3A_331, %eq3A_335 : vector<1024x1024xf32>
    %jit3A_337 = arith.constant 1024 : i32
    %broadcast_in_dim3A_338 = vector.broadcast %jit3A_337 : i32 to vector<1024x1024xi32>
    %select_n3A_339 = arith.select %eq3A_336, %iota3A, %broadcast_in_dim3A_338 : vector<1024x1024xi1>, vector<1024x1024xi32>
    %reduce_min3A_340 = arith.constant dense<2147483647> : vector<1024xi32>
    %reduce_min3A_341 = vector.multi_reduction <minsi>, %select_n3A_339, %reduce_min3A_340 [1] : vector<1024x1024xi32> to vector<1024xi32>
    %broadcast_in_dim3A_342 = vector.shape_cast %reduce_min3A_341 : vector<1024xi32> to vector<1024x1xi32>
    %eq3A_343 = vector.broadcast %broadcast_in_dim3A_342 : vector<1024x1xi32> to vector<1024x1024xi32>
    %eq3A_344 = arith.cmpi eq, %iota3A, %eq3A_343 : vector<1024x1024xi32>
    %jit3A_345 = arith.constant 0xFF800000 : f32
    %broadcast_in_dim3A_346 = vector.broadcast %jit3A_345 : f32 to vector<1024x1024xf32>
    %select_n3A_347 = arith.select %eq3A_344, %broadcast_in_dim3A_346, %get3A_331 : vector<1024x1024xi1>, vector<1024x1024xf32>
    %swap3A_348 = arith.constant 0 : index
    %swap3A_349 = arith.constant 0 : index
    %swap3A_350 = vector.load %arg8[%swap3A_348, %swap3A_349] : memref<1024x1024xf32, #tpu.memory_space<vmem>>, vector<1024x1024xf32>
    tpu.vector_store %arg8[%swap3A_348, %swap3A_349], %select_n3A_347 {strides = array<i32>} : memref<1024x1024xf32, #tpu.memory_space<vmem>>, vector<1024x1024xf32>,
    %get3A_351 = arith.constant 0 : index
    %get3A_352 = arith.constant 0 : index
    %get3A_353 = vector.load %arg8[%get3A_351, %get3A_352] : memref<1024x1024xf32, #tpu.memory_space<vmem>>, vector<1024x1024xf32>
    %reduce_max3A_354 = arith.constant dense<0xFF800000> : vector<1024xf32>
    %reduce_max3A_355 = vector.multi_reduction <maximumf>, %get3A_353, %reduce_max3A_354 [1] : vector<1024x1024xf32> to vector<1024xf32>
    %broadcast_in_dim3A_356 = vector.shape_cast %reduce_max3A_355 : vector<1024xf32> to vector<1024x1xf32>
    %eq3A_357 = vector.broadcast %broadcast_in_dim3A_356 : vector<1024x1xf32> to vector<1024x1024xf32>
    %eq3A_358 = arith.cmpf oeq, %get3A_353, %eq3A_357 : vector<1024x1024xf32>
    %jit3A_359 = arith.constant 1024 : i32
    %broadcast_in_dim3A_360 = vector.broadcast %jit3A_359 : i32 to vector<1024x1024xi32>
    %select_n3A_361 = arith.select %eq3A_358, %iota3A, %broadcast_in_dim3A_360 : vector<1024x1024xi1>, vector<1024x1024xi32>
    %reduce_min3A_362 = arith.constant dense<2147483647> : vector<1024xi32>
    %reduce_min3A_363 = vector.multi_reduction <minsi>, %select_n3A_361, %reduce_min3A_362 [1] : vector<1024x1024xi32> to vector<1024xi32>
    %broadcast_in_dim3A_364 = vector.shape_cast %reduce_min3A_363 : vector<1024xi32> to vector<1024x1xi32>
    %eq3A_365 = vector.broadcast %broadcast_in_dim3A_364 : vector<1024x1xi32> to vector<1024x1024xi32>
    %eq3A_366 = arith.cmpi eq, %iota3A, %eq3A_365 : vector<1024x1024xi32>
    %jit3A_367 = arith.constant 0xFF800000 : f32
    %broadcast_in_dim3A_368 = vector.broadcast %jit3A_367 : f32 to vector<1024x1024xf32>
    %select_n3A_369 = arith.select %eq3A_366, %broadcast_in_dim3A_368, %get3A_353 : vector<1024x1024xi1>, vector<1024x1024xf32>
    %swap3A_370 = arith.constant 0 : index
    %swap3A_371 = arith.constant 0 : index
    %swap3A_372 = vector.load %arg8[%swap3A_370, %swap3A_371] : memref<1024x1024xf32, #tpu.memory_space<vmem>>, vector<1024x1024xf32>
    tpu.vector_store %arg8[%swap3A_370, %swap3A_371], %select_n3A_369 {strides = array<i32>} : memref<1024x1024xf32, #tpu.memory_space<vmem>>, vector<1024x1024xf32>,
    %get3A_373 = arith.constant 0 : index
    %get3A_374 = arith.constant 0 : index
    %get3A_375 = vector.load %arg8[%get3A_373, %get3A_374] : memref<1024x1024xf32, #tpu.memory_space<vmem>>, vector<1024x1024xf32>
    %reduce_max3A_376 = arith.constant dense<0xFF800000> : vector<1024xf32>
    %reduce_max3A_377 = vector.multi_reduction <maximumf>, %get3A_375, %reduce_max3A_376 [1] : vector<1024x1024xf32> to vector<1024xf32>
    %broadcast_in_dim3A_378 = vector.shape_cast %reduce_max3A_377 : vector<1024xf32> to vector<1024x1xf32>
    %eq3A_379 = vector.broadcast %broadcast_in_dim3A_378 : vector<1024x1xf32> to vector<1024x1024xf32>
    %eq3A_380 = arith.cmpf oeq, %get3A_375, %eq3A_379 : vector<1024x1024xf32>
    %jit3A_381 = arith.constant 1024 : i32
    %broadcast_in_dim3A_382 = vector.broadcast %jit3A_381 : i32 to vector<1024x1024xi32>
    %select_n3A_383 = arith.select %eq3A_380, %iota3A, %broadcast_in_dim3A_382 : vector<1024x1024xi1>, vector<1024x1024xi32>
    %reduce_min3A_384 = arith.constant dense<2147483647> : vector<1024xi32>
    %reduce_min3A_385 = vector.multi_reduction <minsi>, %select_n3A_383, %reduce_min3A_384 [1] : vector<1024x1024xi32> to vector<1024xi32>
    %broadcast_in_dim3A_386 = vector.shape_cast %reduce_min3A_385 : vector<1024xi32> to vector<1024x1xi32>
    %eq3A_387 = vector.broadcast %broadcast_in_dim3A_386 : vector<1024x1xi32> to vector<1024x1024xi32>
    %eq3A_388 = arith.cmpi eq, %iota3A, %eq3A_387 : vector<1024x1024xi32>
    %jit3A_389 = arith.constant 0xFF800000 : f32
    %broadcast_in_dim3A_390 = vector.broadcast %jit3A_389 : f32 to vector<1024x1024xf32>
    %select_n3A_391 = arith.select %eq3A_388, %broadcast_in_dim3A_390, %get3A_375 : vector<1024x1024xi1>, vector<1024x1024xf32>
    %swap3A_392 = arith.constant 0 : index
    %swap3A_393 = arith.constant 0 : index
    %swap3A_394 = vector.load %arg8[%swap3A_392, %swap3A_393] : memref<1024x1024xf32, #tpu.memory_space<vmem>>, vector<1024x1024xf32>
    tpu.vector_store %arg8[%swap3A_392, %swap3A_393], %select_n3A_391 {strides = array<i32>} : memref<1024x1024xf32, #tpu.memory_space<vmem>>, vector<1024x1024xf32>,
    %get3A_395 = arith.constant 0 : index
    %get3A_396 = arith.constant 0 : index
    %get3A_397 = vector.load %arg8[%get3A_395, %get3A_396] : memref<1024x1024xf32, #tpu.memory_space<vmem>>, vector<1024x1024xf32>
    %reduce_max3A_398 = arith.constant dense<0xFF800000> : vector<1024xf32>
    %reduce_max3A_399 = vector.multi_reduction <maximumf>, %get3A_397, %reduce_max3A_398 [1] : vector<1024x1024xf32> to vector<1024xf32>
    %broadcast_in_dim3A_400 = vector.shape_cast %reduce_max3A_399 : vector<1024xf32> to vector<1024x1xf32>
    %eq3A_401 = vector.broadcast %broadcast_in_dim3A_400 : vector<1024x1xf32> to vector<1024x1024xf32>
    %eq3A_402 = arith.cmpf oeq, %get3A_397, %eq3A_401 : vector<1024x1024xf32>
    %jit3A_403 = arith.constant 1024 : i32
    %broadcast_in_dim3A_404 = vector.broadcast %jit3A_403 : i32 to vector<1024x1024xi32>
    %select_n3A_405 = arith.select %eq3A_402, %iota3A, %broadcast_in_dim3A_404 : vector<1024x1024xi1>, vector<1024x1024xi32>
    %reduce_min3A_406 = arith.constant dense<2147483647> : vector<1024xi32>
    %reduce_min3A_407 = vector.multi_reduction <minsi>, %select_n3A_405, %reduce_min3A_406 [1] : vector<1024x1024xi32> to vector<1024xi32>
    %broadcast_in_dim3A_408 = vector.shape_cast %reduce_min3A_407 : vector<1024xi32> to vector<1024x1xi32>
    %eq3A_409 = vector.broadcast %broadcast_in_dim3A_408 : vector<1024x1xi32> to vector<1024x1024xi32>
    %eq3A_410 = arith.cmpi eq, %iota3A, %eq3A_409 : vector<1024x1024xi32>
    %jit3A_411 = arith.constant 0xFF800000 : f32
    %broadcast_in_dim3A_412 = vector.broadcast %jit3A_411 : f32 to vector<1024x1024xf32>
    %select_n3A_413 = arith.select %eq3A_410, %broadcast_in_dim3A_412, %get3A_397 : vector<1024x1024xi1>, vector<1024x1024xf32>
    %swap3A_414 = arith.constant 0 : index
    %swap3A_415 = arith.constant 0 : index
    %swap3A_416 = vector.load %arg8[%swap3A_414, %swap3A_415] : memref<1024x1024xf32, #tpu.memory_space<vmem>>, vector<1024x1024xf32>
    tpu.vector_store %arg8[%swap3A_414, %swap3A_415], %select_n3A_413 {strides = array<i32>} : memref<1024x1024xf32, #tpu.memory_space<vmem>>, vector<1024x1024xf32>,
    %get3A_417 = arith.constant 0 : index
    %get3A_418 = arith.constant 0 : index
    %get3A_419 = vector.load %arg8[%get3A_417, %get3A_418] : memref<1024x1024xf32, #tpu.memory_space<vmem>>, vector<1024x1024xf32>
    %reduce_max3A_420 = arith.constant dense<0xFF800000> : vector<1024xf32>
    %reduce_max3A_421 = vector.multi_reduction <maximumf>, %get3A_419, %reduce_max3A_420 [1] : vector<1024x1024xf32> to vector<1024xf32>
    %broadcast_in_dim3A_422 = vector.shape_cast %reduce_max3A_421 : vector<1024xf32> to vector<1024x1xf32>
    %eq3A_423 = vector.broadcast %broadcast_in_dim3A_422 : vector<1024x1xf32> to vector<1024x1024xf32>
    %eq3A_424 = arith.cmpf oeq, %get3A_419, %eq3A_423 : vector<1024x1024xf32>
    %jit3A_425 = arith.constant 1024 : i32
    %broadcast_in_dim3A_426 = vector.broadcast %jit3A_425 : i32 to vector<1024x1024xi32>
    %select_n3A_427 = arith.select %eq3A_424, %iota3A, %broadcast_in_dim3A_426 : vector<1024x1024xi1>, vector<1024x1024xi32>
    %reduce_min3A_428 = arith.constant dense<2147483647> : vector<1024xi32>
    %reduce_min3A_429 = vector.multi_reduction <minsi>, %select_n3A_427, %reduce_min3A_428 [1] : vector<1024x1024xi32> to vector<1024xi32>
    %broadcast_in_dim3A_430 = vector.shape_cast %reduce_min3A_429 : vector<1024xi32> to vector<1024x1xi32>
    %eq3A_431 = vector.broadcast %broadcast_in_dim3A_430 : vector<1024x1xi32> to vector<1024x1024xi32>
    %eq3A_432 = arith.cmpi eq, %iota3A, %eq3A_431 : vector<1024x1024xi32>
    %jit3A_433 = arith.constant 0xFF800000 : f32
    %broadcast_in_dim3A_434 = vector.broadcast %jit3A_433 : f32 to vector<1024x1024xf32>
    %select_n3A_435 = arith.select %eq3A_432, %broadcast_in_dim3A_434, %get3A_419 : vector<1024x1024xi1>, vector<1024x1024xf32>
    %swap3A_436 = arith.constant 0 : index
    %swap3A_437 = arith.constant 0 : index
    %swap3A_438 = vector.load %arg8[%swap3A_436, %swap3A_437] : memref<1024x1024xf32, #tpu.memory_space<vmem>>, vector<1024x1024xf32>
    tpu.vector_store %arg8[%swap3A_436, %swap3A_437], %select_n3A_435 {strides = array<i32>} : memref<1024x1024xf32, #tpu.memory_space<vmem>>, vector<1024x1024xf32>,
    %get3A_439 = arith.constant 0 : index
    %get3A_440 = arith.constant 0 : index
    %get3A_441 = vector.load %arg8[%get3A_439, %get3A_440] : memref<1024x1024xf32, #tpu.memory_space<vmem>>, vector<1024x1024xf32>
    %reduce_max3A_442 = arith.constant dense<0xFF800000> : vector<1024xf32>
    %reduce_max3A_443 = vector.multi_reduction <maximumf>, %get3A_441, %reduce_max3A_442 [1] : vector<1024x1024xf32> to vector<1024xf32>
    %broadcast_in_dim3A_444 = vector.shape_cast %reduce_max3A_443 : vector<1024xf32> to vector<1024x1xf32>
    %eq3A_445 = vector.broadcast %broadcast_in_dim3A_444 : vector<1024x1xf32> to vector<1024x1024xf32>
    %eq3A_446 = arith.cmpf oeq, %get3A_441, %eq3A_445 : vector<1024x1024xf32>
    %jit3A_447 = arith.constant 1024 : i32
    %broadcast_in_dim3A_448 = vector.broadcast %jit3A_447 : i32 to vector<1024x1024xi32>
    %select_n3A_449 = arith.select %eq3A_446, %iota3A, %broadcast_in_dim3A_448 : vector<1024x1024xi1>, vector<1024x1024xi32>
    %reduce_min3A_450 = arith.constant dense<2147483647> : vector<1024xi32>
    %reduce_min3A_451 = vector.multi_reduction <minsi>, %select_n3A_449, %reduce_min3A_450 [1] : vector<1024x1024xi32> to vector<1024xi32>
    %broadcast_in_dim3A_452 = vector.shape_cast %reduce_min3A_451 : vector<1024xi32> to vector<1024x1xi32>
    %eq3A_453 = vector.broadcast %broadcast_in_dim3A_452 : vector<1024x1xi32> to vector<1024x1024xi32>
    %eq3A_454 = arith.cmpi eq, %iota3A, %eq3A_453 : vector<1024x1024xi32>
    %jit3A_455 = arith.constant 0xFF800000 : f32
    %broadcast_in_dim3A_456 = vector.broadcast %jit3A_455 : f32 to vector<1024x1024xf32>
    %select_n3A_457 = arith.select %eq3A_454, %broadcast_in_dim3A_456, %get3A_441 : vector<1024x1024xi1>, vector<1024x1024xf32>
    %swap3A_458 = arith.constant 0 : index
    %swap3A_459 = arith.constant 0 : index
    %swap3A_460 = vector.load %arg8[%swap3A_458, %swap3A_459] : memref<1024x1024xf32, #tpu.memory_space<vmem>>, vector<1024x1024xf32>
    tpu.vector_store %arg8[%swap3A_458, %swap3A_459], %select_n3A_457 {strides = array<i32>} : memref<1024x1024xf32, #tpu.memory_space<vmem>>, vector<1024x1024xf32>,
    %get3A_461 = arith.constant 0 : index
    %get3A_462 = arith.constant 0 : index
    %get3A_463 = vector.load %arg8[%get3A_461, %get3A_462] : memref<1024x1024xf32, #tpu.memory_space<vmem>>, vector<1024x1024xf32>
    %reduce_max3A_464 = arith.constant dense<0xFF800000> : vector<1024xf32>
    %reduce_max3A_465 = vector.multi_reduction <maximumf>, %get3A_463, %reduce_max3A_464 [1] : vector<1024x1024xf32> to vector<1024xf32>
    %broadcast_in_dim3A_466 = vector.shape_cast %reduce_max3A_465 : vector<1024xf32> to vector<1024x1xf32>
    %eq3A_467 = vector.broadcast %broadcast_in_dim3A_466 : vector<1024x1xf32> to vector<1024x1024xf32>
    %eq3A_468 = arith.cmpf oeq, %get3A_463, %eq3A_467 : vector<1024x1024xf32>
    %jit3A_469 = arith.constant 1024 : i32
    %broadcast_in_dim3A_470 = vector.broadcast %jit3A_469 : i32 to vector<1024x1024xi32>
    %select_n3A_471 = arith.select %eq3A_468, %iota3A, %broadcast_in_dim3A_470 : vector<1024x1024xi1>, vector<1024x1024xi32>
    %reduce_min3A_472 = arith.constant dense<2147483647> : vector<1024xi32>
    %reduce_min3A_473 = vector.multi_reduction <minsi>, %select_n3A_471, %reduce_min3A_472 [1] : vector<1024x1024xi32> to vector<1024xi32>
    %broadcast_in_dim3A_474 = vector.shape_cast %reduce_min3A_473 : vector<1024xi32> to vector<1024x1xi32>
    %eq3A_475 = vector.broadcast %broadcast_in_dim3A_474 : vector<1024x1xi32> to vector<1024x1024xi32>
    %eq3A_476 = arith.cmpi eq, %iota3A, %eq3A_475 : vector<1024x1024xi32>
    %jit3A_477 = arith.constant 0xFF800000 : f32
    %broadcast_in_dim3A_478 = vector.broadcast %jit3A_477 : f32 to vector<1024x1024xf32>
    %select_n3A_479 = arith.select %eq3A_476, %broadcast_in_dim3A_478, %get3A_463 : vector<1024x1024xi1>, vector<1024x1024xf32>
    %swap3A_480 = arith.constant 0 : index
    %swap3A_481 = arith.constant 0 : index
    %swap3A_482 = vector.load %arg8[%swap3A_480, %swap3A_481] : memref<1024x1024xf32, #tpu.memory_space<vmem>>, vector<1024x1024xf32>
    tpu.vector_store %arg8[%swap3A_480, %swap3A_481], %select_n3A_479 {strides = array<i32>} : memref<1024x1024xf32, #tpu.memory_space<vmem>>, vector<1024x1024xf32>,
    %stack3A = vector.shape_cast %reduce_min3A_55 : vector<1024xi32> to vector<1024x1xi32>
    %stack3A_483 = vector.shape_cast %reduce_min3A_77 : vector<1024xi32> to vector<1024x1xi32>
    %stack3A_484 = vector.shape_cast %reduce_min3A_99 : vector<1024xi32> to vector<1024x1xi32>
    %stack3A_485 = vector.shape_cast %reduce_min3A_121 : vector<1024xi32> to vector<1024x1xi32>
    %stack3A_486 = vector.shape_cast %reduce_min3A_143 : vector<1024xi32> to vector<1024x1xi32>
    %stack3A_487 = vector.shape_cast %reduce_min3A_165 : vector<1024xi32> to vector<1024x1xi32>
    %stack3A_488 = vector.shape_cast %reduce_min3A_187 : vector<1024xi32> to vector<1024x1xi32>
    %stack3A_489 = vector.shape_cast %reduce_min3A_209 : vector<1024xi32> to vector<1024x1xi32>
    %stack3A_490 = vector.shape_cast %reduce_min3A_231 : vector<1024xi32> to vector<1024x1xi32>
    %stack3A_491 = vector.shape_cast %reduce_min3A_253 : vector<1024xi32> to vector<1024x1xi32>
    %stack3A_492 = vector.shape_cast %reduce_min3A_275 : vector<1024xi32> to vector<1024x1xi32>
    %stack3A_493 = vector.shape_cast %reduce_min3A_297 : vector<1024xi32> to vector<1024x1xi32>
    %stack3A_494 = vector.shape_cast %reduce_min3A_319 : vector<1024xi32> to vector<1024x1xi32>
    %stack3A_495 = vector.shape_cast %reduce_min3A_341 : vector<1024xi32> to vector<1024x1xi32>
    %stack3A_496 = vector.shape_cast %reduce_min3A_363 : vector<1024xi32> to vector<1024x1xi32>
    %stack3A_497 = vector.shape_cast %reduce_min3A_385 : vector<1024xi32> to vector<1024x1xi32>
    %stack3A_498 = vector.shape_cast %reduce_min3A_407 : vector<1024xi32> to vector<1024x1xi32>
    %stack3A_499 = vector.shape_cast %reduce_min3A_429 : vector<1024xi32> to vector<1024x1xi32>
    %stack3A_500 = vector.shape_cast %reduce_min3A_451 : vector<1024xi32> to vector<1024x1xi32>
    %stack3A_501 = vector.shape_cast %reduce_min3A_473 : vector<1024xi32> to vector<1024x1xi32>
    %stack3A_502 = tpu.concatenate %stack3A, %stack3A_483, %stack3A_484, %stack3A_485, %stack3A_486, %stack3A_487, %stack3A_488, %stack3A_489, %stack3A_490, %stack3A_491, %stack3A_492, %stack3A_493, %stack3A_494, %stack3A_495, %stack3A_496, %stack3A_497, %stack3A_498, %stack3A_499, %stack3A_500, %stack3A_501 in 1 : vector<1024x1xi32>, vector<1024x1xi32>, vector<1024x1xi32>, vector<1024x1xi32>, vector<1024x1xi32>, vector<1024x1xi32>, vector<1024x1xi32>, vector<1024x1xi32>, vector<1024x1xi32>, vector<1024x1xi32>, vector<1024x1xi32>, vector<1024x1xi32>, vector<1024x1xi32>, vector<1024x1xi32>, vector<1024x1xi32>, vector<1024x1xi32>, vector<1024x1xi32>, vector<1024x1xi32>, vector<1024x1xi32>, vector<1024x1xi32> -> vector<1024x20xi32>
    %mul3A_503 = arith.constant 1024 : i32
    %mul3A_504 = arith.muli %arg0, %mul3A_503 : i32
    %add3A_505 = vector.broadcast %mul3A_504 : i32 to vector<1024x20xi32>
    %add3A_506 = arith.addi %stack3A_502, %add3A_505 : vector<1024x20xi32>
    %swap3A_507 = arith.constant 0 : index
    %swap3A_508 = arith.constant 0 : index
    %swap3A_509 = arith.constant 0 : index
    %swap3A_510 = vector.load %arg6[%swap3A_507, %swap3A_508, %swap3A_509] : memref<1x1024x20xi32, #tpu.memory_space<vmem>>, vector<1x1024x20xi32>
    %swap3A_511 = vector.shape_cast %swap3A_510 : vector<1x1024x20xi32> to vector<1024x20xi32>
    %swap3A_512 = vector.shape_cast %add3A_506 : vector<1024x20xi32> to vector<1x1024x20xi32>
    tpu.vector_store %arg6[%swap3A_507, %swap3A_508, %swap3A_509], %swap3A_512 {strides = array<i32>} : memref<1x1024x20xi32, #tpu.memory_space<vmem>>, vector<1x1024x20xi32>,
    return
  }
  func.func @transform_0(%arg0: i32) -> (i32, i32, i32) {
    %c0_i32 = arith.constant 0 : i32
    %c0_i32_0 = arith.constant 0 : i32
    %c0_i32_1 = arith.constant 0 : i32
    return %arg0, %c0_i32, %c0_i32_0 : i32, i32, i32
  }
  func.func @transform_1(%arg0: i32) -> i32 {
    %c0_i32 = arith.constant 0 : i32
    %c0_i32_0 = arith.constant 0 : i32
    return %c0_i32 : i32
  }
  func.func @transform_2(%arg0: i32) -> i32 {
    %c0_i32 = arith.constant 0 : i32
    %c0_i32_0 = arith.constant 0 : i32
    return %c0_i32 : i32
  }
  func.func @transform_3(%arg0: i32) -> i32 {
    %c0_i32 = arith.constant 0 : i32
    %c0_i32_0 = arith.constant 0 : i32
    return %c0_i32 : i32
  }
  func.func @transform_4(%arg0: i32) -> i32 {
    %c0_i32 = arith.constant 0 : i32
    %c0_i32_0 = arith.constant 0 : i32
    return %c0_i32 : i32
  }
  func.func @transform_5(%arg0: i32) -> (i32, i32, i32) {
    %c0_i32 = arith.constant 0 : i32
    %c0_i32_0 = arith.constant 0 : i32
    %c0_i32_1 = arith.constant 0 : i32
    return %arg0, %c0_i32, %c0_i32_0 : i32, i32, i32
  }
  func.func @transform_6(%arg0: i32) -> (i32, i32, i32) {
    %c0_i32 = arith.constant 0 : i32
    %c0_i32_0 = arith.constant 0 : i32
    %c0_i32_1 = arith.constant 0 : i32
    return %arg0, %c0_i32, %c0_i32_0 : i32, i32, i32
  }
}

module attributes {stable_mosaic.version = 14 : i64} {
  func.func @_k3_body(%arg0: i32, %arg1: i32, %arg2: memref<1x2560x128xf32, #tpu.memory_space<vmem>>, %arg3: memref<1x128x128xf32, #tpu.memory_space<vmem>>, %arg4: memref<256x256xf32, #tpu.memory_space<vmem>>, %arg5: memref<1x128x256xf32, #tpu.memory_space<vmem>>, %arg6: memref<1x2560x256xf32, #tpu.memory_space<vmem>>) attributes {dimension_semantics = [#tpu.dimension_semantics<arbitrary>, #tpu.dimension_semantics<arbitrary>], iteration_bounds = array<i64: 8, 8>, scalar_prefetch = 0 : i64, scratch_operands = 0 : i64, tpu.core_type = #tpu.core_type<tc>, window_params = [{transform_indices = @transform_0, window_bounds = array<i64: 1, 2560, 128>}, {transform_indices = @transform_1, window_bounds = array<i64: 1, 128, 128>}, {pipeline_mode = #tpu.pipeline_mode<synchronous>, transform_indices = @transform_2, window_bounds = array<i64: 256, 256>}, {transform_indices = @transform_3, window_bounds = array<i64: 1, 128, 256>}, {transform_indices = @transform_4, window_bounds = array<i64: 1, 2560, 256>}]} {
    %get3A = arith.constant 0 : index
    %get3A_0 = arith.constant 0 : index
    %get3A_1 = arith.constant 0 : index
    %get3A_2 = vector.load %arg2[%get3A, %get3A_0, %get3A_1] : memref<1x2560x128xf32, #tpu.memory_space<vmem>>, vector<1x2560x128xf32>
    %get3A_3 = vector.shape_cast %get3A_2 : vector<1x2560x128xf32> to vector<2560x128xf32>
    %reshape3A = vector.shape_cast %get3A_3 : vector<2560x128xf32> to vector<128x20x128xf32>
    %get3A_4 = arith.constant 0 : index
    %get3A_5 = arith.constant 0 : index
    %get3A_6 = arith.constant 0 : index
    %get3A_7 = vector.load %arg3[%get3A_4, %get3A_5, %get3A_6] : memref<1x128x128xf32, #tpu.memory_space<vmem>>, vector<1x128x128xf32>
    %get3A_8 = vector.shape_cast %get3A_7 : vector<1x128x128xf32> to vector<128x128xf32>
    %broadcast_in_dim3A = vector.shape_cast %get3A_8 : vector<128x128xf32> to vector<128x1x128xf32>
    %sub3A = vector.broadcast %broadcast_in_dim3A : vector<128x1x128xf32> to vector<128x20x128xf32>
    %sub3A_9 = arith.subf %reshape3A, %sub3A : vector<128x20x128xf32>
    %broadcast_in_dim3A_10 = vector.shape_cast %get3A_8 : vector<128x128xf32> to vector<128x1x128xf32>
    %broadcast_in_dim3A_11 = vector.shape_cast %broadcast_in_dim3A_10 : vector<128x1x128xf32> to vector<128x1x128xf32>
    %broadcast_in_dim3A_12 = vector.broadcast %broadcast_in_dim3A_11 : vector<128x1x128xf32> to vector<128x20x128xf32>
    %concatenate3A = tpu.concatenate %sub3A_9, %broadcast_in_dim3A_12 in 2 : vector<128x20x128xf32>, vector<128x20x128xf32> -> vector<128x20x256xf32>
    %reshape3A_13 = vector.shape_cast %concatenate3A : vector<128x20x256xf32> to vector<2560x256xf32>
    %get3A_14 = arith.constant 0 : index
    %get3A_15 = arith.constant 0 : index
    %get3A_16 = vector.load %arg4[%get3A_14, %get3A_15] : memref<256x256xf32, #tpu.memory_space<vmem>>, vector<256x256xf32>
    %dot_general3A = arith.constant dense<0.000000e+00> : vector<2560x256xf32>
    %dot_general3A_17 = tpu.matmul %reshape3A_13, %get3A_16, %dot_general3A {dimension_numbers = #tpu.dot_dimension_numbers<[1], [1], [0], [0], [0, 0, 1, 0], [], []>, transpose_lhs_hint = false} : vector<2560x256xf32>, vector<256x256xf32>, vector<2560x256xf32> -> vector<2560x256xf32>
    %reshape3A_18 = vector.shape_cast %dot_general3A_17 : vector<2560x256xf32> to vector<128x20x256xf32>
    %slice3A = vector.extract_strided_slice %reshape3A_18 {offsets = [0, 0, 0], sizes = [128, 1, 256], strides = [1, 1, 1]} : vector<128x20x256xf32> to vector<128x1x256xf32>
    %squeeze3A = vector.shape_cast %slice3A : vector<128x1x256xf32> to vector<128x256xf32>
    %slice3A_19 = vector.extract_strided_slice %reshape3A_18 {offsets = [0, 1, 0], sizes = [128, 1, 256], strides = [1, 1, 1]} : vector<128x20x256xf32> to vector<128x1x256xf32>
    %squeeze3A_20 = vector.shape_cast %slice3A_19 : vector<128x1x256xf32> to vector<128x256xf32>
    %max3A = arith.maximumf %squeeze3A, %squeeze3A_20 : vector<128x256xf32>
    %slice3A_21 = vector.extract_strided_slice %reshape3A_18 {offsets = [0, 2, 0], sizes = [128, 1, 256], strides = [1, 1, 1]} : vector<128x20x256xf32> to vector<128x1x256xf32>
    %squeeze3A_22 = vector.shape_cast %slice3A_21 : vector<128x1x256xf32> to vector<128x256xf32>
    %max3A_23 = arith.maximumf %max3A, %squeeze3A_22 : vector<128x256xf32>
    %slice3A_24 = vector.extract_strided_slice %reshape3A_18 {offsets = [0, 3, 0], sizes = [128, 1, 256], strides = [1, 1, 1]} : vector<128x20x256xf32> to vector<128x1x256xf32>
    %squeeze3A_25 = vector.shape_cast %slice3A_24 : vector<128x1x256xf32> to vector<128x256xf32>
    %max3A_26 = arith.maximumf %max3A_23, %squeeze3A_25 : vector<128x256xf32>
    %slice3A_27 = vector.extract_strided_slice %reshape3A_18 {offsets = [0, 4, 0], sizes = [128, 1, 256], strides = [1, 1, 1]} : vector<128x20x256xf32> to vector<128x1x256xf32>
    %squeeze3A_28 = vector.shape_cast %slice3A_27 : vector<128x1x256xf32> to vector<128x256xf32>
    %max3A_29 = arith.maximumf %max3A_26, %squeeze3A_28 : vector<128x256xf32>
    %slice3A_30 = vector.extract_strided_slice %reshape3A_18 {offsets = [0, 5, 0], sizes = [128, 1, 256], strides = [1, 1, 1]} : vector<128x20x256xf32> to vector<128x1x256xf32>
    %squeeze3A_31 = vector.shape_cast %slice3A_30 : vector<128x1x256xf32> to vector<128x256xf32>
    %max3A_32 = arith.maximumf %max3A_29, %squeeze3A_31 : vector<128x256xf32>
    %slice3A_33 = vector.extract_strided_slice %reshape3A_18 {offsets = [0, 6, 0], sizes = [128, 1, 256], strides = [1, 1, 1]} : vector<128x20x256xf32> to vector<128x1x256xf32>
    %squeeze3A_34 = vector.shape_cast %slice3A_33 : vector<128x1x256xf32> to vector<128x256xf32>
    %max3A_35 = arith.maximumf %max3A_32, %squeeze3A_34 : vector<128x256xf32>
    %slice3A_36 = vector.extract_strided_slice %reshape3A_18 {offsets = [0, 7, 0], sizes = [128, 1, 256], strides = [1, 1, 1]} : vector<128x20x256xf32> to vector<128x1x256xf32>
    %squeeze3A_37 = vector.shape_cast %slice3A_36 : vector<128x1x256xf32> to vector<128x256xf32>
    %max3A_38 = arith.maximumf %max3A_35, %squeeze3A_37 : vector<128x256xf32>
    %slice3A_39 = vector.extract_strided_slice %reshape3A_18 {offsets = [0, 8, 0], sizes = [128, 1, 256], strides = [1, 1, 1]} : vector<128x20x256xf32> to vector<128x1x256xf32>
    %squeeze3A_40 = vector.shape_cast %slice3A_39 : vector<128x1x256xf32> to vector<128x256xf32>
    %max3A_41 = arith.maximumf %max3A_38, %squeeze3A_40 : vector<128x256xf32>
    %slice3A_42 = vector.extract_strided_slice %reshape3A_18 {offsets = [0, 9, 0], sizes = [128, 1, 256], strides = [1, 1, 1]} : vector<128x20x256xf32> to vector<128x1x256xf32>
    %squeeze3A_43 = vector.shape_cast %slice3A_42 : vector<128x1x256xf32> to vector<128x256xf32>
    %max3A_44 = arith.maximumf %max3A_41, %squeeze3A_43 : vector<128x256xf32>
    %slice3A_45 = vector.extract_strided_slice %reshape3A_18 {offsets = [0, 10, 0], sizes = [128, 1, 256], strides = [1, 1, 1]} : vector<128x20x256xf32> to vector<128x1x256xf32>
    %squeeze3A_46 = vector.shape_cast %slice3A_45 : vector<128x1x256xf32> to vector<128x256xf32>
    %max3A_47 = arith.maximumf %max3A_44, %squeeze3A_46 : vector<128x256xf32>
    %slice3A_48 = vector.extract_strided_slice %reshape3A_18 {offsets = [0, 11, 0], sizes = [128, 1, 256], strides = [1, 1, 1]} : vector<128x20x256xf32> to vector<128x1x256xf32>
    %squeeze3A_49 = vector.shape_cast %slice3A_48 : vector<128x1x256xf32> to vector<128x256xf32>
    %max3A_50 = arith.maximumf %max3A_47, %squeeze3A_49 : vector<128x256xf32>
    %slice3A_51 = vector.extract_strided_slice %reshape3A_18 {offsets = [0, 12, 0], sizes = [128, 1, 256], strides = [1, 1, 1]} : vector<128x20x256xf32> to vector<128x1x256xf32>
    %squeeze3A_52 = vector.shape_cast %slice3A_51 : vector<128x1x256xf32> to vector<128x256xf32>
    %max3A_53 = arith.maximumf %max3A_50, %squeeze3A_52 : vector<128x256xf32>
    %slice3A_54 = vector.extract_strided_slice %reshape3A_18 {offsets = [0, 13, 0], sizes = [128, 1, 256], strides = [1, 1, 1]} : vector<128x20x256xf32> to vector<128x1x256xf32>
    %squeeze3A_55 = vector.shape_cast %slice3A_54 : vector<128x1x256xf32> to vector<128x256xf32>
    %max3A_56 = arith.maximumf %max3A_53, %squeeze3A_55 : vector<128x256xf32>
    %slice3A_57 = vector.extract_strided_slice %reshape3A_18 {offsets = [0, 14, 0], sizes = [128, 1, 256], strides = [1, 1, 1]} : vector<128x20x256xf32> to vector<128x1x256xf32>
    %squeeze3A_58 = vector.shape_cast %slice3A_57 : vector<128x1x256xf32> to vector<128x256xf32>
    %max3A_59 = arith.maximumf %max3A_56, %squeeze3A_58 : vector<128x256xf32>
    %slice3A_60 = vector.extract_strided_slice %reshape3A_18 {offsets = [0, 15, 0], sizes = [128, 1, 256], strides = [1, 1, 1]} : vector<128x20x256xf32> to vector<128x1x256xf32>
    %squeeze3A_61 = vector.shape_cast %slice3A_60 : vector<128x1x256xf32> to vector<128x256xf32>
    %max3A_62 = arith.maximumf %max3A_59, %squeeze3A_61 : vector<128x256xf32>
    %slice3A_63 = vector.extract_strided_slice %reshape3A_18 {offsets = [0, 16, 0], sizes = [128, 1, 256], strides = [1, 1, 1]} : vector<128x20x256xf32> to vector<128x1x256xf32>
    %squeeze3A_64 = vector.shape_cast %slice3A_63 : vector<128x1x256xf32> to vector<128x256xf32>
    %max3A_65 = arith.maximumf %max3A_62, %squeeze3A_64 : vector<128x256xf32>
    %slice3A_66 = vector.extract_strided_slice %reshape3A_18 {offsets = [0, 17, 0], sizes = [128, 1, 256], strides = [1, 1, 1]} : vector<128x20x256xf32> to vector<128x1x256xf32>
    %squeeze3A_67 = vector.shape_cast %slice3A_66 : vector<128x1x256xf32> to vector<128x256xf32>
    %max3A_68 = arith.maximumf %max3A_65, %squeeze3A_67 : vector<128x256xf32>
    %slice3A_69 = vector.extract_strided_slice %reshape3A_18 {offsets = [0, 18, 0], sizes = [128, 1, 256], strides = [1, 1, 1]} : vector<128x20x256xf32> to vector<128x1x256xf32>
    %squeeze3A_70 = vector.shape_cast %slice3A_69 : vector<128x1x256xf32> to vector<128x256xf32>
    %max3A_71 = arith.maximumf %max3A_68, %squeeze3A_70 : vector<128x256xf32>
    %slice3A_72 = vector.extract_strided_slice %reshape3A_18 {offsets = [0, 19, 0], sizes = [128, 1, 256], strides = [1, 1, 1]} : vector<128x20x256xf32> to vector<128x1x256xf32>
    %squeeze3A_73 = vector.shape_cast %slice3A_72 : vector<128x1x256xf32> to vector<128x256xf32>
    %max3A_74 = arith.maximumf %max3A_71, %squeeze3A_73 : vector<128x256xf32>
    %swap3A = arith.constant 0 : index
    %swap3A_75 = arith.constant 0 : index
    %swap3A_76 = arith.constant 0 : index
    %swap3A_77 = vector.load %arg5[%swap3A, %swap3A_75, %swap3A_76] : memref<1x128x256xf32, #tpu.memory_space<vmem>>, vector<1x128x256xf32>
    %swap3A_78 = vector.shape_cast %swap3A_77 : vector<1x128x256xf32> to vector<128x256xf32>
    %swap3A_79 = vector.shape_cast %max3A_74 : vector<128x256xf32> to vector<1x128x256xf32>
    tpu.vector_store %arg5[%swap3A, %swap3A_75, %swap3A_76], %swap3A_79 {strides = array<i32>} : memref<1x128x256xf32, #tpu.memory_space<vmem>>, vector<1x128x256xf32>,
    %swap3A_80 = arith.constant 0 : index
    %swap3A_81 = arith.constant 0 : index
    %swap3A_82 = arith.constant 0 : index
    %swap3A_83 = vector.load %arg6[%swap3A_80, %swap3A_81, %swap3A_82] : memref<1x2560x256xf32, #tpu.memory_space<vmem>>, vector<1x2560x256xf32>
    %swap3A_84 = vector.shape_cast %swap3A_83 : vector<1x2560x256xf32> to vector<2560x256xf32>
    %swap3A_85 = vector.shape_cast %dot_general3A_17 : vector<2560x256xf32> to vector<1x2560x256xf32>
    tpu.vector_store %arg6[%swap3A_80, %swap3A_81, %swap3A_82], %swap3A_85 {strides = array<i32>} : memref<1x2560x256xf32, #tpu.memory_space<vmem>>, vector<1x2560x256xf32>,
    return
  }
  func.func @transform_0(%arg0: i32, %arg1: i32) -> (i32, i32, i32) {
    %c0_i32 = arith.constant 0 : i32
    %c0_i32_0 = arith.constant 0 : i32
    return %arg0, %arg1, %c0_i32 : i32, i32, i32
  }
  func.func @transform_1(%arg0: i32, %arg1: i32) -> (i32, i32, i32) {
    %c0_i32 = arith.constant 0 : i32
    %c0_i32_0 = arith.constant 0 : i32
    return %arg0, %arg1, %c0_i32 : i32, i32, i32
  }
  func.func @transform_2(%arg0: i32, %arg1: i32) -> (i32, i32) {
    %c0_i32 = arith.constant 0 : i32
    %c0_i32_0 = arith.constant 0 : i32
    %c0_i32_1 = arith.constant 0 : i32
    return %c0_i32, %c0_i32_0 : i32, i32
  }
  func.func @transform_3(%arg0: i32, %arg1: i32) -> (i32, i32, i32) {
    %c0_i32 = arith.constant 0 : i32
    %c0_i32_0 = arith.constant 0 : i32
    return %arg0, %arg1, %c0_i32 : i32, i32, i32
  }
  func.func @transform_4(%arg0: i32, %arg1: i32) -> (i32, i32, i32) {
    %c0_i32 = arith.constant 0 : i32
    %c0_i32_0 = arith.constant 0 : i32
    return %arg0, %arg1, %c0_i32 : i32, i32, i32
  }
}

module attributes {stable_mosaic.version = 14 : i64} {
  func.func @_k3a_body(%arg0: i32, %arg1: memref<1x1024x128xf32, #tpu.memory_space<vmem>>, %arg2: memref<1x1024x128xf32, #tpu.memory_space<vmem>>, %arg3: memref<1x1024x128xf32, #tpu.memory_space<vmem>>, %arg4: memref<1x1024x256xf32, #tpu.memory_space<vmem>>, %arg5: memref<256xf32, #tpu.memory_space<vmem>>, %arg6: memref<256xf32, #tpu.memory_space<vmem>>, %arg7: memref<256xf32, #tpu.memory_space<vmem>>, %arg8: memref<256xf32, #tpu.memory_space<vmem>>, %arg9: memref<1024x512xf32, #tpu.memory_space<vmem>>, %arg10: memref<1x1024x1024xf32, #tpu.memory_space<vmem>>) attributes {dimension_semantics = [#tpu.dimension_semantics<arbitrary>], iteration_bounds = array<i64: 8>, scalar_prefetch = 0 : i64, scratch_operands = 0 : i64, tpu.core_type = #tpu.core_type<tc>, window_params = [{transform_indices = @transform_0, window_bounds = array<i64: 1, 1024, 128>}, {transform_indices = @transform_1, window_bounds = array<i64: 1, 1024, 128>}, {transform_indices = @transform_2, window_bounds = array<i64: 1, 1024, 128>}, {transform_indices = @transform_3, window_bounds = array<i64: 1, 1024, 256>}, {pipeline_mode = #tpu.pipeline_mode<synchronous>, transform_indices = @transform_4, window_bounds = array<i64: 256>}, {pipeline_mode = #tpu.pipeline_mode<synchronous>, transform_indices = @transform_5, window_bounds = array<i64: 256>}, {pipeline_mode = #tpu.pipeline_mode<synchronous>, transform_indices = @transform_6, window_bounds = array<i64: 256>}, {pipeline_mode = #tpu.pipeline_mode<synchronous>, transform_indices = @transform_7, window_bounds = array<i64: 256>}, {pipeline_mode = #tpu.pipeline_mode<synchronous>, transform_indices = @transform_8, window_bounds = array<i64: 1024, 512>}, {transform_indices = @transform_9, window_bounds = array<i64: 1, 1024, 1024>}]} {
    %get3A = arith.constant 0 : index
    %get3A_0 = arith.constant 0 : index
    %get3A_1 = arith.constant 0 : index
    %get3A_2 = vector.load %arg4[%get3A, %get3A_0, %get3A_1] : memref<1x1024x256xf32, #tpu.memory_space<vmem>>, vector<1x1024x256xf32>
    %get3A_3 = vector.shape_cast %get3A_2 : vector<1x1024x256xf32> to vector<1024x256xf32>
    %get3A_4 = arith.constant 0 : index
    %get3A_5 = vector.load %arg5[%get3A_4] : memref<256xf32, #tpu.memory_space<vmem>>, vector<256xf32>
    %get3A_6 = arith.constant 0 : index
    %get3A_7 = vector.load %arg6[%get3A_6] : memref<256xf32, #tpu.memory_space<vmem>>, vector<256xf32>
    %get3A_8 = arith.constant 0 : index
    %get3A_9 = vector.load %arg7[%get3A_8] : memref<256xf32, #tpu.memory_space<vmem>>, vector<256xf32>
    %get3A_10 = arith.constant 0 : index
    %get3A_11 = vector.load %arg8[%get3A_10] : memref<256xf32, #tpu.memory_space<vmem>>, vector<256xf32>
    %broadcast_in_dim3A = vector.shape_cast %get3A_9 : vector<256xf32> to vector<1x256xf32>
    %broadcast_in_dim3A_12 = vector.shape_cast %get3A_5 : vector<256xf32> to vector<1x256xf32>
    %sub3A = vector.broadcast %broadcast_in_dim3A_12 : vector<1x256xf32> to vector<1024x256xf32>
    %sub3A_13 = arith.subf %get3A_3, %sub3A : vector<1024x256xf32>
    %mul3A = vector.broadcast %broadcast_in_dim3A : vector<1x256xf32> to vector<1024x256xf32>
    %mul3A_14 = arith.mulf %mul3A, %sub3A_13 : vector<1024x256xf32>
    %add3A = arith.constant 9.99999974E-6 : f32
    %add3A_15 = vector.broadcast %add3A : f32 to vector<256xf32>
    %add3A_16 = arith.addf %get3A_7, %add3A_15 : vector<256xf32>
    %sqrt3A = math.sqrt %add3A_16 : vector<256xf32>
    %broadcast_in_dim3A_17 = vector.shape_cast %sqrt3A : vector<256xf32> to vector<1x256xf32>
    %div3A = vector.broadcast %broadcast_in_dim3A_17 : vector<1x256xf32> to vector<1024x256xf32>
    %div3A_18 = arith.divf %mul3A_14, %div3A : vector<1024x256xf32>
    %broadcast_in_dim3A_19 = vector.shape_cast %get3A_11 : vector<256xf32> to vector<1x256xf32>
    %add3A_20 = vector.broadcast %broadcast_in_dim3A_19 : vector<1x256xf32> to vector<1024x256xf32>
    %add3A_21 = arith.addf %div3A_18, %add3A_20 : vector<1024x256xf32>
    %gt3A = arith.constant 0.000000e+00 : f32
    %gt3A_22 = vector.broadcast %gt3A : f32 to vector<1024x256xf32>
    %gt3A_23 = arith.cmpf ogt, %add3A_21, %gt3A_22 : vector<1024x256xf32>
    %mul3A_24 = arith.constant 2.000000e-01 : f32
    %mul3A_25 = vector.broadcast %mul3A_24 : f32 to vector<1024x256xf32>
    %mul3A_26 = arith.mulf %mul3A_25, %add3A_21 : vector<1024x256xf32>
    %select_n3A = arith.select %gt3A_23, %add3A_21, %mul3A_26 : vector<1024x256xi1>, vector<1024x256xf32>
    %get3A_27 = arith.constant 0 : index
    %get3A_28 = arith.constant 0 : index
    %get3A_29 = arith.constant 0 : index
    %get3A_30 = vector.load %arg1[%get3A_27, %get3A_28, %get3A_29] : memref<1x1024x128xf32, #tpu.memory_space<vmem>>, vector<1x1024x128xf32>
    %get3A_31 = vector.shape_cast %get3A_30 : vector<1x1024x128xf32> to vector<1024x128xf32>
    %slice3A = vector.extract_strided_slice %get3A_31 {offsets = [0, 0], sizes = [1024, 64], strides = [1, 1]} : vector<1024x128xf32> to vector<1024x64xf32>
    %get3A_32 = arith.constant 0 : index
    %get3A_33 = arith.constant 0 : index
    %get3A_34 = arith.constant 0 : index
    %get3A_35 = vector.load %arg2[%get3A_32, %get3A_33, %get3A_34] : memref<1x1024x128xf32, #tpu.memory_space<vmem>>, vector<1x1024x128xf32>
    %get3A_36 = vector.shape_cast %get3A_35 : vector<1x1024x128xf32> to vector<1024x128xf32>
    %slice3A_37 = vector.extract_strided_slice %get3A_36 {offsets = [0, 0], sizes = [1024, 64], strides = [1, 1]} : vector<1024x128xf32> to vector<1024x64xf32>
    %get3A_38 = arith.constant 0 : index
    %get3A_39 = arith.constant 0 : index
    %get3A_40 = arith.constant 0 : index
    %get3A_41 = vector.load %arg3[%get3A_38, %get3A_39, %get3A_40] : memref<1x1024x128xf32, #tpu.memory_space<vmem>>, vector<1x1024x128xf32>
    %get3A_42 = vector.shape_cast %get3A_41 : vector<1x1024x128xf32> to vector<1024x128xf32>
    %concatenate3A = tpu.concatenate %slice3A, %slice3A_37, %get3A_42, %select_n3A in 1 : vector<1024x64xf32>, vector<1024x64xf32>, vector<1024x128xf32>, vector<1024x256xf32> -> vector<1024x512xf32>
    %get3A_43 = arith.constant 0 : index
    %get3A_44 = arith.constant 0 : index
    %get3A_45 = vector.load %arg9[%get3A_43, %get3A_44] : memref<1024x512xf32, #tpu.memory_space<vmem>>, vector<1024x512xf32>
    %dot_general3A = arith.constant dense<0.000000e+00> : vector<1024x1024xf32>
    %dot_general3A_46 = tpu.matmul %get3A_45, %concatenate3A, %dot_general3A {dimension_numbers = #tpu.dot_dimension_numbers<[1], [1], [0], [0], [0, 0, 1, 0], [], []>, transpose_lhs_hint = false} : vector<1024x512xf32>, vector<1024x512xf32>, vector<1024x1024xf32> -> vector<1024x1024xf32>
    %swap3A = arith.constant 0 : index
    %swap3A_47 = arith.constant 0 : index
    %swap3A_48 = arith.constant 0 : index
    %swap3A_49 = vector.load %arg10[%swap3A, %swap3A_47, %swap3A_48] : memref<1x1024x1024xf32, #tpu.memory_space<vmem>>, vector<1x1024x1024xf32>
    %swap3A_50 = vector.shape_cast %swap3A_49 : vector<1x1024x1024xf32> to vector<1024x1024xf32>
    %swap3A_51 = vector.shape_cast %dot_general3A_46 : vector<1024x1024xf32> to vector<1x1024x1024xf32>
    tpu.vector_store %arg10[%swap3A, %swap3A_47, %swap3A_48], %swap3A_51 {strides = array<i32>} : memref<1x1024x1024xf32, #tpu.memory_space<vmem>>, vector<1x1024x1024xf32>,
    return
  }
  func.func @transform_0(%arg0: i32) -> (i32, i32, i32) {
    %c0_i32 = arith.constant 0 : i32
    %c0_i32_0 = arith.constant 0 : i32
    %c0_i32_1 = arith.constant 0 : i32
    return %arg0, %c0_i32, %c0_i32_0 : i32, i32, i32
  }
  func.func @transform_1(%arg0: i32) -> (i32, i32, i32) {
    %c0_i32 = arith.constant 0 : i32
    %c0_i32_0 = arith.constant 0 : i32
    %c0_i32_1 = arith.constant 0 : i32
    return %arg0, %c0_i32, %c0_i32_0 : i32, i32, i32
  }
  func.func @transform_2(%arg0: i32) -> (i32, i32, i32) {
    %c0_i32 = arith.constant 0 : i32
    %c0_i32_0 = arith.constant 0 : i32
    %c0_i32_1 = arith.constant 0 : i32
    return %arg0, %c0_i32, %c0_i32_0 : i32, i32, i32
  }
  func.func @transform_3(%arg0: i32) -> (i32, i32, i32) {
    %c0_i32 = arith.constant 0 : i32
    %c0_i32_0 = arith.constant 0 : i32
    %c0_i32_1 = arith.constant 0 : i32
    return %arg0, %c0_i32, %c0_i32_0 : i32, i32, i32
  }
  func.func @transform_4(%arg0: i32) -> i32 {
    %c0_i32 = arith.constant 0 : i32
    %c0_i32_0 = arith.constant 0 : i32
    return %c0_i32 : i32
  }
  func.func @transform_5(%arg0: i32) -> i32 {
    %c0_i32 = arith.constant 0 : i32
    %c0_i32_0 = arith.constant 0 : i32
    return %c0_i32 : i32
  }
  func.func @transform_6(%arg0: i32) -> i32 {
    %c0_i32 = arith.constant 0 : i32
    %c0_i32_0 = arith.constant 0 : i32
    return %c0_i32 : i32
  }
  func.func @transform_7(%arg0: i32) -> i32 {
    %c0_i32 = arith.constant 0 : i32
    %c0_i32_0 = arith.constant 0 : i32
    return %c0_i32 : i32
  }
  func.func @transform_8(%arg0: i32) -> (i32, i32) {
    %c0_i32 = arith.constant 0 : i32
    %c0_i32_0 = arith.constant 0 : i32
    %c0_i32_1 = arith.constant 0 : i32
    return %c0_i32, %c0_i32_0 : i32, i32
  }
  func.func @transform_9(%arg0: i32) -> (i32, i32, i32) {
    %c0_i32 = arith.constant 0 : i32
    %c0_i32_0 = arith.constant 0 : i32
    %c0_i32_1 = arith.constant 0 : i32
    return %arg0, %c0_i32, %c0_i32_0 : i32, i32, i32
  }
}

module attributes {stable_mosaic.version = 14 : i64} {
  func.func @_k3c_body(%arg0: i32, %arg1: memref<1x1024x1024xf32, #tpu.memory_space<vmem>>, %arg2: memref<1024xf32, #tpu.memory_space<vmem>>, %arg3: memref<1024xf32, #tpu.memory_space<vmem>>, %arg4: memref<1024xf32, #tpu.memory_space<vmem>>, %arg5: memref<1024xf32, #tpu.memory_space<vmem>>, %arg6: memref<1x1024x1024xf32, #tpu.memory_space<vmem>>) attributes {dimension_semantics = [#tpu.dimension_semantics<arbitrary>], iteration_bounds = array<i64: 8>, scalar_prefetch = 0 : i64, scratch_operands = 0 : i64, tpu.core_type = #tpu.core_type<tc>, window_params = [{transform_indices = @transform_0, window_bounds = array<i64: 1, 1024, 1024>}, {pipeline_mode = #tpu.pipeline_mode<synchronous>, transform_indices = @transform_1, window_bounds = array<i64: 1024>}, {pipeline_mode = #tpu.pipeline_mode<synchronous>, transform_indices = @transform_2, window_bounds = array<i64: 1024>}, {pipeline_mode = #tpu.pipeline_mode<synchronous>, transform_indices = @transform_3, window_bounds = array<i64: 1024>}, {pipeline_mode = #tpu.pipeline_mode<synchronous>, transform_indices = @transform_4, window_bounds = array<i64: 1024>}, {transform_indices = @transform_5, window_bounds = array<i64: 1, 1024, 1024>}]} {
    %get3A = arith.constant 0 : index
    %get3A_0 = vector.load %arg2[%get3A] : memref<1024xf32, #tpu.memory_space<vmem>>, vector<1024xf32>
    %get3A_1 = arith.constant 0 : index
    %get3A_2 = vector.load %arg3[%get3A_1] : memref<1024xf32, #tpu.memory_space<vmem>>, vector<1024xf32>
    %get3A_3 = arith.constant 0 : index
    %get3A_4 = vector.load %arg4[%get3A_3] : memref<1024xf32, #tpu.memory_space<vmem>>, vector<1024xf32>
    %broadcast_in_dim3A = vector.shape_cast %get3A_4 : vector<1024xf32> to vector<1024x1xf32>
    %get3A_5 = arith.constant 0 : index
    %get3A_6 = arith.constant 0 : index
    %get3A_7 = arith.constant 0 : index
    %get3A_8 = vector.load %arg1[%get3A_5, %get3A_6, %get3A_7] : memref<1x1024x1024xf32, #tpu.memory_space<vmem>>, vector<1x1024x1024xf32>
    %get3A_9 = vector.shape_cast %get3A_8 : vector<1x1024x1024xf32> to vector<1024x1024xf32>
    %broadcast_in_dim3A_10 = vector.shape_cast %get3A_0 : vector<1024xf32> to vector<1024x1xf32>
    %sub3A = vector.broadcast %broadcast_in_dim3A_10 : vector<1024x1xf32> to vector<1024x1024xf32>
    %sub3A_11 = arith.subf %get3A_9, %sub3A : vector<1024x1024xf32>
    %mul3A = vector.broadcast %broadcast_in_dim3A : vector<1024x1xf32> to vector<1024x1024xf32>
    %mul3A_12 = arith.mulf %mul3A, %sub3A_11 : vector<1024x1024xf32>
    %add3A = arith.constant 9.99999974E-6 : f32
    %add3A_13 = vector.broadcast %add3A : f32 to vector<1024xf32>
    %add3A_14 = arith.addf %get3A_2, %add3A_13 : vector<1024xf32>
    %sqrt3A = math.sqrt %add3A_14 : vector<1024xf32>
    %broadcast_in_dim3A_15 = vector.shape_cast %sqrt3A : vector<1024xf32> to vector<1024x1xf32>
    %div3A = vector.broadcast %broadcast_in_dim3A_15 : vector<1024x1xf32> to vector<1024x1024xf32>
    %div3A_16 = arith.divf %mul3A_12, %div3A : vector<1024x1024xf32>
    %get3A_17 = arith.constant 0 : index
    %get3A_18 = vector.load %arg5[%get3A_17] : memref<1024xf32, #tpu.memory_space<vmem>>, vector<1024xf32>
    %broadcast_in_dim3A_19 = vector.shape_cast %get3A_18 : vector<1024xf32> to vector<1024x1xf32>
    %add3A_20 = vector.broadcast %broadcast_in_dim3A_19 : vector<1024x1xf32> to vector<1024x1024xf32>
    %add3A_21 = arith.addf %div3A_16, %add3A_20 : vector<1024x1024xf32>
    %gt3A = arith.constant 0.000000e+00 : f32
    %gt3A_22 = vector.broadcast %gt3A : f32 to vector<1024x1024xf32>
    %gt3A_23 = arith.cmpf ogt, %add3A_21, %gt3A_22 : vector<1024x1024xf32>
    %mul3A_24 = arith.constant 2.000000e-01 : f32
    %mul3A_25 = vector.broadcast %mul3A_24 : f32 to vector<1024x1024xf32>
    %mul3A_26 = arith.mulf %mul3A_25, %add3A_21 : vector<1024x1024xf32>
    %select_n3A = arith.select %gt3A_23, %add3A_21, %mul3A_26 : vector<1024x1024xi1>, vector<1024x1024xf32>
    %swap3A = arith.constant 0 : index
    %swap3A_27 = arith.constant 0 : index
    %swap3A_28 = arith.constant 0 : index
    %swap3A_29 = vector.load %arg6[%swap3A, %swap3A_27, %swap3A_28] : memref<1x1024x1024xf32, #tpu.memory_space<vmem>>, vector<1x1024x1024xf32>
    %swap3A_30 = vector.shape_cast %swap3A_29 : vector<1x1024x1024xf32> to vector<1024x1024xf32>
    %swap3A_31 = vector.shape_cast %select_n3A : vector<1024x1024xf32> to vector<1x1024x1024xf32>
    tpu.vector_store %arg6[%swap3A, %swap3A_27, %swap3A_28], %swap3A_31 {strides = array<i32>} : memref<1x1024x1024xf32, #tpu.memory_space<vmem>>, vector<1x1024x1024xf32>,
    return
  }
  func.func @transform_0(%arg0: i32) -> (i32, i32, i32) {
    %c0_i32 = arith.constant 0 : i32
    %c0_i32_0 = arith.constant 0 : i32
    %c0_i32_1 = arith.constant 0 : i32
    return %arg0, %c0_i32, %c0_i32_0 : i32, i32, i32
  }
  func.func @transform_1(%arg0: i32) -> i32 {
    %c0_i32 = arith.constant 0 : i32
    %c0_i32_0 = arith.constant 0 : i32
    return %c0_i32 : i32
  }
  func.func @transform_2(%arg0: i32) -> i32 {
    %c0_i32 = arith.constant 0 : i32
    %c0_i32_0 = arith.constant 0 : i32
    return %c0_i32 : i32
  }
  func.func @transform_3(%arg0: i32) -> i32 {
    %c0_i32 = arith.constant 0 : i32
    %c0_i32_0 = arith.constant 0 : i32
    return %c0_i32 : i32
  }
  func.func @transform_4(%arg0: i32) -> i32 {
    %c0_i32 = arith.constant 0 : i32
    %c0_i32_0 = arith.constant 0 : i32
    return %c0_i32 : i32
  }
  func.func @transform_5(%arg0: i32) -> (i32, i32, i32) {
    %c0_i32 = arith.constant 0 : i32
    %c0_i32_0 = arith.constant 0 : i32
    %c0_i32_1 = arith.constant 0 : i32
    return %arg0, %c0_i32, %c0_i32_0 : i32, i32, i32
  }
}

</mosaic_0001>

<sc_bundles>
// kernel: kernel.16.cloned.1.call-start
scs
__scs_entry_jumppad:
0x0: {  	(pc) =	sbr.rel $0x88, $3  }
0x1: {  	(tag) =	ssettag $0x0;
	lr =	simm.s32 $0x1  }
0x2: {  	[smem:$0x3F91] =	sst lr;
	_ =	strace $0xD0000000  }
0x3: {  	_ = 	snop  }
0x4: {  	_ = 	snop  }
0x5: {  	_ = 	snop  }
0x6: {  	_ = 	snop  }
0x7: {  	_ = 	snop  }
__scs_overlays_trampoline_lowered:
0x8: {  	[smem:$0x3FA0] =	sst s0  }
0x9: {  	[smem:$0x3FA1] =	sst s1  }
0xa: {  	[smem:$0x3FA2] =	sst s2  }
0xb: {  	[smem:$0x3FA3] =	sst s3  }
0xc: {  	[smem:$0x3FA4] =	sst s4  }
0xd: {  	[smem:$0x3FA5] =	sst s5  }
0xe: {  	[smem:$0x3FA6] =	sst s6  }
0xf: {  	[smem:$0x3FA7] =	sst s7  }
0x10: {  	[smem:$0x3FA8] =	sst s8  }
0x11: {  	[smem:$0x3FA9] =	sst s9;
	s0 =	simm.s32 @!p0 $0x0  }
0x12: {  	s1 =	sld [smem:$0x3F8F];
	s0 =	simm.s32 @p0 $0x1  }
0x13: {  	[smem:$0x3FAA] =	sst s0;
	s0 =	simm.s32 @!p1 $0x0  }
0x14: {  	s2 =	sld [smem:$0x3F8E];
	s0 =	simm.s32 @p1 $0x1  }
0x15: {  	[smem:$0x3FAB] =	sst s0;
	s0 =	simm.s32 @!p2 $0x0  }
0x16: {  	s3 =	sld [smem:$0x3FDB];
	s0 =	simm.s32 @p2 $0x1  }
0x17: {  	s4 =	simm.s32 $0x1BF5;
	[smem:$0x3FAD] =	sst s0  }
0x18: {  	s0 =	sld [smem:$0x3F90];
	_ =	swait.ge [sflag:s4], $0x0  }
0x19: {  	s7 =	sld [smem:$0x3F91]  }
0x1a: {  	s8 =	sadd.s32 $0xFFFFE003, lr  }
0x1b: {  	s9 =	sadd.s32 $0xFFFFFEF7, lr;
	s5 =	simm.s32 $0xFFFFFFFF;
	p2 =	slt.u32 s8, $0xFFFFF086  }
0x1c: {  	p1 =	slt.u32 s9, $0xF7A;
	s5 =	simm.s32 @!p2 $0x0  }
0x1d: {  	s5 =	simm.s32 @p1 $0x1;
	p0 =	seq.s32 s7, s2  }
0x1e: {  	s7 =	smul.u32 @!p0 $0xF7A, s2;
	p2 =	seq.s32 @!p0 s5, $0x0  }
0x1f: {  	s9 =	smul.u32 $0xF7A, s1;
	s8 =	simm.s32 @!p0 $0x1BF5;
	p2 =	por !p2, p0  }
0x20: {  	[sflag:s8] =	ssyncset.s32 @!p0 $0xFFFFF086;
	s6 =	sadd.s32 @!p0 s3, s7;
	s7 =	simm.s32 @!p0 $0x108  }
0x21: {  	s3 =	sadd.s32 s3, s9;
	s6 =	sadd.s32 @!p0 $0x88, s6;
	s7 =	simm.s32 @p2 $0x1082  }
0x22: {  	[simem:s7], [sflag:s8] =	dma.local @!p0 [hbm:s6], $0xF7A  }
0x23: {  	s9 =	sor.u32 $0xD0000000, s2;
	s6 =	simm.s32 $0x108;
	_ =	swait.ge @!p0 [sflag:s8], $0x0  }
0x24: {  	s3 =	sadd.s32 $0x88, s3;
	s6 =	simm.s32 @!p1 $0x1082;
	[sflag:s4] =	ssyncset.s32 $0xFFFFF086  }
0x25: {  	[simem:s6], [sflag:s4] =	dma.local [hbm:s3], $0xF7A  }
0x26: {  	[smem:$0x3F91] =	sst s1;
	(tag) =	ssettag s2;
	_ =	strace s9  }
0x27: {  	s1 =	sld [smem:$0x3FA1]  }
0x28: {  	s2 =	sld [smem:$0x3FA2]  }
0x29: {  	s4 =	sld [smem:$0x3FA4]  }
0x2a: {  	p0 =	seq.s32 s5, $0x0;
	s5 =	sld [smem:$0x3FA5]  }
0x2b: {  	s6 =	sld [smem:$0x3FA6]  }
0x2c: {  	s7 =	sld [smem:$0x3FA7]  }
0x2d: {  	s3 =	simm.s32 $0x108;
	s8 =	sld [smem:$0x3FA8]  }
0x2e: {  	s3 =	simm.s32 @!p0 $0x1082;
	s9 =	sld [smem:$0x3FA9]  }
0x2f: {  	lr =	sadd.s32 s0, s3;
	s0 =	sld [smem:$0x3FA0]  }
0x30: {  	s3 =	sld [smem:$0x3FA3]  }
0x31: {  	[smem:$0x3FAC] =	sst s10  }
0x32: {  	s10 =	sld [smem:$0x3FAA];
	_ =	sdelay $0x3  }
0x33: {  	p0 =	seq.s32 s10, $0x1;
	s10 =	sld [smem:$0x3FAC];
	_ =	sdelay $0x3  }
0x34: {  	[smem:$0x3FAC] =	sst s10  }
0x35: {  	s10 =	sld [smem:$0x3FAB];
	_ =	sdelay $0x3  }
0x36: {  	p1 =	seq.s32 s10, $0x1;
	s10 =	sld [smem:$0x3FAC];
	_ =	sdelay $0x3  }
0x37: {  	[smem:$0x3FAC] =	sst s10  }
0x38: {  	s10 =	sld [smem:$0x3FAD]  }
0x39: {  	_ = 	snop;
	(pc) =	sbr.ind lr, $3  }
0x3a: {  	_ = 	snop  }
0x3b: {  	_ = 	snop  }
0x3c: {  	p2 =	seq.s32 s10, $0x1;
	s10 =	sld [smem:$0x3FAC]  }
0x3d: {  	_ =	shalt  }
0x3e: {  	_ =	shalt  }
0x3f: {  	_ =	shalt  }
0x40: {  	_ =	shalt  }
0x41: {  	_ =	shalt  }
0x42: {  	_ =	shalt  }
0x43: {  	_ =	shalt  }
0x44: {  	_ =	shalt  }
0x45: {  	_ =	shalt  }
0x46: {  	_ =	shalt  }
0x47: {  	_ =	shalt  }
0x48: {  	_ =	shalt  }
0x49: {  	_ =	shalt  }
0x4a: {  	_ =	shalt  }
0x4b: {  	_ =	shalt  }
0x4c: {  	_ =	shalt  }
0x4d: {  	_ =	shalt  }
0x4e: {  	_ =	shalt  }
0x4f: {  	_ =	shalt  }
0x50: {  	_ =	shalt  }
0x51: {  	_ =	shalt  }
0x52: {  	_ =	shalt  }
0x53: {  	_ =	shalt  }
0x54: {  	_ =	shalt  }
0x55: {  	_ =	shalt  }
0x56: {  	_ =	shalt  }
0x57: {  	_ =	shalt  }
0x58: {  	_ =	shalt  }
0x59: {  	_ =	shalt  }
0x5a: {  	_ =	shalt  }
0x5b: {  	_ =	shalt  }
0x5c: {  	_ =	shalt  }
0x5d: {  	_ =	shalt  }
0x5e: {  	_ =	shalt  }
0x5f: {  	_ =	shalt  }
0x60: {  	_ =	shalt  }
0x61: {  	_ =	shalt  }
0x62: {  	_ =	shalt  }
0x63: {  	_ =	shalt  }
0x64: {  	_ =	shalt  }
0x65: {  	_ =	shalt  }
0x66: {  	_ =	shalt  }
0x67: {  	_ =	shalt  }
0x68: {  	_ =	shalt  }
0x69: {  	_ =	shalt  }
0x6a: {  	_ =	shalt  }
0x6b: {  	_ =	shalt  }
0x6c: {  	_ =	shalt  }
0x6d: {  	_ =	shalt  }
0x6e: {  	_ =	shalt  }
0x6f: {  	_ =	shalt  }
0x70: {  	_ =	shalt  }
0x71: {  	_ =	shalt  }
0x72: {  	_ =	shalt  }
0x73: {  	_ =	shalt  }
0x74: {  	_ =	shalt  }
0x75: {  	_ =	shalt  }
0x76: {  	_ =	shalt  }
0x77: {  	_ =	shalt  }
0x78: {  	_ =	shalt  }
0x79: {  	_ =	shalt  }
0x7a: {  	_ =	shalt  }
0x7b: {  	_ =	shalt  }
0x7c: {  	_ =	shalt  }
0x7d: {  	_ =	shalt  }
0x7e: {  	_ =	shalt  }
0x7f: {  	_ =	shalt  }
0x80: {  	_ =	shalt  }
0x81: {  	_ =	shalt  }
0x82: {  	_ =	shalt  }
0x83: {  	_ =	shalt  }
0x84: {  	_ =	shalt  }
0x85: {  	_ =	shalt  }
0x86: {  	_ =	shalt  }
0x87: {  	_ =	shalt  }
.Lfunc_end0:
.L_simem_size_0:
called_computation_lowered:
.L_overlay_start_0:
0x88: {  	s2 =	sld [smem:$0x3FD9]  }
0x89: {  	s3 =	sld [smem:$0x3FFE];
	_ =	sdelay $0x1  }
0x8a: {  	s1 =	srdreg.scid  }
0x8b: {  	s0 =	sand.u32 $0x1, s1  }
0x8c: {  	s17 =	sshll.u32 s0, $0xA;
	s2 =	sadd.s32 s3, s2  }
0x8d: {  	s2 =	sadd.s32 s2, s17  }
0x8e: {  	[smem:$0x3FB8] =	sst s2  }
0x8f: {  	_ = 	snop  }
0x90: {  	s2 =	sld [smem:$0x3FD0];
	(tm) =	ssettm $0x1  }
0x91: {  	s18 =	sld [smem:$0x3FFB];
	_ =	sdelay $0x3  }
0x92: {  	_ =	strace s18  }
0x93: {  	s3 =	sld [smem:$0x3FFC];
	_ =	sdelay $0x3  }
0x94: {  	_ =	strace s3  }
0x95: {  	s3 =	sld [smem:$0x3FFD];
	_ =	sdelay $0x3  }
0x96: {  	_ =	strace s3  }
0x97: {  	_ =	strace $0x8FFFFFFF  }
0x98: {  	s19 =	sld [smem:$0x3FDB];
	_ =	sdelay $0x1  }
0x99: {  	s4 =	simm.s32 $_scs_section_size  }
0x9a: {  	s5 =	simm.s32 $_size__tile_overlayer_lowered;
	s6 =	simm.s32 $_tile_overlayer_lowered  }
0x9b: {  	s22 =	simm.s32 $0x1BFF;
	s21 =	sshll.u32 s6, $0x1;
	s3 =	sadd.s32 s4, s19  }
0x9c: {  	s7 =	simm.s32 $0x0;
	s20 =	sshll.u32 s5, $0x1;
	s5 =	sadd.s32 s21, s3  }
0x9d: {  	[timem:s7], [sflag:s22] =	dma.local [hbm:s5], s20  }
0x9e: {  	_ =	swait.ge [sflag:s22], s20  }
0x9f: {  	s4 =	ssub.s32 $0x0, s20;
	[sflag:s22] =	ssyncset.done $0x0  }
0xa0: {  	[sflag:s22] =	ssyncadd.s32 s4;
	_ =	sdelay $0x1  }
0xa1: {  	s23 =	simm.s32 $0x1B8B  }
0xa2: {  	_ =	swait.ge [sflag:s23], $0x1  }
0xa3: {  	[sflag:s23] =	ssyncset.done $0x0  }
0xa4: {  	s25 =	simm.s32 $0x1B8E;
	s24 =	sld [smem:$0x3FFE];
	[sflag:s23] =	ssyncadd.s32 $0xFFFFFFFF  }
0xa5: {  	s26 =	simm.s32 $execute0_lowered;
	[smem:$0x3FD2] =	sst s25  }
0xa6: {  	s5 =	sshll.u32 s26, $0x1;
	_ =	strace $0x80000046;
	[dreg:$0x1] =	wrdreg $0xFFFFFFFF  }
0xa7: {  	s28 =	simm.s32 $_size_execute0_lowered;
	s3 =	sadd.s32 s3, s5;
	[dreg:$0x0] =	wrdreg $0x0  }
0xa8: {  	s5 =	sshll.u32 s28, $0x1;
	[dreg:$0x2] =	wrdreg s3  }
0xa9: {  	[dreg:$0x3] =	wrdreg s5  }
0xaa: {  	[dreg:$0x4] =	wrdreg $0xC0  }
0xab: {  	_ =	task [dreg:s7], $0x5FFFF  }
0xac: {  	[dreg:$0x1] =	wrdreg $0xFFFFFFFF  }
0xad: {  	[dreg:$0x0] =	wrdreg $0x60  }
0xae: {  	[dreg:$0x2] =	wrdreg s2  }
0xaf: {  	[dreg:$0x3] =	wrdreg s24  }
0xb0: {  	[dreg:$0x4] =	wrdreg $0x9  }
0xb1: {  	_ =	task.clear_ibuf [dreg:s7], $0x5FFFF;
	_ =	strace $0x90000046  }
0xb2: {  	s29 =	simm.s32 $0x9;
	_ =	strace $0x80000048  }
0xb3: {  	_ =	swait.ge [sflag:s29], $0x1  }
0xb4: {  	[sflag:s29] =	ssyncadd.s32 $0xFFFFFFFF  }
0xb5: {  	_ =	strace $0x90000048  }
0xb6: {  	_ =	sfence  }
0xb7: {  	s30 =	sld [smem:$0x0];
	_ =	sdelay $0x2  }
0xb8: {  	s31 =	sshll.u32 s1, $0xD;
	s1 =	sshrl.u32 s1, $0x2  }
0xb9: {  	s3 =	sand.u32 $0x4000, s31;
	s1 =	sadd.s32 s1, s30  }
0xba: {  	s0 =	sor.u32 s3, s0;
	s1 =	sshll.u32 s1, $0x11  }
0xbb: {  	s0 =	sor.u32 s1, s0  }
0xbc: {  	s0 =	sadd.s32 $0x8F2B, s0  }
0xbd: {  	[sflag:s0] =	ssyncadd.remote.s32 $0x1  }
0xbe: {  	_ =	sfence.sel $0xFFFF  }
0xbf: {  	[dreg:$0x0] =	wrdreg $0xFFFFFFFF;
	(pc) =	sbr.abs _section_cstart, $3  }
0xc0: {  	[dreg:$0x1] =	wrdreg $0xFFFFFFFF  }
0xc1: {  	_ =	task.clear_ibuf [dreg:s7], $0x2FFFF;
	_ =	strace $0x9FFFFFFF  }
0xc2: {  	(tm) =	ssettm $0x7FFFFFFF  }
0xc3: {  	_ =	shalt  }
tec
execute0_lowered:
.L_overlay_start_1:
0x0: {  	(tag) =	ssettag $0x1  }
0x1: {  	s1 =	srdreg.scid  }
0x2: {  	s0 =	stileid.u32;
	s2 =	rddreg [dreg:$0x0]  }
0x3: {  	s5 =	rddreg [dreg:$0x1];
	s3 =	simm.s32 $0x0;
	s10 =	simm.s32 $0x2800  }
0x4: {  	s11 =	simm.s32 $0x3C00;
	s12 =	simm.s32 $0x5000;
	s13 =	simm.s32 $0x6400  }
0x5: {  	s14 =	simm.s32 $0x7800;
	s15 =	simm.s32 $0x8C00;
	s16 =	simm.s32 $0xA000  }
0x6: {  	s17 =	simm.s32 $0x1;
	s18 =	simm.s32 $0x0;
	s4 =	sand.u32 $0x1, s1  }
0x7: {  	s30 =	sshll.u32 s0, $0x1;
	s1 =	rddreg [dreg:$0x2];
	s7 =	smul.u32 $0x28000, s0  }
0x8: {  	s6 =	sor.u32 s4, s30;
	s8 =	ssub.s32 $0x2, s4;
	s4 =	smul.u32 $0x14000, s4  }
0x9: {  	[smem:$0x7FF] =	sst s3;
	s6 =	smul.u32 $0x1400, s6;
	s9 =	sshrl.u32 s8, $0x1  }
0xa: {  	_ =	strace $0x80000047;
	s7 =	sadd.s32 s7, s5;
	s31 =	ssub.s32 s8, s9  }
0xb: {  	s7 =	sadd.s32 s4, s7;
	s8 =	simm.s32 $0x28;
	s6 =	sshrl.u32 s6, $0x3  }
0xc: {  	s9 =	simm.s32 $0x1400;
	s5 =	sadd.s32 s6, s5;
	s6 =	sadd.s32 $0x6C00, s7  }
0xd: {  	s7 =	simm.s32 $0x2;
	s4 =	sadd.s32 $0x1C00, s5;
	s5 =	smax.u32 s31, $0x1  }
.LBB2_1:
0xe: {  	[tilespmem:s3], [sflag:$0x2] =	stream.linear.gather [hbm4b:s4+s3], $0x1400, $0x38;
	[tilespmem:$0xB400] =	vst v63  }
0xf: {  	_ =	swait.ge [sflag:s7], $0x1400  }
0x10: {  	[sflag:s7] =	ssyncset.done $0x0  }
0x11: {  	s19 =	simm.s32 $0x0;
	[sflag:s7] =	ssyncadd.s32 $0xFFFFEC00  }
0x12: {  	[tilespmem:s9], [sflag:$0x1] =	stream.indirect.gather [hbm4b:s2+s8], $0x80, s19, s8, $0xb8;
	[tilespmem:$0xB400] =	vst v63  }
0x13: {  	s24 =	simm.s32 $0x28  }
0x14: {  	[tilespmem:s10], [sflag:$0x1] =	stream.indirect.gather [hbm4b:s2+s8], $0x80, s24, s8, $0xb8;
	[tilespmem:$0xB400] =	vst v63  }
0x15: {  	s25 =	simm.s32 $0x50  }
0x16: {  	[tilespmem:s11], [sflag:$0x1] =	stream.indirect.gather [hbm4b:s2+s8], $0x80, s25, s8, $0xb8;
	[tilespmem:$0xB400] =	vst v63  }
0x17: {  	s26 =	simm.s32 $0x78  }
0x18: {  	[tilespmem:s12], [sflag:$0x1] =	stream.indirect.gather [hbm4b:s2+s8], $0x80, s26, s8, $0xb8;
	[tilespmem:$0xB400] =	vst v63  }
0x19: {  	s28 =	simm.s32 $0xA0  }
0x1a: {  	[tilespmem:s13], [sflag:$0x1] =	stream.indirect.gather [hbm4b:s2+s8], $0x80, s28, s8, $0xb8;
	[tilespmem:$0xB400] =	vst v63  }
0x1b: {  	s29 =	simm.s32 $0xC8  }
0x1c: {  	[tilespmem:s14], [sflag:$0x1] =	stream.indirect.gather [hbm4b:s2+s8], $0x80, s29, s8, $0xb8;
	[tilespmem:$0xB400] =	vst v63  }
0x1d: {  	s30 =	simm.s32 $0xF0  }
0x1e: {  	[tilespmem:s15], [sflag:$0x1] =	stream.indirect.gather [hbm4b:s2+s8], $0x80, s30, s8, $0xb8;
	[tilespmem:$0xB400] =	vst v63  }
0x1f: {  	s31 =	simm.s32 $0x118  }
0x20: {  	[tilespmem:s16], [sflag:$0x1] =	stream.indirect.gather [hbm4b:s2+s8], $0x80, s31, s8, $0xb8;
	[tilespmem:$0xB400] =	vst v63  }
0x21: {  	_ =	swait.ge [sflag:s17], $0x1400  }
0x22: {  	[sflag:s17] =	ssyncset.done $0x0  }
0x23: {  	[sflag:s17] =	ssyncadd.s32 $0xFFFFEC00  }
0x24: {  	_ =	swait.ge [sflag:s17], $0x1400  }
0x25: {  	[sflag:s17] =	ssyncset.done $0x0  }
0x26: {  	[sflag:s17] =	ssyncadd.s32 $0xFFFFEC00  }
0x27: {  	_ =	swait.ge [sflag:s17], $0x1400  }
0x28: {  	[sflag:s17] =	ssyncset.done $0x0  }
0x29: {  	[sflag:s17] =	ssyncadd.s32 $0xFFFFEC00  }
0x2a: {  	_ =	swait.ge [sflag:s17], $0x1400  }
0x2b: {  	[sflag:s17] =	ssyncset.done $0x0  }
0x2c: {  	[sflag:s17] =	ssyncadd.s32 $0xFFFFEC00  }
0x2d: {  	_ =	swait.ge [sflag:s17], $0x1400  }
0x2e: {  	[sflag:s17] =	ssyncset.done $0x0  }
0x2f: {  	[sflag:s17] =	ssyncadd.s32 $0xFFFFEC00  }
0x30: {  	_ =	swait.ge [sflag:s17], $0x1400  }
0x31: {  	[sflag:s17] =	ssyncset.done $0x0  }
0x32: {  	[sflag:s17] =	ssyncadd.s32 $0xFFFFEC00  }
0x33: {  	_ =	swait.ge [sflag:s17], $0x1400  }
0x34: {  	[sflag:s17] =	ssyncset.done $0x0  }
0x35: {  	[sflag:s17] =	ssyncadd.s32 $0xFFFFEC00  }
0x36: {  	_ =	swait.ge [sflag:s17], $0x1400  }
0x37: {  	[sflag:s17] =	ssyncset.done $0x0  }
0x38: {  	[sflag:s17] =	ssyncadd.s32 $0xFFFFEC00  }
0x39: {  	[hbm4b:s6+s3] =	stream.linear.scatter [tilespmem:s9], [sflag:$0x2], $0xA000, $0x38;
	[tilespmem:$0xB400] =	vst v63  }
0x3a: {  	s20 =	simm.s32 $0x500;
	_ =	swait.ge [sflag:s7], $0xA000  }
0x3b: {  	s22 =	simm.s32 $0xA00;
	s19 =	sadd.s32 $0x1400, s6;
	[sflag:s7] =	ssyncset.done $0x0  }
.LBB2_2:
0x3c: {  	s23 =	sshra.s32 s20, $0x2  }
0x3d: {  	[sflag:s7] =	ssyncadd.s32 $0xFFFF6000;
	s20 =	smov.u32 s22;
	s21 =	sadd.s32 $0x500, s22  }
0x3e: {  	[tilespmem:s9], [sflag:$0x1] =	stream.indirect.gather [hbm4b:s2+s8], $0x80, s23, s8, $0xb8;
	[tilespmem:$0xB400] =	vst v63  }
0x3f: {  	p0 =	sne.s32 s22, $0x4B00;
	s22 =	sadd.s32 $0x28, s23  }
0x40: {  	[tilespmem:s10], [sflag:$0x1] =	stream.indirect.gather [hbm4b:s2+s8], $0x80, s22, s8, $0xb8;
	[tilespmem:$0xB400] =	vst v63  }
0x41: {  	s22 =	sadd.s32 $0x50, s23  }
0x42: {  	[tilespmem:s11], [sflag:$0x1] =	stream.indirect.gather [hbm4b:s2+s8], $0x80, s22, s8, $0xb8;
	[tilespmem:$0xB400] =	vst v63  }
0x43: {  	s22 =	sadd.s32 $0x78, s23  }
0x44: {  	[tilespmem:s12], [sflag:$0x1] =	stream.indirect.gather [hbm4b:s2+s8], $0x80, s22, s8, $0xb8;
	[tilespmem:$0xB400] =	vst v63  }
0x45: {  	s22 =	sadd.s32 $0xA0, s23  }
0x46: {  	[tilespmem:s13], [sflag:$0x1] =	stream.indirect.gather [hbm4b:s2+s8], $0x80, s22, s8, $0xb8;
	[tilespmem:$0xB400] =	vst v63  }
0x47: {  	s22 =	sadd.s32 $0xC8, s23  }
0x48: {  	[tilespmem:s14], [sflag:$0x1] =	stream.indirect.gather [hbm4b:s2+s8], $0x80, s22, s8, $0xb8;
	[tilespmem:$0xB400] =	vst v63  }
0x49: {  	s22 =	sadd.s32 $0xF0, s23  }
0x4a: {  	[tilespmem:s15], [sflag:$0x1] =	stream.indirect.gather [hbm4b:s2+s8], $0x80, s22, s8, $0xb8;
	[tilespmem:$0xB400] =	vst v63  }
0x4b: {  	s22 =	sadd.s32 $0x118, s23  }
0x4c: {  	[tilespmem:s16], [sflag:$0x1] =	stream.indirect.gather [hbm4b:s2+s8], $0x80, s22, s8, $0xb8;
	[tilespmem:$0xB400] =	vst v63  }
0x4d: {  	_ =	swait.ge [sflag:s17], $0x1400  }
0x4e: {  	[sflag:s17] =	ssyncset.done $0x0  }
0x4f: {  	[sflag:s17] =	ssyncadd.s32 $0xFFFFEC00  }
0x50: {  	_ =	swait.ge [sflag:s17], $0x1400  }
0x51: {  	[sflag:s17] =	ssyncset.done $0x0  }
0x52: {  	[sflag:s17] =	ssyncadd.s32 $0xFFFFEC00  }
0x53: {  	_ =	swait.ge [sflag:s17], $0x1400  }
0x54: {  	[sflag:s17] =	ssyncset.done $0x0  }
0x55: {  	[sflag:s17] =	ssyncadd.s32 $0xFFFFEC00  }
0x56: {  	_ =	swait.ge [sflag:s17], $0x1400  }
0x57: {  	[sflag:s17] =	ssyncset.done $0x0  }
0x58: {  	[sflag:s17] =	ssyncadd.s32 $0xFFFFEC00  }
0x59: {  	_ =	swait.ge [sflag:s17], $0x1400  }
0x5a: {  	[sflag:s17] =	ssyncset.done $0x0  }
0x5b: {  	[sflag:s17] =	ssyncadd.s32 $0xFFFFEC00  }
0x5c: {  	_ =	swait.ge [sflag:s17], $0x1400  }
0x5d: {  	[sflag:s17] =	ssyncset.done $0x0  }
0x5e: {  	[sflag:s17] =	ssyncadd.s32 $0xFFFFEC00  }
0x5f: {  	_ =	swait.ge [sflag:s17], $0x1400  }
0x60: {  	[sflag:s17] =	ssyncset.done $0x0  }
0x61: {  	[sflag:s17] =	ssyncadd.s32 $0xFFFFEC00  }
0x62: {  	_ =	swait.ge [sflag:s17], $0x1400  }
.Ltmp0:
0x63: {  	[sflag:s17] =	ssyncset.done $0x0;
	(pc) =	sbr.rel @p0 .LBB2_2-.Ltmp0, $4  }
0x64: {  	[sflag:s17] =	ssyncadd.s32 $0xFFFFEC00  }
0x65: {  	[hbm4b:s19+s3] =	stream.linear.scatter [tilespmem:s9], [sflag:$0x2], $0xA000, $0x38;
	[tilespmem:$0xB400] =	vst v63  }
0x66: {  	_ =	swait.ge [sflag:s7], $0xA000  }
0x67: {  	s22 =	smov.u32 s21;
	s19 =	sadd.s32 $0x1400, s19;
	[sflag:s7] =	ssyncset.done $0x0  }
0x68: {  	s20 =	sshra.s32 s20, $0x2;
	[sflag:s7] =	ssyncadd.s32 $0xFFFF6000  }
0x69: {  	[tilespmem:s9], [sflag:$0x1] =	stream.indirect.gather [hbm4b:s2+s8], $0x80, s20, s8, $0xb8;
	[tilespmem:$0xB400] =	vst v63  }
0x6a: {  	s21 =	sadd.s32 $0x28, s20  }
0x6b: {  	[tilespmem:s10], [sflag:$0x1] =	stream.indirect.gather [hbm4b:s2+s8], $0x80, s21, s8, $0xb8;
	[tilespmem:$0xB400] =	vst v63  }
0x6c: {  	s26 =	sadd.s32 $0x50, s20  }
0x6d: {  	[tilespmem:s11], [sflag:$0x1] =	stream.indirect.gather [hbm4b:s2+s8], $0x80, s26, s8, $0xb8;
	[tilespmem:$0xB400] =	vst v63  }
0x6e: {  	s28 =	sadd.s32 $0x78, s20  }
0x6f: {  	[tilespmem:s12], [sflag:$0x1] =	stream.indirect.gather [hbm4b:s2+s8], $0x80, s28, s8, $0xb8;
	[tilespmem:$0xB400] =	vst v63  }
0x70: {  	s29 =	sadd.s32 $0xA0, s20  }
0x71: {  	[tilespmem:s13], [sflag:$0x1] =	stream.indirect.gather [hbm4b:s2+s8], $0x80, s29, s8, $0xb8;
	[tilespmem:$0xB400] =	vst v63  }
0x72: {  	s30 =	sadd.s32 $0xC8, s20  }
0x73: {  	[tilespmem:s14], [sflag:$0x1] =	stream.indirect.gather [hbm4b:s2+s8], $0x80, s30, s8, $0xb8;
	[tilespmem:$0xB400] =	vst v63  }
0x74: {  	s31 =	sadd.s32 $0xF0, s20  }
0x75: {  	[tilespmem:s15], [sflag:$0x1] =	stream.indirect.gather [hbm4b:s2+s8], $0x80, s31, s8, $0xb8;
	[tilespmem:$0xB400] =	vst v63  }
0x76: {  	s20 =	sadd.s32 $0x118, s20  }
0x77: {  	[tilespmem:s16], [sflag:$0x1] =	stream.indirect.gather [hbm4b:s2+s8], $0x80, s20, s8, $0xb8;
	[tilespmem:$0xB400] =	vst v63  }
0x78: {  	_ =	swait.ge [sflag:s17], $0x1400  }
0x79: {  	[sflag:s17] =	ssyncset.done $0x0  }
0x7a: {  	[sflag:s17] =	ssyncadd.s32 $0xFFFFEC00  }
0x7b: {  	_ =	swait.ge [sflag:s17], $0x1400  }
0x7c: {  	[sflag:s17] =	ssyncset.done $0x0  }
0x7d: {  	[sflag:s17] =	ssyncadd.s32 $0xFFFFEC00  }
0x7e: {  	_ =	swait.ge [sflag:s17], $0x1400  }
0x7f: {  	[sflag:s17] =	ssyncset.done $0x0  }
0x80: {  	[sflag:s17] =	ssyncadd.s32 $0xFFFFEC00  }
0x81: {  	_ =	swait.ge [sflag:s17], $0x1400  }
0x82: {  	[sflag:s17] =	ssyncset.done $0x0  }
0x83: {  	[sflag:s17] =	ssyncadd.s32 $0xFFFFEC00  }
0x84: {  	_ =	swait.ge [sflag:s17], $0x1400  }
0x85: {  	[sflag:s17] =	ssyncset.done $0x0  }
0x86: {  	[sflag:s17] =	ssyncadd.s32 $0xFFFFEC00  }
0x87: {  	_ =	swait.ge [sflag:s17], $0x1400  }
0x88: {  	[sflag:s17] =	ssyncset.done $0x0  }
0x89: {  	[sflag:s17] =	ssyncadd.s32 $0xFFFFEC00  }
0x8a: {  	_ =	swait.ge [sflag:s17], $0x1400  }
0x8b: {  	[sflag:s17] =	ssyncset.done $0x0  }
0x8c: {  	[sflag:s17] =	ssyncadd.s32 $0xFFFFEC00  }
0x8d: {  	s18 =	sadd.s32 $0x1, s18;
	_ =	swait.ge [sflag:s17], $0x1400  }
0x8e: {  	p0 =	sne.s32 s18, s5;
	[sflag:s17] =	ssyncset.done $0x0  }
.Ltmp1:
0x8f: {  	[sflag:s17] =	ssyncadd.s32 $0xFFFFEC00;
	(pc) =	sbr.rel @p0 .LBB2_1-.Ltmp1, $4  }
0x90: {  	[hbm4b:s19+s3] =	stream.linear.scatter [tilespmem:s9], [sflag:$0x2], $0xA000, $0x38;
	[tilespmem:$0xB400] =	vst v63  }
0x91: {  	_ =	swait.ge [sflag:s7], $0xA000  }
0x92: {  	[sflag:s7] =	ssyncset.done $0x0  }
0x93: {  	[sflag:s7] =	ssyncadd.s32 $0xFFFF6000  }
0x94: {  	_ =	sfence.sel $0x180000  }
0x95: {  	[bflag:$0x0] =	sbarrier.arrive $0xFFFF  }
0x96: {  	p0 =	sne.s32 s0, $0x0;
	_ =	strace $0x90000047  }
0x97: {  	s0 =	sadd.s32 @!p0 $0x100000, s1;
	[bflag:$0x2] =	sbarrier.arrive $0xFFFF  }
0x98: {  	[sflag:s0] =	ssyncadd.tile.s32 @!p0 $0x1;
	_ =	shalt  }
.Lfunc_end2:
_tile_overlayer_lowered:
.L_overlay_start_2:
0x99: {  	(tag) =	ssettag $0x2  }
0x9a: {  	s0 =	rddreg [dreg:$0x0];
	s2 =	stileid.u32  }
0x9b: {  	s1 =	rddreg [dreg:$0x1];
	p0 =	sne.s32 s2, $0x0  }
0x9c: {  	s3 =	rddreg [dreg:$0x2];
	[bflag:$0x3] =	sbarrier.arrive $0xFFFF;
	s2 =	simm.s32 @!p0 $0x1C02  }
0x9d: {  	[timem:s3], [sflag:s2] =	dma.local @!p0 [hbm:s0], s1  }
0x9e: {  	s0 =	simm.s32 @!p0 $0x2  }
0x9f: {  	_ =	swait.ge @!p0 [sflag:s0], s1  }
0xa0: {  	s1 =	ssub.s32 @!p0 $0x0, s1;
	[sflag:s0] =	ssyncset.done @!p0 $0x0  }
0xa1: {  	[sflag:s0] =	ssyncadd.s32 @!p0 s1  }
0xa2: {  	[bflag:$0x3] =	sbarrier.arrive $0xFFFF  }
0xa3: {  	_ =	shalt  }

// kernel: kernel.19.cloned.1.call-start
scs
__scs_entry_jumppad:
0x0: {  	(pc) =	sbr.rel $0x88, $3  }
0x1: {  	(tag) =	ssettag $0x0;
	lr =	simm.s32 $0x1  }
0x2: {  	[smem:$0x3F91] =	sst lr;
	_ =	strace $0xD0000000  }
0x3: {  	_ = 	snop  }
0x4: {  	_ = 	snop  }
0x5: {  	_ = 	snop  }
0x6: {  	_ = 	snop  }
0x7: {  	_ = 	snop  }
__scs_overlays_trampoline_lowered:
0x8: {  	[smem:$0x3FA0] =	sst s0  }
0x9: {  	[smem:$0x3FA1] =	sst s1  }
0xa: {  	[smem:$0x3FA2] =	sst s2  }
0xb: {  	[smem:$0x3FA3] =	sst s3  }
0xc: {  	[smem:$0x3FA4] =	sst s4  }
0xd: {  	[smem:$0x3FA5] =	sst s5  }
0xe: {  	[smem:$0x3FA6] =	sst s6  }
0xf: {  	[smem:$0x3FA7] =	sst s7  }
0x10: {  	[smem:$0x3FA8] =	sst s8  }
0x11: {  	[smem:$0x3FA9] =	sst s9;
	s0 =	simm.s32 @!p0 $0x0  }
0x12: {  	s1 =	sld [smem:$0x3F8F];
	s0 =	simm.s32 @p0 $0x1  }
0x13: {  	[smem:$0x3FAA] =	sst s0;
	s0 =	simm.s32 @!p1 $0x0  }
0x14: {  	s2 =	sld [smem:$0x3F8E];
	s0 =	simm.s32 @p1 $0x1  }
0x15: {  	[smem:$0x3FAB] =	sst s0;
	s0 =	simm.s32 @!p2 $0x0  }
0x16: {  	s3 =	sld [smem:$0x3FDB];
	s0 =	simm.s32 @p2 $0x1  }
0x17: {  	s4 =	simm.s32 $0x1BF5;
	[smem:$0x3FAD] =	sst s0  }
0x18: {  	s0 =	sld [smem:$0x3F90];
	_ =	swait.ge [sflag:s4], $0x0  }
0x19: {  	s7 =	sld [smem:$0x3F91]  }
0x1a: {  	s8 =	sadd.s32 $0xFFFFE003, lr  }
0x1b: {  	s9 =	sadd.s32 $0xFFFFFEF7, lr;
	s5 =	simm.s32 $0xFFFFFFFF;
	p2 =	slt.u32 s8, $0xFFFFF086  }
0x1c: {  	p1 =	slt.u32 s9, $0xF7A;
	s5 =	simm.s32 @!p2 $0x0  }
0x1d: {  	s5 =	simm.s32 @p1 $0x1;
	p0 =	seq.s32 s7, s2  }
0x1e: {  	s7 =	smul.u32 @!p0 $0xF7A, s2;
	p2 =	seq.s32 @!p0 s5, $0x0  }
0x1f: {  	s9 =	smul.u32 $0xF7A, s1;
	s8 =	simm.s32 @!p0 $0x1BF5;
	p2 =	por !p2, p0  }
0x20: {  	[sflag:s8] =	ssyncset.s32 @!p0 $0xFFFFF086;
	s6 =	sadd.s32 @!p0 s3, s7;
	s7 =	simm.s32 @!p0 $0x108  }
0x21: {  	s3 =	sadd.s32 s3, s9;
	s6 =	sadd.s32 @!p0 $0x88, s6;
	s7 =	simm.s32 @p2 $0x1082  }
0x22: {  	[simem:s7], [sflag:s8] =	dma.local @!p0 [hbm:s6], $0xF7A  }
0x23: {  	s9 =	sor.u32 $0xD0000000, s2;
	s6 =	simm.s32 $0x108;
	_ =	swait.ge @!p0 [sflag:s8], $0x0  }
0x24: {  	s3 =	sadd.s32 $0x88, s3;
	s6 =	simm.s32 @!p1 $0x1082;
	[sflag:s4] =	ssyncset.s32 $0xFFFFF086  }
0x25: {  	[simem:s6], [sflag:s4] =	dma.local [hbm:s3], $0xF7A  }
0x26: {  	[smem:$0x3F91] =	sst s1;
	(tag) =	ssettag s2;
	_ =	strace s9  }
0x27: {  	s1 =	sld [smem:$0x3FA1]  }
0x28: {  	s2 =	sld [smem:$0x3FA2]  }
0x29: {  	s4 =	sld [smem:$0x3FA4]  }
0x2a: {  	p0 =	seq.s32 s5, $0x0;
	s5 =	sld [smem:$0x3FA5]  }
0x2b: {  	s6 =	sld [smem:$0x3FA6]  }
0x2c: {  	s7 =	sld [smem:$0x3FA7]  }
0x2d: {  	s3 =	simm.s32 $0x108;
	s8 =	sld [smem:$0x3FA8]  }
0x2e: {  	s3 =	simm.s32 @!p0 $0x1082;
	s9 =	sld [smem:$0x3FA9]  }
0x2f: {  	lr =	sadd.s32 s0, s3;
	s0 =	sld [smem:$0x3FA0]  }
0x30: {  	s3 =	sld [smem:$0x3FA3]  }
0x31: {  	[smem:$0x3FAC] =	sst s10  }
0x32: {  	s10 =	sld [smem:$0x3FAA];
	_ =	sdelay $0x3  }
0x33: {  	p0 =	seq.s32 s10, $0x1;
	s10 =	sld [smem:$0x3FAC];
	_ =	sdelay $0x3  }
0x34: {  	[smem:$0x3FAC] =	sst s10  }
0x35: {  	s10 =	sld [smem:$0x3FAB];
	_ =	sdelay $0x3  }
0x36: {  	p1 =	seq.s32 s10, $0x1;
	s10 =	sld [smem:$0x3FAC];
	_ =	sdelay $0x3  }
0x37: {  	[smem:$0x3FAC] =	sst s10  }
0x38: {  	s10 =	sld [smem:$0x3FAD]  }
0x39: {  	_ = 	snop;
	(pc) =	sbr.ind lr, $3  }
0x3a: {  	_ = 	snop  }
0x3b: {  	_ = 	snop  }
0x3c: {  	p2 =	seq.s32 s10, $0x1;
	s10 =	sld [smem:$0x3FAC]  }
0x3d: {  	_ =	shalt  }
0x3e: {  	_ =	shalt  }
0x3f: {  	_ =	shalt  }
0x40: {  	_ =	shalt  }
0x41: {  	_ =	shalt  }
0x42: {  	_ =	shalt  }
0x43: {  	_ =	shalt  }
0x44: {  	_ =	shalt  }
0x45: {  	_ =	shalt  }
0x46: {  	_ =	shalt  }
0x47: {  	_ =	shalt  }
0x48: {  	_ =	shalt  }
0x49: {  	_ =	shalt  }
0x4a: {  	_ =	shalt  }
0x4b: {  	_ =	shalt  }
0x4c: {  	_ =	shalt  }
0x4d: {  	_ =	shalt  }
0x4e: {  	_ =	shalt  }
0x4f: {  	_ =	shalt  }
0x50: {  	_ =	shalt  }
0x51: {  	_ =	shalt  }
0x52: {  	_ =	shalt  }
0x53: {  	_ =	shalt  }
0x54: {  	_ =	shalt  }
0x55: {  	_ =	shalt  }
0x56: {  	_ =	shalt  }
0x57: {  	_ =	shalt  }
0x58: {  	_ =	shalt  }
0x59: {  	_ =	shalt  }
0x5a: {  	_ =	shalt  }
0x5b: {  	_ =	shalt  }
0x5c: {  	_ =	shalt  }
0x5d: {  	_ =	shalt  }
0x5e: {  	_ =	shalt  }
0x5f: {  	_ =	shalt  }
0x60: {  	_ =	shalt  }
0x61: {  	_ =	shalt  }
0x62: {  	_ =	shalt  }
0x63: {  	_ =	shalt  }
0x64: {  	_ =	shalt  }
0x65: {  	_ =	shalt  }
0x66: {  	_ =	shalt  }
0x67: {  	_ =	shalt  }
0x68: {  	_ =	shalt  }
0x69: {  	_ =	shalt  }
0x6a: {  	_ =	shalt  }
0x6b: {  	_ =	shalt  }
0x6c: {  	_ =	shalt  }
0x6d: {  	_ =	shalt  }
0x6e: {  	_ =	shalt  }
0x6f: {  	_ =	shalt  }
0x70: {  	_ =	shalt  }
0x71: {  	_ =	shalt  }
0x72: {  	_ =	shalt  }
0x73: {  	_ =	shalt  }
0x74: {  	_ =	shalt  }
0x75: {  	_ =	shalt  }
0x76: {  	_ =	shalt  }
0x77: {  	_ =	shalt  }
0x78: {  	_ =	shalt  }
0x79: {  	_ =	shalt  }
0x7a: {  	_ =	shalt  }
0x7b: {  	_ =	shalt  }
0x7c: {  	_ =	shalt  }
0x7d: {  	_ =	shalt  }
0x7e: {  	_ =	shalt  }
0x7f: {  	_ =	shalt  }
0x80: {  	_ =	shalt  }
0x81: {  	_ =	shalt  }
0x82: {  	_ =	shalt  }
0x83: {  	_ =	shalt  }
0x84: {  	_ =	shalt  }
0x85: {  	_ =	shalt  }
0x86: {  	_ =	shalt  }
0x87: {  	_ =	shalt  }
.Lfunc_end0:
.L_simem_size_0:
called_computation.1_lowered:
.L_overlay_start_0:
0x88: {  	s2 =	sld [smem:$0x3FD9]  }
0x89: {  	s3 =	sld [smem:$0x3FFE];
	_ =	sdelay $0x1  }
0x8a: {  	s1 =	srdreg.scid  }
0x8b: {  	s0 =	sand.u32 $0x1, s1  }
0x8c: {  	s17 =	sshll.u32 s0, $0xA;
	s2 =	sadd.s32 s3, s2  }
0x8d: {  	s2 =	sadd.s32 s2, s17  }
0x8e: {  	[smem:$0x3FB8] =	sst s2  }
0x8f: {  	_ = 	snop  }
0x90: {  	s2 =	sld [smem:$0x3FD0];
	(tm) =	ssettm $0x1  }
0x91: {  	s18 =	sld [smem:$0x3FFB];
	_ =	sdelay $0x3  }
0x92: {  	_ =	strace s18  }
0x93: {  	s3 =	sld [smem:$0x3FFC];
	_ =	sdelay $0x3  }
0x94: {  	_ =	strace s3  }
0x95: {  	s3 =	sld [smem:$0x3FFD];
	_ =	sdelay $0x3  }
0x96: {  	_ =	strace s3  }
0x97: {  	_ =	strace $0x8FFFFFFF  }
0x98: {  	s19 =	sld [smem:$0x3FDB];
	_ =	sdelay $0x1  }
0x99: {  	s4 =	simm.s32 $_scs_section_size  }
0x9a: {  	s5 =	simm.s32 $_size__tile_overlayer_lowered;
	s6 =	simm.s32 $_tile_overlayer_lowered  }
0x9b: {  	s22 =	simm.s32 $0x1BFF;
	s21 =	sshll.u32 s6, $0x1;
	s3 =	sadd.s32 s4, s19  }
0x9c: {  	s7 =	simm.s32 $0x0;
	s20 =	sshll.u32 s5, $0x1;
	s5 =	sadd.s32 s21, s3  }
0x9d: {  	[timem:s7], [sflag:s22] =	dma.local [hbm:s5], s20  }
0x9e: {  	_ =	swait.ge [sflag:s22], s20  }
0x9f: {  	s4 =	ssub.s32 $0x0, s20;
	[sflag:s22] =	ssyncset.done $0x0  }
0xa0: {  	[sflag:s22] =	ssyncadd.s32 s4;
	_ =	sdelay $0x1  }
0xa1: {  	s23 =	simm.s32 $0x1B8B  }
0xa2: {  	_ =	swait.ge [sflag:s23], $0x1  }
0xa3: {  	[sflag:s23] =	ssyncset.done $0x0  }
0xa4: {  	s25 =	simm.s32 $0x1B8E;
	s24 =	sld [smem:$0x3FFE];
	[sflag:s23] =	ssyncadd.s32 $0xFFFFFFFF  }
0xa5: {  	s26 =	simm.s32 $execute0_lowered;
	[smem:$0x3FD2] =	sst s25  }
0xa6: {  	s5 =	sshll.u32 s26, $0x1;
	_ =	strace $0x80000049;
	[dreg:$0x1] =	wrdreg $0xFFFFFFFF  }
0xa7: {  	s28 =	simm.s32 $_size_execute0_lowered;
	s3 =	sadd.s32 s3, s5;
	[dreg:$0x0] =	wrdreg $0x0  }
0xa8: {  	s5 =	sshll.u32 s28, $0x1;
	[dreg:$0x2] =	wrdreg s3  }
0xa9: {  	[dreg:$0x3] =	wrdreg s5  }
0xaa: {  	[dreg:$0x4] =	wrdreg $0xC0  }
0xab: {  	_ =	task [dreg:s7], $0x5FFFF  }
0xac: {  	[dreg:$0x1] =	wrdreg $0xFFFFFFFF  }
0xad: {  	[dreg:$0x0] =	wrdreg $0x60  }
0xae: {  	[dreg:$0x2] =	wrdreg s24  }
0xaf: {  	[dreg:$0x3] =	wrdreg s2  }
0xb0: {  	[dreg:$0x4] =	wrdreg $0x9  }
0xb1: {  	_ =	task.clear_ibuf [dreg:s7], $0x5FFFF;
	_ =	strace $0x90000049  }
0xb2: {  	s29 =	simm.s32 $0x9;
	_ =	strace $0x8000004B  }
0xb3: {  	_ =	swait.ge [sflag:s29], $0x1  }
0xb4: {  	[sflag:s29] =	ssyncadd.s32 $0xFFFFFFFF  }
0xb5: {  	_ =	strace $0x9000004B  }
0xb6: {  	_ =	sfence  }
0xb7: {  	s30 =	sld [smem:$0x0];
	_ =	sdelay $0x2  }
0xb8: {  	s31 =	sshll.u32 s1, $0xD;
	s1 =	sshrl.u32 s1, $0x2  }
0xb9: {  	s3 =	sand.u32 $0x4000, s31;
	s1 =	sadd.s32 s1, s30  }
0xba: {  	s0 =	sor.u32 s3, s0;
	s1 =	sshll.u32 s1, $0x11  }
0xbb: {  	s0 =	sor.u32 s1, s0  }
0xbc: {  	s0 =	sadd.s32 $0x8F2B, s0  }
0xbd: {  	[sflag:s0] =	ssyncadd.remote.s32 $0x1  }
0xbe: {  	_ =	sfence.sel $0xFFFF  }
0xbf: {  	[dreg:$0x0] =	wrdreg $0xFFFFFFFF;
	(pc) =	sbr.abs _section_cstart, $3  }
0xc0: {  	[dreg:$0x1] =	wrdreg $0xFFFFFFFF  }
0xc1: {  	_ =	task.clear_ibuf [dreg:s7], $0x2FFFF;
	_ =	strace $0x9FFFFFFF  }
0xc2: {  	(tm) =	ssettm $0x7FFFFFFF  }
0xc3: {  	_ =	shalt  }
tec
execute0_lowered:
.L_overlay_start_1:
0x0: {  	(tag) =	ssettag $0x1  }
0x1: {  	s4 =	rddreg [dreg:$0x0]  }
0x2: {  	s5 =	rddreg [dreg:$0x1];
	s1 =	stileid.u32  }
0x3: {  	s2 =	srdreg.scid;
	s0 =	rddreg [dreg:$0x2];
	s10 =	simm.s32 $0x2800  }
0x4: {  	s11 =	simm.s32 $0x3C00;
	s12 =	simm.s32 $0x5000;
	s13 =	simm.s32 $0x6400  }
0x5: {  	s14 =	simm.s32 $0x7800;
	s15 =	simm.s32 $0x8C00;
	s16 =	simm.s32 $0xA000  }
0x6: {  	s17 =	simm.s32 $0x1;
	s18 =	simm.s32 $0x0;
	s3 =	sand.u32 $0x1, s2  }
0x7: {  	s6 =	sshll.u32 s1, $0x1;
	s2 =	simm.s32 $0x0;
	s7 =	smul.u32 $0x28000, s1  }
0x8: {  	s6 =	sor.u32 s3, s6;
	[smem:$0x7FF] =	sst s2;
	s9 =	smul.u32 $0x14000, s3  }
0x9: {  	s8 =	ssub.s32 $0x2, s3;
	s3 =	sadd.s32 $0x1C00, s4;
	s6 =	smul.u32 $0x1400, s6  }
0xa: {  	_ =	strace $0x8000004A;
	s4 =	sadd.s32 s7, s4;
	s30 =	sshrl.u32 s8, $0x1  }
0xb: {  	s7 =	ssub.s32 s8, s30;
	s31 =	sadd.s32 s9, s4;
	s6 =	sshrl.u32 s6, $0x3  }
0xc: {  	s8 =	simm.s32 $0x28;
	s9 =	simm.s32 $0x1400;
	s4 =	sadd.s32 s5, s6  }
0xd: {  	s5 =	smax.u32 s7, $0x1;
	s6 =	sadd.s32 $0x21C00, s31;
	s7 =	simm.s32 $0x2  }
.LBB2_1:
0xe: {  	[tilespmem:s2], [sflag:$0x2] =	stream.linear.gather [hbm4b:s4+s2], $0x1400, $0x38;
	[tilespmem:$0xB400] =	vst v63  }
0xf: {  	_ =	swait.ge [sflag:s7], $0x1400  }
0x10: {  	[sflag:s7] =	ssyncset.done $0x0  }
0x11: {  	s19 =	simm.s32 $0x0;
	[sflag:s7] =	ssyncadd.s32 $0xFFFFEC00  }
0x12: {  	[tilespmem:s9], [sflag:$0x1] =	stream.indirect.gather [hbm4b:s3+s8], $0x80, s19, s8, $0xb8;
	[tilespmem:$0xB400] =	vst v63  }
0x13: {  	s24 =	simm.s32 $0x28  }
0x14: {  	[tilespmem:s10], [sflag:$0x1] =	stream.indirect.gather [hbm4b:s3+s8], $0x80, s24, s8, $0xb8;
	[tilespmem:$0xB400] =	vst v63  }
0x15: {  	s25 =	simm.s32 $0x50  }
0x16: {  	[tilespmem:s11], [sflag:$0x1] =	stream.indirect.gather [hbm4b:s3+s8], $0x80, s25, s8, $0xb8;
	[tilespmem:$0xB400] =	vst v63  }
0x17: {  	s26 =	simm.s32 $0x78  }
0x18: {  	[tilespmem:s12], [sflag:$0x1] =	stream.indirect.gather [hbm4b:s3+s8], $0x80, s26, s8, $0xb8;
	[tilespmem:$0xB400] =	vst v63  }
0x19: {  	s28 =	simm.s32 $0xA0  }
0x1a: {  	[tilespmem:s13], [sflag:$0x1] =	stream.indirect.gather [hbm4b:s3+s8], $0x80, s28, s8, $0xb8;
	[tilespmem:$0xB400] =	vst v63  }
0x1b: {  	s29 =	simm.s32 $0xC8  }
0x1c: {  	[tilespmem:s14], [sflag:$0x1] =	stream.indirect.gather [hbm4b:s3+s8], $0x80, s29, s8, $0xb8;
	[tilespmem:$0xB400] =	vst v63  }
0x1d: {  	s30 =	simm.s32 $0xF0  }
0x1e: {  	[tilespmem:s15], [sflag:$0x1] =	stream.indirect.gather [hbm4b:s3+s8], $0x80, s30, s8, $0xb8;
	[tilespmem:$0xB400] =	vst v63  }
0x1f: {  	s31 =	simm.s32 $0x118  }
0x20: {  	[tilespmem:s16], [sflag:$0x1] =	stream.indirect.gather [hbm4b:s3+s8], $0x80, s31, s8, $0xb8;
	[tilespmem:$0xB400] =	vst v63  }
0x21: {  	_ =	swait.ge [sflag:s17], $0x1400  }
0x22: {  	[sflag:s17] =	ssyncset.done $0x0  }
0x23: {  	[sflag:s17] =	ssyncadd.s32 $0xFFFFEC00  }
0x24: {  	_ =	swait.ge [sflag:s17], $0x1400  }
0x25: {  	[sflag:s17] =	ssyncset.done $0x0  }
0x26: {  	[sflag:s17] =	ssyncadd.s32 $0xFFFFEC00  }
0x27: {  	_ =	swait.ge [sflag:s17], $0x1400  }
0x28: {  	[sflag:s17] =	ssyncset.done $0x0  }
0x29: {  	[sflag:s17] =	ssyncadd.s32 $0xFFFFEC00  }
0x2a: {  	_ =	swait.ge [sflag:s17], $0x1400  }
0x2b: {  	[sflag:s17] =	ssyncset.done $0x0  }
0x2c: {  	[sflag:s17] =	ssyncadd.s32 $0xFFFFEC00  }
0x2d: {  	_ =	swait.ge [sflag:s17], $0x1400  }
0x2e: {  	[sflag:s17] =	ssyncset.done $0x0  }
0x2f: {  	[sflag:s17] =	ssyncadd.s32 $0xFFFFEC00  }
0x30: {  	_ =	swait.ge [sflag:s17], $0x1400  }
0x31: {  	[sflag:s17] =	ssyncset.done $0x0  }
0x32: {  	[sflag:s17] =	ssyncadd.s32 $0xFFFFEC00  }
0x33: {  	_ =	swait.ge [sflag:s17], $0x1400  }
0x34: {  	[sflag:s17] =	ssyncset.done $0x0  }
0x35: {  	[sflag:s17] =	ssyncadd.s32 $0xFFFFEC00  }
0x36: {  	_ =	swait.ge [sflag:s17], $0x1400  }
0x37: {  	[sflag:s17] =	ssyncset.done $0x0  }
0x38: {  	[sflag:s17] =	ssyncadd.s32 $0xFFFFEC00  }
0x39: {  	[hbm4b:s6+s2] =	stream.linear.scatter [tilespmem:s9], [sflag:$0x2], $0xA000, $0x38;
	[tilespmem:$0xB400] =	vst v63  }
0x3a: {  	s20 =	simm.s32 $0x500;
	_ =	swait.ge [sflag:s7], $0xA000  }
0x3b: {  	s22 =	simm.s32 $0xA00;
	s19 =	sadd.s32 $0x1400, s6;
	[sflag:s7] =	ssyncset.done $0x0  }
.LBB2_2:
0x3c: {  	s23 =	sshra.s32 s20, $0x2  }
0x3d: {  	[sflag:s7] =	ssyncadd.s32 $0xFFFF6000;
	s20 =	smov.u32 s22;
	s21 =	sadd.s32 $0x500, s22  }
0x3e: {  	[tilespmem:s9], [sflag:$0x1] =	stream.indirect.gather [hbm4b:s3+s8], $0x80, s23, s8, $0xb8;
	[tilespmem:$0xB400] =	vst v63  }
0x3f: {  	p0 =	sne.s32 s22, $0x4B00;
	s22 =	sadd.s32 $0x28, s23  }
0x40: {  	[tilespmem:s10], [sflag:$0x1] =	stream.indirect.gather [hbm4b:s3+s8], $0x80, s22, s8, $0xb8;
	[tilespmem:$0xB400] =	vst v63  }
0x41: {  	s22 =	sadd.s32 $0x50, s23  }
0x42: {  	[tilespmem:s11], [sflag:$0x1] =	stream.indirect.gather [hbm4b:s3+s8], $0x80, s22, s8, $0xb8;
	[tilespmem:$0xB400] =	vst v63  }
0x43: {  	s22 =	sadd.s32 $0x78, s23  }
0x44: {  	[tilespmem:s12], [sflag:$0x1] =	stream.indirect.gather [hbm4b:s3+s8], $0x80, s22, s8, $0xb8;
	[tilespmem:$0xB400] =	vst v63  }
0x45: {  	s22 =	sadd.s32 $0xA0, s23  }
0x46: {  	[tilespmem:s13], [sflag:$0x1] =	stream.indirect.gather [hbm4b:s3+s8], $0x80, s22, s8, $0xb8;
	[tilespmem:$0xB400] =	vst v63  }
0x47: {  	s22 =	sadd.s32 $0xC8, s23  }
0x48: {  	[tilespmem:s14], [sflag:$0x1] =	stream.indirect.gather [hbm4b:s3+s8], $0x80, s22, s8, $0xb8;
	[tilespmem:$0xB400] =	vst v63  }
0x49: {  	s22 =	sadd.s32 $0xF0, s23  }
0x4a: {  	[tilespmem:s15], [sflag:$0x1] =	stream.indirect.gather [hbm4b:s3+s8], $0x80, s22, s8, $0xb8;
	[tilespmem:$0xB400] =	vst v63  }
0x4b: {  	s22 =	sadd.s32 $0x118, s23  }
0x4c: {  	[tilespmem:s16], [sflag:$0x1] =	stream.indirect.gather [hbm4b:s3+s8], $0x80, s22, s8, $0xb8;
	[tilespmem:$0xB400] =	vst v63  }
0x4d: {  	_ =	swait.ge [sflag:s17], $0x1400  }
0x4e: {  	[sflag:s17] =	ssyncset.done $0x0  }
0x4f: {  	[sflag:s17] =	ssyncadd.s32 $0xFFFFEC00  }
0x50: {  	_ =	swait.ge [sflag:s17], $0x1400  }
0x51: {  	[sflag:s17] =	ssyncset.done $0x0  }
0x52: {  	[sflag:s17] =	ssyncadd.s32 $0xFFFFEC00  }
0x53: {  	_ =	swait.ge [sflag:s17], $0x1400  }
0x54: {  	[sflag:s17] =	ssyncset.done $0x0  }
0x55: {  	[sflag:s17] =	ssyncadd.s32 $0xFFFFEC00  }
0x56: {  	_ =	swait.ge [sflag:s17], $0x1400  }
0x57: {  	[sflag:s17] =	ssyncset.done $0x0  }
0x58: {  	[sflag:s17] =	ssyncadd.s32 $0xFFFFEC00  }
0x59: {  	_ =	swait.ge [sflag:s17], $0x1400  }
0x5a: {  	[sflag:s17] =	ssyncset.done $0x0  }
0x5b: {  	[sflag:s17] =	ssyncadd.s32 $0xFFFFEC00  }
0x5c: {  	_ =	swait.ge [sflag:s17], $0x1400  }
0x5d: {  	[sflag:s17] =	ssyncset.done $0x0  }
0x5e: {  	[sflag:s17] =	ssyncadd.s32 $0xFFFFEC00  }
0x5f: {  	_ =	swait.ge [sflag:s17], $0x1400  }
0x60: {  	[sflag:s17] =	ssyncset.done $0x0  }
0x61: {  	[sflag:s17] =	ssyncadd.s32 $0xFFFFEC00  }
0x62: {  	_ =	swait.ge [sflag:s17], $0x1400  }
.Ltmp0:
0x63: {  	[sflag:s17] =	ssyncset.done $0x0;
	(pc) =	sbr.rel @p0 .LBB2_2-.Ltmp0, $4  }
0x64: {  	[sflag:s17] =	ssyncadd.s32 $0xFFFFEC00  }
0x65: {  	[hbm4b:s19+s2] =	stream.linear.scatter [tilespmem:s9], [sflag:$0x2], $0xA000, $0x38;
	[tilespmem:$0xB400] =	vst v63  }
0x66: {  	_ =	swait.ge [sflag:s7], $0xA000  }
0x67: {  	s22 =	smov.u32 s21;
	s19 =	sadd.s32 $0x1400, s19;
	[sflag:s7] =	ssyncset.done $0x0  }
0x68: {  	s20 =	sshra.s32 s20, $0x2;
	[sflag:s7] =	ssyncadd.s32 $0xFFFF6000  }
0x69: {  	[tilespmem:s9], [sflag:$0x1] =	stream.indirect.gather [hbm4b:s3+s8], $0x80, s20, s8, $0xb8;
	[tilespmem:$0xB400] =	vst v63  }
0x6a: {  	s21 =	sadd.s32 $0x28, s20  }
0x6b: {  	[tilespmem:s10], [sflag:$0x1] =	stream.indirect.gather [hbm4b:s3+s8], $0x80, s21, s8, $0xb8;
	[tilespmem:$0xB400] =	vst v63  }
0x6c: {  	s26 =	sadd.s32 $0x50, s20  }
0x6d: {  	[tilespmem:s11], [sflag:$0x1] =	stream.indirect.gather [hbm4b:s3+s8], $0x80, s26, s8, $0xb8;
	[tilespmem:$0xB400] =	vst v63  }
0x6e: {  	s28 =	sadd.s32 $0x78, s20  }
0x6f: {  	[tilespmem:s12], [sflag:$0x1] =	stream.indirect.gather [hbm4b:s3+s8], $0x80, s28, s8, $0xb8;
	[tilespmem:$0xB400] =	vst v63  }
0x70: {  	s29 =	sadd.s32 $0xA0, s20  }
0x71: {  	[tilespmem:s13], [sflag:$0x1] =	stream.indirect.gather [hbm4b:s3+s8], $0x80, s29, s8, $0xb8;
	[tilespmem:$0xB400] =	vst v63  }
0x72: {  	s30 =	sadd.s32 $0xC8, s20  }
0x73: {  	[tilespmem:s14], [sflag:$0x1] =	stream.indirect.gather [hbm4b:s3+s8], $0x80, s30, s8, $0xb8;
	[tilespmem:$0xB400] =	vst v63  }
0x74: {  	s31 =	sadd.s32 $0xF0, s20  }
0x75: {  	[tilespmem:s15], [sflag:$0x1] =	stream.indirect.gather [hbm4b:s3+s8], $0x80, s31, s8, $0xb8;
	[tilespmem:$0xB400] =	vst v63  }
0x76: {  	s20 =	sadd.s32 $0x118, s20  }
0x77: {  	[tilespmem:s16], [sflag:$0x1] =	stream.indirect.gather [hbm4b:s3+s8], $0x80, s20, s8, $0xb8;
	[tilespmem:$0xB400] =	vst v63  }
0x78: {  	_ =	swait.ge [sflag:s17], $0x1400  }
0x79: {  	[sflag:s17] =	ssyncset.done $0x0  }
0x7a: {  	[sflag:s17] =	ssyncadd.s32 $0xFFFFEC00  }
0x7b: {  	_ =	swait.ge [sflag:s17], $0x1400  }
0x7c: {  	[sflag:s17] =	ssyncset.done $0x0  }
0x7d: {  	[sflag:s17] =	ssyncadd.s32 $0xFFFFEC00  }
0x7e: {  	_ =	swait.ge [sflag:s17], $0x1400  }
0x7f: {  	[sflag:s17] =	ssyncset.done $0x0  }
0x80: {  	[sflag:s17] =	ssyncadd.s32 $0xFFFFEC00  }
0x81: {  	_ =	swait.ge [sflag:s17], $0x1400  }
0x82: {  	[sflag:s17] =	ssyncset.done $0x0  }
0x83: {  	[sflag:s17] =	ssyncadd.s32 $0xFFFFEC00  }
0x84: {  	_ =	swait.ge [sflag:s17], $0x1400  }
0x85: {  	[sflag:s17] =	ssyncset.done $0x0  }
0x86: {  	[sflag:s17] =	ssyncadd.s32 $0xFFFFEC00  }
0x87: {  	_ =	swait.ge [sflag:s17], $0x1400  }
0x88: {  	[sflag:s17] =	ssyncset.done $0x0  }
0x89: {  	[sflag:s17] =	ssyncadd.s32 $0xFFFFEC00  }
0x8a: {  	_ =	swait.ge [sflag:s17], $0x1400  }
0x8b: {  	[sflag:s17] =	ssyncset.done $0x0  }
0x8c: {  	[sflag:s17] =	ssyncadd.s32 $0xFFFFEC00  }
0x8d: {  	s18 =	sadd.s32 $0x1, s18;
	_ =	swait.ge [sflag:s17], $0x1400  }
0x8e: {  	p0 =	sne.s32 s18, s5;
	[sflag:s17] =	ssyncset.done $0x0  }
.Ltmp1:
0x8f: {  	[sflag:s17] =	ssyncadd.s32 $0xFFFFEC00;
	(pc) =	sbr.rel @p0 .LBB2_1-.Ltmp1, $4  }
0x90: {  	[hbm4b:s19+s2] =	stream.linear.scatter [tilespmem:s9], [sflag:$0x2], $0xA000, $0x38;
	[tilespmem:$0xB400] =	vst v63  }
0x91: {  	_ =	swait.ge [sflag:s7], $0xA000  }
0x92: {  	[sflag:s7] =	ssyncset.done $0x0  }
0x93: {  	[sflag:s7] =	ssyncadd.s32 $0xFFFF6000  }
0x94: {  	_ =	sfence.sel $0x180000  }
0x95: {  	[bflag:$0x0] =	sbarrier.arrive $0xFFFF  }
0x96: {  	p0 =	sne.s32 s1, $0x0;
	_ =	strace $0x9000004A  }
0x97: {  	s0 =	sadd.s32 @!p0 $0x100000, s0;
	[bflag:$0x2] =	sbarrier.arrive $0xFFFF  }
0x98: {  	[sflag:s0] =	ssyncadd.tile.s32 @!p0 $0x1;
	_ =	shalt  }
.Lfunc_end2:
_tile_overlayer_lowered:
.L_overlay_start_2:
0x99: {  	(tag) =	ssettag $0x2  }
0x9a: {  	s0 =	rddreg [dreg:$0x0];
	s2 =	stileid.u32  }
0x9b: {  	s1 =	rddreg [dreg:$0x1];
	p0 =	sne.s32 s2, $0x0  }
0x9c: {  	s3 =	rddreg [dreg:$0x2];
	[bflag:$0x3] =	sbarrier.arrive $0xFFFF;
	s2 =	simm.s32 @!p0 $0x1C02  }
0x9d: {  	[timem:s3], [sflag:s2] =	dma.local @!p0 [hbm:s0], s1  }
0x9e: {  	s0 =	simm.s32 @!p0 $0x2  }
0x9f: {  	_ =	swait.ge @!p0 [sflag:s0], s1  }
0xa0: {  	s1 =	ssub.s32 @!p0 $0x0, s1;
	[sflag:s0] =	ssyncset.done @!p0 $0x0  }
0xa1: {  	[sflag:s0] =	ssyncadd.s32 @!p0 s1  }
0xa2: {  	[bflag:$0x3] =	sbarrier.arrive $0xFFFF  }
0xa3: {  	_ =	shalt  }

// kernel: kernel.22.cloned.1.call-start
scs
__scs_entry_jumppad:
0x0: {  	(pc) =	sbr.rel $0x88, $3  }
0x1: {  	(tag) =	ssettag $0x0;
	lr =	simm.s32 $0x1  }
0x2: {  	[smem:$0x3F91] =	sst lr;
	_ =	strace $0xD0000000  }
0x3: {  	_ = 	snop  }
0x4: {  	_ = 	snop  }
0x5: {  	_ = 	snop  }
0x6: {  	_ = 	snop  }
0x7: {  	_ = 	snop  }
__scs_overlays_trampoline_lowered:
0x8: {  	[smem:$0x3FA0] =	sst s0  }
0x9: {  	[smem:$0x3FA1] =	sst s1  }
0xa: {  	[smem:$0x3FA2] =	sst s2  }
0xb: {  	[smem:$0x3FA3] =	sst s3  }
0xc: {  	[smem:$0x3FA4] =	sst s4  }
0xd: {  	[smem:$0x3FA5] =	sst s5  }
0xe: {  	[smem:$0x3FA6] =	sst s6  }
0xf: {  	[smem:$0x3FA7] =	sst s7  }
0x10: {  	[smem:$0x3FA8] =	sst s8  }
0x11: {  	[smem:$0x3FA9] =	sst s9;
	s0 =	simm.s32 @!p0 $0x0  }
0x12: {  	s1 =	sld [smem:$0x3F8F];
	s0 =	simm.s32 @p0 $0x1  }
0x13: {  	[smem:$0x3FAA] =	sst s0;
	s0 =	simm.s32 @!p1 $0x0  }
0x14: {  	s2 =	sld [smem:$0x3F8E];
	s0 =	simm.s32 @p1 $0x1  }
0x15: {  	[smem:$0x3FAB] =	sst s0;
	s0 =	simm.s32 @!p2 $0x0  }
0x16: {  	s3 =	sld [smem:$0x3FDB];
	s0 =	simm.s32 @p2 $0x1  }
0x17: {  	s4 =	simm.s32 $0x1BF5;
	[smem:$0x3FAD] =	sst s0  }
0x18: {  	s0 =	sld [smem:$0x3F90];
	_ =	swait.ge [sflag:s4], $0x0  }
0x19: {  	s7 =	sld [smem:$0x3F91]  }
0x1a: {  	s8 =	sadd.s32 $0xFFFFE003, lr  }
0x1b: {  	s9 =	sadd.s32 $0xFFFFFEF7, lr;
	s5 =	simm.s32 $0xFFFFFFFF;
	p2 =	slt.u32 s8, $0xFFFFF086  }
0x1c: {  	p1 =	slt.u32 s9, $0xF7A;
	s5 =	simm.s32 @!p2 $0x0  }
0x1d: {  	s5 =	simm.s32 @p1 $0x1;
	p0 =	seq.s32 s7, s2  }
0x1e: {  	s7 =	smul.u32 @!p0 $0xF7A, s2;
	p2 =	seq.s32 @!p0 s5, $0x0  }
0x1f: {  	s9 =	smul.u32 $0xF7A, s1;
	s8 =	simm.s32 @!p0 $0x1BF5;
	p2 =	por !p2, p0  }
0x20: {  	[sflag:s8] =	ssyncset.s32 @!p0 $0xFFFFF086;
	s6 =	sadd.s32 @!p0 s3, s7;
	s7 =	simm.s32 @!p0 $0x108  }
0x21: {  	s3 =	sadd.s32 s3, s9;
	s6 =	sadd.s32 @!p0 $0x88, s6;
	s7 =	simm.s32 @p2 $0x1082  }
0x22: {  	[simem:s7], [sflag:s8] =	dma.local @!p0 [hbm:s6], $0xF7A  }
0x23: {  	s9 =	sor.u32 $0xD0000000, s2;
	s6 =	simm.s32 $0x108;
	_ =	swait.ge @!p0 [sflag:s8], $0x0  }
0x24: {  	s3 =	sadd.s32 $0x88, s3;
	s6 =	simm.s32 @!p1 $0x1082;
	[sflag:s4] =	ssyncset.s32 $0xFFFFF086  }
0x25: {  	[simem:s6], [sflag:s4] =	dma.local [hbm:s3], $0xF7A  }
0x26: {  	[smem:$0x3F91] =	sst s1;
	(tag) =	ssettag s2;
	_ =	strace s9  }
0x27: {  	s1 =	sld [smem:$0x3FA1]  }
0x28: {  	s2 =	sld [smem:$0x3FA2]  }
0x29: {  	s4 =	sld [smem:$0x3FA4]  }
0x2a: {  	p0 =	seq.s32 s5, $0x0;
	s5 =	sld [smem:$0x3FA5]  }
0x2b: {  	s6 =	sld [smem:$0x3FA6]  }
0x2c: {  	s7 =	sld [smem:$0x3FA7]  }
0x2d: {  	s3 =	simm.s32 $0x108;
	s8 =	sld [smem:$0x3FA8]  }
0x2e: {  	s3 =	simm.s32 @!p0 $0x1082;
	s9 =	sld [smem:$0x3FA9]  }
0x2f: {  	lr =	sadd.s32 s0, s3;
	s0 =	sld [smem:$0x3FA0]  }
0x30: {  	s3 =	sld [smem:$0x3FA3]  }
0x31: {  	[smem:$0x3FAC] =	sst s10  }
0x32: {  	s10 =	sld [smem:$0x3FAA];
	_ =	sdelay $0x3  }
0x33: {  	p0 =	seq.s32 s10, $0x1;
	s10 =	sld [smem:$0x3FAC];
	_ =	sdelay $0x3  }
0x34: {  	[smem:$0x3FAC] =	sst s10  }
0x35: {  	s10 =	sld [smem:$0x3FAB];
	_ =	sdelay $0x3  }
0x36: {  	p1 =	seq.s32 s10, $0x1;
	s10 =	sld [smem:$0x3FAC];
	_ =	sdelay $0x3  }
0x37: {  	[smem:$0x3FAC] =	sst s10  }
0x38: {  	s10 =	sld [smem:$0x3FAD]  }
0x39: {  	_ = 	snop;
	(pc) =	sbr.ind lr, $3  }
0x3a: {  	_ = 	snop  }
0x3b: {  	_ = 	snop  }
0x3c: {  	p2 =	seq.s32 s10, $0x1;
	s10 =	sld [smem:$0x3FAC]  }
0x3d: {  	_ =	shalt  }
0x3e: {  	_ =	shalt  }
0x3f: {  	_ =	shalt  }
0x40: {  	_ =	shalt  }
0x41: {  	_ =	shalt  }
0x42: {  	_ =	shalt  }
0x43: {  	_ =	shalt  }
0x44: {  	_ =	shalt  }
0x45: {  	_ =	shalt  }
0x46: {  	_ =	shalt  }
0x47: {  	_ =	shalt  }
0x48: {  	_ =	shalt  }
0x49: {  	_ =	shalt  }
0x4a: {  	_ =	shalt  }
0x4b: {  	_ =	shalt  }
0x4c: {  	_ =	shalt  }
0x4d: {  	_ =	shalt  }
0x4e: {  	_ =	shalt  }
0x4f: {  	_ =	shalt  }
0x50: {  	_ =	shalt  }
0x51: {  	_ =	shalt  }
0x52: {  	_ =	shalt  }
0x53: {  	_ =	shalt  }
0x54: {  	_ =	shalt  }
0x55: {  	_ =	shalt  }
0x56: {  	_ =	shalt  }
0x57: {  	_ =	shalt  }
0x58: {  	_ =	shalt  }
0x59: {  	_ =	shalt  }
0x5a: {  	_ =	shalt  }
0x5b: {  	_ =	shalt  }
0x5c: {  	_ =	shalt  }
0x5d: {  	_ =	shalt  }
0x5e: {  	_ =	shalt  }
0x5f: {  	_ =	shalt  }
0x60: {  	_ =	shalt  }
0x61: {  	_ =	shalt  }
0x62: {  	_ =	shalt  }
0x63: {  	_ =	shalt  }
0x64: {  	_ =	shalt  }
0x65: {  	_ =	shalt  }
0x66: {  	_ =	shalt  }
0x67: {  	_ =	shalt  }
0x68: {  	_ =	shalt  }
0x69: {  	_ =	shalt  }
0x6a: {  	_ =	shalt  }
0x6b: {  	_ =	shalt  }
0x6c: {  	_ =	shalt  }
0x6d: {  	_ =	shalt  }
0x6e: {  	_ =	shalt  }
0x6f: {  	_ =	shalt  }
0x70: {  	_ =	shalt  }
0x71: {  	_ =	shalt  }
0x72: {  	_ =	shalt  }
0x73: {  	_ =	shalt  }
0x74: {  	_ =	shalt  }
0x75: {  	_ =	shalt  }
0x76: {  	_ =	shalt  }
0x77: {  	_ =	shalt  }
0x78: {  	_ =	shalt  }
0x79: {  	_ =	shalt  }
0x7a: {  	_ =	shalt  }
0x7b: {  	_ =	shalt  }
0x7c: {  	_ =	shalt  }
0x7d: {  	_ =	shalt  }
0x7e: {  	_ =	shalt  }
0x7f: {  	_ =	shalt  }
0x80: {  	_ =	shalt  }
0x81: {  	_ =	shalt  }
0x82: {  	_ =	shalt  }
0x83: {  	_ =	shalt  }
0x84: {  	_ =	shalt  }
0x85: {  	_ =	shalt  }
0x86: {  	_ =	shalt  }
0x87: {  	_ =	shalt  }
.Lfunc_end0:
.L_simem_size_0:
called_computation.2_lowered:
.L_overlay_start_0:
0x88: {  	s2 =	sld [smem:$0x3FD9]  }
0x89: {  	s3 =	sld [smem:$0x3FFE];
	_ =	sdelay $0x1  }
0x8a: {  	s1 =	srdreg.scid  }
0x8b: {  	s0 =	sand.u32 $0x1, s1  }
0x8c: {  	s17 =	sshll.u32 s0, $0xA;
	s2 =	sadd.s32 s3, s2  }
0x8d: {  	s2 =	sadd.s32 s2, s17  }
0x8e: {  	[smem:$0x3FB8] =	sst s2  }
0x8f: {  	_ = 	snop  }
0x90: {  	s2 =	sld [smem:$0x3FD0];
	(tm) =	ssettm $0x1  }
0x91: {  	s18 =	sld [smem:$0x3FFB];
	_ =	sdelay $0x3  }
0x92: {  	_ =	strace s18  }
0x93: {  	s3 =	sld [smem:$0x3FFC];
	_ =	sdelay $0x3  }
0x94: {  	_ =	strace s3  }
0x95: {  	s3 =	sld [smem:$0x3FFD];
	_ =	sdelay $0x3  }
0x96: {  	_ =	strace s3  }
0x97: {  	_ =	strace $0x8FFFFFFF  }
0x98: {  	s19 =	sld [smem:$0x3FDB];
	_ =	sdelay $0x1  }
0x99: {  	s4 =	simm.s32 $_scs_section_size  }
0x9a: {  	s5 =	simm.s32 $_size__tile_overlayer_lowered;
	s6 =	simm.s32 $_tile_overlayer_lowered  }
0x9b: {  	s22 =	simm.s32 $0x1BFF;
	s21 =	sshll.u32 s6, $0x1;
	s3 =	sadd.s32 s4, s19  }
0x9c: {  	s7 =	simm.s32 $0x0;
	s20 =	sshll.u32 s5, $0x1;
	s5 =	sadd.s32 s21, s3  }
0x9d: {  	[timem:s7], [sflag:s22] =	dma.local [hbm:s5], s20  }
0x9e: {  	_ =	swait.ge [sflag:s22], s20  }
0x9f: {  	s4 =	ssub.s32 $0x0, s20;
	[sflag:s22] =	ssyncset.done $0x0  }
0xa0: {  	[sflag:s22] =	ssyncadd.s32 s4;
	_ =	sdelay $0x1  }
0xa1: {  	s23 =	simm.s32 $0x1B8B  }
0xa2: {  	_ =	swait.ge [sflag:s23], $0x1  }
0xa3: {  	[sflag:s23] =	ssyncset.done $0x0  }
0xa4: {  	s25 =	simm.s32 $0x1B8E;
	s24 =	sld [smem:$0x3FFE];
	[sflag:s23] =	ssyncadd.s32 $0xFFFFFFFF  }
0xa5: {  	s26 =	simm.s32 $execute0_lowered;
	[smem:$0x3FD2] =	sst s25  }
0xa6: {  	s5 =	sshll.u32 s26, $0x1;
	_ =	strace $0x8000004C;
	[dreg:$0x1] =	wrdreg $0xFFFFFFFF  }
0xa7: {  	s28 =	simm.s32 $_size_execute0_lowered;
	s3 =	sadd.s32 s3, s5;
	[dreg:$0x0] =	wrdreg $0x0  }
0xa8: {  	s5 =	sshll.u32 s28, $0x1;
	[dreg:$0x2] =	wrdreg s3  }
0xa9: {  	[dreg:$0x3] =	wrdreg s5  }
0xaa: {  	[dreg:$0x4] =	wrdreg $0xC0  }
0xab: {  	_ =	task [dreg:s7], $0x5FFFF  }
0xac: {  	[dreg:$0x1] =	wrdreg $0xFFFFFFFF  }
0xad: {  	[dreg:$0x0] =	wrdreg $0x60  }
0xae: {  	[dreg:$0x2] =	wrdreg s24  }
0xaf: {  	[dreg:$0x3] =	wrdreg s2  }
0xb0: {  	[dreg:$0x4] =	wrdreg $0x9  }
0xb1: {  	_ =	task.clear_ibuf [dreg:s7], $0x5FFFF;
	_ =	strace $0x9000004C  }
0xb2: {  	s29 =	simm.s32 $0x9;
	_ =	strace $0x8000004E  }
0xb3: {  	_ =	swait.ge [sflag:s29], $0x1  }
0xb4: {  	[sflag:s29] =	ssyncadd.s32 $0xFFFFFFFF  }
0xb5: {  	_ =	strace $0x9000004E  }
0xb6: {  	_ =	sfence  }
0xb7: {  	s30 =	sld [smem:$0x0];
	_ =	sdelay $0x2  }
0xb8: {  	s31 =	sshll.u32 s1, $0xD;
	s1 =	sshrl.u32 s1, $0x2  }
0xb9: {  	s3 =	sand.u32 $0x4000, s31;
	s1 =	sadd.s32 s1, s30  }
0xba: {  	s0 =	sor.u32 s3, s0;
	s1 =	sshll.u32 s1, $0x11  }
0xbb: {  	s0 =	sor.u32 s1, s0  }
0xbc: {  	s0 =	sadd.s32 $0x8F2B, s0  }
0xbd: {  	[sflag:s0] =	ssyncadd.remote.s32 $0x1  }
0xbe: {  	_ =	sfence.sel $0xFFFF  }
0xbf: {  	[dreg:$0x0] =	wrdreg $0xFFFFFFFF;
	(pc) =	sbr.abs _section_cstart, $3  }
0xc0: {  	[dreg:$0x1] =	wrdreg $0xFFFFFFFF  }
0xc1: {  	_ =	task.clear_ibuf [dreg:s7], $0x2FFFF;
	_ =	strace $0x9FFFFFFF  }
0xc2: {  	(tm) =	ssettm $0x7FFFFFFF  }
0xc3: {  	_ =	shalt  }
tec
execute0_lowered:
.L_overlay_start_1:
0x0: {  	(tag) =	ssettag $0x1  }
0x1: {  	s4 =	rddreg [dreg:$0x0]  }
0x2: {  	s5 =	rddreg [dreg:$0x1];
	s1 =	stileid.u32  }
0x3: {  	s2 =	srdreg.scid;
	s0 =	rddreg [dreg:$0x2];
	s10 =	simm.s32 $0x2800  }
0x4: {  	s11 =	simm.s32 $0x3C00;
	s12 =	simm.s32 $0x5000;
	s13 =	simm.s32 $0x6400  }
0x5: {  	s14 =	simm.s32 $0x7800;
	s15 =	simm.s32 $0x8C00;
	s16 =	simm.s32 $0xA000  }
0x6: {  	s17 =	simm.s32 $0x1;
	s18 =	simm.s32 $0x0;
	s3 =	sand.u32 $0x1, s2  }
0x7: {  	s6 =	sshll.u32 s1, $0x1;
	s2 =	simm.s32 $0x0;
	s7 =	smul.u32 $0x28000, s1  }
0x8: {  	s6 =	sor.u32 s3, s6;
	[smem:$0x7FF] =	sst s2;
	s9 =	smul.u32 $0x14000, s3  }
0x9: {  	s8 =	ssub.s32 $0x2, s3;
	s3 =	sadd.s32 $0x21C00, s4;
	s6 =	smul.u32 $0x1400, s6  }
0xa: {  	_ =	strace $0x8000004D;
	s4 =	sadd.s32 s7, s4;
	s30 =	sshrl.u32 s8, $0x1  }
0xb: {  	s7 =	ssub.s32 s8, s30;
	s31 =	sadd.s32 s9, s4;
	s6 =	sshrl.u32 s6, $0x3  }
0xc: {  	s8 =	simm.s32 $0x28;
	s9 =	simm.s32 $0x1400;
	s4 =	sadd.s32 s5, s6  }
0xd: {  	s5 =	smax.u32 s7, $0x1;
	s6 =	sadd.s32 $0x41C00, s31;
	s7 =	simm.s32 $0x2  }
.LBB2_1:
0xe: {  	[tilespmem:s2], [sflag:$0x2] =	stream.linear.gather [hbm4b:s4+s2], $0x1400, $0x38;
	[tilespmem:$0xB400] =	vst v63  }
0xf: {  	_ =	swait.ge [sflag:s7], $0x1400  }
0x10: {  	[sflag:s7] =	ssyncset.done $0x0  }
0x11: {  	s19 =	simm.s32 $0x0;
	[sflag:s7] =	ssyncadd.s32 $0xFFFFEC00  }
0x12: {  	[tilespmem:s9], [sflag:$0x1] =	stream.indirect.gather [hbm4b:s3+s8], $0x80, s19, s8, $0xb8;
	[tilespmem:$0xB400] =	vst v63  }
0x13: {  	s24 =	simm.s32 $0x28  }
0x14: {  	[tilespmem:s10], [sflag:$0x1] =	stream.indirect.gather [hbm4b:s3+s8], $0x80, s24, s8, $0xb8;
	[tilespmem:$0xB400] =	vst v63  }
0x15: {  	s25 =	simm.s32 $0x50  }
0x16: {  	[tilespmem:s11], [sflag:$0x1] =	stream.indirect.gather [hbm4b:s3+s8], $0x80, s25, s8, $0xb8;
	[tilespmem:$0xB400] =	vst v63  }
0x17: {  	s26 =	simm.s32 $0x78  }
0x18: {  	[tilespmem:s12], [sflag:$0x1] =	stream.indirect.gather [hbm4b:s3+s8], $0x80, s26, s8, $0xb8;
	[tilespmem:$0xB400] =	vst v63  }
0x19: {  	s28 =	simm.s32 $0xA0  }
0x1a: {  	[tilespmem:s13], [sflag:$0x1] =	stream.indirect.gather [hbm4b:s3+s8], $0x80, s28, s8, $0xb8;
	[tilespmem:$0xB400] =	vst v63  }
0x1b: {  	s29 =	simm.s32 $0xC8  }
0x1c: {  	[tilespmem:s14], [sflag:$0x1] =	stream.indirect.gather [hbm4b:s3+s8], $0x80, s29, s8, $0xb8;
	[tilespmem:$0xB400] =	vst v63  }
0x1d: {  	s30 =	simm.s32 $0xF0  }
0x1e: {  	[tilespmem:s15], [sflag:$0x1] =	stream.indirect.gather [hbm4b:s3+s8], $0x80, s30, s8, $0xb8;
	[tilespmem:$0xB400] =	vst v63  }
0x1f: {  	s31 =	simm.s32 $0x118  }
0x20: {  	[tilespmem:s16], [sflag:$0x1] =	stream.indirect.gather [hbm4b:s3+s8], $0x80, s31, s8, $0xb8;
	[tilespmem:$0xB400] =	vst v63  }
0x21: {  	_ =	swait.ge [sflag:s17], $0x1400  }
0x22: {  	[sflag:s17] =	ssyncset.done $0x0  }
0x23: {  	[sflag:s17] =	ssyncadd.s32 $0xFFFFEC00  }
0x24: {  	_ =	swait.ge [sflag:s17], $0x1400  }
0x25: {  	[sflag:s17] =	ssyncset.done $0x0  }
0x26: {  	[sflag:s17] =	ssyncadd.s32 $0xFFFFEC00  }
0x27: {  	_ =	swait.ge [sflag:s17], $0x1400  }
0x28: {  	[sflag:s17] =	ssyncset.done $0x0  }
0x29: {  	[sflag:s17] =	ssyncadd.s32 $0xFFFFEC00  }
0x2a: {  	_ =	swait.ge [sflag:s17], $0x1400  }
0x2b: {  	[sflag:s17] =	ssyncset.done $0x0  }
0x2c: {  	[sflag:s17] =	ssyncadd.s32 $0xFFFFEC00  }
0x2d: {  	_ =	swait.ge [sflag:s17], $0x1400  }
0x2e: {  	[sflag:s17] =	ssyncset.done $0x0  }
0x2f: {  	[sflag:s17] =	ssyncadd.s32 $0xFFFFEC00  }
0x30: {  	_ =	swait.ge [sflag:s17], $0x1400  }
0x31: {  	[sflag:s17] =	ssyncset.done $0x0  }
0x32: {  	[sflag:s17] =	ssyncadd.s32 $0xFFFFEC00  }
0x33: {  	_ =	swait.ge [sflag:s17], $0x1400  }
0x34: {  	[sflag:s17] =	ssyncset.done $0x0  }
0x35: {  	[sflag:s17] =	ssyncadd.s32 $0xFFFFEC00  }
0x36: {  	_ =	swait.ge [sflag:s17], $0x1400  }
0x37: {  	[sflag:s17] =	ssyncset.done $0x0  }
0x38: {  	[sflag:s17] =	ssyncadd.s32 $0xFFFFEC00  }
0x39: {  	[hbm4b:s6+s2] =	stream.linear.scatter [tilespmem:s9], [sflag:$0x2], $0xA000, $0x38;
	[tilespmem:$0xB400] =	vst v63  }
0x3a: {  	s20 =	simm.s32 $0x500;
	_ =	swait.ge [sflag:s7], $0xA000  }
0x3b: {  	s22 =	simm.s32 $0xA00;
	s19 =	sadd.s32 $0x1400, s6;
	[sflag:s7] =	ssyncset.done $0x0  }
.LBB2_2:
0x3c: {  	s23 =	sshra.s32 s20, $0x2  }
0x3d: {  	[sflag:s7] =	ssyncadd.s32 $0xFFFF6000;
	s20 =	smov.u32 s22;
	s21 =	sadd.s32 $0x500, s22  }
0x3e: {  	[tilespmem:s9], [sflag:$0x1] =	stream.indirect.gather [hbm4b:s3+s8], $0x80, s23, s8, $0xb8;
	[tilespmem:$0xB400] =	vst v63  }
0x3f: {  	p0 =	sne.s32 s22, $0x4B00;
	s22 =	sadd.s32 $0x28, s23  }
0x40: {  	[tilespmem:s10], [sflag:$0x1] =	stream.indirect.gather [hbm4b:s3+s8], $0x80, s22, s8, $0xb8;
	[tilespmem:$0xB400] =	vst v63  }
0x41: {  	s22 =	sadd.s32 $0x50, s23  }
0x42: {  	[tilespmem:s11], [sflag:$0x1] =	stream.indirect.gather [hbm4b:s3+s8], $0x80, s22, s8, $0xb8;
	[tilespmem:$0xB400] =	vst v63  }
0x43: {  	s22 =	sadd.s32 $0x78, s23  }
0x44: {  	[tilespmem:s12], [sflag:$0x1] =	stream.indirect.gather [hbm4b:s3+s8], $0x80, s22, s8, $0xb8;
	[tilespmem:$0xB400] =	vst v63  }
0x45: {  	s22 =	sadd.s32 $0xA0, s23  }
0x46: {  	[tilespmem:s13], [sflag:$0x1] =	stream.indirect.gather [hbm4b:s3+s8], $0x80, s22, s8, $0xb8;
	[tilespmem:$0xB400] =	vst v63  }
0x47: {  	s22 =	sadd.s32 $0xC8, s23  }
0x48: {  	[tilespmem:s14], [sflag:$0x1] =	stream.indirect.gather [hbm4b:s3+s8], $0x80, s22, s8, $0xb8;
	[tilespmem:$0xB400] =	vst v63  }
0x49: {  	s22 =	sadd.s32 $0xF0, s23  }
0x4a: {  	[tilespmem:s15], [sflag:$0x1] =	stream.indirect.gather [hbm4b:s3+s8], $0x80, s22, s8, $0xb8;
	[tilespmem:$0xB400] =	vst v63  }
0x4b: {  	s22 =	sadd.s32 $0x118, s23  }
0x4c: {  	[tilespmem:s16], [sflag:$0x1] =	stream.indirect.gather [hbm4b:s3+s8], $0x80, s22, s8, $0xb8;
	[tilespmem:$0xB400] =	vst v63  }
0x4d: {  	_ =	swait.ge [sflag:s17], $0x1400  }
0x4e: {  	[sflag:s17] =	ssyncset.done $0x0  }
0x4f: {  	[sflag:s17] =	ssyncadd.s32 $0xFFFFEC00  }
0x50: {  	_ =	swait.ge [sflag:s17], $0x1400  }
0x51: {  	[sflag:s17] =	ssyncset.done $0x0  }
0x52: {  	[sflag:s17] =	ssyncadd.s32 $0xFFFFEC00  }
0x53: {  	_ =	swait.ge [sflag:s17], $0x1400  }
0x54: {  	[sflag:s17] =	ssyncset.done $0x0  }
0x55: {  	[sflag:s17] =	ssyncadd.s32 $0xFFFFEC00  }
0x56: {  	_ =	swait.ge [sflag:s17], $0x1400  }
0x57: {  	[sflag:s17] =	ssyncset.done $0x0  }
0x58: {  	[sflag:s17] =	ssyncadd.s32 $0xFFFFEC00  }
0x59: {  	_ =	swait.ge [sflag:s17], $0x1400  }
0x5a: {  	[sflag:s17] =	ssyncset.done $0x0  }
0x5b: {  	[sflag:s17] =	ssyncadd.s32 $0xFFFFEC00  }
0x5c: {  	_ =	swait.ge [sflag:s17], $0x1400  }
0x5d: {  	[sflag:s17] =	ssyncset.done $0x0  }
0x5e: {  	[sflag:s17] =	ssyncadd.s32 $0xFFFFEC00  }
0x5f: {  	_ =	swait.ge [sflag:s17], $0x1400  }
0x60: {  	[sflag:s17] =	ssyncset.done $0x0  }
0x61: {  	[sflag:s17] =	ssyncadd.s32 $0xFFFFEC00  }
0x62: {  	_ =	swait.ge [sflag:s17], $0x1400  }
.Ltmp0:
0x63: {  	[sflag:s17] =	ssyncset.done $0x0;
	(pc) =	sbr.rel @p0 .LBB2_2-.Ltmp0, $4  }
0x64: {  	[sflag:s17] =	ssyncadd.s32 $0xFFFFEC00  }
0x65: {  	[hbm4b:s19+s2] =	stream.linear.scatter [tilespmem:s9], [sflag:$0x2], $0xA000, $0x38;
	[tilespmem:$0xB400] =	vst v63  }
0x66: {  	_ =	swait.ge [sflag:s7], $0xA000  }
0x67: {  	s22 =	smov.u32 s21;
	s19 =	sadd.s32 $0x1400, s19;
	[sflag:s7] =	ssyncset.done $0x0  }
0x68: {  	s20 =	sshra.s32 s20, $0x2;
	[sflag:s7] =	ssyncadd.s32 $0xFFFF6000  }
0x69: {  	[tilespmem:s9], [sflag:$0x1] =	stream.indirect.gather [hbm4b:s3+s8], $0x80, s20, s8, $0xb8;
	[tilespmem:$0xB400] =	vst v63  }
0x6a: {  	s21 =	sadd.s32 $0x28, s20  }
0x6b: {  	[tilespmem:s10], [sflag:$0x1] =	stream.indirect.gather [hbm4b:s3+s8], $0x80, s21, s8, $0xb8;
	[tilespmem:$0xB400] =	vst v63  }
0x6c: {  	s26 =	sadd.s32 $0x50, s20  }
0x6d: {  	[tilespmem:s11], [sflag:$0x1] =	stream.indirect.gather [hbm4b:s3+s8], $0x80, s26, s8, $0xb8;
	[tilespmem:$0xB400] =	vst v63  }
0x6e: {  	s28 =	sadd.s32 $0x78, s20  }
0x6f: {  	[tilespmem:s12], [sflag:$0x1] =	stream.indirect.gather [hbm4b:s3+s8], $0x80, s28, s8, $0xb8;
	[tilespmem:$0xB400] =	vst v63  }
0x70: {  	s29 =	sadd.s32 $0xA0, s20  }
0x71: {  	[tilespmem:s13], [sflag:$0x1] =	stream.indirect.gather [hbm4b:s3+s8], $0x80, s29, s8, $0xb8;
	[tilespmem:$0xB400] =	vst v63  }
0x72: {  	s30 =	sadd.s32 $0xC8, s20  }
0x73: {  	[tilespmem:s14], [sflag:$0x1] =	stream.indirect.gather [hbm4b:s3+s8], $0x80, s30, s8, $0xb8;
	[tilespmem:$0xB400] =	vst v63  }
0x74: {  	s31 =	sadd.s32 $0xF0, s20  }
0x75: {  	[tilespmem:s15], [sflag:$0x1] =	stream.indirect.gather [hbm4b:s3+s8], $0x80, s31, s8, $0xb8;
	[tilespmem:$0xB400] =	vst v63  }
0x76: {  	s20 =	sadd.s32 $0x118, s20  }
0x77: {  	[tilespmem:s16], [sflag:$0x1] =	stream.indirect.gather [hbm4b:s3+s8], $0x80, s20, s8, $0xb8;
	[tilespmem:$0xB400] =	vst v63  }
0x78: {  	_ =	swait.ge [sflag:s17], $0x1400  }
0x79: {  	[sflag:s17] =	ssyncset.done $0x0  }
0x7a: {  	[sflag:s17] =	ssyncadd.s32 $0xFFFFEC00  }
0x7b: {  	_ =	swait.ge [sflag:s17], $0x1400  }
0x7c: {  	[sflag:s17] =	ssyncset.done $0x0  }
0x7d: {  	[sflag:s17] =	ssyncadd.s32 $0xFFFFEC00  }
0x7e: {  	_ =	swait.ge [sflag:s17], $0x1400  }
0x7f: {  	[sflag:s17] =	ssyncset.done $0x0  }
0x80: {  	[sflag:s17] =	ssyncadd.s32 $0xFFFFEC00  }
0x81: {  	_ =	swait.ge [sflag:s17], $0x1400  }
0x82: {  	[sflag:s17] =	ssyncset.done $0x0  }
0x83: {  	[sflag:s17] =	ssyncadd.s32 $0xFFFFEC00  }
0x84: {  	_ =	swait.ge [sflag:s17], $0x1400  }
0x85: {  	[sflag:s17] =	ssyncset.done $0x0  }
0x86: {  	[sflag:s17] =	ssyncadd.s32 $0xFFFFEC00  }
0x87: {  	_ =	swait.ge [sflag:s17], $0x1400  }
0x88: {  	[sflag:s17] =	ssyncset.done $0x0  }
0x89: {  	[sflag:s17] =	ssyncadd.s32 $0xFFFFEC00  }
0x8a: {  	_ =	swait.ge [sflag:s17], $0x1400  }
0x8b: {  	[sflag:s17] =	ssyncset.done $0x0  }
0x8c: {  	[sflag:s17] =	ssyncadd.s32 $0xFFFFEC00  }
0x8d: {  	s18 =	sadd.s32 $0x1, s18;
	_ =	swait.ge [sflag:s17], $0x1400  }
0x8e: {  	p0 =	sne.s32 s18, s5;
	[sflag:s17] =	ssyncset.done $0x0  }
.Ltmp1:
0x8f: {  	[sflag:s17] =	ssyncadd.s32 $0xFFFFEC00;
	(pc) =	sbr.rel @p0 .LBB2_1-.Ltmp1, $4  }
0x90: {  	[hbm4b:s19+s2] =	stream.linear.scatter [tilespmem:s9], [sflag:$0x2], $0xA000, $0x38;
	[tilespmem:$0xB400] =	vst v63  }
0x91: {  	_ =	swait.ge [sflag:s7], $0xA000  }
0x92: {  	[sflag:s7] =	ssyncset.done $0x0  }
0x93: {  	[sflag:s7] =	ssyncadd.s32 $0xFFFF6000  }
0x94: {  	_ =	sfence.sel $0x180000  }
0x95: {  	[bflag:$0x0] =	sbarrier.arrive $0xFFFF  }
0x96: {  	p0 =	sne.s32 s1, $0x0;
	_ =	strace $0x9000004D  }
0x97: {  	s0 =	sadd.s32 @!p0 $0x100000, s0;
	[bflag:$0x2] =	sbarrier.arrive $0xFFFF  }
0x98: {  	[sflag:s0] =	ssyncadd.tile.s32 @!p0 $0x1;
	_ =	shalt  }
.Lfunc_end2:
_tile_overlayer_lowered:
.L_overlay_start_2:
0x99: {  	(tag) =	ssettag $0x2  }
0x9a: {  	s0 =	rddreg [dreg:$0x0];
	s2 =	stileid.u32  }
0x9b: {  	s1 =	rddreg [dreg:$0x1];
	p0 =	sne.s32 s2, $0x0  }
0x9c: {  	s3 =	rddreg [dreg:$0x2];
	[bflag:$0x3] =	sbarrier.arrive $0xFFFF;
	s2 =	simm.s32 @!p0 $0x1C02  }
0x9d: {  	[timem:s3], [sflag:s2] =	dma.local @!p0 [hbm:s0], s1  }
0x9e: {  	s0 =	simm.s32 @!p0 $0x2  }
0x9f: {  	_ =	swait.ge @!p0 [sflag:s0], s1  }
0xa0: {  	s1 =	ssub.s32 @!p0 $0x0, s1;
	[sflag:s0] =	ssyncset.done @!p0 $0x0  }
0xa1: {  	[sflag:s0] =	ssyncadd.s32 @!p0 s1  }
0xa2: {  	[bflag:$0x3] =	sbarrier.arrive $0xFFFF  }
0xa3: {  	_ =	shalt  }

// kernel: kernel.25.cloned.1.call-start
scs
__scs_entry_jumppad:
0x0: {  	(pc) =	sbr.rel $0x88, $3  }
0x1: {  	(tag) =	ssettag $0x0;
	lr =	simm.s32 $0x1  }
0x2: {  	[smem:$0x3F91] =	sst lr;
	_ =	strace $0xD0000000  }
0x3: {  	_ = 	snop  }
0x4: {  	_ = 	snop  }
0x5: {  	_ = 	snop  }
0x6: {  	_ = 	snop  }
0x7: {  	_ = 	snop  }
__scs_overlays_trampoline_lowered:
0x8: {  	[smem:$0x3FA0] =	sst s0  }
0x9: {  	[smem:$0x3FA1] =	sst s1  }
0xa: {  	[smem:$0x3FA2] =	sst s2  }
0xb: {  	[smem:$0x3FA3] =	sst s3  }
0xc: {  	[smem:$0x3FA4] =	sst s4  }
0xd: {  	[smem:$0x3FA5] =	sst s5  }
0xe: {  	[smem:$0x3FA6] =	sst s6  }
0xf: {  	[smem:$0x3FA7] =	sst s7  }
0x10: {  	[smem:$0x3FA8] =	sst s8  }
0x11: {  	[smem:$0x3FA9] =	sst s9;
	s0 =	simm.s32 @!p0 $0x0  }
0x12: {  	s1 =	sld [smem:$0x3F8F];
	s0 =	simm.s32 @p0 $0x1  }
0x13: {  	[smem:$0x3FAA] =	sst s0;
	s0 =	simm.s32 @!p1 $0x0  }
0x14: {  	s2 =	sld [smem:$0x3F8E];
	s0 =	simm.s32 @p1 $0x1  }
0x15: {  	[smem:$0x3FAB] =	sst s0;
	s0 =	simm.s32 @!p2 $0x0  }
0x16: {  	s3 =	sld [smem:$0x3FDB];
	s0 =	simm.s32 @p2 $0x1  }
0x17: {  	s4 =	simm.s32 $0x1BF5;
	[smem:$0x3FAD] =	sst s0  }
0x18: {  	s0 =	sld [smem:$0x3F90];
	_ =	swait.ge [sflag:s4], $0x0  }
0x19: {  	s7 =	sld [smem:$0x3F91]  }
0x1a: {  	s8 =	sadd.s32 $0xFFFFE003, lr  }
0x1b: {  	s9 =	sadd.s32 $0xFFFFFEF7, lr;
	s5 =	simm.s32 $0xFFFFFFFF;
	p2 =	slt.u32 s8, $0xFFFFF086  }
0x1c: {  	p1 =	slt.u32 s9, $0xF7A;
	s5 =	simm.s32 @!p2 $0x0  }
0x1d: {  	s5 =	simm.s32 @p1 $0x1;
	p0 =	seq.s32 s7, s2  }
0x1e: {  	s7 =	smul.u32 @!p0 $0xF7A, s2;
	p2 =	seq.s32 @!p0 s5, $0x0  }
0x1f: {  	s9 =	smul.u32 $0xF7A, s1;
	s8 =	simm.s32 @!p0 $0x1BF5;
	p2 =	por !p2, p0  }
0x20: {  	[sflag:s8] =	ssyncset.s32 @!p0 $0xFFFFF086;
	s6 =	sadd.s32 @!p0 s3, s7;
	s7 =	simm.s32 @!p0 $0x108  }
0x21: {  	s3 =	sadd.s32 s3, s9;
	s6 =	sadd.s32 @!p0 $0x88, s6;
	s7 =	simm.s32 @p2 $0x1082  }
0x22: {  	[simem:s7], [sflag:s8] =	dma.local @!p0 [hbm:s6], $0xF7A  }
0x23: {  	s9 =	sor.u32 $0xD0000000, s2;
	s6 =	simm.s32 $0x108;
	_ =	swait.ge @!p0 [sflag:s8], $0x0  }
0x24: {  	s3 =	sadd.s32 $0x88, s3;
	s6 =	simm.s32 @!p1 $0x1082;
	[sflag:s4] =	ssyncset.s32 $0xFFFFF086  }
0x25: {  	[simem:s6], [sflag:s4] =	dma.local [hbm:s3], $0xF7A  }
0x26: {  	[smem:$0x3F91] =	sst s1;
	(tag) =	ssettag s2;
	_ =	strace s9  }
0x27: {  	s1 =	sld [smem:$0x3FA1]  }
0x28: {  	s2 =	sld [smem:$0x3FA2]  }
0x29: {  	s4 =	sld [smem:$0x3FA4]  }
0x2a: {  	p0 =	seq.s32 s5, $0x0;
	s5 =	sld [smem:$0x3FA5]  }
0x2b: {  	s6 =	sld [smem:$0x3FA6]  }
0x2c: {  	s7 =	sld [smem:$0x3FA7]  }
0x2d: {  	s3 =	simm.s32 $0x108;
	s8 =	sld [smem:$0x3FA8]  }
0x2e: {  	s3 =	simm.s32 @!p0 $0x1082;
	s9 =	sld [smem:$0x3FA9]  }
0x2f: {  	lr =	sadd.s32 s0, s3;
	s0 =	sld [smem:$0x3FA0]  }
0x30: {  	s3 =	sld [smem:$0x3FA3]  }
0x31: {  	[smem:$0x3FAC] =	sst s10  }
0x32: {  	s10 =	sld [smem:$0x3FAA];
	_ =	sdelay $0x3  }
0x33: {  	p0 =	seq.s32 s10, $0x1;
	s10 =	sld [smem:$0x3FAC];
	_ =	sdelay $0x3  }
0x34: {  	[smem:$0x3FAC] =	sst s10  }
0x35: {  	s10 =	sld [smem:$0x3FAB];
	_ =	sdelay $0x3  }
0x36: {  	p1 =	seq.s32 s10, $0x1;
	s10 =	sld [smem:$0x3FAC];
	_ =	sdelay $0x3  }
0x37: {  	[smem:$0x3FAC] =	sst s10  }
0x38: {  	s10 =	sld [smem:$0x3FAD]  }
0x39: {  	_ = 	snop;
	(pc) =	sbr.ind lr, $3  }
0x3a: {  	_ = 	snop  }
0x3b: {  	_ = 	snop  }
0x3c: {  	p2 =	seq.s32 s10, $0x1;
	s10 =	sld [smem:$0x3FAC]  }
0x3d: {  	_ =	shalt  }
0x3e: {  	_ =	shalt  }
0x3f: {  	_ =	shalt  }
0x40: {  	_ =	shalt  }
0x41: {  	_ =	shalt  }
0x42: {  	_ =	shalt  }
0x43: {  	_ =	shalt  }
0x44: {  	_ =	shalt  }
0x45: {  	_ =	shalt  }
0x46: {  	_ =	shalt  }
0x47: {  	_ =	shalt  }
0x48: {  	_ =	shalt  }
0x49: {  	_ =	shalt  }
0x4a: {  	_ =	shalt  }
0x4b: {  	_ =	shalt  }
0x4c: {  	_ =	shalt  }
0x4d: {  	_ =	shalt  }
0x4e: {  	_ =	shalt  }
0x4f: {  	_ =	shalt  }
0x50: {  	_ =	shalt  }
0x51: {  	_ =	shalt  }
0x52: {  	_ =	shalt  }
0x53: {  	_ =	shalt  }
0x54: {  	_ =	shalt  }
0x55: {  	_ =	shalt  }
0x56: {  	_ =	shalt  }
0x57: {  	_ =	shalt  }
0x58: {  	_ =	shalt  }
0x59: {  	_ =	shalt  }
0x5a: {  	_ =	shalt  }
0x5b: {  	_ =	shalt  }
0x5c: {  	_ =	shalt  }
0x5d: {  	_ =	shalt  }
0x5e: {  	_ =	shalt  }
0x5f: {  	_ =	shalt  }
0x60: {  	_ =	shalt  }
0x61: {  	_ =	shalt  }
0x62: {  	_ =	shalt  }
0x63: {  	_ =	shalt  }
0x64: {  	_ =	shalt  }
0x65: {  	_ =	shalt  }
0x66: {  	_ =	shalt  }
0x67: {  	_ =	shalt  }
0x68: {  	_ =	shalt  }
0x69: {  	_ =	shalt  }
0x6a: {  	_ =	shalt  }
0x6b: {  	_ =	shalt  }
0x6c: {  	_ =	shalt  }
0x6d: {  	_ =	shalt  }
0x6e: {  	_ =	shalt  }
0x6f: {  	_ =	shalt  }
0x70: {  	_ =	shalt  }
0x71: {  	_ =	shalt  }
0x72: {  	_ =	shalt  }
0x73: {  	_ =	shalt  }
0x74: {  	_ =	shalt  }
0x75: {  	_ =	shalt  }
0x76: {  	_ =	shalt  }
0x77: {  	_ =	shalt  }
0x78: {  	_ =	shalt  }
0x79: {  	_ =	shalt  }
0x7a: {  	_ =	shalt  }
0x7b: {  	_ =	shalt  }
0x7c: {  	_ =	shalt  }
0x7d: {  	_ =	shalt  }
0x7e: {  	_ =	shalt  }
0x7f: {  	_ =	shalt  }
0x80: {  	_ =	shalt  }
0x81: {  	_ =	shalt  }
0x82: {  	_ =	shalt  }
0x83: {  	_ =	shalt  }
0x84: {  	_ =	shalt  }
0x85: {  	_ =	shalt  }
0x86: {  	_ =	shalt  }
0x87: {  	_ =	shalt  }
.Lfunc_end0:
.L_simem_size_0:
called_computation.3_lowered:
.L_overlay_start_0:
0x88: {  	s2 =	sld [smem:$0x3FD9]  }
0x89: {  	s3 =	sld [smem:$0x3FFE];
	_ =	sdelay $0x1  }
0x8a: {  	s1 =	srdreg.scid  }
0x8b: {  	s0 =	sand.u32 $0x1, s1  }
0x8c: {  	s17 =	sshll.u32 s0, $0xA;
	s2 =	sadd.s32 s3, s2  }
0x8d: {  	s2 =	sadd.s32 s2, s17  }
0x8e: {  	[smem:$0x3FB8] =	sst s2  }
0x8f: {  	_ = 	snop  }
0x90: {  	s2 =	sld [smem:$0x3FD0];
	(tm) =	ssettm $0x1  }
0x91: {  	s18 =	sld [smem:$0x3FFB];
	_ =	sdelay $0x3  }
0x92: {  	_ =	strace s18  }
0x93: {  	s3 =	sld [smem:$0x3FFC];
	_ =	sdelay $0x3  }
0x94: {  	_ =	strace s3  }
0x95: {  	s3 =	sld [smem:$0x3FFD];
	_ =	sdelay $0x3  }
0x96: {  	_ =	strace s3  }
0x97: {  	_ =	strace $0x8FFFFFFF  }
0x98: {  	s19 =	sld [smem:$0x3FDB];
	_ =	sdelay $0x1  }
0x99: {  	s4 =	simm.s32 $_scs_section_size  }
0x9a: {  	s5 =	simm.s32 $_size__tile_overlayer_lowered;
	s6 =	simm.s32 $_tile_overlayer_lowered  }
0x9b: {  	s22 =	simm.s32 $0x1BFF;
	s21 =	sshll.u32 s6, $0x1;
	s3 =	sadd.s32 s4, s19  }
0x9c: {  	s7 =	simm.s32 $0x0;
	s20 =	sshll.u32 s5, $0x1;
	s5 =	sadd.s32 s21, s3  }
0x9d: {  	[timem:s7], [sflag:s22] =	dma.local [hbm:s5], s20  }
0x9e: {  	_ =	swait.ge [sflag:s22], s20  }
0x9f: {  	s4 =	ssub.s32 $0x0, s20;
	[sflag:s22] =	ssyncset.done $0x0  }
0xa0: {  	[sflag:s22] =	ssyncadd.s32 s4;
	_ =	sdelay $0x1  }
0xa1: {  	s23 =	simm.s32 $0x1B8B  }
0xa2: {  	_ =	swait.ge [sflag:s23], $0x1  }
0xa3: {  	[sflag:s23] =	ssyncset.done $0x0  }
0xa4: {  	s25 =	simm.s32 $0x1B8E;
	s24 =	sld [smem:$0x3FFE];
	[sflag:s23] =	ssyncadd.s32 $0xFFFFFFFF  }
0xa5: {  	s26 =	simm.s32 $execute0_lowered;
	[smem:$0x3FD2] =	sst s25  }
0xa6: {  	s5 =	sshll.u32 s26, $0x1;
	_ =	strace $0x8000004F;
	[dreg:$0x1] =	wrdreg $0xFFFFFFFF  }
0xa7: {  	s28 =	simm.s32 $_size_execute0_lowered;
	s3 =	sadd.s32 s3, s5;
	[dreg:$0x0] =	wrdreg $0x0  }
0xa8: {  	s5 =	sshll.u32 s28, $0x1;
	[dreg:$0x2] =	wrdreg s3  }
0xa9: {  	[dreg:$0x3] =	wrdreg s5  }
0xaa: {  	[dreg:$0x4] =	wrdreg $0xC0  }
0xab: {  	_ =	task [dreg:s7], $0x5FFFF  }
0xac: {  	[dreg:$0x1] =	wrdreg $0xFFFFFFFF  }
0xad: {  	[dreg:$0x0] =	wrdreg $0x60  }
0xae: {  	[dreg:$0x2] =	wrdreg s24  }
0xaf: {  	[dreg:$0x3] =	wrdreg s2  }
0xb0: {  	[dreg:$0x4] =	wrdreg $0x9  }
0xb1: {  	_ =	task.clear_ibuf [dreg:s7], $0x5FFFF;
	_ =	strace $0x9000004F  }
0xb2: {  	s29 =	simm.s32 $0x9;
	_ =	strace $0x80000051  }
0xb3: {  	_ =	swait.ge [sflag:s29], $0x1  }
0xb4: {  	[sflag:s29] =	ssyncadd.s32 $0xFFFFFFFF  }
0xb5: {  	_ =	strace $0x90000051  }
0xb6: {  	_ =	sfence  }
0xb7: {  	s30 =	sld [smem:$0x0];
	_ =	sdelay $0x2  }
0xb8: {  	s31 =	sshll.u32 s1, $0xD;
	s1 =	sshrl.u32 s1, $0x2  }
0xb9: {  	s3 =	sand.u32 $0x4000, s31;
	s1 =	sadd.s32 s1, s30  }
0xba: {  	s0 =	sor.u32 s3, s0;
	s1 =	sshll.u32 s1, $0x11  }
0xbb: {  	s0 =	sor.u32 s1, s0  }
0xbc: {  	s0 =	sadd.s32 $0x8F2B, s0  }
0xbd: {  	[sflag:s0] =	ssyncadd.remote.s32 $0x1  }
0xbe: {  	_ =	sfence.sel $0xFFFF  }
0xbf: {  	[dreg:$0x0] =	wrdreg $0xFFFFFFFF;
	(pc) =	sbr.abs _section_cstart, $3  }
0xc0: {  	[dreg:$0x1] =	wrdreg $0xFFFFFFFF  }
0xc1: {  	_ =	task.clear_ibuf [dreg:s7], $0x2FFFF;
	_ =	strace $0x9FFFFFFF  }
0xc2: {  	(tm) =	ssettm $0x7FFFFFFF  }
0xc3: {  	_ =	shalt  }
tec
execute0_lowered:
.L_overlay_start_1:
0x0: {  	(tag) =	ssettag $0x1  }
0x1: {  	s4 =	rddreg [dreg:$0x0]  }
0x2: {  	s5 =	rddreg [dreg:$0x1];
	s1 =	stileid.u32  }
0x3: {  	s2 =	srdreg.scid;
	s0 =	rddreg [dreg:$0x2];
	s10 =	simm.s32 $0x2800  }
0x4: {  	s11 =	simm.s32 $0x3C00;
	s12 =	simm.s32 $0x5000;
	s13 =	simm.s32 $0x6400  }
0x5: {  	s14 =	simm.s32 $0x7800;
	s15 =	simm.s32 $0x8C00;
	s16 =	simm.s32 $0xA000  }
0x6: {  	s17 =	simm.s32 $0x1;
	s18 =	simm.s32 $0x0;
	s3 =	sand.u32 $0x1, s2  }
0x7: {  	s6 =	sshll.u32 s1, $0x1;
	s2 =	simm.s32 $0x0;
	s7 =	smul.u32 $0x28000, s1  }
0x8: {  	s6 =	sor.u32 s3, s6;
	[smem:$0x7FF] =	sst s2;
	s9 =	smul.u32 $0x14000, s3  }
0x9: {  	s8 =	ssub.s32 $0x2, s3;
	s3 =	sadd.s32 $0x41C00, s4;
	s6 =	smul.u32 $0x1400, s6  }
0xa: {  	_ =	strace $0x80000050;
	s4 =	sadd.s32 s7, s4;
	s30 =	sshrl.u32 s8, $0x1  }
0xb: {  	s7 =	ssub.s32 s8, s30;
	s31 =	sadd.s32 s9, s4;
	s6 =	sshrl.u32 s6, $0x3  }
0xc: {  	s8 =	simm.s32 $0x28;
	s9 =	simm.s32 $0x1400;
	s4 =	sadd.s32 s5, s6  }
0xd: {  	s5 =	smax.u32 s7, $0x1;
	s6 =	sadd.s32 $0x61C00, s31;
	s7 =	simm.s32 $0x2  }
.LBB2_1:
0xe: {  	[tilespmem:s2], [sflag:$0x2] =	stream.linear.gather [hbm4b:s4+s2], $0x1400, $0x38;
	[tilespmem:$0xB400] =	vst v63  }
0xf: {  	_ =	swait.ge [sflag:s7], $0x1400  }
0x10: {  	[sflag:s7] =	ssyncset.done $0x0  }
0x11: {  	s19 =	simm.s32 $0x0;
	[sflag:s7] =	ssyncadd.s32 $0xFFFFEC00  }
0x12: {  	[tilespmem:s9], [sflag:$0x1] =	stream.indirect.gather [hbm4b:s3+s8], $0x80, s19, s8, $0xb8;
	[tilespmem:$0xB400] =	vst v63  }
0x13: {  	s24 =	simm.s32 $0x28  }
0x14: {  	[tilespmem:s10], [sflag:$0x1] =	stream.indirect.gather [hbm4b:s3+s8], $0x80, s24, s8, $0xb8;
	[tilespmem:$0xB400] =	vst v63  }
0x15: {  	s25 =	simm.s32 $0x50  }
0x16: {  	[tilespmem:s11], [sflag:$0x1] =	stream.indirect.gather [hbm4b:s3+s8], $0x80, s25, s8, $0xb8;
	[tilespmem:$0xB400] =	vst v63  }
0x17: {  	s26 =	simm.s32 $0x78  }
0x18: {  	[tilespmem:s12], [sflag:$0x1] =	stream.indirect.gather [hbm4b:s3+s8], $0x80, s26, s8, $0xb8;
	[tilespmem:$0xB400] =	vst v63  }
0x19: {  	s28 =	simm.s32 $0xA0  }
0x1a: {  	[tilespmem:s13], [sflag:$0x1] =	stream.indirect.gather [hbm4b:s3+s8], $0x80, s28, s8, $0xb8;
	[tilespmem:$0xB400] =	vst v63  }
0x1b: {  	s29 =	simm.s32 $0xC8  }
0x1c: {  	[tilespmem:s14], [sflag:$0x1] =	stream.indirect.gather [hbm4b:s3+s8], $0x80, s29, s8, $0xb8;
	[tilespmem:$0xB400] =	vst v63  }
0x1d: {  	s30 =	simm.s32 $0xF0  }
0x1e: {  	[tilespmem:s15], [sflag:$0x1] =	stream.indirect.gather [hbm4b:s3+s8], $0x80, s30, s8, $0xb8;
	[tilespmem:$0xB400] =	vst v63  }
0x1f: {  	s31 =	simm.s32 $0x118  }
0x20: {  	[tilespmem:s16], [sflag:$0x1] =	stream.indirect.gather [hbm4b:s3+s8], $0x80, s31, s8, $0xb8;
	[tilespmem:$0xB400] =	vst v63  }
0x21: {  	_ =	swait.ge [sflag:s17], $0x1400  }
0x22: {  	[sflag:s17] =	ssyncset.done $0x0  }
0x23: {  	[sflag:s17] =	ssyncadd.s32 $0xFFFFEC00  }
0x24: {  	_ =	swait.ge [sflag:s17], $0x1400  }
0x25: {  	[sflag:s17] =	ssyncset.done $0x0  }
0x26: {  	[sflag:s17] =	ssyncadd.s32 $0xFFFFEC00  }
0x27: {  	_ =	swait.ge [sflag:s17], $0x1400  }
0x28: {  	[sflag:s17] =	ssyncset.done $0x0  }
0x29: {  	[sflag:s17] =	ssyncadd.s32 $0xFFFFEC00  }
0x2a: {  	_ =	swait.ge [sflag:s17], $0x1400  }
0x2b: {  	[sflag:s17] =	ssyncset.done $0x0  }
0x2c: {  	[sflag:s17] =	ssyncadd.s32 $0xFFFFEC00  }
0x2d: {  	_ =	swait.ge [sflag:s17], $0x1400  }
0x2e: {  	[sflag:s17] =	ssyncset.done $0x0  }
0x2f: {  	[sflag:s17] =	ssyncadd.s32 $0xFFFFEC00  }
0x30: {  	_ =	swait.ge [sflag:s17], $0x1400  }
0x31: {  	[sflag:s17] =	ssyncset.done $0x0  }
0x32: {  	[sflag:s17] =	ssyncadd.s32 $0xFFFFEC00  }
0x33: {  	_ =	swait.ge [sflag:s17], $0x1400  }
0x34: {  	[sflag:s17] =	ssyncset.done $0x0  }
0x35: {  	[sflag:s17] =	ssyncadd.s32 $0xFFFFEC00  }
0x36: {  	_ =	swait.ge [sflag:s17], $0x1400  }
0x37: {  	[sflag:s17] =	ssyncset.done $0x0  }
0x38: {  	[sflag:s17] =	ssyncadd.s32 $0xFFFFEC00  }
0x39: {  	[hbm4b:s6+s2] =	stream.linear.scatter [tilespmem:s9], [sflag:$0x2], $0xA000, $0x38;
	[tilespmem:$0xB400] =	vst v63  }
0x3a: {  	s20 =	simm.s32 $0x500;
	_ =	swait.ge [sflag:s7], $0xA000  }
0x3b: {  	s22 =	simm.s32 $0xA00;
	s19 =	sadd.s32 $0x1400, s6;
	[sflag:s7] =	ssyncset.done $0x0  }
.LBB2_2:
0x3c: {  	s23 =	sshra.s32 s20, $0x2  }
0x3d: {  	[sflag:s7] =	ssyncadd.s32 $0xFFFF6000;
	s20 =	smov.u32 s22;
	s21 =	sadd.s32 $0x500, s22  }
0x3e: {  	[tilespmem:s9], [sflag:$0x1] =	stream.indirect.gather [hbm4b:s3+s8], $0x80, s23, s8, $0xb8;
	[tilespmem:$0xB400] =	vst v63  }
0x3f: {  	p0 =	sne.s32 s22, $0x4B00;
	s22 =	sadd.s32 $0x28, s23  }
0x40: {  	[tilespmem:s10], [sflag:$0x1] =	stream.indirect.gather [hbm4b:s3+s8], $0x80, s22, s8, $0xb8;
	[tilespmem:$0xB400] =	vst v63  }
0x41: {  	s22 =	sadd.s32 $0x50, s23  }
0x42: {  	[tilespmem:s11], [sflag:$0x1] =	stream.indirect.gather [hbm4b:s3+s8], $0x80, s22, s8, $0xb8;
	[tilespmem:$0xB400] =	vst v63  }
0x43: {  	s22 =	sadd.s32 $0x78, s23  }
0x44: {  	[tilespmem:s12], [sflag:$0x1] =	stream.indirect.gather [hbm4b:s3+s8], $0x80, s22, s8, $0xb8;
	[tilespmem:$0xB400] =	vst v63  }
0x45: {  	s22 =	sadd.s32 $0xA0, s23  }
0x46: {  	[tilespmem:s13], [sflag:$0x1] =	stream.indirect.gather [hbm4b:s3+s8], $0x80, s22, s8, $0xb8;
	[tilespmem:$0xB400] =	vst v63  }
0x47: {  	s22 =	sadd.s32 $0xC8, s23  }
0x48: {  	[tilespmem:s14], [sflag:$0x1] =	stream.indirect.gather [hbm4b:s3+s8], $0x80, s22, s8, $0xb8;
	[tilespmem:$0xB400] =	vst v63  }
0x49: {  	s22 =	sadd.s32 $0xF0, s23  }
0x4a: {  	[tilespmem:s15], [sflag:$0x1] =	stream.indirect.gather [hbm4b:s3+s8], $0x80, s22, s8, $0xb8;
	[tilespmem:$0xB400] =	vst v63  }
0x4b: {  	s22 =	sadd.s32 $0x118, s23  }
0x4c: {  	[tilespmem:s16], [sflag:$0x1] =	stream.indirect.gather [hbm4b:s3+s8], $0x80, s22, s8, $0xb8;
	[tilespmem:$0xB400] =	vst v63  }
0x4d: {  	_ =	swait.ge [sflag:s17], $0x1400  }
0x4e: {  	[sflag:s17] =	ssyncset.done $0x0  }
0x4f: {  	[sflag:s17] =	ssyncadd.s32 $0xFFFFEC00  }
0x50: {  	_ =	swait.ge [sflag:s17], $0x1400  }
0x51: {  	[sflag:s17] =	ssyncset.done $0x0  }
0x52: {  	[sflag:s17] =	ssyncadd.s32 $0xFFFFEC00  }
0x53: {  	_ =	swait.ge [sflag:s17], $0x1400  }
0x54: {  	[sflag:s17] =	ssyncset.done $0x0  }
0x55: {  	[sflag:s17] =	ssyncadd.s32 $0xFFFFEC00  }
0x56: {  	_ =	swait.ge [sflag:s17], $0x1400  }
0x57: {  	[sflag:s17] =	ssyncset.done $0x0  }
0x58: {  	[sflag:s17] =	ssyncadd.s32 $0xFFFFEC00  }
0x59: {  	_ =	swait.ge [sflag:s17], $0x1400  }
0x5a: {  	[sflag:s17] =	ssyncset.done $0x0  }
0x5b: {  	[sflag:s17] =	ssyncadd.s32 $0xFFFFEC00  }
0x5c: {  	_ =	swait.ge [sflag:s17], $0x1400  }
0x5d: {  	[sflag:s17] =	ssyncset.done $0x0  }
0x5e: {  	[sflag:s17] =	ssyncadd.s32 $0xFFFFEC00  }
0x5f: {  	_ =	swait.ge [sflag:s17], $0x1400  }
0x60: {  	[sflag:s17] =	ssyncset.done $0x0  }
0x61: {  	[sflag:s17] =	ssyncadd.s32 $0xFFFFEC00  }
0x62: {  	_ =	swait.ge [sflag:s17], $0x1400  }
.Ltmp0:
0x63: {  	[sflag:s17] =	ssyncset.done $0x0;
	(pc) =	sbr.rel @p0 .LBB2_2-.Ltmp0, $4  }
0x64: {  	[sflag:s17] =	ssyncadd.s32 $0xFFFFEC00  }
0x65: {  	[hbm4b:s19+s2] =	stream.linear.scatter [tilespmem:s9], [sflag:$0x2], $0xA000, $0x38;
	[tilespmem:$0xB400] =	vst v63  }
0x66: {  	_ =	swait.ge [sflag:s7], $0xA000  }
0x67: {  	s22 =	smov.u32 s21;
	s19 =	sadd.s32 $0x1400, s19;
	[sflag:s7] =	ssyncset.done $0x0  }
0x68: {  	s20 =	sshra.s32 s20, $0x2;
	[sflag:s7] =	ssyncadd.s32 $0xFFFF6000  }
0x69: {  	[tilespmem:s9], [sflag:$0x1] =	stream.indirect.gather [hbm4b:s3+s8], $0x80, s20, s8, $0xb8;
	[tilespmem:$0xB400] =	vst v63  }
0x6a: {  	s21 =	sadd.s32 $0x28, s20  }
0x6b: {  	[tilespmem:s10], [sflag:$0x1] =	stream.indirect.gather [hbm4b:s3+s8], $0x80, s21, s8, $0xb8;
	[tilespmem:$0xB400] =	vst v63  }
0x6c: {  	s26 =	sadd.s32 $0x50, s20  }
0x6d: {  	[tilespmem:s11], [sflag:$0x1] =	stream.indirect.gather [hbm4b:s3+s8], $0x80, s26, s8, $0xb8;
	[tilespmem:$0xB400] =	vst v63  }
0x6e: {  	s28 =	sadd.s32 $0x78, s20  }
0x6f: {  	[tilespmem:s12], [sflag:$0x1] =	stream.indirect.gather [hbm4b:s3+s8], $0x80, s28, s8, $0xb8;
	[tilespmem:$0xB400] =	vst v63  }
0x70: {  	s29 =	sadd.s32 $0xA0, s20  }
0x71: {  	[tilespmem:s13], [sflag:$0x1] =	stream.indirect.gather [hbm4b:s3+s8], $0x80, s29, s8, $0xb8;
	[tilespmem:$0xB400] =	vst v63  }
0x72: {  	s30 =	sadd.s32 $0xC8, s20  }
0x73: {  	[tilespmem:s14], [sflag:$0x1] =	stream.indirect.gather [hbm4b:s3+s8], $0x80, s30, s8, $0xb8;
	[tilespmem:$0xB400] =	vst v63  }
0x74: {  	s31 =	sadd.s32 $0xF0, s20  }
0x75: {  	[tilespmem:s15], [sflag:$0x1] =	stream.indirect.gather [hbm4b:s3+s8], $0x80, s31, s8, $0xb8;
	[tilespmem:$0xB400] =	vst v63  }
0x76: {  	s20 =	sadd.s32 $0x118, s20  }
0x77: {  	[tilespmem:s16], [sflag:$0x1] =	stream.indirect.gather [hbm4b:s3+s8], $0x80, s20, s8, $0xb8;
	[tilespmem:$0xB400] =	vst v63  }
0x78: {  	_ =	swait.ge [sflag:s17], $0x1400  }
0x79: {  	[sflag:s17] =	ssyncset.done $0x0  }
0x7a: {  	[sflag:s17] =	ssyncadd.s32 $0xFFFFEC00  }
0x7b: {  	_ =	swait.ge [sflag:s17], $0x1400  }
0x7c: {  	[sflag:s17] =	ssyncset.done $0x0  }
0x7d: {  	[sflag:s17] =	ssyncadd.s32 $0xFFFFEC00  }
0x7e: {  	_ =	swait.ge [sflag:s17], $0x1400  }
0x7f: {  	[sflag:s17] =	ssyncset.done $0x0  }
0x80: {  	[sflag:s17] =	ssyncadd.s32 $0xFFFFEC00  }
0x81: {  	_ =	swait.ge [sflag:s17], $0x1400  }
0x82: {  	[sflag:s17] =	ssyncset.done $0x0  }
0x83: {  	[sflag:s17] =	ssyncadd.s32 $0xFFFFEC00  }
0x84: {  	_ =	swait.ge [sflag:s17], $0x1400  }
0x85: {  	[sflag:s17] =	ssyncset.done $0x0  }
0x86: {  	[sflag:s17] =	ssyncadd.s32 $0xFFFFEC00  }
0x87: {  	_ =	swait.ge [sflag:s17], $0x1400  }
0x88: {  	[sflag:s17] =	ssyncset.done $0x0  }
0x89: {  	[sflag:s17] =	ssyncadd.s32 $0xFFFFEC00  }
0x8a: {  	_ =	swait.ge [sflag:s17], $0x1400  }
0x8b: {  	[sflag:s17] =	ssyncset.done $0x0  }
0x8c: {  	[sflag:s17] =	ssyncadd.s32 $0xFFFFEC00  }
0x8d: {  	s18 =	sadd.s32 $0x1, s18;
	_ =	swait.ge [sflag:s17], $0x1400  }
0x8e: {  	p0 =	sne.s32 s18, s5;
	[sflag:s17] =	ssyncset.done $0x0  }
.Ltmp1:
0x8f: {  	[sflag:s17] =	ssyncadd.s32 $0xFFFFEC00;
	(pc) =	sbr.rel @p0 .LBB2_1-.Ltmp1, $4  }
0x90: {  	[hbm4b:s19+s2] =	stream.linear.scatter [tilespmem:s9], [sflag:$0x2], $0xA000, $0x38;
	[tilespmem:$0xB400] =	vst v63  }
0x91: {  	_ =	swait.ge [sflag:s7], $0xA000  }
0x92: {  	[sflag:s7] =	ssyncset.done $0x0  }
0x93: {  	[sflag:s7] =	ssyncadd.s32 $0xFFFF6000  }
0x94: {  	_ =	sfence.sel $0x180000  }
0x95: {  	[bflag:$0x0] =	sbarrier.arrive $0xFFFF  }
0x96: {  	p0 =	sne.s32 s1, $0x0;
	_ =	strace $0x90000050  }
0x97: {  	s0 =	sadd.s32 @!p0 $0x100000, s0;
	[bflag:$0x2] =	sbarrier.arrive $0xFFFF  }
0x98: {  	[sflag:s0] =	ssyncadd.tile.s32 @!p0 $0x1;
	_ =	shalt  }
.Lfunc_end2:
_tile_overlayer_lowered:
.L_overlay_start_2:
0x99: {  	(tag) =	ssettag $0x2  }
0x9a: {  	s0 =	rddreg [dreg:$0x0];
	s2 =	stileid.u32  }
0x9b: {  	s1 =	rddreg [dreg:$0x1];
	p0 =	sne.s32 s2, $0x0  }
0x9c: {  	s3 =	rddreg [dreg:$0x2];
	[bflag:$0x3] =	sbarrier.arrive $0xFFFF;
	s2 =	simm.s32 @!p0 $0x1C02  }
0x9d: {  	[timem:s3], [sflag:s2] =	dma.local @!p0 [hbm:s0], s1  }
0x9e: {  	s0 =	simm.s32 @!p0 $0x2  }
0x9f: {  	_ =	swait.ge @!p0 [sflag:s0], s1  }
0xa0: {  	s1 =	ssub.s32 @!p0 $0x0, s1;
	[sflag:s0] =	ssyncset.done @!p0 $0x0  }
0xa1: {  	[sflag:s0] =	ssyncadd.s32 @!p0 s1  }
0xa2: {  	[bflag:$0x3] =	sbarrier.arrive $0xFFFF  }
0xa3: {  	_ =	shalt  }

</sc_bundles>
